<compile_context>
chip_gen: v7x
topology: tpu7x:2x2x1
jax: 0.10.2.dev20260603
libtpu: 0.0.44.dev20260713+nightly
codegen_flags: <defaults>
</compile_context>

<pallas_src>
import functools

import jax
import jax.numpy as jnp
from jax import lax
from jax.experimental import pallas as pl
from jax.experimental.pallas import tpu as pltpu
from jax.experimental.pallas import tpu_sc as plsc

_GROUPS = (
    (2, (0, 1, 3, 4)),
    (6, (5, 7, 8)),
    (10, (9, 11, 12)),
    (14, (13, 15, 16)),
)

_N_ROWS = 1048576
_C = 17
_LANES = 16
_NW = 32
_ROWS_PER_W = _N_ROWS // _NW
_CHUNK = 2048
_N_CHUNKS = _ROWS_PER_W // _CHUNK
_CW = _CHUNK * _C


def _body(x_hbm, mu_hbm, si_hbm, siinv_hbm, out_hbm, mu_v, si_v, siinv_v,
          buf0, buf1, isem0, isem1, osem0, osem1):
    cid = lax.axis_index("c")
    sid = lax.axis_index("s")
    wid = sid * 2 + cid

    pltpu.sync_copy(mu_hbm, mu_v)
    pltpu.sync_copy(si_hbm, si_v)
    pltpu.sync_copy(siinv_hbm, siinv_v)

    def bc(ref, c):
        return plsc.load_gather(ref, [jnp.full((_LANES,), c + 1, jnp.int32)])

    wvecs = {}
    bvecs = []
    for r, members in _GROUPS:
        inv = bc(siinv_v, r)
        musum = bc(mu_v, r)
        for c in members:
            musum = musum + bc(mu_v, c)
            wvecs[c] = -bc(si_v, c) * inv
        bvecs.append(-musum * inv)

    v17 = jnp.arange(_LANES, dtype=jnp.int32) * _C

    def compute(buf):
        def inner(i, carry):
            ibase = i * (_LANES * _C)
            for (r, members), bvec in zip(_GROUPS, bvecs):
                acc = bvec
                for c in members:
                    xv = plsc.load_gather(buf, [v17 + (ibase + c)])
                    acc = acc + xv * wvecs[c]
                plsc.store_scatter(buf, [v17 + (ibase + r)], acc)
            return carry

        lax.fori_loop(0, _CHUNK // _LANES, inner, 0)

    off0 = wid * (_ROWS_PER_W * _C)
    bufs = (buf0, buf1)
    isems = (isem0, isem1)
    osems = (osem0, osem1)

    def start_in(k, b):
        return pltpu.async_copy(
            x_hbm.at[pl.ds(off0 + k * _CW, _CW)], bufs[b], isems[b])

    def start_out(k, b):
        return pltpu.async_copy(
            bufs[b], out_hbm.at[pl.ds(off0 + k * _CW, _CW)], osems[b])

    in_h = [None] * _N_CHUNKS
    out_h = [None] * _N_CHUNKS
    in_h[0] = start_in(0, 0)
    for k in range(_N_CHUNKS):
        b = k & 1
        if k + 1 < _N_CHUNKS:
            if k - 1 >= 0:
                out_h[k - 1].wait()
            in_h[k + 1] = start_in(k + 1, (k + 1) & 1)
        in_h[k].wait()
        compute(bufs[b])
        out_h[k] = start_out(k, b)
    out_h[_N_CHUNKS - 2].wait()
    out_h[_N_CHUNKS - 1].wait()


@jax.jit
def _run(xf, mu_p, si_p, siinv_p):
    mesh = plsc.VectorSubcoreMesh(core_axis_name="c", subcore_axis_name="s")
    f = functools.partial(
        pl.kernel,
        mesh=mesh,
        out_type=jax.ShapeDtypeStruct((_N_ROWS * _C,), jnp.float32),
        scratch_types=[
            pltpu.VMEM((32,), jnp.float32),
            pltpu.VMEM((32,), jnp.float32),
            pltpu.VMEM((32,), jnp.float32),
            pltpu.VMEM((_CW,), jnp.float32),
            pltpu.VMEM((_CW,), jnp.float32),
            pltpu.SemaphoreType.DMA,
            pltpu.SemaphoreType.DMA,
            pltpu.SemaphoreType.DMA,
            pltpu.SemaphoreType.DMA,
        ],
        compiler_params=pltpu.CompilerParams(needs_layout_passes=False),
    )(_body)
    return f(xf, mu_p, si_p, siinv_p)


def kernel(x, mu_y, si_y):
    xf = x.reshape(-1)
    mu_p = jnp.pad(mu_y, (1, 32 - _C - 1))
    si_p = jnp.pad(si_y, (1, 32 - _C - 1), constant_values=1.0)
    siinv_p = 1.0 / si_p
    out = _run(xf, mu_p, si_p, siinv_p)
    return out.reshape(x.shape)

# --- scband reference (transcript-rebuilt; emitter-appended) ---
"""Pipeline reference for scband-rand-completion-layer-46222438039843 (READ-ONLY COPY).

The authoritative reference and input builder live on the scoring server;
editing this copy changes nothing except your own understanding.
"""

import jax, jax.numpy as jnp
import numpy as np

# Deterministic choices for the module's np.random picks (rand1..rand4):
# rand1=2 from [0..4], rand2=6 from [5..8], rand3=10 from [9..12], rand4=14 from [13..16]
_COMPLETIONS = [
    (2, [0, 1, 3, 4]),
    (6, [5, 7, 8]),
    (10, [9, 11, 12]),
    (14, [13, 15, 16]),
]


def setup_inputs(seed: int = 0) -> dict:
    key = jax.random.key(seed)
    k1, k2, k3 = jax.random.split(key, 3)
    x = jax.random.normal(k1, (1048576, 17), dtype=jnp.float32)
    mu_y = jax.random.normal(k2, (17,), dtype=jnp.float32)
    # ensure si_y is bounded away from zero (it is used as a divisor)
    si_y = jax.random.uniform(k3, (17,), dtype=jnp.float32) + 0.5
    return {"x": x, "mu_y": mu_y, "si_y": si_y}


def reference(x, mu_y, si_y):
    x_out = x
    for r, grp in _COMPLETIONS:
        grp_idx = jnp.array(grp, dtype=jnp.int32)
        s = jnp.sum(x[:, grp_idx] * si_y[grp_idx][None, :] + mu_y[grp_idx][None, :], axis=1)
        vals = (-s - mu_y[r]) / si_y[r]
        x_out = x_out.at[:, r].set(vals)
    return x_out

if __name__ == "__main__":
    import jax
    _d = setup_inputs()
    print(jax.jit(kernel)(*tuple(_d.values())))

</pallas_src>

<mosaic_0001>
#map = affine_map<(d0, d1) -> (0)>
module attributes {stable_mosaic.version = 14 : i64} {
  func.func @_body(%arg0: i32, %arg1: i32, %arg2: memref<17825792xf32, #tpu.memory_space<hbm>>, %arg3: memref<32xf32, #tpu.memory_space<hbm>>, %arg4: memref<32xf32, #tpu.memory_space<hbm>>, %arg5: memref<32xf32, #tpu.memory_space<hbm>>, %arg6: memref<17825792xf32, #tpu.memory_space<hbm>>, %arg7: memref<32xf32, #tpu.memory_space<vmem>>, %arg8: memref<32xf32, #tpu.memory_space<vmem>>, %arg9: memref<32xf32, #tpu.memory_space<vmem>>, %arg10: memref<34816xf32, #tpu.memory_space<vmem>>, %arg11: memref<34816xf32, #tpu.memory_space<vmem>>, %arg12: memref<!tpu.dma_semaphore, #tpu.memory_space<semaphore_mem>>, %arg13: memref<!tpu.dma_semaphore, #tpu.memory_space<semaphore_mem>>, %arg14: memref<!tpu.dma_semaphore, #tpu.memory_space<semaphore_mem>>, %arg15: memref<!tpu.dma_semaphore, #tpu.memory_space<semaphore_mem>>) attributes {dimension_semantics = [#tpu.dimension_semantics<core_parallel>, #tpu.dimension_semantics<subcore_parallel>], iteration_bounds = array<i64: 2, 16>, scalar_prefetch = 0 : i64, scratch_operands = 9 : i64, tpu.core_type = #tpu.core_type<sc_vector_subcore>, window_params = [{transform_indices = #map}, {transform_indices = #map}, {transform_indices = #map}, {transform_indices = #map}, {transform_indices = #map}]} {
    %mul3A = arith.constant 2 : i32
    %mul3A_0 = arith.muli %arg1, %mul3A : i32
    %add3A = arith.addi %mul3A_0, %arg0 : i32
    "tpu.region"() ({
      %run_scoped3A = tpu.sem_alloc : memref<!tpu.dma_semaphore, #tpu.memory_space<semaphore_mem>>
      tpu.enqueue_dma source(%arg3 : memref<32xf32, #tpu.memory_space<hbm>>) target(%arg7 : memref<32xf32, #tpu.memory_space<vmem>>) target_semaphore(%run_scoped3A : memref<!tpu.dma_semaphore, #tpu.memory_space<semaphore_mem>>)
      tpu.wait_dma2 semaphore(%run_scoped3A : memref<!tpu.dma_semaphore, #tpu.memory_space<semaphore_mem>>) src(%arg3 : memref<32xf32, #tpu.memory_space<hbm>>) dst(%arg7 : memref<32xf32, #tpu.memory_space<vmem>>)
      tpu.yield
    }) : () -> ()
    "tpu.region"() ({
      %run_scoped3A = tpu.sem_alloc : memref<!tpu.dma_semaphore, #tpu.memory_space<semaphore_mem>>
      tpu.enqueue_dma source(%arg4 : memref<32xf32, #tpu.memory_space<hbm>>) target(%arg8 : memref<32xf32, #tpu.memory_space<vmem>>) target_semaphore(%run_scoped3A : memref<!tpu.dma_semaphore, #tpu.memory_space<semaphore_mem>>)
      tpu.wait_dma2 semaphore(%run_scoped3A : memref<!tpu.dma_semaphore, #tpu.memory_space<semaphore_mem>>) src(%arg4 : memref<32xf32, #tpu.memory_space<hbm>>) dst(%arg8 : memref<32xf32, #tpu.memory_space<vmem>>)
      tpu.yield
    }) : () -> ()
    "tpu.region"() ({
      %run_scoped3A = tpu.sem_alloc : memref<!tpu.dma_semaphore, #tpu.memory_space<semaphore_mem>>
      tpu.enqueue_dma source(%arg5 : memref<32xf32, #tpu.memory_space<hbm>>) target(%arg9 : memref<32xf32, #tpu.memory_space<vmem>>) target_semaphore(%run_scoped3A : memref<!tpu.dma_semaphore, #tpu.memory_space<semaphore_mem>>)
      tpu.wait_dma2 semaphore(%run_scoped3A : memref<!tpu.dma_semaphore, #tpu.memory_space<semaphore_mem>>) src(%arg5 : memref<32xf32, #tpu.memory_space<hbm>>) dst(%arg9 : memref<32xf32, #tpu.memory_space<vmem>>)
      tpu.yield
    }) : () -> ()
    %broadcast_in_dim3A = arith.constant 3 : i32
    %broadcast_in_dim3A_1 = vector.broadcast %broadcast_in_dim3A : i32 to vector<16xi32>
    %gather3A = tpu.vector_load_idx %arg9[%broadcast_in_dim3A_1] : memref<32xf32, #tpu.memory_space<vmem>>[vector<16xi32>], vector<16xf32>,
    %broadcast_in_dim3A_2 = arith.constant 3 : i32
    %broadcast_in_dim3A_3 = vector.broadcast %broadcast_in_dim3A_2 : i32 to vector<16xi32>
    %gather3A_4 = tpu.vector_load_idx %arg7[%broadcast_in_dim3A_3] : memref<32xf32, #tpu.memory_space<vmem>>[vector<16xi32>], vector<16xf32>,
    %broadcast_in_dim3A_5 = arith.constant 1 : i32
    %broadcast_in_dim3A_6 = vector.broadcast %broadcast_in_dim3A_5 : i32 to vector<16xi32>
    %gather3A_7 = tpu.vector_load_idx %arg7[%broadcast_in_dim3A_6] : memref<32xf32, #tpu.memory_space<vmem>>[vector<16xi32>], vector<16xf32>,
    %add3A_8 = arith.addf %gather3A_4, %gather3A_7 : vector<16xf32>
    %broadcast_in_dim3A_9 = arith.constant 1 : i32
    %broadcast_in_dim3A_10 = vector.broadcast %broadcast_in_dim3A_9 : i32 to vector<16xi32>
    %gather3A_11 = tpu.vector_load_idx %arg8[%broadcast_in_dim3A_10] : memref<32xf32, #tpu.memory_space<vmem>>[vector<16xi32>], vector<16xf32>,
    %neg3A = arith.constant 0.000000e+00 : f32
    %neg3A_12 = vector.broadcast %neg3A : f32 to vector<16xf32>
    %neg3A_13 = arith.subf %neg3A_12, %gather3A_11 : vector<16xf32>
    %mul3A_14 = arith.mulf %neg3A_13, %gather3A : vector<16xf32>
    %broadcast_in_dim3A_15 = arith.constant 2 : i32
    %broadcast_in_dim3A_16 = vector.broadcast %broadcast_in_dim3A_15 : i32 to vector<16xi32>
    %gather3A_17 = tpu.vector_load_idx %arg7[%broadcast_in_dim3A_16] : memref<32xf32, #tpu.memory_space<vmem>>[vector<16xi32>], vector<16xf32>,
    %add3A_18 = arith.addf %add3A_8, %gather3A_17 : vector<16xf32>
    %broadcast_in_dim3A_19 = arith.constant 2 : i32
    %broadcast_in_dim3A_20 = vector.broadcast %broadcast_in_dim3A_19 : i32 to vector<16xi32>
    %gather3A_21 = tpu.vector_load_idx %arg8[%broadcast_in_dim3A_20] : memref<32xf32, #tpu.memory_space<vmem>>[vector<16xi32>], vector<16xf32>,
    %neg3A_22 = arith.constant 0.000000e+00 : f32
    %neg3A_23 = vector.broadcast %neg3A_22 : f32 to vector<16xf32>
    %neg3A_24 = arith.subf %neg3A_23, %gather3A_21 : vector<16xf32>
    %mul3A_25 = arith.mulf %neg3A_24, %gather3A : vector<16xf32>
    %broadcast_in_dim3A_26 = arith.constant 4 : i32
    %broadcast_in_dim3A_27 = vector.broadcast %broadcast_in_dim3A_26 : i32 to vector<16xi32>
    %gather3A_28 = tpu.vector_load_idx %arg7[%broadcast_in_dim3A_27] : memref<32xf32, #tpu.memory_space<vmem>>[vector<16xi32>], vector<16xf32>,
    %add3A_29 = arith.addf %add3A_18, %gather3A_28 : vector<16xf32>
    %broadcast_in_dim3A_30 = arith.constant 4 : i32
    %broadcast_in_dim3A_31 = vector.broadcast %broadcast_in_dim3A_30 : i32 to vector<16xi32>
    %gather3A_32 = tpu.vector_load_idx %arg8[%broadcast_in_dim3A_31] : memref<32xf32, #tpu.memory_space<vmem>>[vector<16xi32>], vector<16xf32>,
    %neg3A_33 = arith.constant 0.000000e+00 : f32
    %neg3A_34 = vector.broadcast %neg3A_33 : f32 to vector<16xf32>
    %neg3A_35 = arith.subf %neg3A_34, %gather3A_32 : vector<16xf32>
    %mul3A_36 = arith.mulf %neg3A_35, %gather3A : vector<16xf32>
    %broadcast_in_dim3A_37 = arith.constant 5 : i32
    %broadcast_in_dim3A_38 = vector.broadcast %broadcast_in_dim3A_37 : i32 to vector<16xi32>
    %gather3A_39 = tpu.vector_load_idx %arg7[%broadcast_in_dim3A_38] : memref<32xf32, #tpu.memory_space<vmem>>[vector<16xi32>], vector<16xf32>,
    %add3A_40 = arith.addf %add3A_29, %gather3A_39 : vector<16xf32>
    %broadcast_in_dim3A_41 = arith.constant 5 : i32
    %broadcast_in_dim3A_42 = vector.broadcast %broadcast_in_dim3A_41 : i32 to vector<16xi32>
    %gather3A_43 = tpu.vector_load_idx %arg8[%broadcast_in_dim3A_42] : memref<32xf32, #tpu.memory_space<vmem>>[vector<16xi32>], vector<16xf32>,
    %neg3A_44 = arith.constant 0.000000e+00 : f32
    %neg3A_45 = vector.broadcast %neg3A_44 : f32 to vector<16xf32>
    %neg3A_46 = arith.subf %neg3A_45, %gather3A_43 : vector<16xf32>
    %mul3A_47 = arith.mulf %neg3A_46, %gather3A : vector<16xf32>
    %neg3A_48 = arith.constant 0.000000e+00 : f32
    %neg3A_49 = vector.broadcast %neg3A_48 : f32 to vector<16xf32>
    %neg3A_50 = arith.subf %neg3A_49, %add3A_40 : vector<16xf32>
    %mul3A_51 = arith.mulf %neg3A_50, %gather3A : vector<16xf32>
    %broadcast_in_dim3A_52 = arith.constant 7 : i32
    %broadcast_in_dim3A_53 = vector.broadcast %broadcast_in_dim3A_52 : i32 to vector<16xi32>
    %gather3A_54 = tpu.vector_load_idx %arg9[%broadcast_in_dim3A_53] : memref<32xf32, #tpu.memory_space<vmem>>[vector<16xi32>], vector<16xf32>,
    %broadcast_in_dim3A_55 = arith.constant 7 : i32
    %broadcast_in_dim3A_56 = vector.broadcast %broadcast_in_dim3A_55 : i32 to vector<16xi32>
    %gather3A_57 = tpu.vector_load_idx %arg7[%broadcast_in_dim3A_56] : memref<32xf32, #tpu.memory_space<vmem>>[vector<16xi32>], vector<16xf32>,
    %broadcast_in_dim3A_58 = arith.constant 6 : i32
    %broadcast_in_dim3A_59 = vector.broadcast %broadcast_in_dim3A_58 : i32 to vector<16xi32>
    %gather3A_60 = tpu.vector_load_idx %arg7[%broadcast_in_dim3A_59] : memref<32xf32, #tpu.memory_space<vmem>>[vector<16xi32>], vector<16xf32>,
    %add3A_61 = arith.addf %gather3A_57, %gather3A_60 : vector<16xf32>
    %broadcast_in_dim3A_62 = arith.constant 6 : i32
    %broadcast_in_dim3A_63 = vector.broadcast %broadcast_in_dim3A_62 : i32 to vector<16xi32>
    %gather3A_64 = tpu.vector_load_idx %arg8[%broadcast_in_dim3A_63] : memref<32xf32, #tpu.memory_space<vmem>>[vector<16xi32>], vector<16xf32>,
    %neg3A_65 = arith.constant 0.000000e+00 : f32
    %neg3A_66 = vector.broadcast %neg3A_65 : f32 to vector<16xf32>
    %neg3A_67 = arith.subf %neg3A_66, %gather3A_64 : vector<16xf32>
    %mul3A_68 = arith.mulf %neg3A_67, %gather3A_54 : vector<16xf32>
    %broadcast_in_dim3A_69 = arith.constant 8 : i32
    %broadcast_in_dim3A_70 = vector.broadcast %broadcast_in_dim3A_69 : i32 to vector<16xi32>
    %gather3A_71 = tpu.vector_load_idx %arg7[%broadcast_in_dim3A_70] : memref<32xf32, #tpu.memory_space<vmem>>[vector<16xi32>], vector<16xf32>,
    %add3A_72 = arith.addf %add3A_61, %gather3A_71 : vector<16xf32>
    %broadcast_in_dim3A_73 = arith.constant 8 : i32
    %broadcast_in_dim3A_74 = vector.broadcast %broadcast_in_dim3A_73 : i32 to vector<16xi32>
    %gather3A_75 = tpu.vector_load_idx %arg8[%broadcast_in_dim3A_74] : memref<32xf32, #tpu.memory_space<vmem>>[vector<16xi32>], vector<16xf32>,
    %neg3A_76 = arith.constant 0.000000e+00 : f32
    %neg3A_77 = vector.broadcast %neg3A_76 : f32 to vector<16xf32>
    %neg3A_78 = arith.subf %neg3A_77, %gather3A_75 : vector<16xf32>
    %mul3A_79 = arith.mulf %neg3A_78, %gather3A_54 : vector<16xf32>
    %broadcast_in_dim3A_80 = arith.constant 9 : i32
    %broadcast_in_dim3A_81 = vector.broadcast %broadcast_in_dim3A_80 : i32 to vector<16xi32>
    %gather3A_82 = tpu.vector_load_idx %arg7[%broadcast_in_dim3A_81] : memref<32xf32, #tpu.memory_space<vmem>>[vector<16xi32>], vector<16xf32>,
    %add3A_83 = arith.addf %add3A_72, %gather3A_82 : vector<16xf32>
    %broadcast_in_dim3A_84 = arith.constant 9 : i32
    %broadcast_in_dim3A_85 = vector.broadcast %broadcast_in_dim3A_84 : i32 to vector<16xi32>
    %gather3A_86 = tpu.vector_load_idx %arg8[%broadcast_in_dim3A_85] : memref<32xf32, #tpu.memory_space<vmem>>[vector<16xi32>], vector<16xf32>,
    %neg3A_87 = arith.constant 0.000000e+00 : f32
    %neg3A_88 = vector.broadcast %neg3A_87 : f32 to vector<16xf32>
    %neg3A_89 = arith.subf %neg3A_88, %gather3A_86 : vector<16xf32>
    %mul3A_90 = arith.mulf %neg3A_89, %gather3A_54 : vector<16xf32>
    %neg3A_91 = arith.constant 0.000000e+00 : f32
    %neg3A_92 = vector.broadcast %neg3A_91 : f32 to vector<16xf32>
    %neg3A_93 = arith.subf %neg3A_92, %add3A_83 : vector<16xf32>
    %mul3A_94 = arith.mulf %neg3A_93, %gather3A_54 : vector<16xf32>
    %broadcast_in_dim3A_95 = arith.constant 11 : i32
    %broadcast_in_dim3A_96 = vector.broadcast %broadcast_in_dim3A_95 : i32 to vector<16xi32>
    %gather3A_97 = tpu.vector_load_idx %arg9[%broadcast_in_dim3A_96] : memref<32xf32, #tpu.memory_space<vmem>>[vector<16xi32>], vector<16xf32>,
    %broadcast_in_dim3A_98 = arith.constant 11 : i32
    %broadcast_in_dim3A_99 = vector.broadcast %broadcast_in_dim3A_98 : i32 to vector<16xi32>
    %gather3A_100 = tpu.vector_load_idx %arg7[%broadcast_in_dim3A_99] : memref<32xf32, #tpu.memory_space<vmem>>[vector<16xi32>], vector<16xf32>,
    %broadcast_in_dim3A_101 = arith.constant 10 : i32
    %broadcast_in_dim3A_102 = vector.broadcast %broadcast_in_dim3A_101 : i32 to vector<16xi32>
    %gather3A_103 = tpu.vector_load_idx %arg7[%broadcast_in_dim3A_102] : memref<32xf32, #tpu.memory_space<vmem>>[vector<16xi32>], vector<16xf32>,
    %add3A_104 = arith.addf %gather3A_100, %gather3A_103 : vector<16xf32>
    %broadcast_in_dim3A_105 = arith.constant 10 : i32
    %broadcast_in_dim3A_106 = vector.broadcast %broadcast_in_dim3A_105 : i32 to vector<16xi32>
    %gather3A_107 = tpu.vector_load_idx %arg8[%broadcast_in_dim3A_106] : memref<32xf32, #tpu.memory_space<vmem>>[vector<16xi32>], vector<16xf32>,
    %neg3A_108 = arith.constant 0.000000e+00 : f32
    %neg3A_109 = vector.broadcast %neg3A_108 : f32 to vector<16xf32>
    %neg3A_110 = arith.subf %neg3A_109, %gather3A_107 : vector<16xf32>
    %mul3A_111 = arith.mulf %neg3A_110, %gather3A_97 : vector<16xf32>
    %broadcast_in_dim3A_112 = arith.constant 12 : i32
    %broadcast_in_dim3A_113 = vector.broadcast %broadcast_in_dim3A_112 : i32 to vector<16xi32>
    %gather3A_114 = tpu.vector_load_idx %arg7[%broadcast_in_dim3A_113] : memref<32xf32, #tpu.memory_space<vmem>>[vector<16xi32>], vector<16xf32>,
    %add3A_115 = arith.addf %add3A_104, %gather3A_114 : vector<16xf32>
    %broadcast_in_dim3A_116 = arith.constant 12 : i32
    %broadcast_in_dim3A_117 = vector.broadcast %broadcast_in_dim3A_116 : i32 to vector<16xi32>
    %gather3A_118 = tpu.vector_load_idx %arg8[%broadcast_in_dim3A_117] : memref<32xf32, #tpu.memory_space<vmem>>[vector<16xi32>], vector<16xf32>,
    %neg3A_119 = arith.constant 0.000000e+00 : f32
    %neg3A_120 = vector.broadcast %neg3A_119 : f32 to vector<16xf32>
    %neg3A_121 = arith.subf %neg3A_120, %gather3A_118 : vector<16xf32>
    %mul3A_122 = arith.mulf %neg3A_121, %gather3A_97 : vector<16xf32>
    %broadcast_in_dim3A_123 = arith.constant 13 : i32
    %broadcast_in_dim3A_124 = vector.broadcast %broadcast_in_dim3A_123 : i32 to vector<16xi32>
    %gather3A_125 = tpu.vector_load_idx %arg7[%broadcast_in_dim3A_124] : memref<32xf32, #tpu.memory_space<vmem>>[vector<16xi32>], vector<16xf32>,
    %add3A_126 = arith.addf %add3A_115, %gather3A_125 : vector<16xf32>
    %broadcast_in_dim3A_127 = arith.constant 13 : i32
    %broadcast_in_dim3A_128 = vector.broadcast %broadcast_in_dim3A_127 : i32 to vector<16xi32>
    %gather3A_129 = tpu.vector_load_idx %arg8[%broadcast_in_dim3A_128] : memref<32xf32, #tpu.memory_space<vmem>>[vector<16xi32>], vector<16xf32>,
    %neg3A_130 = arith.constant 0.000000e+00 : f32
    %neg3A_131 = vector.broadcast %neg3A_130 : f32 to vector<16xf32>
    %neg3A_132 = arith.subf %neg3A_131, %gather3A_129 : vector<16xf32>
    %mul3A_133 = arith.mulf %neg3A_132, %gather3A_97 : vector<16xf32>
    %neg3A_134 = arith.constant 0.000000e+00 : f32
    %neg3A_135 = vector.broadcast %neg3A_134 : f32 to vector<16xf32>
    %neg3A_136 = arith.subf %neg3A_135, %add3A_126 : vector<16xf32>
    %mul3A_137 = arith.mulf %neg3A_136, %gather3A_97 : vector<16xf32>
    %broadcast_in_dim3A_138 = arith.constant 15 : i32
    %broadcast_in_dim3A_139 = vector.broadcast %broadcast_in_dim3A_138 : i32 to vector<16xi32>
    %gather3A_140 = tpu.vector_load_idx %arg9[%broadcast_in_dim3A_139] : memref<32xf32, #tpu.memory_space<vmem>>[vector<16xi32>], vector<16xf32>,
    %broadcast_in_dim3A_141 = arith.constant 15 : i32
    %broadcast_in_dim3A_142 = vector.broadcast %broadcast_in_dim3A_141 : i32 to vector<16xi32>
    %gather3A_143 = tpu.vector_load_idx %arg7[%broadcast_in_dim3A_142] : memref<32xf32, #tpu.memory_space<vmem>>[vector<16xi32>], vector<16xf32>,
    %broadcast_in_dim3A_144 = arith.constant 14 : i32
    %broadcast_in_dim3A_145 = vector.broadcast %broadcast_in_dim3A_144 : i32 to vector<16xi32>
    %gather3A_146 = tpu.vector_load_idx %arg7[%broadcast_in_dim3A_145] : memref<32xf32, #tpu.memory_space<vmem>>[vector<16xi32>], vector<16xf32>,
    %add3A_147 = arith.addf %gather3A_143, %gather3A_146 : vector<16xf32>
    %broadcast_in_dim3A_148 = arith.constant 14 : i32
    %broadcast_in_dim3A_149 = vector.broadcast %broadcast_in_dim3A_148 : i32 to vector<16xi32>
    %gather3A_150 = tpu.vector_load_idx %arg8[%broadcast_in_dim3A_149] : memref<32xf32, #tpu.memory_space<vmem>>[vector<16xi32>], vector<16xf32>,
    %neg3A_151 = arith.constant 0.000000e+00 : f32
    %neg3A_152 = vector.broadcast %neg3A_151 : f32 to vector<16xf32>
    %neg3A_153 = arith.subf %neg3A_152, %gather3A_150 : vector<16xf32>
    %mul3A_154 = arith.mulf %neg3A_153, %gather3A_140 : vector<16xf32>
    %broadcast_in_dim3A_155 = arith.constant 16 : i32
    %broadcast_in_dim3A_156 = vector.broadcast %broadcast_in_dim3A_155 : i32 to vector<16xi32>
    %gather3A_157 = tpu.vector_load_idx %arg7[%broadcast_in_dim3A_156] : memref<32xf32, #tpu.memory_space<vmem>>[vector<16xi32>], vector<16xf32>,
    %add3A_158 = arith.addf %add3A_147, %gather3A_157 : vector<16xf32>
    %broadcast_in_dim3A_159 = arith.constant 16 : i32
    %broadcast_in_dim3A_160 = vector.broadcast %broadcast_in_dim3A_159 : i32 to vector<16xi32>
    %gather3A_161 = tpu.vector_load_idx %arg8[%broadcast_in_dim3A_160] : memref<32xf32, #tpu.memory_space<vmem>>[vector<16xi32>], vector<16xf32>,
    %neg3A_162 = arith.constant 0.000000e+00 : f32
    %neg3A_163 = vector.broadcast %neg3A_162 : f32 to vector<16xf32>
    %neg3A_164 = arith.subf %neg3A_163, %gather3A_161 : vector<16xf32>
    %mul3A_165 = arith.mulf %neg3A_164, %gather3A_140 : vector<16xf32>
    %broadcast_in_dim3A_166 = arith.constant 17 : i32
    %broadcast_in_dim3A_167 = vector.broadcast %broadcast_in_dim3A_166 : i32 to vector<16xi32>
    %gather3A_168 = tpu.vector_load_idx %arg7[%broadcast_in_dim3A_167] : memref<32xf32, #tpu.memory_space<vmem>>[vector<16xi32>], vector<16xf32>,
    %add3A_169 = arith.addf %add3A_158, %gather3A_168 : vector<16xf32>
    %broadcast_in_dim3A_170 = arith.constant 17 : i32
    %broadcast_in_dim3A_171 = vector.broadcast %broadcast_in_dim3A_170 : i32 to vector<16xi32>
    %gather3A_172 = tpu.vector_load_idx %arg8[%broadcast_in_dim3A_171] : memref<32xf32, #tpu.memory_space<vmem>>[vector<16xi32>], vector<16xf32>,
    %neg3A_173 = arith.constant 0.000000e+00 : f32
    %neg3A_174 = vector.broadcast %neg3A_173 : f32 to vector<16xf32>
    %neg3A_175 = arith.subf %neg3A_174, %gather3A_172 : vector<16xf32>
    %mul3A_176 = arith.mulf %neg3A_175, %gather3A_140 : vector<16xf32>
    %neg3A_177 = arith.constant 0.000000e+00 : f32
    %neg3A_178 = vector.broadcast %neg3A_177 : f32 to vector<16xf32>
    %neg3A_179 = arith.subf %neg3A_178, %add3A_169 : vector<16xf32>
    %mul3A_180 = arith.mulf %neg3A_179, %gather3A_140 : vector<16xf32>
    %iota3A = tpu.iota {dimensions = array<i32: 0>} : vector<16xi32>
    %mul3A_181 = arith.constant 17 : i32
    %mul3A_182 = vector.broadcast %mul3A_181 : i32 to vector<16xi32>
    %mul3A_183 = arith.muli %iota3A, %mul3A_182 : vector<16xi32>
    %mul3A_184 = arith.constant 557056 : i32
    %mul3A_185 = arith.muli %add3A, %mul3A_184 : i32
    %add3A_186 = arith.constant 0 : i32
    %add3A_187 = arith.addi %mul3A_185, %add3A_186 : i32
    %dma_start3A = tpu.memref_slice %arg2[%add3A_187] : memref<17825792xf32, #tpu.memory_space<hbm>> -> memref<34816xf32, #tpu.memory_space<hbm>>
    %dma_start3A_188 = tpu.memref_slice %arg2[%add3A_187] : memref<17825792xf32, #tpu.memory_space<hbm>> -> memref<34816xf32, #tpu.memory_space<hbm>>
    tpu.enqueue_dma source(%dma_start3A_188 : memref<34816xf32, #tpu.memory_space<hbm>>) target(%arg10 : memref<34816xf32, #tpu.memory_space<vmem>>) target_semaphore(%arg12 : memref<!tpu.dma_semaphore, #tpu.memory_space<semaphore_mem>>)
    %add3A_189 = arith.constant 34816 : i32
    %add3A_190 = arith.addi %mul3A_185, %add3A_189 : i32
    %dma_start3A_191 = tpu.memref_slice %arg2[%add3A_190] : memref<17825792xf32, #tpu.memory_space<hbm>> -> memref<34816xf32, #tpu.memory_space<hbm>>
    %dma_start3A_192 = tpu.memref_slice %arg2[%add3A_190] : memref<17825792xf32, #tpu.memory_space<hbm>> -> memref<34816xf32, #tpu.memory_space<hbm>>
    tpu.enqueue_dma source(%dma_start3A_192 : memref<34816xf32, #tpu.memory_space<hbm>>) target(%arg11 : memref<34816xf32, #tpu.memory_space<vmem>>) target_semaphore(%arg13 : memref<!tpu.dma_semaphore, #tpu.memory_space<semaphore_mem>>)
    %dma_wait3A = tpu.memref_slice %arg2[%add3A_187] : memref<17825792xf32, #tpu.memory_space<hbm>> -> memref<34816xf32, #tpu.memory_space<hbm>>
    %dma_wait3A_193 = tpu.memref_slice %arg2[%add3A_187] : memref<17825792xf32, #tpu.memory_space<hbm>> -> memref<34816xf32, #tpu.memory_space<hbm>>
    tpu.wait_dma2 semaphore(%arg12 : memref<!tpu.dma_semaphore, #tpu.memory_space<semaphore_mem>>) src(%dma_wait3A_193 : memref<34816xf32, #tpu.memory_space<hbm>>) dst(%arg10 : memref<34816xf32, #tpu.memory_space<vmem>>)
    %scan3A = arith.constant 0 : i32
    %scan3A_194 = arith.constant 0 : i32
    %scan3A_195 = arith.constant 128 : i32
    %scan3A_196 = arith.addi %scan3A_194, %scan3A_195 : i32
    %scan3A_197 = arith.constant 1 : i32
    scf.for %scan3A_471 = %scan3A_194 to %scan3A_196 step %scan3A_197  : i32 {
      %mul3A_472 = arith.constant 272 : i32
      %mul3A_473 = arith.muli %scan3A_471, %mul3A_472 : i32
      %add3A_474 = arith.constant 0 : i32
      %add3A_475 = arith.addi %mul3A_473, %add3A_474 : i32
      %add3A_476 = vector.broadcast %add3A_475 : i32 to vector<16xi32>
      %add3A_477 = arith.addi %mul3A_183, %add3A_476 : vector<16xi32>
      %gather3A_478 = tpu.vector_load_idx %arg10[%add3A_477] : memref<34816xf32, #tpu.memory_space<vmem>>[vector<16xi32>], vector<16xf32>,
      %mul3A_479 = arith.mulf %gather3A_478, %mul3A_14 : vector<16xf32>
      %add3A_480 = arith.addf %mul3A_51, %mul3A_479 : vector<16xf32>
      %add3A_481 = arith.constant 1 : i32
      %add3A_482 = arith.addi %mul3A_473, %add3A_481 : i32
      %add3A_483 = vector.broadcast %add3A_482 : i32 to vector<16xi32>
      %add3A_484 = arith.addi %mul3A_183, %add3A_483 : vector<16xi32>
      %gather3A_485 = tpu.vector_load_idx %arg10[%add3A_484] : memref<34816xf32, #tpu.memory_space<vmem>>[vector<16xi32>], vector<16xf32>,
      %mul3A_486 = arith.mulf %gather3A_485, %mul3A_25 : vector<16xf32>
      %add3A_487 = arith.addf %add3A_480, %mul3A_486 : vector<16xf32>
      %add3A_488 = arith.constant 3 : i32
      %add3A_489 = arith.addi %mul3A_473, %add3A_488 : i32
      %add3A_490 = vector.broadcast %add3A_489 : i32 to vector<16xi32>
      %add3A_491 = arith.addi %mul3A_183, %add3A_490 : vector<16xi32>
      %gather3A_492 = tpu.vector_load_idx %arg10[%add3A_491] : memref<34816xf32, #tpu.memory_space<vmem>>[vector<16xi32>], vector<16xf32>,
      %mul3A_493 = arith.mulf %gather3A_492, %mul3A_36 : vector<16xf32>
      %add3A_494 = arith.addf %add3A_487, %mul3A_493 : vector<16xf32>
      %add3A_495 = arith.constant 4 : i32
      %add3A_496 = arith.addi %mul3A_473, %add3A_495 : i32
      %add3A_497 = vector.broadcast %add3A_496 : i32 to vector<16xi32>
      %add3A_498 = arith.addi %mul3A_183, %add3A_497 : vector<16xi32>
      %gather3A_499 = tpu.vector_load_idx %arg10[%add3A_498] : memref<34816xf32, #tpu.memory_space<vmem>>[vector<16xi32>], vector<16xf32>,
      %mul3A_500 = arith.mulf %gather3A_499, %mul3A_47 : vector<16xf32>
      %add3A_501 = arith.addf %add3A_494, %mul3A_500 : vector<16xf32>
      %add3A_502 = arith.constant 2 : i32
      %add3A_503 = arith.addi %mul3A_473, %add3A_502 : i32
      %add3A_504 = vector.broadcast %add3A_503 : i32 to vector<16xi32>
      %add3A_505 = arith.addi %mul3A_183, %add3A_504 : vector<16xi32>
      tpu.vector_store_idx %arg10[%add3A_505], %add3A_501 : memref<34816xf32, #tpu.memory_space<vmem>>[vector<16xi32>], vector<16xf32>,
      %add3A_506 = arith.constant 5 : i32
      %add3A_507 = arith.addi %mul3A_473, %add3A_506 : i32
      %add3A_508 = vector.broadcast %add3A_507 : i32 to vector<16xi32>
      %add3A_509 = arith.addi %mul3A_183, %add3A_508 : vector<16xi32>
      %gather3A_510 = tpu.vector_load_idx %arg10[%add3A_509] : memref<34816xf32, #tpu.memory_space<vmem>>[vector<16xi32>], vector<16xf32>,
      %mul3A_511 = arith.mulf %gather3A_510, %mul3A_68 : vector<16xf32>
      %add3A_512 = arith.addf %mul3A_94, %mul3A_511 : vector<16xf32>
      %add3A_513 = arith.constant 7 : i32
      %add3A_514 = arith.addi %mul3A_473, %add3A_513 : i32
      %add3A_515 = vector.broadcast %add3A_514 : i32 to vector<16xi32>
      %add3A_516 = arith.addi %mul3A_183, %add3A_515 : vector<16xi32>
      %gather3A_517 = tpu.vector_load_idx %arg10[%add3A_516] : memref<34816xf32, #tpu.memory_space<vmem>>[vector<16xi32>], vector<16xf32>,
      %mul3A_518 = arith.mulf %gather3A_517, %mul3A_79 : vector<16xf32>
      %add3A_519 = arith.addf %add3A_512, %mul3A_518 : vector<16xf32>
      %add3A_520 = arith.constant 8 : i32
      %add3A_521 = arith.addi %mul3A_473, %add3A_520 : i32
      %add3A_522 = vector.broadcast %add3A_521 : i32 to vector<16xi32>
      %add3A_523 = arith.addi %mul3A_183, %add3A_522 : vector<16xi32>
      %gather3A_524 = tpu.vector_load_idx %arg10[%add3A_523] : memref<34816xf32, #tpu.memory_space<vmem>>[vector<16xi32>], vector<16xf32>,
      %mul3A_525 = arith.mulf %gather3A_524, %mul3A_90 : vector<16xf32>
      %add3A_526 = arith.addf %add3A_519, %mul3A_525 : vector<16xf32>
      %add3A_527 = arith.constant 6 : i32
      %add3A_528 = arith.addi %mul3A_473, %add3A_527 : i32
      %add3A_529 = vector.broadcast %add3A_528 : i32 to vector<16xi32>
      %add3A_530 = arith.addi %mul3A_183, %add3A_529 : vector<16xi32>
      tpu.vector_store_idx %arg10[%add3A_530], %add3A_526 : memref<34816xf32, #tpu.memory_space<vmem>>[vector<16xi32>], vector<16xf32>,
      %add3A_531 = arith.constant 9 : i32
      %add3A_532 = arith.addi %mul3A_473, %add3A_531 : i32
      %add3A_533 = vector.broadcast %add3A_532 : i32 to vector<16xi32>
      %add3A_534 = arith.addi %mul3A_183, %add3A_533 : vector<16xi32>
      %gather3A_535 = tpu.vector_load_idx %arg10[%add3A_534] : memref<34816xf32, #tpu.memory_space<vmem>>[vector<16xi32>], vector<16xf32>,
      %mul3A_536 = arith.mulf %gather3A_535, %mul3A_111 : vector<16xf32>
      %add3A_537 = arith.addf %mul3A_137, %mul3A_536 : vector<16xf32>
      %add3A_538 = arith.constant 11 : i32
      %add3A_539 = arith.addi %mul3A_473, %add3A_538 : i32
      %add3A_540 = vector.broadcast %add3A_539 : i32 to vector<16xi32>
      %add3A_541 = arith.addi %mul3A_183, %add3A_540 : vector<16xi32>
      %gather3A_542 = tpu.vector_load_idx %arg10[%add3A_541] : memref<34816xf32, #tpu.memory_space<vmem>>[vector<16xi32>], vector<16xf32>,
      %mul3A_543 = arith.mulf %gather3A_542, %mul3A_122 : vector<16xf32>
      %add3A_544 = arith.addf %add3A_537, %mul3A_543 : vector<16xf32>
      %add3A_545 = arith.constant 12 : i32
      %add3A_546 = arith.addi %mul3A_473, %add3A_545 : i32
      %add3A_547 = vector.broadcast %add3A_546 : i32 to vector<16xi32>
      %add3A_548 = arith.addi %mul3A_183, %add3A_547 : vector<16xi32>
      %gather3A_549 = tpu.vector_load_idx %arg10[%add3A_548] : memref<34816xf32, #tpu.memory_space<vmem>>[vector<16xi32>], vector<16xf32>,
      %mul3A_550 = arith.mulf %gather3A_549, %mul3A_133 : vector<16xf32>
      %add3A_551 = arith.addf %add3A_544, %mul3A_550 : vector<16xf32>
      %add3A_552 = arith.constant 10 : i32
      %add3A_553 = arith.addi %mul3A_473, %add3A_552 : i32
      %add3A_554 = vector.broadcast %add3A_553 : i32 to vector<16xi32>
      %add3A_555 = arith.addi %mul3A_183, %add3A_554 : vector<16xi32>
      tpu.vector_store_idx %arg10[%add3A_555], %add3A_551 : memref<34816xf32, #tpu.memory_space<vmem>>[vector<16xi32>], vector<16xf32>,
      %add3A_556 = arith.constant 13 : i32
      %add3A_557 = arith.addi %mul3A_473, %add3A_556 : i32
      %add3A_558 = vector.broadcast %add3A_557 : i32 to vector<16xi32>
      %add3A_559 = arith.addi %mul3A_183, %add3A_558 : vector<16xi32>
      %gather3A_560 = tpu.vector_load_idx %arg10[%add3A_559] : memref<34816xf32, #tpu.memory_space<vmem>>[vector<16xi32>], vector<16xf32>,
      %mul3A_561 = arith.mulf %gather3A_560, %mul3A_154 : vector<16xf32>
      %add3A_562 = arith.addf %mul3A_180, %mul3A_561 : vector<16xf32>
      %add3A_563 = arith.constant 15 : i32
      %add3A_564 = arith.addi %mul3A_473, %add3A_563 : i32
      %add3A_565 = vector.broadcast %add3A_564 : i32 to vector<16xi32>
      %add3A_566 = arith.addi %mul3A_183, %add3A_565 : vector<16xi32>
      %gather3A_567 = tpu.vector_load_idx %arg10[%add3A_566] : memref<34816xf32, #tpu.memory_space<vmem>>[vector<16xi32>], vector<16xf32>,
      %mul3A_568 = arith.mulf %gather3A_567, %mul3A_165 : vector<16xf32>
      %add3A_569 = arith.addf %add3A_562, %mul3A_568 : vector<16xf32>
      %add3A_570 = arith.constant 16 : i32
      %add3A_571 = arith.addi %mul3A_473, %add3A_570 : i32
      %add3A_572 = vector.broadcast %add3A_571 : i32 to vector<16xi32>
      %add3A_573 = arith.addi %mul3A_183, %add3A_572 : vector<16xi32>
      %gather3A_574 = tpu.vector_load_idx %arg10[%add3A_573] : memref<34816xf32, #tpu.memory_space<vmem>>[vector<16xi32>], vector<16xf32>,
      %mul3A_575 = arith.mulf %gather3A_574, %mul3A_176 : vector<16xf32>
      %add3A_576 = arith.addf %add3A_569, %mul3A_575 : vector<16xf32>
      %add3A_577 = arith.constant 14 : i32
      %add3A_578 = arith.addi %mul3A_473, %add3A_577 : i32
      %add3A_579 = vector.broadcast %add3A_578 : i32 to vector<16xi32>
      %add3A_580 = arith.addi %mul3A_183, %add3A_579 : vector<16xi32>
      tpu.vector_store_idx %arg10[%add3A_580], %add3A_576 : memref<34816xf32, #tpu.memory_space<vmem>>[vector<16xi32>], vector<16xf32>,
    }
    %scan3A_198 = arith.constant 128 : i32
    %add3A_199 = arith.constant 0 : i32
    %add3A_200 = arith.addi %mul3A_185, %add3A_199 : i32
    %dma_start3A_201 = tpu.memref_slice %arg6[%add3A_200] : memref<17825792xf32, #tpu.memory_space<hbm>> -> memref<34816xf32, #tpu.memory_space<hbm>>
    %dma_start3A_202 = tpu.memref_slice %arg6[%add3A_200] : memref<17825792xf32, #tpu.memory_space<hbm>> -> memref<34816xf32, #tpu.memory_space<hbm>>
    tpu.enqueue_dma source(%arg10 : memref<34816xf32, #tpu.memory_space<vmem>>) target(%dma_start3A_202 : memref<34816xf32, #tpu.memory_space<hbm>>) target_semaphore(%arg14 : memref<!tpu.dma_semaphore, #tpu.memory_space<semaphore_mem>>)
    %dma_wait3A_203 = tpu.memref_slice %arg6[%add3A_200] : memref<17825792xf32, #tpu.memory_space<hbm>> -> memref<34816xf32, #tpu.memory_space<hbm>>
    %dma_wait3A_204 = tpu.memref_slice %arg6[%add3A_200] : memref<17825792xf32, #tpu.memory_space<hbm>> -> memref<34816xf32, #tpu.memory_space<hbm>>
    tpu.wait_dma2 semaphore(%arg14 : memref<!tpu.dma_semaphore, #tpu.memory_space<semaphore_mem>>) src(%arg10 : memref<34816xf32, #tpu.memory_space<vmem>>) dst(%dma_wait3A_204 : memref<34816xf32, #tpu.memory_space<hbm>>)
    %add3A_205 = arith.constant 69632 : i32
    %add3A_206 = arith.addi %mul3A_185, %add3A_205 : i32
    %dma_start3A_207 = tpu.memref_slice %arg2[%add3A_206] : memref<17825792xf32, #tpu.memory_space<hbm>> -> memref<34816xf32, #tpu.memory_space<hbm>>
    %dma_start3A_208 = tpu.memref_slice %arg2[%add3A_206] : memref<17825792xf32, #tpu.memory_space<hbm>> -> memref<34816xf32, #tpu.memory_space<hbm>>
    tpu.enqueue_dma source(%dma_start3A_208 : memref<34816xf32, #tpu.memory_space<hbm>>) target(%arg10 : memref<34816xf32, #tpu.memory_space<vmem>>) target_semaphore(%arg12 : memref<!tpu.dma_semaphore, #tpu.memory_space<semaphore_mem>>)
    %dma_wait3A_209 = tpu.memref_slice %arg2[%add3A_190] : memref<17825792xf32, #tpu.memory_space<hbm>> -> memref<34816xf32, #tpu.memory_space<hbm>>
    %dma_wait3A_210 = tpu.memref_slice %arg2[%add3A_190] : memref<17825792xf32, #tpu.memory_space<hbm>> -> memref<34816xf32, #tpu.memory_space<hbm>>
    tpu.wait_dma2 semaphore(%arg13 : memref<!tpu.dma_semaphore, #tpu.memory_space<semaphore_mem>>) src(%dma_wait3A_210 : memref<34816xf32, #tpu.memory_space<hbm>>) dst(%arg11 : memref<34816xf32, #tpu.memory_space<vmem>>)
    %scan3A_211 = arith.constant 0 : i32
    %scan3A_212 = arith.constant 0 : i32
    %scan3A_213 = arith.constant 128 : i32
    %scan3A_214 = arith.addi %scan3A_212, %scan3A_213 : i32
    %scan3A_215 = arith.constant 1 : i32
    scf.for %scan3A_471 = %scan3A_212 to %scan3A_214 step %scan3A_215  : i32 {
      %mul3A_472 = arith.constant 272 : i32
      %mul3A_473 = arith.muli %scan3A_471, %mul3A_472 : i32
      %add3A_474 = arith.constant 0 : i32
      %add3A_475 = arith.addi %mul3A_473, %add3A_474 : i32
      %add3A_476 = vector.broadcast %add3A_475 : i32 to vector<16xi32>
      %add3A_477 = arith.addi %mul3A_183, %add3A_476 : vector<16xi32>
      %gather3A_478 = tpu.vector_load_idx %arg11[%add3A_477] : memref<34816xf32, #tpu.memory_space<vmem>>[vector<16xi32>], vector<16xf32>,
      %mul3A_479 = arith.mulf %gather3A_478, %mul3A_14 : vector<16xf32>
      %add3A_480 = arith.addf %mul3A_51, %mul3A_479 : vector<16xf32>
      %add3A_481 = arith.constant 1 : i32
      %add3A_482 = arith.addi %mul3A_473, %add3A_481 : i32
      %add3A_483 = vector.broadcast %add3A_482 : i32 to vector<16xi32>
      %add3A_484 = arith.addi %mul3A_183, %add3A_483 : vector<16xi32>
      %gather3A_485 = tpu.vector_load_idx %arg11[%add3A_484] : memref<34816xf32, #tpu.memory_space<vmem>>[vector<16xi32>], vector<16xf32>,
      %mul3A_486 = arith.mulf %gather3A_485, %mul3A_25 : vector<16xf32>
      %add3A_487 = arith.addf %add3A_480, %mul3A_486 : vector<16xf32>
      %add3A_488 = arith.constant 3 : i32
      %add3A_489 = arith.addi %mul3A_473, %add3A_488 : i32
      %add3A_490 = vector.broadcast %add3A_489 : i32 to vector<16xi32>
      %add3A_491 = arith.addi %mul3A_183, %add3A_490 : vector<16xi32>
      %gather3A_492 = tpu.vector_load_idx %arg11[%add3A_491] : memref<34816xf32, #tpu.memory_space<vmem>>[vector<16xi32>], vector<16xf32>,
      %mul3A_493 = arith.mulf %gather3A_492, %mul3A_36 : vector<16xf32>
      %add3A_494 = arith.addf %add3A_487, %mul3A_493 : vector<16xf32>
      %add3A_495 = arith.constant 4 : i32
      %add3A_496 = arith.addi %mul3A_473, %add3A_495 : i32
      %add3A_497 = vector.broadcast %add3A_496 : i32 to vector<16xi32>
      %add3A_498 = arith.addi %mul3A_183, %add3A_497 : vector<16xi32>
      %gather3A_499 = tpu.vector_load_idx %arg11[%add3A_498] : memref<34816xf32, #tpu.memory_space<vmem>>[vector<16xi32>], vector<16xf32>,
      %mul3A_500 = arith.mulf %gather3A_499, %mul3A_47 : vector<16xf32>
      %add3A_501 = arith.addf %add3A_494, %mul3A_500 : vector<16xf32>
      %add3A_502 = arith.constant 2 : i32
      %add3A_503 = arith.addi %mul3A_473, %add3A_502 : i32
      %add3A_504 = vector.broadcast %add3A_503 : i32 to vector<16xi32>
      %add3A_505 = arith.addi %mul3A_183, %add3A_504 : vector<16xi32>
      tpu.vector_store_idx %arg11[%add3A_505], %add3A_501 : memref<34816xf32, #tpu.memory_space<vmem>>[vector<16xi32>], vector<16xf32>,
      %add3A_506 = arith.constant 5 : i32
      %add3A_507 = arith.addi %mul3A_473, %add3A_506 : i32
      %add3A_508 = vector.broadcast %add3A_507 : i32 to vector<16xi32>
      %add3A_509 = arith.addi %mul3A_183, %add3A_508 : vector<16xi32>
      %gather3A_510 = tpu.vector_load_idx %arg11[%add3A_509] : memref<34816xf32, #tpu.memory_space<vmem>>[vector<16xi32>], vector<16xf32>,
      %mul3A_511 = arith.mulf %gather3A_510, %mul3A_68 : vector<16xf32>
      %add3A_512 = arith.addf %mul3A_94, %mul3A_511 : vector<16xf32>
      %add3A_513 = arith.constant 7 : i32
      %add3A_514 = arith.addi %mul3A_473, %add3A_513 : i32
      %add3A_515 = vector.broadcast %add3A_514 : i32 to vector<16xi32>
      %add3A_516 = arith.addi %mul3A_183, %add3A_515 : vector<16xi32>
      %gather3A_517 = tpu.vector_load_idx %arg11[%add3A_516] : memref<34816xf32, #tpu.memory_space<vmem>>[vector<16xi32>], vector<16xf32>,
      %mul3A_518 = arith.mulf %gather3A_517, %mul3A_79 : vector<16xf32>
      %add3A_519 = arith.addf %add3A_512, %mul3A_518 : vector<16xf32>
      %add3A_520 = arith.constant 8 : i32
      %add3A_521 = arith.addi %mul3A_473, %add3A_520 : i32
      %add3A_522 = vector.broadcast %add3A_521 : i32 to vector<16xi32>
      %add3A_523 = arith.addi %mul3A_183, %add3A_522 : vector<16xi32>
      %gather3A_524 = tpu.vector_load_idx %arg11[%add3A_523] : memref<34816xf32, #tpu.memory_space<vmem>>[vector<16xi32>], vector<16xf32>,
      %mul3A_525 = arith.mulf %gather3A_524, %mul3A_90 : vector<16xf32>
      %add3A_526 = arith.addf %add3A_519, %mul3A_525 : vector<16xf32>
      %add3A_527 = arith.constant 6 : i32
      %add3A_528 = arith.addi %mul3A_473, %add3A_527 : i32
      %add3A_529 = vector.broadcast %add3A_528 : i32 to vector<16xi32>
      %add3A_530 = arith.addi %mul3A_183, %add3A_529 : vector<16xi32>
      tpu.vector_store_idx %arg11[%add3A_530], %add3A_526 : memref<34816xf32, #tpu.memory_space<vmem>>[vector<16xi32>], vector<16xf32>,
      %add3A_531 = arith.constant 9 : i32
      %add3A_532 = arith.addi %mul3A_473, %add3A_531 : i32
      %add3A_533 = vector.broadcast %add3A_532 : i32 to vector<16xi32>
      %add3A_534 = arith.addi %mul3A_183, %add3A_533 : vector<16xi32>
      %gather3A_535 = tpu.vector_load_idx %arg11[%add3A_534] : memref<34816xf32, #tpu.memory_space<vmem>>[vector<16xi32>], vector<16xf32>,
      %mul3A_536 = arith.mulf %gather3A_535, %mul3A_111 : vector<16xf32>
      %add3A_537 = arith.addf %mul3A_137, %mul3A_536 : vector<16xf32>
      %add3A_538 = arith.constant 11 : i32
      %add3A_539 = arith.addi %mul3A_473, %add3A_538 : i32
      %add3A_540 = vector.broadcast %add3A_539 : i32 to vector<16xi32>
      %add3A_541 = arith.addi %mul3A_183, %add3A_540 : vector<16xi32>
      %gather3A_542 = tpu.vector_load_idx %arg11[%add3A_541] : memref<34816xf32, #tpu.memory_space<vmem>>[vector<16xi32>], vector<16xf32>,
      %mul3A_543 = arith.mulf %gather3A_542, %mul3A_122 : vector<16xf32>
      %add3A_544 = arith.addf %add3A_537, %mul3A_543 : vector<16xf32>
      %add3A_545 = arith.constant 12 : i32
      %add3A_546 = arith.addi %mul3A_473, %add3A_545 : i32
      %add3A_547 = vector.broadcast %add3A_546 : i32 to vector<16xi32>
      %add3A_548 = arith.addi %mul3A_183, %add3A_547 : vector<16xi32>
      %gather3A_549 = tpu.vector_load_idx %arg11[%add3A_548] : memref<34816xf32, #tpu.memory_space<vmem>>[vector<16xi32>], vector<16xf32>,
      %mul3A_550 = arith.mulf %gather3A_549, %mul3A_133 : vector<16xf32>
      %add3A_551 = arith.addf %add3A_544, %mul3A_550 : vector<16xf32>
      %add3A_552 = arith.constant 10 : i32
      %add3A_553 = arith.addi %mul3A_473, %add3A_552 : i32
      %add3A_554 = vector.broadcast %add3A_553 : i32 to vector<16xi32>
      %add3A_555 = arith.addi %mul3A_183, %add3A_554 : vector<16xi32>
      tpu.vector_store_idx %arg11[%add3A_555], %add3A_551 : memref<34816xf32, #tpu.memory_space<vmem>>[vector<16xi32>], vector<16xf32>,
      %add3A_556 = arith.constant 13 : i32
      %add3A_557 = arith.addi %mul3A_473, %add3A_556 : i32
      %add3A_558 = vector.broadcast %add3A_557 : i32 to vector<16xi32>
      %add3A_559 = arith.addi %mul3A_183, %add3A_558 : vector<16xi32>
      %gather3A_560 = tpu.vector_load_idx %arg11[%add3A_559] : memref<34816xf32, #tpu.memory_space<vmem>>[vector<16xi32>], vector<16xf32>,
      %mul3A_561 = arith.mulf %gather3A_560, %mul3A_154 : vector<16xf32>
      %add3A_562 = arith.addf %mul3A_180, %mul3A_561 : vector<16xf32>
      %add3A_563 = arith.constant 15 : i32
      %add3A_564 = arith.addi %mul3A_473, %add3A_563 : i32
      %add3A_565 = vector.broadcast %add3A_564 : i32 to vector<16xi32>
      %add3A_566 = arith.addi %mul3A_183, %add3A_565 : vector<16xi32>
      %gather3A_567 = tpu.vector_load_idx %arg11[%add3A_566] : memref<34816xf32, #tpu.memory_space<vmem>>[vector<16xi32>], vector<16xf32>,
      %mul3A_568 = arith.mulf %gather3A_567, %mul3A_165 : vector<16xf32>
      %add3A_569 = arith.addf %add3A_562, %mul3A_568 : vector<16xf32>
      %add3A_570 = arith.constant 16 : i32
      %add3A_571 = arith.addi %mul3A_473, %add3A_570 : i32
      %add3A_572 = vector.broadcast %add3A_571 : i32 to vector<16xi32>
      %add3A_573 = arith.addi %mul3A_183, %add3A_572 : vector<16xi32>
      %gather3A_574 = tpu.vector_load_idx %arg11[%add3A_573] : memref<34816xf32, #tpu.memory_space<vmem>>[vector<16xi32>], vector<16xf32>,
      %mul3A_575 = arith.mulf %gather3A_574, %mul3A_176 : vector<16xf32>
      %add3A_576 = arith.addf %add3A_569, %mul3A_575 : vector<16xf32>
      %add3A_577 = arith.constant 14 : i32
      %add3A_578 = arith.addi %mul3A_473, %add3A_577 : i32
      %add3A_579 = vector.broadcast %add3A_578 : i32 to vector<16xi32>
      %add3A_580 = arith.addi %mul3A_183, %add3A_579 : vector<16xi32>
      tpu.vector_store_idx %arg11[%add3A_580], %add3A_576 : memref<34816xf32, #tpu.memory_space<vmem>>[vector<16xi32>], vector<16xf32>,
    }
    %scan3A_216 = arith.constant 128 : i32
    %add3A_217 = arith.constant 34816 : i32
    %add3A_218 = arith.addi %mul3A_185, %add3A_217 : i32
    %dma_start3A_219 = tpu.memref_slice %arg6[%add3A_218] : memref<17825792xf32, #tpu.memory_space<hbm>> -> memref<34816xf32, #tpu.memory_space<hbm>>
    %dma_start3A_220 = tpu.memref_slice %arg6[%add3A_218] : memref<17825792xf32, #tpu.memory_space<hbm>> -> memref<34816xf32, #tpu.memory_space<hbm>>
    tpu.enqueue_dma source(%arg11 : memref<34816xf32, #tpu.memory_space<vmem>>) target(%dma_start3A_220 : memref<34816xf32, #tpu.memory_space<hbm>>) target_semaphore(%arg15 : memref<!tpu.dma_semaphore, #tpu.memory_space<semaphore_mem>>)
    %dma_wait3A_221 = tpu.memref_slice %arg6[%add3A_218] : memref<17825792xf32, #tpu.memory_space<hbm>> -> memref<34816xf32, #tpu.memory_space<hbm>>
    %dma_wait3A_222 = tpu.memref_slice %arg6[%add3A_218] : memref<17825792xf32, #tpu.memory_space<hbm>> -> memref<34816xf32, #tpu.memory_space<hbm>>
    tpu.wait_dma2 semaphore(%arg15 : memref<!tpu.dma_semaphore, #tpu.memory_space<semaphore_mem>>) src(%arg11 : memref<34816xf32, #tpu.memory_space<vmem>>) dst(%dma_wait3A_222 : memref<34816xf32, #tpu.memory_space<hbm>>)
    %add3A_223 = arith.constant 104448 : i32
    %add3A_224 = arith.addi %mul3A_185, %add3A_223 : i32
    %dma_start3A_225 = tpu.memref_slice %arg2[%add3A_224] : memref<17825792xf32, #tpu.memory_space<hbm>> -> memref<34816xf32, #tpu.memory_space<hbm>>
    %dma_start3A_226 = tpu.memref_slice %arg2[%add3A_224] : memref<17825792xf32, #tpu.memory_space<hbm>> -> memref<34816xf32, #tpu.memory_space<hbm>>
    tpu.enqueue_dma source(%dma_start3A_226 : memref<34816xf32, #tpu.memory_space<hbm>>) target(%arg11 : memref<34816xf32, #tpu.memory_space<vmem>>) target_semaphore(%arg13 : memref<!tpu.dma_semaphore, #tpu.memory_space<semaphore_mem>>)
    %dma_wait3A_227 = tpu.memref_slice %arg2[%add3A_206] : memref<17825792xf32, #tpu.memory_space<hbm>> -> memref<34816xf32, #tpu.memory_space<hbm>>
    %dma_wait3A_228 = tpu.memref_slice %arg2[%add3A_206] : memref<17825792xf32, #tpu.memory_space<hbm>> -> memref<34816xf32, #tpu.memory_space<hbm>>
    tpu.wait_dma2 semaphore(%arg12 : memref<!tpu.dma_semaphore, #tpu.memory_space<semaphore_mem>>) src(%dma_wait3A_228 : memref<34816xf32, #tpu.memory_space<hbm>>) dst(%arg10 : memref<34816xf32, #tpu.memory_space<vmem>>)
    %scan3A_229 = arith.constant 0 : i32
    %scan3A_230 = arith.constant 0 : i32
    %scan3A_231 = arith.constant 128 : i32
    %scan3A_232 = arith.addi %scan3A_230, %scan3A_231 : i32
    %scan3A_233 = arith.constant 1 : i32
    scf.for %scan3A_471 = %scan3A_230 to %scan3A_232 step %scan3A_233  : i32 {
      %mul3A_472 = arith.constant 272 : i32
      %mul3A_473 = arith.muli %scan3A_471, %mul3A_472 : i32
      %add3A_474 = arith.constant 0 : i32
      %add3A_475 = arith.addi %mul3A_473, %add3A_474 : i32
      %add3A_476 = vector.broadcast %add3A_475 : i32 to vector<16xi32>
      %add3A_477 = arith.addi %mul3A_183, %add3A_476 : vector<16xi32>
      %gather3A_478 = tpu.vector_load_idx %arg10[%add3A_477] : memref<34816xf32, #tpu.memory_space<vmem>>[vector<16xi32>], vector<16xf32>,
      %mul3A_479 = arith.mulf %gather3A_478, %mul3A_14 : vector<16xf32>
      %add3A_480 = arith.addf %mul3A_51, %mul3A_479 : vector<16xf32>
      %add3A_481 = arith.constant 1 : i32
      %add3A_482 = arith.addi %mul3A_473, %add3A_481 : i32
      %add3A_483 = vector.broadcast %add3A_482 : i32 to vector<16xi32>
      %add3A_484 = arith.addi %mul3A_183, %add3A_483 : vector<16xi32>
      %gather3A_485 = tpu.vector_load_idx %arg10[%add3A_484] : memref<34816xf32, #tpu.memory_space<vmem>>[vector<16xi32>], vector<16xf32>,
      %mul3A_486 = arith.mulf %gather3A_485, %mul3A_25 : vector<16xf32>
      %add3A_487 = arith.addf %add3A_480, %mul3A_486 : vector<16xf32>
      %add3A_488 = arith.constant 3 : i32
      %add3A_489 = arith.addi %mul3A_473, %add3A_488 : i32
      %add3A_490 = vector.broadcast %add3A_489 : i32 to vector<16xi32>
      %add3A_491 = arith.addi %mul3A_183, %add3A_490 : vector<16xi32>
      %gather3A_492 = tpu.vector_load_idx %arg10[%add3A_491] : memref<34816xf32, #tpu.memory_space<vmem>>[vector<16xi32>], vector<16xf32>,
      %mul3A_493 = arith.mulf %gather3A_492, %mul3A_36 : vector<16xf32>
      %add3A_494 = arith.addf %add3A_487, %mul3A_493 : vector<16xf32>
      %add3A_495 = arith.constant 4 : i32
      %add3A_496 = arith.addi %mul3A_473, %add3A_495 : i32
      %add3A_497 = vector.broadcast %add3A_496 : i32 to vector<16xi32>
      %add3A_498 = arith.addi %mul3A_183, %add3A_497 : vector<16xi32>
      %gather3A_499 = tpu.vector_load_idx %arg10[%add3A_498] : memref<34816xf32, #tpu.memory_space<vmem>>[vector<16xi32>], vector<16xf32>,
      %mul3A_500 = arith.mulf %gather3A_499, %mul3A_47 : vector<16xf32>
      %add3A_501 = arith.addf %add3A_494, %mul3A_500 : vector<16xf32>
      %add3A_502 = arith.constant 2 : i32
      %add3A_503 = arith.addi %mul3A_473, %add3A_502 : i32
      %add3A_504 = vector.broadcast %add3A_503 : i32 to vector<16xi32>
      %add3A_505 = arith.addi %mul3A_183, %add3A_504 : vector<16xi32>
      tpu.vector_store_idx %arg10[%add3A_505], %add3A_501 : memref<34816xf32, #tpu.memory_space<vmem>>[vector<16xi32>], vector<16xf32>,
      %add3A_506 = arith.constant 5 : i32
      %add3A_507 = arith.addi %mul3A_473, %add3A_506 : i32
      %add3A_508 = vector.broadcast %add3A_507 : i32 to vector<16xi32>
      %add3A_509 = arith.addi %mul3A_183, %add3A_508 : vector<16xi32>
      %gather3A_510 = tpu.vector_load_idx %arg10[%add3A_509] : memref<34816xf32, #tpu.memory_space<vmem>>[vector<16xi32>], vector<16xf32>,
      %mul3A_511 = arith.mulf %gather3A_510, %mul3A_68 : vector<16xf32>
      %add3A_512 = arith.addf %mul3A_94, %mul3A_511 : vector<16xf32>
      %add3A_513 = arith.constant 7 : i32
      %add3A_514 = arith.addi %mul3A_473, %add3A_513 : i32
      %add3A_515 = vector.broadcast %add3A_514 : i32 to vector<16xi32>
      %add3A_516 = arith.addi %mul3A_183, %add3A_515 : vector<16xi32>
      %gather3A_517 = tpu.vector_load_idx %arg10[%add3A_516] : memref<34816xf32, #tpu.memory_space<vmem>>[vector<16xi32>], vector<16xf32>,
      %mul3A_518 = arith.mulf %gather3A_517, %mul3A_79 : vector<16xf32>
      %add3A_519 = arith.addf %add3A_512, %mul3A_518 : vector<16xf32>
      %add3A_520 = arith.constant 8 : i32
      %add3A_521 = arith.addi %mul3A_473, %add3A_520 : i32
      %add3A_522 = vector.broadcast %add3A_521 : i32 to vector<16xi32>
      %add3A_523 = arith.addi %mul3A_183, %add3A_522 : vector<16xi32>
      %gather3A_524 = tpu.vector_load_idx %arg10[%add3A_523] : memref<34816xf32, #tpu.memory_space<vmem>>[vector<16xi32>], vector<16xf32>,
      %mul3A_525 = arith.mulf %gather3A_524, %mul3A_90 : vector<16xf32>
      %add3A_526 = arith.addf %add3A_519, %mul3A_525 : vector<16xf32>
      %add3A_527 = arith.constant 6 : i32
      %add3A_528 = arith.addi %mul3A_473, %add3A_527 : i32
      %add3A_529 = vector.broadcast %add3A_528 : i32 to vector<16xi32>
      %add3A_530 = arith.addi %mul3A_183, %add3A_529 : vector<16xi32>
      tpu.vector_store_idx %arg10[%add3A_530], %add3A_526 : memref<34816xf32, #tpu.memory_space<vmem>>[vector<16xi32>], vector<16xf32>,
      %add3A_531 = arith.constant 9 : i32
      %add3A_532 = arith.addi %mul3A_473, %add3A_531 : i32
      %add3A_533 = vector.broadcast %add3A_532 : i32 to vector<16xi32>
      %add3A_534 = arith.addi %mul3A_183, %add3A_533 : vector<16xi32>
      %gather3A_535 = tpu.vector_load_idx %arg10[%add3A_534] : memref<34816xf32, #tpu.memory_space<vmem>>[vector<16xi32>], vector<16xf32>,
      %mul3A_536 = arith.mulf %gather3A_535, %mul3A_111 : vector<16xf32>
      %add3A_537 = arith.addf %mul3A_137, %mul3A_536 : vector<16xf32>
      %add3A_538 = arith.constant 11 : i32
      %add3A_539 = arith.addi %mul3A_473, %add3A_538 : i32
      %add3A_540 = vector.broadcast %add3A_539 : i32 to vector<16xi32>
      %add3A_541 = arith.addi %mul3A_183, %add3A_540 : vector<16xi32>
      %gather3A_542 = tpu.vector_load_idx %arg10[%add3A_541] : memref<34816xf32, #tpu.memory_space<vmem>>[vector<16xi32>], vector<16xf32>,
      %mul3A_543 = arith.mulf %gather3A_542, %mul3A_122 : vector<16xf32>
      %add3A_544 = arith.addf %add3A_537, %mul3A_543 : vector<16xf32>
      %add3A_545 = arith.constant 12 : i32
      %add3A_546 = arith.addi %mul3A_473, %add3A_545 : i32
      %add3A_547 = vector.broadcast %add3A_546 : i32 to vector<16xi32>
      %add3A_548 = arith.addi %mul3A_183, %add3A_547 : vector<16xi32>
      %gather3A_549 = tpu.vector_load_idx %arg10[%add3A_548] : memref<34816xf32, #tpu.memory_space<vmem>>[vector<16xi32>], vector<16xf32>,
      %mul3A_550 = arith.mulf %gather3A_549, %mul3A_133 : vector<16xf32>
      %add3A_551 = arith.addf %add3A_544, %mul3A_550 : vector<16xf32>
      %add3A_552 = arith.constant 10 : i32
      %add3A_553 = arith.addi %mul3A_473, %add3A_552 : i32
      %add3A_554 = vector.broadcast %add3A_553 : i32 to vector<16xi32>
      %add3A_555 = arith.addi %mul3A_183, %add3A_554 : vector<16xi32>
      tpu.vector_store_idx %arg10[%add3A_555], %add3A_551 : memref<34816xf32, #tpu.memory_space<vmem>>[vector<16xi32>], vector<16xf32>,
      %add3A_556 = arith.constant 13 : i32
      %add3A_557 = arith.addi %mul3A_473, %add3A_556 : i32
      %add3A_558 = vector.broadcast %add3A_557 : i32 to vector<16xi32>
      %add3A_559 = arith.addi %mul3A_183, %add3A_558 : vector<16xi32>
      %gather3A_560 = tpu.vector_load_idx %arg10[%add3A_559] : memref<34816xf32, #tpu.memory_space<vmem>>[vector<16xi32>], vector<16xf32>,
      %mul3A_561 = arith.mulf %gather3A_560, %mul3A_154 : vector<16xf32>
      %add3A_562 = arith.addf %mul3A_180, %mul3A_561 : vector<16xf32>
      %add3A_563 = arith.constant 15 : i32
      %add3A_564 = arith.addi %mul3A_473, %add3A_563 : i32
      %add3A_565 = vector.broadcast %add3A_564 : i32 to vector<16xi32>
      %add3A_566 = arith.addi %mul3A_183, %add3A_565 : vector<16xi32>
      %gather3A_567 = tpu.vector_load_idx %arg10[%add3A_566] : memref<34816xf32, #tpu.memory_space<vmem>>[vector<16xi32>], vector<16xf32>,
      %mul3A_568 = arith.mulf %gather3A_567, %mul3A_165 : vector<16xf32>
      %add3A_569 = arith.addf %add3A_562, %mul3A_568 : vector<16xf32>
      %add3A_570 = arith.constant 16 : i32
      %add3A_571 = arith.addi %mul3A_473, %add3A_570 : i32
      %add3A_572 = vector.broadcast %add3A_571 : i32 to vector<16xi32>
      %add3A_573 = arith.addi %mul3A_183, %add3A_572 : vector<16xi32>
      %gather3A_574 = tpu.vector_load_idx %arg10[%add3A_573] : memref<34816xf32, #tpu.memory_space<vmem>>[vector<16xi32>], vector<16xf32>,
      %mul3A_575 = arith.mulf %gather3A_574, %mul3A_176 : vector<16xf32>
      %add3A_576 = arith.addf %add3A_569, %mul3A_575 : vector<16xf32>
      %add3A_577 = arith.constant 14 : i32
      %add3A_578 = arith.addi %mul3A_473, %add3A_577 : i32
      %add3A_579 = vector.broadcast %add3A_578 : i32 to vector<16xi32>
      %add3A_580 = arith.addi %mul3A_183, %add3A_579 : vector<16xi32>
      tpu.vector_store_idx %arg10[%add3A_580], %add3A_576 : memref<34816xf32, #tpu.memory_space<vmem>>[vector<16xi32>], vector<16xf32>,
    }
    %scan3A_234 = arith.constant 128 : i32
    %add3A_235 = arith.constant 69632 : i32
    %add3A_236 = arith.addi %mul3A_185, %add3A_235 : i32
    %dma_start3A_237 = tpu.memref_slice %arg6[%add3A_236] : memref<17825792xf32, #tpu.memory_space<hbm>> -> memref<34816xf32, #tpu.memory_space<hbm>>
    %dma_start3A_238 = tpu.memref_slice %arg6[%add3A_236] : memref<17825792xf32, #tpu.memory_space<hbm>> -> memref<34816xf32, #tpu.memory_space<hbm>>
    tpu.enqueue_dma source(%arg10 : memref<34816xf32, #tpu.memory_space<vmem>>) target(%dma_start3A_238 : memref<34816xf32, #tpu.memory_space<hbm>>) target_semaphore(%arg14 : memref<!tpu.dma_semaphore, #tpu.memory_space<semaphore_mem>>)
    %dma_wait3A_239 = tpu.memref_slice %arg6[%add3A_236] : memref<17825792xf32, #tpu.memory_space<hbm>> -> memref<34816xf32, #tpu.memory_space<hbm>>
    %dma_wait3A_240 = tpu.memref_slice %arg6[%add3A_236] : memref<17825792xf32, #tpu.memory_space<hbm>> -> memref<34816xf32, #tpu.memory_space<hbm>>
    tpu.wait_dma2 semaphore(%arg14 : memref<!tpu.dma_semaphore, #tpu.memory_space<semaphore_mem>>) src(%arg10 : memref<34816xf32, #tpu.memory_space<vmem>>) dst(%dma_wait3A_240 : memref<34816xf32, #tpu.memory_space<hbm>>)
    %add3A_241 = arith.constant 139264 : i32
    %add3A_242 = arith.addi %mul3A_185, %add3A_241 : i32
    %dma_start3A_243 = tpu.memref_slice %arg2[%add3A_242] : memref<17825792xf32, #tpu.memory_space<hbm>> -> memref<34816xf32, #tpu.memory_space<hbm>>
    %dma_start3A_244 = tpu.memref_slice %arg2[%add3A_242] : memref<17825792xf32, #tpu.memory_space<hbm>> -> memref<34816xf32, #tpu.memory_space<hbm>>
    tpu.enqueue_dma source(%dma_start3A_244 : memref<34816xf32, #tpu.memory_space<hbm>>) target(%arg10 : memref<34816xf32, #tpu.memory_space<vmem>>) target_semaphore(%arg12 : memref<!tpu.dma_semaphore, #tpu.memory_space<semaphore_mem>>)
    %dma_wait3A_245 = tpu.memref_slice %arg2[%add3A_224] : memref<17825792xf32, #tpu.memory_space<hbm>> -> memref<34816xf32, #tpu.memory_space<hbm>>
    %dma_wait3A_246 = tpu.memref_slice %arg2[%add3A_224] : memref<17825792xf32, #tpu.memory_space<hbm>> -> memref<34816xf32, #tpu.memory_space<hbm>>
    tpu.wait_dma2 semaphore(%arg13 : memref<!tpu.dma_semaphore, #tpu.memory_space<semaphore_mem>>) src(%dma_wait3A_246 : memref<34816xf32, #tpu.memory_space<hbm>>) dst(%arg11 : memref<34816xf32, #tpu.memory_space<vmem>>)
    %scan3A_247 = arith.constant 0 : i32
    %scan3A_248 = arith.constant 0 : i32
    %scan3A_249 = arith.constant 128 : i32
    %scan3A_250 = arith.addi %scan3A_248, %scan3A_249 : i32
    %scan3A_251 = arith.constant 1 : i32
    scf.for %scan3A_471 = %scan3A_248 to %scan3A_250 step %scan3A_251  : i32 {
      %mul3A_472 = arith.constant 272 : i32
      %mul3A_473 = arith.muli %scan3A_471, %mul3A_472 : i32
      %add3A_474 = arith.constant 0 : i32
      %add3A_475 = arith.addi %mul3A_473, %add3A_474 : i32
      %add3A_476 = vector.broadcast %add3A_475 : i32 to vector<16xi32>
      %add3A_477 = arith.addi %mul3A_183, %add3A_476 : vector<16xi32>
      %gather3A_478 = tpu.vector_load_idx %arg11[%add3A_477] : memref<34816xf32, #tpu.memory_space<vmem>>[vector<16xi32>], vector<16xf32>,
      %mul3A_479 = arith.mulf %gather3A_478, %mul3A_14 : vector<16xf32>
      %add3A_480 = arith.addf %mul3A_51, %mul3A_479 : vector<16xf32>
      %add3A_481 = arith.constant 1 : i32
      %add3A_482 = arith.addi %mul3A_473, %add3A_481 : i32
      %add3A_483 = vector.broadcast %add3A_482 : i32 to vector<16xi32>
      %add3A_484 = arith.addi %mul3A_183, %add3A_483 : vector<16xi32>
      %gather3A_485 = tpu.vector_load_idx %arg11[%add3A_484] : memref<34816xf32, #tpu.memory_space<vmem>>[vector<16xi32>], vector<16xf32>,
      %mul3A_486 = arith.mulf %gather3A_485, %mul3A_25 : vector<16xf32>
      %add3A_487 = arith.addf %add3A_480, %mul3A_486 : vector<16xf32>
      %add3A_488 = arith.constant 3 : i32
      %add3A_489 = arith.addi %mul3A_473, %add3A_488 : i32
      %add3A_490 = vector.broadcast %add3A_489 : i32 to vector<16xi32>
      %add3A_491 = arith.addi %mul3A_183, %add3A_490 : vector<16xi32>
      %gather3A_492 = tpu.vector_load_idx %arg11[%add3A_491] : memref<34816xf32, #tpu.memory_space<vmem>>[vector<16xi32>], vector<16xf32>,
      %mul3A_493 = arith.mulf %gather3A_492, %mul3A_36 : vector<16xf32>
      %add3A_494 = arith.addf %add3A_487, %mul3A_493 : vector<16xf32>
      %add3A_495 = arith.constant 4 : i32
      %add3A_496 = arith.addi %mul3A_473, %add3A_495 : i32
      %add3A_497 = vector.broadcast %add3A_496 : i32 to vector<16xi32>
      %add3A_498 = arith.addi %mul3A_183, %add3A_497 : vector<16xi32>
      %gather3A_499 = tpu.vector_load_idx %arg11[%add3A_498] : memref<34816xf32, #tpu.memory_space<vmem>>[vector<16xi32>], vector<16xf32>,
      %mul3A_500 = arith.mulf %gather3A_499, %mul3A_47 : vector<16xf32>
      %add3A_501 = arith.addf %add3A_494, %mul3A_500 : vector<16xf32>
      %add3A_502 = arith.constant 2 : i32
      %add3A_503 = arith.addi %mul3A_473, %add3A_502 : i32
      %add3A_504 = vector.broadcast %add3A_503 : i32 to vector<16xi32>
      %add3A_505 = arith.addi %mul3A_183, %add3A_504 : vector<16xi32>
      tpu.vector_store_idx %arg11[%add3A_505], %add3A_501 : memref<34816xf32, #tpu.memory_space<vmem>>[vector<16xi32>], vector<16xf32>,
      %add3A_506 = arith.constant 5 : i32
      %add3A_507 = arith.addi %mul3A_473, %add3A_506 : i32
      %add3A_508 = vector.broadcast %add3A_507 : i32 to vector<16xi32>
      %add3A_509 = arith.addi %mul3A_183, %add3A_508 : vector<16xi32>
      %gather3A_510 = tpu.vector_load_idx %arg11[%add3A_509] : memref<34816xf32, #tpu.memory_space<vmem>>[vector<16xi32>], vector<16xf32>,
      %mul3A_511 = arith.mulf %gather3A_510, %mul3A_68 : vector<16xf32>
      %add3A_512 = arith.addf %mul3A_94, %mul3A_511 : vector<16xf32>
      %add3A_513 = arith.constant 7 : i32
      %add3A_514 = arith.addi %mul3A_473, %add3A_513 : i32
      %add3A_515 = vector.broadcast %add3A_514 : i32 to vector<16xi32>
      %add3A_516 = arith.addi %mul3A_183, %add3A_515 : vector<16xi32>
      %gather3A_517 = tpu.vector_load_idx %arg11[%add3A_516] : memref<34816xf32, #tpu.memory_space<vmem>>[vector<16xi32>], vector<16xf32>,
      %mul3A_518 = arith.mulf %gather3A_517, %mul3A_79 : vector<16xf32>
      %add3A_519 = arith.addf %add3A_512, %mul3A_518 : vector<16xf32>
      %add3A_520 = arith.constant 8 : i32
      %add3A_521 = arith.addi %mul3A_473, %add3A_520 : i32
      %add3A_522 = vector.broadcast %add3A_521 : i32 to vector<16xi32>
      %add3A_523 = arith.addi %mul3A_183, %add3A_522 : vector<16xi32>
      %gather3A_524 = tpu.vector_load_idx %arg11[%add3A_523] : memref<34816xf32, #tpu.memory_space<vmem>>[vector<16xi32>], vector<16xf32>,
      %mul3A_525 = arith.mulf %gather3A_524, %mul3A_90 : vector<16xf32>
      %add3A_526 = arith.addf %add3A_519, %mul3A_525 : vector<16xf32>
      %add3A_527 = arith.constant 6 : i32
      %add3A_528 = arith.addi %mul3A_473, %add3A_527 : i32
      %add3A_529 = vector.broadcast %add3A_528 : i32 to vector<16xi32>
      %add3A_530 = arith.addi %mul3A_183, %add3A_529 : vector<16xi32>
      tpu.vector_store_idx %arg11[%add3A_530], %add3A_526 : memref<34816xf32, #tpu.memory_space<vmem>>[vector<16xi32>], vector<16xf32>,
      %add3A_531 = arith.constant 9 : i32
      %add3A_532 = arith.addi %mul3A_473, %add3A_531 : i32
      %add3A_533 = vector.broadcast %add3A_532 : i32 to vector<16xi32>
      %add3A_534 = arith.addi %mul3A_183, %add3A_533 : vector<16xi32>
      %gather3A_535 = tpu.vector_load_idx %arg11[%add3A_534] : memref<34816xf32, #tpu.memory_space<vmem>>[vector<16xi32>], vector<16xf32>,
      %mul3A_536 = arith.mulf %gather3A_535, %mul3A_111 : vector<16xf32>
      %add3A_537 = arith.addf %mul3A_137, %mul3A_536 : vector<16xf32>
      %add3A_538 = arith.constant 11 : i32
      %add3A_539 = arith.addi %mul3A_473, %add3A_538 : i32
      %add3A_540 = vector.broadcast %add3A_539 : i32 to vector<16xi32>
      %add3A_541 = arith.addi %mul3A_183, %add3A_540 : vector<16xi32>
      %gather3A_542 = tpu.vector_load_idx %arg11[%add3A_541] : memref<34816xf32, #tpu.memory_space<vmem>>[vector<16xi32>], vector<16xf32>,
      %mul3A_543 = arith.mulf %gather3A_542, %mul3A_122 : vector<16xf32>
      %add3A_544 = arith.addf %add3A_537, %mul3A_543 : vector<16xf32>
      %add3A_545 = arith.constant 12 : i32
      %add3A_546 = arith.addi %mul3A_473, %add3A_545 : i32
      %add3A_547 = vector.broadcast %add3A_546 : i32 to vector<16xi32>
      %add3A_548 = arith.addi %mul3A_183, %add3A_547 : vector<16xi32>
      %gather3A_549 = tpu.vector_load_idx %arg11[%add3A_548] : memref<34816xf32, #tpu.memory_space<vmem>>[vector<16xi32>], vector<16xf32>,
      %mul3A_550 = arith.mulf %gather3A_549, %mul3A_133 : vector<16xf32>
      %add3A_551 = arith.addf %add3A_544, %mul3A_550 : vector<16xf32>
      %add3A_552 = arith.constant 10 : i32
      %add3A_553 = arith.addi %mul3A_473, %add3A_552 : i32
      %add3A_554 = vector.broadcast %add3A_553 : i32 to vector<16xi32>
      %add3A_555 = arith.addi %mul3A_183, %add3A_554 : vector<16xi32>
      tpu.vector_store_idx %arg11[%add3A_555], %add3A_551 : memref<34816xf32, #tpu.memory_space<vmem>>[vector<16xi32>], vector<16xf32>,
      %add3A_556 = arith.constant 13 : i32
      %add3A_557 = arith.addi %mul3A_473, %add3A_556 : i32
      %add3A_558 = vector.broadcast %add3A_557 : i32 to vector<16xi32>
      %add3A_559 = arith.addi %mul3A_183, %add3A_558 : vector<16xi32>
      %gather3A_560 = tpu.vector_load_idx %arg11[%add3A_559] : memref<34816xf32, #tpu.memory_space<vmem>>[vector<16xi32>], vector<16xf32>,
      %mul3A_561 = arith.mulf %gather3A_560, %mul3A_154 : vector<16xf32>
      %add3A_562 = arith.addf %mul3A_180, %mul3A_561 : vector<16xf32>
      %add3A_563 = arith.constant 15 : i32
      %add3A_564 = arith.addi %mul3A_473, %add3A_563 : i32
      %add3A_565 = vector.broadcast %add3A_564 : i32 to vector<16xi32>
      %add3A_566 = arith.addi %mul3A_183, %add3A_565 : vector<16xi32>
      %gather3A_567 = tpu.vector_load_idx %arg11[%add3A_566] : memref<34816xf32, #tpu.memory_space<vmem>>[vector<16xi32>], vector<16xf32>,
      %mul3A_568 = arith.mulf %gather3A_567, %mul3A_165 : vector<16xf32>
      %add3A_569 = arith.addf %add3A_562, %mul3A_568 : vector<16xf32>
      %add3A_570 = arith.constant 16 : i32
      %add3A_571 = arith.addi %mul3A_473, %add3A_570 : i32
      %add3A_572 = vector.broadcast %add3A_571 : i32 to vector<16xi32>
      %add3A_573 = arith.addi %mul3A_183, %add3A_572 : vector<16xi32>
      %gather3A_574 = tpu.vector_load_idx %arg11[%add3A_573] : memref<34816xf32, #tpu.memory_space<vmem>>[vector<16xi32>], vector<16xf32>,
      %mul3A_575 = arith.mulf %gather3A_574, %mul3A_176 : vector<16xf32>
      %add3A_576 = arith.addf %add3A_569, %mul3A_575 : vector<16xf32>
      %add3A_577 = arith.constant 14 : i32
      %add3A_578 = arith.addi %mul3A_473, %add3A_577 : i32
      %add3A_579 = vector.broadcast %add3A_578 : i32 to vector<16xi32>
      %add3A_580 = arith.addi %mul3A_183, %add3A_579 : vector<16xi32>
      tpu.vector_store_idx %arg11[%add3A_580], %add3A_576 : memref<34816xf32, #tpu.memory_space<vmem>>[vector<16xi32>], vector<16xf32>,
    }
    %scan3A_252 = arith.constant 128 : i32
    %add3A_253 = arith.constant 104448 : i32
    %add3A_254 = arith.addi %mul3A_185, %add3A_253 : i32
    %dma_start3A_255 = tpu.memref_slice %arg6[%add3A_254] : memref<17825792xf32, #tpu.memory_space<hbm>> -> memref<34816xf32, #tpu.memory_space<hbm>>
    %dma_start3A_256 = tpu.memref_slice %arg6[%add3A_254] : memref<17825792xf32, #tpu.memory_space<hbm>> -> memref<34816xf32, #tpu.memory_space<hbm>>
    tpu.enqueue_dma source(%arg11 : memref<34816xf32, #tpu.memory_space<vmem>>) target(%dma_start3A_256 : memref<34816xf32, #tpu.memory_space<hbm>>) target_semaphore(%arg15 : memref<!tpu.dma_semaphore, #tpu.memory_space<semaphore_mem>>)
    %dma_wait3A_257 = tpu.memref_slice %arg6[%add3A_254] : memref<17825792xf32, #tpu.memory_space<hbm>> -> memref<34816xf32, #tpu.memory_space<hbm>>
    %dma_wait3A_258 = tpu.memref_slice %arg6[%add3A_254] : memref<17825792xf32, #tpu.memory_space<hbm>> -> memref<34816xf32, #tpu.memory_space<hbm>>
    tpu.wait_dma2 semaphore(%arg15 : memref<!tpu.dma_semaphore, #tpu.memory_space<semaphore_mem>>) src(%arg11 : memref<34816xf32, #tpu.memory_space<vmem>>) dst(%dma_wait3A_258 : memref<34816xf32, #tpu.memory_space<hbm>>)
    %add3A_259 = arith.constant 174080 : i32
    %add3A_260 = arith.addi %mul3A_185, %add3A_259 : i32
    %dma_start3A_261 = tpu.memref_slice %arg2[%add3A_260] : memref<17825792xf32, #tpu.memory_space<hbm>> -> memref<34816xf32, #tpu.memory_space<hbm>>
    %dma_start3A_262 = tpu.memref_slice %arg2[%add3A_260] : memref<17825792xf32, #tpu.memory_space<hbm>> -> memref<34816xf32, #tpu.memory_space<hbm>>
    tpu.enqueue_dma source(%dma_start3A_262 : memref<34816xf32, #tpu.memory_space<hbm>>) target(%arg11 : memref<34816xf32, #tpu.memory_space<vmem>>) target_semaphore(%arg13 : memref<!tpu.dma_semaphore, #tpu.memory_space<semaphore_mem>>)
    %dma_wait3A_263 = tpu.memref_slice %arg2[%add3A_242] : memref<17825792xf32, #tpu.memory_space<hbm>> -> memref<34816xf32, #tpu.memory_space<hbm>>
    %dma_wait3A_264 = tpu.memref_slice %arg2[%add3A_242] : memref<17825792xf32, #tpu.memory_space<hbm>> -> memref<34816xf32, #tpu.memory_space<hbm>>
    tpu.wait_dma2 semaphore(%arg12 : memref<!tpu.dma_semaphore, #tpu.memory_space<semaphore_mem>>) src(%dma_wait3A_264 : memref<34816xf32, #tpu.memory_space<hbm>>) dst(%arg10 : memref<34816xf32, #tpu.memory_space<vmem>>)
    %scan3A_265 = arith.constant 0 : i32
    %scan3A_266 = arith.constant 0 : i32
    %scan3A_267 = arith.constant 128 : i32
    %scan3A_268 = arith.addi %scan3A_266, %scan3A_267 : i32
    %scan3A_269 = arith.constant 1 : i32
    scf.for %scan3A_471 = %scan3A_266 to %scan3A_268 step %scan3A_269  : i32 {
      %mul3A_472 = arith.constant 272 : i32
      %mul3A_473 = arith.muli %scan3A_471, %mul3A_472 : i32
      %add3A_474 = arith.constant 0 : i32
      %add3A_475 = arith.addi %mul3A_473, %add3A_474 : i32
      %add3A_476 = vector.broadcast %add3A_475 : i32 to vector<16xi32>
      %add3A_477 = arith.addi %mul3A_183, %add3A_476 : vector<16xi32>
      %gather3A_478 = tpu.vector_load_idx %arg10[%add3A_477] : memref<34816xf32, #tpu.memory_space<vmem>>[vector<16xi32>], vector<16xf32>,
      %mul3A_479 = arith.mulf %gather3A_478, %mul3A_14 : vector<16xf32>
      %add3A_480 = arith.addf %mul3A_51, %mul3A_479 : vector<16xf32>
      %add3A_481 = arith.constant 1 : i32
      %add3A_482 = arith.addi %mul3A_473, %add3A_481 : i32
      %add3A_483 = vector.broadcast %add3A_482 : i32 to vector<16xi32>
      %add3A_484 = arith.addi %mul3A_183, %add3A_483 : vector<16xi32>
      %gather3A_485 = tpu.vector_load_idx %arg10[%add3A_484] : memref<34816xf32, #tpu.memory_space<vmem>>[vector<16xi32>], vector<16xf32>,
      %mul3A_486 = arith.mulf %gather3A_485, %mul3A_25 : vector<16xf32>
      %add3A_487 = arith.addf %add3A_480, %mul3A_486 : vector<16xf32>
      %add3A_488 = arith.constant 3 : i32
      %add3A_489 = arith.addi %mul3A_473, %add3A_488 : i32
      %add3A_490 = vector.broadcast %add3A_489 : i32 to vector<16xi32>
      %add3A_491 = arith.addi %mul3A_183, %add3A_490 : vector<16xi32>
      %gather3A_492 = tpu.vector_load_idx %arg10[%add3A_491] : memref<34816xf32, #tpu.memory_space<vmem>>[vector<16xi32>], vector<16xf32>,
      %mul3A_493 = arith.mulf %gather3A_492, %mul3A_36 : vector<16xf32>
      %add3A_494 = arith.addf %add3A_487, %mul3A_493 : vector<16xf32>
      %add3A_495 = arith.constant 4 : i32
      %add3A_496 = arith.addi %mul3A_473, %add3A_495 : i32
      %add3A_497 = vector.broadcast %add3A_496 : i32 to vector<16xi32>
      %add3A_498 = arith.addi %mul3A_183, %add3A_497 : vector<16xi32>
      %gather3A_499 = tpu.vector_load_idx %arg10[%add3A_498] : memref<34816xf32, #tpu.memory_space<vmem>>[vector<16xi32>], vector<16xf32>,
      %mul3A_500 = arith.mulf %gather3A_499, %mul3A_47 : vector<16xf32>
      %add3A_501 = arith.addf %add3A_494, %mul3A_500 : vector<16xf32>
      %add3A_502 = arith.constant 2 : i32
      %add3A_503 = arith.addi %mul3A_473, %add3A_502 : i32
      %add3A_504 = vector.broadcast %add3A_503 : i32 to vector<16xi32>
      %add3A_505 = arith.addi %mul3A_183, %add3A_504 : vector<16xi32>
      tpu.vector_store_idx %arg10[%add3A_505], %add3A_501 : memref<34816xf32, #tpu.memory_space<vmem>>[vector<16xi32>], vector<16xf32>,
      %add3A_506 = arith.constant 5 : i32
      %add3A_507 = arith.addi %mul3A_473, %add3A_506 : i32
      %add3A_508 = vector.broadcast %add3A_507 : i32 to vector<16xi32>
      %add3A_509 = arith.addi %mul3A_183, %add3A_508 : vector<16xi32>
      %gather3A_510 = tpu.vector_load_idx %arg10[%add3A_509] : memref<34816xf32, #tpu.memory_space<vmem>>[vector<16xi32>], vector<16xf32>,
      %mul3A_511 = arith.mulf %gather3A_510, %mul3A_68 : vector<16xf32>
      %add3A_512 = arith.addf %mul3A_94, %mul3A_511 : vector<16xf32>
      %add3A_513 = arith.constant 7 : i32
      %add3A_514 = arith.addi %mul3A_473, %add3A_513 : i32
      %add3A_515 = vector.broadcast %add3A_514 : i32 to vector<16xi32>
      %add3A_516 = arith.addi %mul3A_183, %add3A_515 : vector<16xi32>
      %gather3A_517 = tpu.vector_load_idx %arg10[%add3A_516] : memref<34816xf32, #tpu.memory_space<vmem>>[vector<16xi32>], vector<16xf32>,
      %mul3A_518 = arith.mulf %gather3A_517, %mul3A_79 : vector<16xf32>
      %add3A_519 = arith.addf %add3A_512, %mul3A_518 : vector<16xf32>
      %add3A_520 = arith.constant 8 : i32
      %add3A_521 = arith.addi %mul3A_473, %add3A_520 : i32
      %add3A_522 = vector.broadcast %add3A_521 : i32 to vector<16xi32>
      %add3A_523 = arith.addi %mul3A_183, %add3A_522 : vector<16xi32>
      %gather3A_524 = tpu.vector_load_idx %arg10[%add3A_523] : memref<34816xf32, #tpu.memory_space<vmem>>[vector<16xi32>], vector<16xf32>,
      %mul3A_525 = arith.mulf %gather3A_524, %mul3A_90 : vector<16xf32>
      %add3A_526 = arith.addf %add3A_519, %mul3A_525 : vector<16xf32>
      %add3A_527 = arith.constant 6 : i32
      %add3A_528 = arith.addi %mul3A_473, %add3A_527 : i32
      %add3A_529 = vector.broadcast %add3A_528 : i32 to vector<16xi32>
      %add3A_530 = arith.addi %mul3A_183, %add3A_529 : vector<16xi32>
      tpu.vector_store_idx %arg10[%add3A_530], %add3A_526 : memref<34816xf32, #tpu.memory_space<vmem>>[vector<16xi32>], vector<16xf32>,
      %add3A_531 = arith.constant 9 : i32
      %add3A_532 = arith.addi %mul3A_473, %add3A_531 : i32
      %add3A_533 = vector.broadcast %add3A_532 : i32 to vector<16xi32>
      %add3A_534 = arith.addi %mul3A_183, %add3A_533 : vector<16xi32>
      %gather3A_535 = tpu.vector_load_idx %arg10[%add3A_534] : memref<34816xf32, #tpu.memory_space<vmem>>[vector<16xi32>], vector<16xf32>,
      %mul3A_536 = arith.mulf %gather3A_535, %mul3A_111 : vector<16xf32>
      %add3A_537 = arith.addf %mul3A_137, %mul3A_536 : vector<16xf32>
      %add3A_538 = arith.constant 11 : i32
      %add3A_539 = arith.addi %mul3A_473, %add3A_538 : i32
      %add3A_540 = vector.broadcast %add3A_539 : i32 to vector<16xi32>
      %add3A_541 = arith.addi %mul3A_183, %add3A_540 : vector<16xi32>
      %gather3A_542 = tpu.vector_load_idx %arg10[%add3A_541] : memref<34816xf32, #tpu.memory_space<vmem>>[vector<16xi32>], vector<16xf32>,
      %mul3A_543 = arith.mulf %gather3A_542, %mul3A_122 : vector<16xf32>
      %add3A_544 = arith.addf %add3A_537, %mul3A_543 : vector<16xf32>
      %add3A_545 = arith.constant 12 : i32
      %add3A_546 = arith.addi %mul3A_473, %add3A_545 : i32
      %add3A_547 = vector.broadcast %add3A_546 : i32 to vector<16xi32>
      %add3A_548 = arith.addi %mul3A_183, %add3A_547 : vector<16xi32>
      %gather3A_549 = tpu.vector_load_idx %arg10[%add3A_548] : memref<34816xf32, #tpu.memory_space<vmem>>[vector<16xi32>], vector<16xf32>,
      %mul3A_550 = arith.mulf %gather3A_549, %mul3A_133 : vector<16xf32>
      %add3A_551 = arith.addf %add3A_544, %mul3A_550 : vector<16xf32>
      %add3A_552 = arith.constant 10 : i32
      %add3A_553 = arith.addi %mul3A_473, %add3A_552 : i32
      %add3A_554 = vector.broadcast %add3A_553 : i32 to vector<16xi32>
      %add3A_555 = arith.addi %mul3A_183, %add3A_554 : vector<16xi32>
      tpu.vector_store_idx %arg10[%add3A_555], %add3A_551 : memref<34816xf32, #tpu.memory_space<vmem>>[vector<16xi32>], vector<16xf32>,
      %add3A_556 = arith.constant 13 : i32
      %add3A_557 = arith.addi %mul3A_473, %add3A_556 : i32
      %add3A_558 = vector.broadcast %add3A_557 : i32 to vector<16xi32>
      %add3A_559 = arith.addi %mul3A_183, %add3A_558 : vector<16xi32>
      %gather3A_560 = tpu.vector_load_idx %arg10[%add3A_559] : memref<34816xf32, #tpu.memory_space<vmem>>[vector<16xi32>], vector<16xf32>,
      %mul3A_561 = arith.mulf %gather3A_560, %mul3A_154 : vector<16xf32>
      %add3A_562 = arith.addf %mul3A_180, %mul3A_561 : vector<16xf32>
      %add3A_563 = arith.constant 15 : i32
      %add3A_564 = arith.addi %mul3A_473, %add3A_563 : i32
      %add3A_565 = vector.broadcast %add3A_564 : i32 to vector<16xi32>
      %add3A_566 = arith.addi %mul3A_183, %add3A_565 : vector<16xi32>
      %gather3A_567 = tpu.vector_load_idx %arg10[%add3A_566] : memref<34816xf32, #tpu.memory_space<vmem>>[vector<16xi32>], vector<16xf32>,
      %mul3A_568 = arith.mulf %gather3A_567, %mul3A_165 : vector<16xf32>
      %add3A_569 = arith.addf %add3A_562, %mul3A_568 : vector<16xf32>
      %add3A_570 = arith.constant 16 : i32
      %add3A_571 = arith.addi %mul3A_473, %add3A_570 : i32
      %add3A_572 = vector.broadcast %add3A_571 : i32 to vector<16xi32>
      %add3A_573 = arith.addi %mul3A_183, %add3A_572 : vector<16xi32>
      %gather3A_574 = tpu.vector_load_idx %arg10[%add3A_573] : memref<34816xf32, #tpu.memory_space<vmem>>[vector<16xi32>], vector<16xf32>,
      %mul3A_575 = arith.mulf %gather3A_574, %mul3A_176 : vector<16xf32>
      %add3A_576 = arith.addf %add3A_569, %mul3A_575 : vector<16xf32>
      %add3A_577 = arith.constant 14 : i32
      %add3A_578 = arith.addi %mul3A_473, %add3A_577 : i32
      %add3A_579 = vector.broadcast %add3A_578 : i32 to vector<16xi32>
      %add3A_580 = arith.addi %mul3A_183, %add3A_579 : vector<16xi32>
      tpu.vector_store_idx %arg10[%add3A_580], %add3A_576 : memref<34816xf32, #tpu.memory_space<vmem>>[vector<16xi32>], vector<16xf32>,
    }
    %scan3A_270 = arith.constant 128 : i32
    %add3A_271 = arith.constant 139264 : i32
    %add3A_272 = arith.addi %mul3A_185, %add3A_271 : i32
    %dma_start3A_273 = tpu.memref_slice %arg6[%add3A_272] : memref<17825792xf32, #tpu.memory_space<hbm>> -> memref<34816xf32, #tpu.memory_space<hbm>>
    %dma_start3A_274 = tpu.memref_slice %arg6[%add3A_272] : memref<17825792xf32, #tpu.memory_space<hbm>> -> memref<34816xf32, #tpu.memory_space<hbm>>
    tpu.enqueue_dma source(%arg10 : memref<34816xf32, #tpu.memory_space<vmem>>) target(%dma_start3A_274 : memref<34816xf32, #tpu.memory_space<hbm>>) target_semaphore(%arg14 : memref<!tpu.dma_semaphore, #tpu.memory_space<semaphore_mem>>)
    %dma_wait3A_275 = tpu.memref_slice %arg6[%add3A_272] : memref<17825792xf32, #tpu.memory_space<hbm>> -> memref<34816xf32, #tpu.memory_space<hbm>>
    %dma_wait3A_276 = tpu.memref_slice %arg6[%add3A_272] : memref<17825792xf32, #tpu.memory_space<hbm>> -> memref<34816xf32, #tpu.memory_space<hbm>>
    tpu.wait_dma2 semaphore(%arg14 : memref<!tpu.dma_semaphore, #tpu.memory_space<semaphore_mem>>) src(%arg10 : memref<34816xf32, #tpu.memory_space<vmem>>) dst(%dma_wait3A_276 : memref<34816xf32, #tpu.memory_space<hbm>>)
    %add3A_277 = arith.constant 208896 : i32
    %add3A_278 = arith.addi %mul3A_185, %add3A_277 : i32
    %dma_start3A_279 = tpu.memref_slice %arg2[%add3A_278] : memref<17825792xf32, #tpu.memory_space<hbm>> -> memref<34816xf32, #tpu.memory_space<hbm>>
    %dma_start3A_280 = tpu.memref_slice %arg2[%add3A_278] : memref<17825792xf32, #tpu.memory_space<hbm>> -> memref<34816xf32, #tpu.memory_space<hbm>>
    tpu.enqueue_dma source(%dma_start3A_280 : memref<34816xf32, #tpu.memory_space<hbm>>) target(%arg10 : memref<34816xf32, #tpu.memory_space<vmem>>) target_semaphore(%arg12 : memref<!tpu.dma_semaphore, #tpu.memory_space<semaphore_mem>>)
    %dma_wait3A_281 = tpu.memref_slice %arg2[%add3A_260] : memref<17825792xf32, #tpu.memory_space<hbm>> -> memref<34816xf32, #tpu.memory_space<hbm>>
    %dma_wait3A_282 = tpu.memref_slice %arg2[%add3A_260] : memref<17825792xf32, #tpu.memory_space<hbm>> -> memref<34816xf32, #tpu.memory_space<hbm>>
    tpu.wait_dma2 semaphore(%arg13 : memref<!tpu.dma_semaphore, #tpu.memory_space<semaphore_mem>>) src(%dma_wait3A_282 : memref<34816xf32, #tpu.memory_space<hbm>>) dst(%arg11 : memref<34816xf32, #tpu.memory_space<vmem>>)
    %scan3A_283 = arith.constant 0 : i32
    %scan3A_284 = arith.constant 0 : i32
    %scan3A_285 = arith.constant 128 : i32
    %scan3A_286 = arith.addi %scan3A_284, %scan3A_285 : i32
    %scan3A_287 = arith.constant 1 : i32
    scf.for %scan3A_471 = %scan3A_284 to %scan3A_286 step %scan3A_287  : i32 {
      %mul3A_472 = arith.constant 272 : i32
      %mul3A_473 = arith.muli %scan3A_471, %mul3A_472 : i32
      %add3A_474 = arith.constant 0 : i32
      %add3A_475 = arith.addi %mul3A_473, %add3A_474 : i32
      %add3A_476 = vector.broadcast %add3A_475 : i32 to vector<16xi32>
      %add3A_477 = arith.addi %mul3A_183, %add3A_476 : vector<16xi32>
      %gather3A_478 = tpu.vector_load_idx %arg11[%add3A_477] : memref<34816xf32, #tpu.memory_space<vmem>>[vector<16xi32>], vector<16xf32>,
      %mul3A_479 = arith.mulf %gather3A_478, %mul3A_14 : vector<16xf32>
      %add3A_480 = arith.addf %mul3A_51, %mul3A_479 : vector<16xf32>
      %add3A_481 = arith.constant 1 : i32
      %add3A_482 = arith.addi %mul3A_473, %add3A_481 : i32
      %add3A_483 = vector.broadcast %add3A_482 : i32 to vector<16xi32>
      %add3A_484 = arith.addi %mul3A_183, %add3A_483 : vector<16xi32>
      %gather3A_485 = tpu.vector_load_idx %arg11[%add3A_484] : memref<34816xf32, #tpu.memory_space<vmem>>[vector<16xi32>], vector<16xf32>,
      %mul3A_486 = arith.mulf %gather3A_485, %mul3A_25 : vector<16xf32>
      %add3A_487 = arith.addf %add3A_480, %mul3A_486 : vector<16xf32>
      %add3A_488 = arith.constant 3 : i32
      %add3A_489 = arith.addi %mul3A_473, %add3A_488 : i32
      %add3A_490 = vector.broadcast %add3A_489 : i32 to vector<16xi32>
      %add3A_491 = arith.addi %mul3A_183, %add3A_490 : vector<16xi32>
      %gather3A_492 = tpu.vector_load_idx %arg11[%add3A_491] : memref<34816xf32, #tpu.memory_space<vmem>>[vector<16xi32>], vector<16xf32>,
      %mul3A_493 = arith.mulf %gather3A_492, %mul3A_36 : vector<16xf32>
      %add3A_494 = arith.addf %add3A_487, %mul3A_493 : vector<16xf32>
      %add3A_495 = arith.constant 4 : i32
      %add3A_496 = arith.addi %mul3A_473, %add3A_495 : i32
      %add3A_497 = vector.broadcast %add3A_496 : i32 to vector<16xi32>
      %add3A_498 = arith.addi %mul3A_183, %add3A_497 : vector<16xi32>
      %gather3A_499 = tpu.vector_load_idx %arg11[%add3A_498] : memref<34816xf32, #tpu.memory_space<vmem>>[vector<16xi32>], vector<16xf32>,
      %mul3A_500 = arith.mulf %gather3A_499, %mul3A_47 : vector<16xf32>
      %add3A_501 = arith.addf %add3A_494, %mul3A_500 : vector<16xf32>
      %add3A_502 = arith.constant 2 : i32
      %add3A_503 = arith.addi %mul3A_473, %add3A_502 : i32
      %add3A_504 = vector.broadcast %add3A_503 : i32 to vector<16xi32>
      %add3A_505 = arith.addi %mul3A_183, %add3A_504 : vector<16xi32>
      tpu.vector_store_idx %arg11[%add3A_505], %add3A_501 : memref<34816xf32, #tpu.memory_space<vmem>>[vector<16xi32>], vector<16xf32>,
      %add3A_506 = arith.constant 5 : i32
      %add3A_507 = arith.addi %mul3A_473, %add3A_506 : i32
      %add3A_508 = vector.broadcast %add3A_507 : i32 to vector<16xi32>
      %add3A_509 = arith.addi %mul3A_183, %add3A_508 : vector<16xi32>
      %gather3A_510 = tpu.vector_load_idx %arg11[%add3A_509] : memref<34816xf32, #tpu.memory_space<vmem>>[vector<16xi32>], vector<16xf32>,
      %mul3A_511 = arith.mulf %gather3A_510, %mul3A_68 : vector<16xf32>
      %add3A_512 = arith.addf %mul3A_94, %mul3A_511 : vector<16xf32>
      %add3A_513 = arith.constant 7 : i32
      %add3A_514 = arith.addi %mul3A_473, %add3A_513 : i32
      %add3A_515 = vector.broadcast %add3A_514 : i32 to vector<16xi32>
      %add3A_516 = arith.addi %mul3A_183, %add3A_515 : vector<16xi32>
      %gather3A_517 = tpu.vector_load_idx %arg11[%add3A_516] : memref<34816xf32, #tpu.memory_space<vmem>>[vector<16xi32>], vector<16xf32>,
      %mul3A_518 = arith.mulf %gather3A_517, %mul3A_79 : vector<16xf32>
      %add3A_519 = arith.addf %add3A_512, %mul3A_518 : vector<16xf32>
      %add3A_520 = arith.constant 8 : i32
      %add3A_521 = arith.addi %mul3A_473, %add3A_520 : i32
      %add3A_522 = vector.broadcast %add3A_521 : i32 to vector<16xi32>
      %add3A_523 = arith.addi %mul3A_183, %add3A_522 : vector<16xi32>
      %gather3A_524 = tpu.vector_load_idx %arg11[%add3A_523] : memref<34816xf32, #tpu.memory_space<vmem>>[vector<16xi32>], vector<16xf32>,
      %mul3A_525 = arith.mulf %gather3A_524, %mul3A_90 : vector<16xf32>
      %add3A_526 = arith.addf %add3A_519, %mul3A_525 : vector<16xf32>
      %add3A_527 = arith.constant 6 : i32
      %add3A_528 = arith.addi %mul3A_473, %add3A_527 : i32
      %add3A_529 = vector.broadcast %add3A_528 : i32 to vector<16xi32>
      %add3A_530 = arith.addi %mul3A_183, %add3A_529 : vector<16xi32>
      tpu.vector_store_idx %arg11[%add3A_530], %add3A_526 : memref<34816xf32, #tpu.memory_space<vmem>>[vector<16xi32>], vector<16xf32>,
      %add3A_531 = arith.constant 9 : i32
      %add3A_532 = arith.addi %mul3A_473, %add3A_531 : i32
      %add3A_533 = vector.broadcast %add3A_532 : i32 to vector<16xi32>
      %add3A_534 = arith.addi %mul3A_183, %add3A_533 : vector<16xi32>
      %gather3A_535 = tpu.vector_load_idx %arg11[%add3A_534] : memref<34816xf32, #tpu.memory_space<vmem>>[vector<16xi32>], vector<16xf32>,
      %mul3A_536 = arith.mulf %gather3A_535, %mul3A_111 : vector<16xf32>
      %add3A_537 = arith.addf %mul3A_137, %mul3A_536 : vector<16xf32>
      %add3A_538 = arith.constant 11 : i32
      %add3A_539 = arith.addi %mul3A_473, %add3A_538 : i32
      %add3A_540 = vector.broadcast %add3A_539 : i32 to vector<16xi32>
      %add3A_541 = arith.addi %mul3A_183, %add3A_540 : vector<16xi32>
      %gather3A_542 = tpu.vector_load_idx %arg11[%add3A_541] : memref<34816xf32, #tpu.memory_space<vmem>>[vector<16xi32>], vector<16xf32>,
      %mul3A_543 = arith.mulf %gather3A_542, %mul3A_122 : vector<16xf32>
      %add3A_544 = arith.addf %add3A_537, %mul3A_543 : vector<16xf32>
      %add3A_545 = arith.constant 12 : i32
      %add3A_546 = arith.addi %mul3A_473, %add3A_545 : i32
      %add3A_547 = vector.broadcast %add3A_546 : i32 to vector<16xi32>
      %add3A_548 = arith.addi %mul3A_183, %add3A_547 : vector<16xi32>
      %gather3A_549 = tpu.vector_load_idx %arg11[%add3A_548] : memref<34816xf32, #tpu.memory_space<vmem>>[vector<16xi32>], vector<16xf32>,
      %mul3A_550 = arith.mulf %gather3A_549, %mul3A_133 : vector<16xf32>
      %add3A_551 = arith.addf %add3A_544, %mul3A_550 : vector<16xf32>
      %add3A_552 = arith.constant 10 : i32
      %add3A_553 = arith.addi %mul3A_473, %add3A_552 : i32
      %add3A_554 = vector.broadcast %add3A_553 : i32 to vector<16xi32>
      %add3A_555 = arith.addi %mul3A_183, %add3A_554 : vector<16xi32>
      tpu.vector_store_idx %arg11[%add3A_555], %add3A_551 : memref<34816xf32, #tpu.memory_space<vmem>>[vector<16xi32>], vector<16xf32>,
      %add3A_556 = arith.constant 13 : i32
      %add3A_557 = arith.addi %mul3A_473, %add3A_556 : i32
      %add3A_558 = vector.broadcast %add3A_557 : i32 to vector<16xi32>
      %add3A_559 = arith.addi %mul3A_183, %add3A_558 : vector<16xi32>
      %gather3A_560 = tpu.vector_load_idx %arg11[%add3A_559] : memref<34816xf32, #tpu.memory_space<vmem>>[vector<16xi32>], vector<16xf32>,
      %mul3A_561 = arith.mulf %gather3A_560, %mul3A_154 : vector<16xf32>
      %add3A_562 = arith.addf %mul3A_180, %mul3A_561 : vector<16xf32>
      %add3A_563 = arith.constant 15 : i32
      %add3A_564 = arith.addi %mul3A_473, %add3A_563 : i32
      %add3A_565 = vector.broadcast %add3A_564 : i32 to vector<16xi32>
      %add3A_566 = arith.addi %mul3A_183, %add3A_565 : vector<16xi32>
      %gather3A_567 = tpu.vector_load_idx %arg11[%add3A_566] : memref<34816xf32, #tpu.memory_space<vmem>>[vector<16xi32>], vector<16xf32>,
      %mul3A_568 = arith.mulf %gather3A_567, %mul3A_165 : vector<16xf32>
      %add3A_569 = arith.addf %add3A_562, %mul3A_568 : vector<16xf32>
      %add3A_570 = arith.constant 16 : i32
      %add3A_571 = arith.addi %mul3A_473, %add3A_570 : i32
      %add3A_572 = vector.broadcast %add3A_571 : i32 to vector<16xi32>
      %add3A_573 = arith.addi %mul3A_183, %add3A_572 : vector<16xi32>
      %gather3A_574 = tpu.vector_load_idx %arg11[%add3A_573] : memref<34816xf32, #tpu.memory_space<vmem>>[vector<16xi32>], vector<16xf32>,
      %mul3A_575 = arith.mulf %gather3A_574, %mul3A_176 : vector<16xf32>
      %add3A_576 = arith.addf %add3A_569, %mul3A_575 : vector<16xf32>
      %add3A_577 = arith.constant 14 : i32
      %add3A_578 = arith.addi %mul3A_473, %add3A_577 : i32
      %add3A_579 = vector.broadcast %add3A_578 : i32 to vector<16xi32>
      %add3A_580 = arith.addi %mul3A_183, %add3A_579 : vector<16xi32>
      tpu.vector_store_idx %arg11[%add3A_580], %add3A_576 : memref<34816xf32, #tpu.memory_space<vmem>>[vector<16xi32>], vector<16xf32>,
    }
    %scan3A_288 = arith.constant 128 : i32
    %add3A_289 = arith.constant 174080 : i32
    %add3A_290 = arith.addi %mul3A_185, %add3A_289 : i32
    %dma_start3A_291 = tpu.memref_slice %arg6[%add3A_290] : memref<17825792xf32, #tpu.memory_space<hbm>> -> memref<34816xf32, #tpu.memory_space<hbm>>
    %dma_start3A_292 = tpu.memref_slice %arg6[%add3A_290] : memref<17825792xf32, #tpu.memory_space<hbm>> -> memref<34816xf32, #tpu.memory_space<hbm>>
    tpu.enqueue_dma source(%arg11 : memref<34816xf32, #tpu.memory_space<vmem>>) target(%dma_start3A_292 : memref<34816xf32, #tpu.memory_space<hbm>>) target_semaphore(%arg15 : memref<!tpu.dma_semaphore, #tpu.memory_space<semaphore_mem>>)
    %dma_wait3A_293 = tpu.memref_slice %arg6[%add3A_290] : memref<17825792xf32, #tpu.memory_space<hbm>> -> memref<34816xf32, #tpu.memory_space<hbm>>
    %dma_wait3A_294 = tpu.memref_slice %arg6[%add3A_290] : memref<17825792xf32, #tpu.memory_space<hbm>> -> memref<34816xf32, #tpu.memory_space<hbm>>
    tpu.wait_dma2 semaphore(%arg15 : memref<!tpu.dma_semaphore, #tpu.memory_space<semaphore_mem>>) src(%arg11 : memref<34816xf32, #tpu.memory_space<vmem>>) dst(%dma_wait3A_294 : memref<34816xf32, #tpu.memory_space<hbm>>)
    %add3A_295 = arith.constant 243712 : i32
    %add3A_296 = arith.addi %mul3A_185, %add3A_295 : i32
    %dma_start3A_297 = tpu.memref_slice %arg2[%add3A_296] : memref<17825792xf32, #tpu.memory_space<hbm>> -> memref<34816xf32, #tpu.memory_space<hbm>>
    %dma_start3A_298 = tpu.memref_slice %arg2[%add3A_296] : memref<17825792xf32, #tpu.memory_space<hbm>> -> memref<34816xf32, #tpu.memory_space<hbm>>
    tpu.enqueue_dma source(%dma_start3A_298 : memref<34816xf32, #tpu.memory_space<hbm>>) target(%arg11 : memref<34816xf32, #tpu.memory_space<vmem>>) target_semaphore(%arg13 : memref<!tpu.dma_semaphore, #tpu.memory_space<semaphore_mem>>)
    %dma_wait3A_299 = tpu.memref_slice %arg2[%add3A_278] : memref<17825792xf32, #tpu.memory_space<hbm>> -> memref<34816xf32, #tpu.memory_space<hbm>>
    %dma_wait3A_300 = tpu.memref_slice %arg2[%add3A_278] : memref<17825792xf32, #tpu.memory_space<hbm>> -> memref<34816xf32, #tpu.memory_space<hbm>>
    tpu.wait_dma2 semaphore(%arg12 : memref<!tpu.dma_semaphore, #tpu.memory_space<semaphore_mem>>) src(%dma_wait3A_300 : memref<34816xf32, #tpu.memory_space<hbm>>) dst(%arg10 : memref<34816xf32, #tpu.memory_space<vmem>>)
    %scan3A_301 = arith.constant 0 : i32
    %scan3A_302 = arith.constant 0 : i32
    %scan3A_303 = arith.constant 128 : i32
    %scan3A_304 = arith.addi %scan3A_302, %scan3A_303 : i32
    %scan3A_305 = arith.constant 1 : i32
    scf.for %scan3A_471 = %scan3A_302 to %scan3A_304 step %scan3A_305  : i32 {
      %mul3A_472 = arith.constant 272 : i32
      %mul3A_473 = arith.muli %scan3A_471, %mul3A_472 : i32
      %add3A_474 = arith.constant 0 : i32
      %add3A_475 = arith.addi %mul3A_473, %add3A_474 : i32
      %add3A_476 = vector.broadcast %add3A_475 : i32 to vector<16xi32>
      %add3A_477 = arith.addi %mul3A_183, %add3A_476 : vector<16xi32>
      %gather3A_478 = tpu.vector_load_idx %arg10[%add3A_477] : memref<34816xf32, #tpu.memory_space<vmem>>[vector<16xi32>], vector<16xf32>,
      %mul3A_479 = arith.mulf %gather3A_478, %mul3A_14 : vector<16xf32>
      %add3A_480 = arith.addf %mul3A_51, %mul3A_479 : vector<16xf32>
      %add3A_481 = arith.constant 1 : i32
      %add3A_482 = arith.addi %mul3A_473, %add3A_481 : i32
      %add3A_483 = vector.broadcast %add3A_482 : i32 to vector<16xi32>
      %add3A_484 = arith.addi %mul3A_183, %add3A_483 : vector<16xi32>
      %gather3A_485 = tpu.vector_load_idx %arg10[%add3A_484] : memref<34816xf32, #tpu.memory_space<vmem>>[vector<16xi32>], vector<16xf32>,
      %mul3A_486 = arith.mulf %gather3A_485, %mul3A_25 : vector<16xf32>
      %add3A_487 = arith.addf %add3A_480, %mul3A_486 : vector<16xf32>
      %add3A_488 = arith.constant 3 : i32
      %add3A_489 = arith.addi %mul3A_473, %add3A_488 : i32
      %add3A_490 = vector.broadcast %add3A_489 : i32 to vector<16xi32>
      %add3A_491 = arith.addi %mul3A_183, %add3A_490 : vector<16xi32>
      %gather3A_492 = tpu.vector_load_idx %arg10[%add3A_491] : memref<34816xf32, #tpu.memory_space<vmem>>[vector<16xi32>], vector<16xf32>,
      %mul3A_493 = arith.mulf %gather3A_492, %mul3A_36 : vector<16xf32>
      %add3A_494 = arith.addf %add3A_487, %mul3A_493 : vector<16xf32>
      %add3A_495 = arith.constant 4 : i32
      %add3A_496 = arith.addi %mul3A_473, %add3A_495 : i32
      %add3A_497 = vector.broadcast %add3A_496 : i32 to vector<16xi32>
      %add3A_498 = arith.addi %mul3A_183, %add3A_497 : vector<16xi32>
      %gather3A_499 = tpu.vector_load_idx %arg10[%add3A_498] : memref<34816xf32, #tpu.memory_space<vmem>>[vector<16xi32>], vector<16xf32>,
      %mul3A_500 = arith.mulf %gather3A_499, %mul3A_47 : vector<16xf32>
      %add3A_501 = arith.addf %add3A_494, %mul3A_500 : vector<16xf32>
      %add3A_502 = arith.constant 2 : i32
      %add3A_503 = arith.addi %mul3A_473, %add3A_502 : i32
      %add3A_504 = vector.broadcast %add3A_503 : i32 to vector<16xi32>
      %add3A_505 = arith.addi %mul3A_183, %add3A_504 : vector<16xi32>
      tpu.vector_store_idx %arg10[%add3A_505], %add3A_501 : memref<34816xf32, #tpu.memory_space<vmem>>[vector<16xi32>], vector<16xf32>,
      %add3A_506 = arith.constant 5 : i32
      %add3A_507 = arith.addi %mul3A_473, %add3A_506 : i32
      %add3A_508 = vector.broadcast %add3A_507 : i32 to vector<16xi32>
      %add3A_509 = arith.addi %mul3A_183, %add3A_508 : vector<16xi32>
      %gather3A_510 = tpu.vector_load_idx %arg10[%add3A_509] : memref<34816xf32, #tpu.memory_space<vmem>>[vector<16xi32>], vector<16xf32>,
      %mul3A_511 = arith.mulf %gather3A_510, %mul3A_68 : vector<16xf32>
      %add3A_512 = arith.addf %mul3A_94, %mul3A_511 : vector<16xf32>
      %add3A_513 = arith.constant 7 : i32
      %add3A_514 = arith.addi %mul3A_473, %add3A_513 : i32
      %add3A_515 = vector.broadcast %add3A_514 : i32 to vector<16xi32>
      %add3A_516 = arith.addi %mul3A_183, %add3A_515 : vector<16xi32>
      %gather3A_517 = tpu.vector_load_idx %arg10[%add3A_516] : memref<34816xf32, #tpu.memory_space<vmem>>[vector<16xi32>], vector<16xf32>,
      %mul3A_518 = arith.mulf %gather3A_517, %mul3A_79 : vector<16xf32>
      %add3A_519 = arith.addf %add3A_512, %mul3A_518 : vector<16xf32>
      %add3A_520 = arith.constant 8 : i32
      %add3A_521 = arith.addi %mul3A_473, %add3A_520 : i32
      %add3A_522 = vector.broadcast %add3A_521 : i32 to vector<16xi32>
      %add3A_523 = arith.addi %mul3A_183, %add3A_522 : vector<16xi32>
      %gather3A_524 = tpu.vector_load_idx %arg10[%add3A_523] : memref<34816xf32, #tpu.memory_space<vmem>>[vector<16xi32>], vector<16xf32>,
      %mul3A_525 = arith.mulf %gather3A_524, %mul3A_90 : vector<16xf32>
      %add3A_526 = arith.addf %add3A_519, %mul3A_525 : vector<16xf32>
      %add3A_527 = arith.constant 6 : i32
      %add3A_528 = arith.addi %mul3A_473, %add3A_527 : i32
      %add3A_529 = vector.broadcast %add3A_528 : i32 to vector<16xi32>
      %add3A_530 = arith.addi %mul3A_183, %add3A_529 : vector<16xi32>
      tpu.vector_store_idx %arg10[%add3A_530], %add3A_526 : memref<34816xf32, #tpu.memory_space<vmem>>[vector<16xi32>], vector<16xf32>,
      %add3A_531 = arith.constant 9 : i32
      %add3A_532 = arith.addi %mul3A_473, %add3A_531 : i32
      %add3A_533 = vector.broadcast %add3A_532 : i32 to vector<16xi32>
      %add3A_534 = arith.addi %mul3A_183, %add3A_533 : vector<16xi32>
      %gather3A_535 = tpu.vector_load_idx %arg10[%add3A_534] : memref<34816xf32, #tpu.memory_space<vmem>>[vector<16xi32>], vector<16xf32>,
      %mul3A_536 = arith.mulf %gather3A_535, %mul3A_111 : vector<16xf32>
      %add3A_537 = arith.addf %mul3A_137, %mul3A_536 : vector<16xf32>
      %add3A_538 = arith.constant 11 : i32
      %add3A_539 = arith.addi %mul3A_473, %add3A_538 : i32
      %add3A_540 = vector.broadcast %add3A_539 : i32 to vector<16xi32>
      %add3A_541 = arith.addi %mul3A_183, %add3A_540 : vector<16xi32>
      %gather3A_542 = tpu.vector_load_idx %arg10[%add3A_541] : memref<34816xf32, #tpu.memory_space<vmem>>[vector<16xi32>], vector<16xf32>,
      %mul3A_543 = arith.mulf %gather3A_542, %mul3A_122 : vector<16xf32>
      %add3A_544 = arith.addf %add3A_537, %mul3A_543 : vector<16xf32>
      %add3A_545 = arith.constant 12 : i32
      %add3A_546 = arith.addi %mul3A_473, %add3A_545 : i32
      %add3A_547 = vector.broadcast %add3A_546 : i32 to vector<16xi32>
      %add3A_548 = arith.addi %mul3A_183, %add3A_547 : vector<16xi32>
      %gather3A_549 = tpu.vector_load_idx %arg10[%add3A_548] : memref<34816xf32, #tpu.memory_space<vmem>>[vector<16xi32>], vector<16xf32>,
      %mul3A_550 = arith.mulf %gather3A_549, %mul3A_133 : vector<16xf32>
      %add3A_551 = arith.addf %add3A_544, %mul3A_550 : vector<16xf32>
      %add3A_552 = arith.constant 10 : i32
      %add3A_553 = arith.addi %mul3A_473, %add3A_552 : i32
      %add3A_554 = vector.broadcast %add3A_553 : i32 to vector<16xi32>
      %add3A_555 = arith.addi %mul3A_183, %add3A_554 : vector<16xi32>
      tpu.vector_store_idx %arg10[%add3A_555], %add3A_551 : memref<34816xf32, #tpu.memory_space<vmem>>[vector<16xi32>], vector<16xf32>,
      %add3A_556 = arith.constant 13 : i32
      %add3A_557 = arith.addi %mul3A_473, %add3A_556 : i32
      %add3A_558 = vector.broadcast %add3A_557 : i32 to vector<16xi32>
      %add3A_559 = arith.addi %mul3A_183, %add3A_558 : vector<16xi32>
      %gather3A_560 = tpu.vector_load_idx %arg10[%add3A_559] : memref<34816xf32, #tpu.memory_space<vmem>>[vector<16xi32>], vector<16xf32>,
      %mul3A_561 = arith.mulf %gather3A_560, %mul3A_154 : vector<16xf32>
      %add3A_562 = arith.addf %mul3A_180, %mul3A_561 : vector<16xf32>
      %add3A_563 = arith.constant 15 : i32
      %add3A_564 = arith.addi %mul3A_473, %add3A_563 : i32
      %add3A_565 = vector.broadcast %add3A_564 : i32 to vector<16xi32>
      %add3A_566 = arith.addi %mul3A_183, %add3A_565 : vector<16xi32>
      %gather3A_567 = tpu.vector_load_idx %arg10[%add3A_566] : memref<34816xf32, #tpu.memory_space<vmem>>[vector<16xi32>], vector<16xf32>,
      %mul3A_568 = arith.mulf %gather3A_567, %mul3A_165 : vector<16xf32>
      %add3A_569 = arith.addf %add3A_562, %mul3A_568 : vector<16xf32>
      %add3A_570 = arith.constant 16 : i32
      %add3A_571 = arith.addi %mul3A_473, %add3A_570 : i32
      %add3A_572 = vector.broadcast %add3A_571 : i32 to vector<16xi32>
      %add3A_573 = arith.addi %mul3A_183, %add3A_572 : vector<16xi32>
      %gather3A_574 = tpu.vector_load_idx %arg10[%add3A_573] : memref<34816xf32, #tpu.memory_space<vmem>>[vector<16xi32>], vector<16xf32>,
      %mul3A_575 = arith.mulf %gather3A_574, %mul3A_176 : vector<16xf32>
      %add3A_576 = arith.addf %add3A_569, %mul3A_575 : vector<16xf32>
      %add3A_577 = arith.constant 14 : i32
      %add3A_578 = arith.addi %mul3A_473, %add3A_577 : i32
      %add3A_579 = vector.broadcast %add3A_578 : i32 to vector<16xi32>
      %add3A_580 = arith.addi %mul3A_183, %add3A_579 : vector<16xi32>
      tpu.vector_store_idx %arg10[%add3A_580], %add3A_576 : memref<34816xf32, #tpu.memory_space<vmem>>[vector<16xi32>], vector<16xf32>,
    }
    %scan3A_306 = arith.constant 128 : i32
    %add3A_307 = arith.constant 208896 : i32
    %add3A_308 = arith.addi %mul3A_185, %add3A_307 : i32
    %dma_start3A_309 = tpu.memref_slice %arg6[%add3A_308] : memref<17825792xf32, #tpu.memory_space<hbm>> -> memref<34816xf32, #tpu.memory_space<hbm>>
    %dma_start3A_310 = tpu.memref_slice %arg6[%add3A_308] : memref<17825792xf32, #tpu.memory_space<hbm>> -> memref<34816xf32, #tpu.memory_space<hbm>>
    tpu.enqueue_dma source(%arg10 : memref<34816xf32, #tpu.memory_space<vmem>>) target(%dma_start3A_310 : memref<34816xf32, #tpu.memory_space<hbm>>) target_semaphore(%arg14 : memref<!tpu.dma_semaphore, #tpu.memory_space<semaphore_mem>>)
    %dma_wait3A_311 = tpu.memref_slice %arg6[%add3A_308] : memref<17825792xf32, #tpu.memory_space<hbm>> -> memref<34816xf32, #tpu.memory_space<hbm>>
    %dma_wait3A_312 = tpu.memref_slice %arg6[%add3A_308] : memref<17825792xf32, #tpu.memory_space<hbm>> -> memref<34816xf32, #tpu.memory_space<hbm>>
    tpu.wait_dma2 semaphore(%arg14 : memref<!tpu.dma_semaphore, #tpu.memory_space<semaphore_mem>>) src(%arg10 : memref<34816xf32, #tpu.memory_space<vmem>>) dst(%dma_wait3A_312 : memref<34816xf32, #tpu.memory_space<hbm>>)
    %add3A_313 = arith.constant 278528 : i32
    %add3A_314 = arith.addi %mul3A_185, %add3A_313 : i32
    %dma_start3A_315 = tpu.memref_slice %arg2[%add3A_314] : memref<17825792xf32, #tpu.memory_space<hbm>> -> memref<34816xf32, #tpu.memory_space<hbm>>
    %dma_start3A_316 = tpu.memref_slice %arg2[%add3A_314] : memref<17825792xf32, #tpu.memory_space<hbm>> -> memref<34816xf32, #tpu.memory_space<hbm>>
    tpu.enqueue_dma source(%dma_start3A_316 : memref<34816xf32, #tpu.memory_space<hbm>>) target(%arg10 : memref<34816xf32, #tpu.memory_space<vmem>>) target_semaphore(%arg12 : memref<!tpu.dma_semaphore, #tpu.memory_space<semaphore_mem>>)
    %dma_wait3A_317 = tpu.memref_slice %arg2[%add3A_296] : memref<17825792xf32, #tpu.memory_space<hbm>> -> memref<34816xf32, #tpu.memory_space<hbm>>
    %dma_wait3A_318 = tpu.memref_slice %arg2[%add3A_296] : memref<17825792xf32, #tpu.memory_space<hbm>> -> memref<34816xf32, #tpu.memory_space<hbm>>
    tpu.wait_dma2 semaphore(%arg13 : memref<!tpu.dma_semaphore, #tpu.memory_space<semaphore_mem>>) src(%dma_wait3A_318 : memref<34816xf32, #tpu.memory_space<hbm>>) dst(%arg11 : memref<34816xf32, #tpu.memory_space<vmem>>)
    %scan3A_319 = arith.constant 0 : i32
    %scan3A_320 = arith.constant 0 : i32
    %scan3A_321 = arith.constant 128 : i32
    %scan3A_322 = arith.addi %scan3A_320, %scan3A_321 : i32
    %scan3A_323 = arith.constant 1 : i32
    scf.for %scan3A_471 = %scan3A_320 to %scan3A_322 step %scan3A_323  : i32 {
      %mul3A_472 = arith.constant 272 : i32
      %mul3A_473 = arith.muli %scan3A_471, %mul3A_472 : i32
      %add3A_474 = arith.constant 0 : i32
      %add3A_475 = arith.addi %mul3A_473, %add3A_474 : i32
      %add3A_476 = vector.broadcast %add3A_475 : i32 to vector<16xi32>
      %add3A_477 = arith.addi %mul3A_183, %add3A_476 : vector<16xi32>
      %gather3A_478 = tpu.vector_load_idx %arg11[%add3A_477] : memref<34816xf32, #tpu.memory_space<vmem>>[vector<16xi32>], vector<16xf32>,
      %mul3A_479 = arith.mulf %gather3A_478, %mul3A_14 : vector<16xf32>
      %add3A_480 = arith.addf %mul3A_51, %mul3A_479 : vector<16xf32>
      %add3A_481 = arith.constant 1 : i32
      %add3A_482 = arith.addi %mul3A_473, %add3A_481 : i32
      %add3A_483 = vector.broadcast %add3A_482 : i32 to vector<16xi32>
      %add3A_484 = arith.addi %mul3A_183, %add3A_483 : vector<16xi32>
      %gather3A_485 = tpu.vector_load_idx %arg11[%add3A_484] : memref<34816xf32, #tpu.memory_space<vmem>>[vector<16xi32>], vector<16xf32>,
      %mul3A_486 = arith.mulf %gather3A_485, %mul3A_25 : vector<16xf32>
      %add3A_487 = arith.addf %add3A_480, %mul3A_486 : vector<16xf32>
      %add3A_488 = arith.constant 3 : i32
      %add3A_489 = arith.addi %mul3A_473, %add3A_488 : i32
      %add3A_490 = vector.broadcast %add3A_489 : i32 to vector<16xi32>
      %add3A_491 = arith.addi %mul3A_183, %add3A_490 : vector<16xi32>
      %gather3A_492 = tpu.vector_load_idx %arg11[%add3A_491] : memref<34816xf32, #tpu.memory_space<vmem>>[vector<16xi32>], vector<16xf32>,
      %mul3A_493 = arith.mulf %gather3A_492, %mul3A_36 : vector<16xf32>
      %add3A_494 = arith.addf %add3A_487, %mul3A_493 : vector<16xf32>
      %add3A_495 = arith.constant 4 : i32
      %add3A_496 = arith.addi %mul3A_473, %add3A_495 : i32
      %add3A_497 = vector.broadcast %add3A_496 : i32 to vector<16xi32>
      %add3A_498 = arith.addi %mul3A_183, %add3A_497 : vector<16xi32>
      %gather3A_499 = tpu.vector_load_idx %arg11[%add3A_498] : memref<34816xf32, #tpu.memory_space<vmem>>[vector<16xi32>], vector<16xf32>,
      %mul3A_500 = arith.mulf %gather3A_499, %mul3A_47 : vector<16xf32>
      %add3A_501 = arith.addf %add3A_494, %mul3A_500 : vector<16xf32>
      %add3A_502 = arith.constant 2 : i32
      %add3A_503 = arith.addi %mul3A_473, %add3A_502 : i32
      %add3A_504 = vector.broadcast %add3A_503 : i32 to vector<16xi32>
      %add3A_505 = arith.addi %mul3A_183, %add3A_504 : vector<16xi32>
      tpu.vector_store_idx %arg11[%add3A_505], %add3A_501 : memref<34816xf32, #tpu.memory_space<vmem>>[vector<16xi32>], vector<16xf32>,
      %add3A_506 = arith.constant 5 : i32
      %add3A_507 = arith.addi %mul3A_473, %add3A_506 : i32
      %add3A_508 = vector.broadcast %add3A_507 : i32 to vector<16xi32>
      %add3A_509 = arith.addi %mul3A_183, %add3A_508 : vector<16xi32>
      %gather3A_510 = tpu.vector_load_idx %arg11[%add3A_509] : memref<34816xf32, #tpu.memory_space<vmem>>[vector<16xi32>], vector<16xf32>,
      %mul3A_511 = arith.mulf %gather3A_510, %mul3A_68 : vector<16xf32>
      %add3A_512 = arith.addf %mul3A_94, %mul3A_511 : vector<16xf32>
      %add3A_513 = arith.constant 7 : i32
      %add3A_514 = arith.addi %mul3A_473, %add3A_513 : i32
      %add3A_515 = vector.broadcast %add3A_514 : i32 to vector<16xi32>
      %add3A_516 = arith.addi %mul3A_183, %add3A_515 : vector<16xi32>
      %gather3A_517 = tpu.vector_load_idx %arg11[%add3A_516] : memref<34816xf32, #tpu.memory_space<vmem>>[vector<16xi32>], vector<16xf32>,
      %mul3A_518 = arith.mulf %gather3A_517, %mul3A_79 : vector<16xf32>
      %add3A_519 = arith.addf %add3A_512, %mul3A_518 : vector<16xf32>
      %add3A_520 = arith.constant 8 : i32
      %add3A_521 = arith.addi %mul3A_473, %add3A_520 : i32
      %add3A_522 = vector.broadcast %add3A_521 : i32 to vector<16xi32>
      %add3A_523 = arith.addi %mul3A_183, %add3A_522 : vector<16xi32>
      %gather3A_524 = tpu.vector_load_idx %arg11[%add3A_523] : memref<34816xf32, #tpu.memory_space<vmem>>[vector<16xi32>], vector<16xf32>,
      %mul3A_525 = arith.mulf %gather3A_524, %mul3A_90 : vector<16xf32>
      %add3A_526 = arith.addf %add3A_519, %mul3A_525 : vector<16xf32>
      %add3A_527 = arith.constant 6 : i32
      %add3A_528 = arith.addi %mul3A_473, %add3A_527 : i32
      %add3A_529 = vector.broadcast %add3A_528 : i32 to vector<16xi32>
      %add3A_530 = arith.addi %mul3A_183, %add3A_529 : vector<16xi32>
      tpu.vector_store_idx %arg11[%add3A_530], %add3A_526 : memref<34816xf32, #tpu.memory_space<vmem>>[vector<16xi32>], vector<16xf32>,
      %add3A_531 = arith.constant 9 : i32
      %add3A_532 = arith.addi %mul3A_473, %add3A_531 : i32
      %add3A_533 = vector.broadcast %add3A_532 : i32 to vector<16xi32>
      %add3A_534 = arith.addi %mul3A_183, %add3A_533 : vector<16xi32>
      %gather3A_535 = tpu.vector_load_idx %arg11[%add3A_534] : memref<34816xf32, #tpu.memory_space<vmem>>[vector<16xi32>], vector<16xf32>,
      %mul3A_536 = arith.mulf %gather3A_535, %mul3A_111 : vector<16xf32>
      %add3A_537 = arith.addf %mul3A_137, %mul3A_536 : vector<16xf32>
      %add3A_538 = arith.constant 11 : i32
      %add3A_539 = arith.addi %mul3A_473, %add3A_538 : i32
      %add3A_540 = vector.broadcast %add3A_539 : i32 to vector<16xi32>
      %add3A_541 = arith.addi %mul3A_183, %add3A_540 : vector<16xi32>
      %gather3A_542 = tpu.vector_load_idx %arg11[%add3A_541] : memref<34816xf32, #tpu.memory_space<vmem>>[vector<16xi32>], vector<16xf32>,
      %mul3A_543 = arith.mulf %gather3A_542, %mul3A_122 : vector<16xf32>
      %add3A_544 = arith.addf %add3A_537, %mul3A_543 : vector<16xf32>
      %add3A_545 = arith.constant 12 : i32
      %add3A_546 = arith.addi %mul3A_473, %add3A_545 : i32
      %add3A_547 = vector.broadcast %add3A_546 : i32 to vector<16xi32>
      %add3A_548 = arith.addi %mul3A_183, %add3A_547 : vector<16xi32>
      %gather3A_549 = tpu.vector_load_idx %arg11[%add3A_548] : memref<34816xf32, #tpu.memory_space<vmem>>[vector<16xi32>], vector<16xf32>,
      %mul3A_550 = arith.mulf %gather3A_549, %mul3A_133 : vector<16xf32>
      %add3A_551 = arith.addf %add3A_544, %mul3A_550 : vector<16xf32>
      %add3A_552 = arith.constant 10 : i32
      %add3A_553 = arith.addi %mul3A_473, %add3A_552 : i32
      %add3A_554 = vector.broadcast %add3A_553 : i32 to vector<16xi32>
      %add3A_555 = arith.addi %mul3A_183, %add3A_554 : vector<16xi32>
      tpu.vector_store_idx %arg11[%add3A_555], %add3A_551 : memref<34816xf32, #tpu.memory_space<vmem>>[vector<16xi32>], vector<16xf32>,
      %add3A_556 = arith.constant 13 : i32
      %add3A_557 = arith.addi %mul3A_473, %add3A_556 : i32
      %add3A_558 = vector.broadcast %add3A_557 : i32 to vector<16xi32>
      %add3A_559 = arith.addi %mul3A_183, %add3A_558 : vector<16xi32>
      %gather3A_560 = tpu.vector_load_idx %arg11[%add3A_559] : memref<34816xf32, #tpu.memory_space<vmem>>[vector<16xi32>], vector<16xf32>,
      %mul3A_561 = arith.mulf %gather3A_560, %mul3A_154 : vector<16xf32>
      %add3A_562 = arith.addf %mul3A_180, %mul3A_561 : vector<16xf32>
      %add3A_563 = arith.constant 15 : i32
      %add3A_564 = arith.addi %mul3A_473, %add3A_563 : i32
      %add3A_565 = vector.broadcast %add3A_564 : i32 to vector<16xi32>
      %add3A_566 = arith.addi %mul3A_183, %add3A_565 : vector<16xi32>
      %gather3A_567 = tpu.vector_load_idx %arg11[%add3A_566] : memref<34816xf32, #tpu.memory_space<vmem>>[vector<16xi32>], vector<16xf32>,
      %mul3A_568 = arith.mulf %gather3A_567, %mul3A_165 : vector<16xf32>
      %add3A_569 = arith.addf %add3A_562, %mul3A_568 : vector<16xf32>
      %add3A_570 = arith.constant 16 : i32
      %add3A_571 = arith.addi %mul3A_473, %add3A_570 : i32
      %add3A_572 = vector.broadcast %add3A_571 : i32 to vector<16xi32>
      %add3A_573 = arith.addi %mul3A_183, %add3A_572 : vector<16xi32>
      %gather3A_574 = tpu.vector_load_idx %arg11[%add3A_573] : memref<34816xf32, #tpu.memory_space<vmem>>[vector<16xi32>], vector<16xf32>,
      %mul3A_575 = arith.mulf %gather3A_574, %mul3A_176 : vector<16xf32>
      %add3A_576 = arith.addf %add3A_569, %mul3A_575 : vector<16xf32>
      %add3A_577 = arith.constant 14 : i32
      %add3A_578 = arith.addi %mul3A_473, %add3A_577 : i32
      %add3A_579 = vector.broadcast %add3A_578 : i32 to vector<16xi32>
      %add3A_580 = arith.addi %mul3A_183, %add3A_579 : vector<16xi32>
      tpu.vector_store_idx %arg11[%add3A_580], %add3A_576 : memref<34816xf32, #tpu.memory_space<vmem>>[vector<16xi32>], vector<16xf32>,
    }
    %scan3A_324 = arith.constant 128 : i32
    %add3A_325 = arith.constant 243712 : i32
    %add3A_326 = arith.addi %mul3A_185, %add3A_325 : i32
    %dma_start3A_327 = tpu.memref_slice %arg6[%add3A_326] : memref<17825792xf32, #tpu.memory_space<hbm>> -> memref<34816xf32, #tpu.memory_space<hbm>>
    %dma_start3A_328 = tpu.memref_slice %arg6[%add3A_326] : memref<17825792xf32, #tpu.memory_space<hbm>> -> memref<34816xf32, #tpu.memory_space<hbm>>
    tpu.enqueue_dma source(%arg11 : memref<34816xf32, #tpu.memory_space<vmem>>) target(%dma_start3A_328 : memref<34816xf32, #tpu.memory_space<hbm>>) target_semaphore(%arg15 : memref<!tpu.dma_semaphore, #tpu.memory_space<semaphore_mem>>)
    %dma_wait3A_329 = tpu.memref_slice %arg6[%add3A_326] : memref<17825792xf32, #tpu.memory_space<hbm>> -> memref<34816xf32, #tpu.memory_space<hbm>>
    %dma_wait3A_330 = tpu.memref_slice %arg6[%add3A_326] : memref<17825792xf32, #tpu.memory_space<hbm>> -> memref<34816xf32, #tpu.memory_space<hbm>>
    tpu.wait_dma2 semaphore(%arg15 : memref<!tpu.dma_semaphore, #tpu.memory_space<semaphore_mem>>) src(%arg11 : memref<34816xf32, #tpu.memory_space<vmem>>) dst(%dma_wait3A_330 : memref<34816xf32, #tpu.memory_space<hbm>>)
    %add3A_331 = arith.constant 313344 : i32
    %add3A_332 = arith.addi %mul3A_185, %add3A_331 : i32
    %dma_start3A_333 = tpu.memref_slice %arg2[%add3A_332] : memref<17825792xf32, #tpu.memory_space<hbm>> -> memref<34816xf32, #tpu.memory_space<hbm>>
    %dma_start3A_334 = tpu.memref_slice %arg2[%add3A_332] : memref<17825792xf32, #tpu.memory_space<hbm>> -> memref<34816xf32, #tpu.memory_space<hbm>>
    tpu.enqueue_dma source(%dma_start3A_334 : memref<34816xf32, #tpu.memory_space<hbm>>) target(%arg11 : memref<34816xf32, #tpu.memory_space<vmem>>) target_semaphore(%arg13 : memref<!tpu.dma_semaphore, #tpu.memory_space<semaphore_mem>>)
    %dma_wait3A_335 = tpu.memref_slice %arg2[%add3A_314] : memref<17825792xf32, #tpu.memory_space<hbm>> -> memref<34816xf32, #tpu.memory_space<hbm>>
    %dma_wait3A_336 = tpu.memref_slice %arg2[%add3A_314] : memref<17825792xf32, #tpu.memory_space<hbm>> -> memref<34816xf32, #tpu.memory_space<hbm>>
    tpu.wait_dma2 semaphore(%arg12 : memref<!tpu.dma_semaphore, #tpu.memory_space<semaphore_mem>>) src(%dma_wait3A_336 : memref<34816xf32, #tpu.memory_space<hbm>>) dst(%arg10 : memref<34816xf32, #tpu.memory_space<vmem>>)
    %scan3A_337 = arith.constant 0 : i32
    %scan3A_338 = arith.constant 0 : i32
    %scan3A_339 = arith.constant 128 : i32
    %scan3A_340 = arith.addi %scan3A_338, %scan3A_339 : i32
    %scan3A_341 = arith.constant 1 : i32
    scf.for %scan3A_471 = %scan3A_338 to %scan3A_340 step %scan3A_341  : i32 {
      %mul3A_472 = arith.constant 272 : i32
      %mul3A_473 = arith.muli %scan3A_471, %mul3A_472 : i32
      %add3A_474 = arith.constant 0 : i32
      %add3A_475 = arith.addi %mul3A_473, %add3A_474 : i32
      %add3A_476 = vector.broadcast %add3A_475 : i32 to vector<16xi32>
      %add3A_477 = arith.addi %mul3A_183, %add3A_476 : vector<16xi32>
      %gather3A_478 = tpu.vector_load_idx %arg10[%add3A_477] : memref<34816xf32, #tpu.memory_space<vmem>>[vector<16xi32>], vector<16xf32>,
      %mul3A_479 = arith.mulf %gather3A_478, %mul3A_14 : vector<16xf32>
      %add3A_480 = arith.addf %mul3A_51, %mul3A_479 : vector<16xf32>
      %add3A_481 = arith.constant 1 : i32
      %add3A_482 = arith.addi %mul3A_473, %add3A_481 : i32
      %add3A_483 = vector.broadcast %add3A_482 : i32 to vector<16xi32>
      %add3A_484 = arith.addi %mul3A_183, %add3A_483 : vector<16xi32>
      %gather3A_485 = tpu.vector_load_idx %arg10[%add3A_484] : memref<34816xf32, #tpu.memory_space<vmem>>[vector<16xi32>], vector<16xf32>,
      %mul3A_486 = arith.mulf %gather3A_485, %mul3A_25 : vector<16xf32>
      %add3A_487 = arith.addf %add3A_480, %mul3A_486 : vector<16xf32>
      %add3A_488 = arith.constant 3 : i32
      %add3A_489 = arith.addi %mul3A_473, %add3A_488 : i32
      %add3A_490 = vector.broadcast %add3A_489 : i32 to vector<16xi32>
      %add3A_491 = arith.addi %mul3A_183, %add3A_490 : vector<16xi32>
      %gather3A_492 = tpu.vector_load_idx %arg10[%add3A_491] : memref<34816xf32, #tpu.memory_space<vmem>>[vector<16xi32>], vector<16xf32>,
      %mul3A_493 = arith.mulf %gather3A_492, %mul3A_36 : vector<16xf32>
      %add3A_494 = arith.addf %add3A_487, %mul3A_493 : vector<16xf32>
      %add3A_495 = arith.constant 4 : i32
      %add3A_496 = arith.addi %mul3A_473, %add3A_495 : i32
      %add3A_497 = vector.broadcast %add3A_496 : i32 to vector<16xi32>
      %add3A_498 = arith.addi %mul3A_183, %add3A_497 : vector<16xi32>
      %gather3A_499 = tpu.vector_load_idx %arg10[%add3A_498] : memref<34816xf32, #tpu.memory_space<vmem>>[vector<16xi32>], vector<16xf32>,
      %mul3A_500 = arith.mulf %gather3A_499, %mul3A_47 : vector<16xf32>
      %add3A_501 = arith.addf %add3A_494, %mul3A_500 : vector<16xf32>
      %add3A_502 = arith.constant 2 : i32
      %add3A_503 = arith.addi %mul3A_473, %add3A_502 : i32
      %add3A_504 = vector.broadcast %add3A_503 : i32 to vector<16xi32>
      %add3A_505 = arith.addi %mul3A_183, %add3A_504 : vector<16xi32>
      tpu.vector_store_idx %arg10[%add3A_505], %add3A_501 : memref<34816xf32, #tpu.memory_space<vmem>>[vector<16xi32>], vector<16xf32>,
      %add3A_506 = arith.constant 5 : i32
      %add3A_507 = arith.addi %mul3A_473, %add3A_506 : i32
      %add3A_508 = vector.broadcast %add3A_507 : i32 to vector<16xi32>
      %add3A_509 = arith.addi %mul3A_183, %add3A_508 : vector<16xi32>
      %gather3A_510 = tpu.vector_load_idx %arg10[%add3A_509] : memref<34816xf32, #tpu.memory_space<vmem>>[vector<16xi32>], vector<16xf32>,
      %mul3A_511 = arith.mulf %gather3A_510, %mul3A_68 : vector<16xf32>
      %add3A_512 = arith.addf %mul3A_94, %mul3A_511 : vector<16xf32>
      %add3A_513 = arith.constant 7 : i32
      %add3A_514 = arith.addi %mul3A_473, %add3A_513 : i32
      %add3A_515 = vector.broadcast %add3A_514 : i32 to vector<16xi32>
      %add3A_516 = arith.addi %mul3A_183, %add3A_515 : vector<16xi32>
      %gather3A_517 = tpu.vector_load_idx %arg10[%add3A_516] : memref<34816xf32, #tpu.memory_space<vmem>>[vector<16xi32>], vector<16xf32>,
      %mul3A_518 = arith.mulf %gather3A_517, %mul3A_79 : vector<16xf32>
      %add3A_519 = arith.addf %add3A_512, %mul3A_518 : vector<16xf32>
      %add3A_520 = arith.constant 8 : i32
      %add3A_521 = arith.addi %mul3A_473, %add3A_520 : i32
      %add3A_522 = vector.broadcast %add3A_521 : i32 to vector<16xi32>
      %add3A_523 = arith.addi %mul3A_183, %add3A_522 : vector<16xi32>
      %gather3A_524 = tpu.vector_load_idx %arg10[%add3A_523] : memref<34816xf32, #tpu.memory_space<vmem>>[vector<16xi32>], vector<16xf32>,
      %mul3A_525 = arith.mulf %gather3A_524, %mul3A_90 : vector<16xf32>
      %add3A_526 = arith.addf %add3A_519, %mul3A_525 : vector<16xf32>
      %add3A_527 = arith.constant 6 : i32
      %add3A_528 = arith.addi %mul3A_473, %add3A_527 : i32
      %add3A_529 = vector.broadcast %add3A_528 : i32 to vector<16xi32>
      %add3A_530 = arith.addi %mul3A_183, %add3A_529 : vector<16xi32>
      tpu.vector_store_idx %arg10[%add3A_530], %add3A_526 : memref<34816xf32, #tpu.memory_space<vmem>>[vector<16xi32>], vector<16xf32>,
      %add3A_531 = arith.constant 9 : i32
      %add3A_532 = arith.addi %mul3A_473, %add3A_531 : i32
      %add3A_533 = vector.broadcast %add3A_532 : i32 to vector<16xi32>
      %add3A_534 = arith.addi %mul3A_183, %add3A_533 : vector<16xi32>
      %gather3A_535 = tpu.vector_load_idx %arg10[%add3A_534] : memref<34816xf32, #tpu.memory_space<vmem>>[vector<16xi32>], vector<16xf32>,
      %mul3A_536 = arith.mulf %gather3A_535, %mul3A_111 : vector<16xf32>
      %add3A_537 = arith.addf %mul3A_137, %mul3A_536 : vector<16xf32>
      %add3A_538 = arith.constant 11 : i32
      %add3A_539 = arith.addi %mul3A_473, %add3A_538 : i32
      %add3A_540 = vector.broadcast %add3A_539 : i32 to vector<16xi32>
      %add3A_541 = arith.addi %mul3A_183, %add3A_540 : vector<16xi32>
      %gather3A_542 = tpu.vector_load_idx %arg10[%add3A_541] : memref<34816xf32, #tpu.memory_space<vmem>>[vector<16xi32>], vector<16xf32>,
      %mul3A_543 = arith.mulf %gather3A_542, %mul3A_122 : vector<16xf32>
      %add3A_544 = arith.addf %add3A_537, %mul3A_543 : vector<16xf32>
      %add3A_545 = arith.constant 12 : i32
      %add3A_546 = arith.addi %mul3A_473, %add3A_545 : i32
      %add3A_547 = vector.broadcast %add3A_546 : i32 to vector<16xi32>
      %add3A_548 = arith.addi %mul3A_183, %add3A_547 : vector<16xi32>
      %gather3A_549 = tpu.vector_load_idx %arg10[%add3A_548] : memref<34816xf32, #tpu.memory_space<vmem>>[vector<16xi32>], vector<16xf32>,
      %mul3A_550 = arith.mulf %gather3A_549, %mul3A_133 : vector<16xf32>
      %add3A_551 = arith.addf %add3A_544, %mul3A_550 : vector<16xf32>
      %add3A_552 = arith.constant 10 : i32
      %add3A_553 = arith.addi %mul3A_473, %add3A_552 : i32
      %add3A_554 = vector.broadcast %add3A_553 : i32 to vector<16xi32>
      %add3A_555 = arith.addi %mul3A_183, %add3A_554 : vector<16xi32>
      tpu.vector_store_idx %arg10[%add3A_555], %add3A_551 : memref<34816xf32, #tpu.memory_space<vmem>>[vector<16xi32>], vector<16xf32>,
      %add3A_556 = arith.constant 13 : i32
      %add3A_557 = arith.addi %mul3A_473, %add3A_556 : i32
      %add3A_558 = vector.broadcast %add3A_557 : i32 to vector<16xi32>
      %add3A_559 = arith.addi %mul3A_183, %add3A_558 : vector<16xi32>
      %gather3A_560 = tpu.vector_load_idx %arg10[%add3A_559] : memref<34816xf32, #tpu.memory_space<vmem>>[vector<16xi32>], vector<16xf32>,
      %mul3A_561 = arith.mulf %gather3A_560, %mul3A_154 : vector<16xf32>
      %add3A_562 = arith.addf %mul3A_180, %mul3A_561 : vector<16xf32>
      %add3A_563 = arith.constant 15 : i32
      %add3A_564 = arith.addi %mul3A_473, %add3A_563 : i32
      %add3A_565 = vector.broadcast %add3A_564 : i32 to vector<16xi32>
      %add3A_566 = arith.addi %mul3A_183, %add3A_565 : vector<16xi32>
      %gather3A_567 = tpu.vector_load_idx %arg10[%add3A_566] : memref<34816xf32, #tpu.memory_space<vmem>>[vector<16xi32>], vector<16xf32>,
      %mul3A_568 = arith.mulf %gather3A_567, %mul3A_165 : vector<16xf32>
      %add3A_569 = arith.addf %add3A_562, %mul3A_568 : vector<16xf32>
      %add3A_570 = arith.constant 16 : i32
      %add3A_571 = arith.addi %mul3A_473, %add3A_570 : i32
      %add3A_572 = vector.broadcast %add3A_571 : i32 to vector<16xi32>
      %add3A_573 = arith.addi %mul3A_183, %add3A_572 : vector<16xi32>
      %gather3A_574 = tpu.vector_load_idx %arg10[%add3A_573] : memref<34816xf32, #tpu.memory_space<vmem>>[vector<16xi32>], vector<16xf32>,
      %mul3A_575 = arith.mulf %gather3A_574, %mul3A_176 : vector<16xf32>
      %add3A_576 = arith.addf %add3A_569, %mul3A_575 : vector<16xf32>
      %add3A_577 = arith.constant 14 : i32
      %add3A_578 = arith.addi %mul3A_473, %add3A_577 : i32
      %add3A_579 = vector.broadcast %add3A_578 : i32 to vector<16xi32>
      %add3A_580 = arith.addi %mul3A_183, %add3A_579 : vector<16xi32>
      tpu.vector_store_idx %arg10[%add3A_580], %add3A_576 : memref<34816xf32, #tpu.memory_space<vmem>>[vector<16xi32>], vector<16xf32>,
    }
    %scan3A_342 = arith.constant 128 : i32
    %add3A_343 = arith.constant 278528 : i32
    %add3A_344 = arith.addi %mul3A_185, %add3A_343 : i32
    %dma_start3A_345 = tpu.memref_slice %arg6[%add3A_344] : memref<17825792xf32, #tpu.memory_space<hbm>> -> memref<34816xf32, #tpu.memory_space<hbm>>
    %dma_start3A_346 = tpu.memref_slice %arg6[%add3A_344] : memref<17825792xf32, #tpu.memory_space<hbm>> -> memref<34816xf32, #tpu.memory_space<hbm>>
    tpu.enqueue_dma source(%arg10 : memref<34816xf32, #tpu.memory_space<vmem>>) target(%dma_start3A_346 : memref<34816xf32, #tpu.memory_space<hbm>>) target_semaphore(%arg14 : memref<!tpu.dma_semaphore, #tpu.memory_space<semaphore_mem>>)
    %dma_wait3A_347 = tpu.memref_slice %arg6[%add3A_344] : memref<17825792xf32, #tpu.memory_space<hbm>> -> memref<34816xf32, #tpu.memory_space<hbm>>
    %dma_wait3A_348 = tpu.memref_slice %arg6[%add3A_344] : memref<17825792xf32, #tpu.memory_space<hbm>> -> memref<34816xf32, #tpu.memory_space<hbm>>
    tpu.wait_dma2 semaphore(%arg14 : memref<!tpu.dma_semaphore, #tpu.memory_space<semaphore_mem>>) src(%arg10 : memref<34816xf32, #tpu.memory_space<vmem>>) dst(%dma_wait3A_348 : memref<34816xf32, #tpu.memory_space<hbm>>)
    %add3A_349 = arith.constant 348160 : i32
    %add3A_350 = arith.addi %mul3A_185, %add3A_349 : i32
    %dma_start3A_351 = tpu.memref_slice %arg2[%add3A_350] : memref<17825792xf32, #tpu.memory_space<hbm>> -> memref<34816xf32, #tpu.memory_space<hbm>>
    %dma_start3A_352 = tpu.memref_slice %arg2[%add3A_350] : memref<17825792xf32, #tpu.memory_space<hbm>> -> memref<34816xf32, #tpu.memory_space<hbm>>
    tpu.enqueue_dma source(%dma_start3A_352 : memref<34816xf32, #tpu.memory_space<hbm>>) target(%arg10 : memref<34816xf32, #tpu.memory_space<vmem>>) target_semaphore(%arg12 : memref<!tpu.dma_semaphore, #tpu.memory_space<semaphore_mem>>)
    %dma_wait3A_353 = tpu.memref_slice %arg2[%add3A_332] : memref<17825792xf32, #tpu.memory_space<hbm>> -> memref<34816xf32, #tpu.memory_space<hbm>>
    %dma_wait3A_354 = tpu.memref_slice %arg2[%add3A_332] : memref<17825792xf32, #tpu.memory_space<hbm>> -> memref<34816xf32, #tpu.memory_space<hbm>>
    tpu.wait_dma2 semaphore(%arg13 : memref<!tpu.dma_semaphore, #tpu.memory_space<semaphore_mem>>) src(%dma_wait3A_354 : memref<34816xf32, #tpu.memory_space<hbm>>) dst(%arg11 : memref<34816xf32, #tpu.memory_space<vmem>>)
    %scan3A_355 = arith.constant 0 : i32
    %scan3A_356 = arith.constant 0 : i32
    %scan3A_357 = arith.constant 128 : i32
    %scan3A_358 = arith.addi %scan3A_356, %scan3A_357 : i32
    %scan3A_359 = arith.constant 1 : i32
    scf.for %scan3A_471 = %scan3A_356 to %scan3A_358 step %scan3A_359  : i32 {
      %mul3A_472 = arith.constant 272 : i32
      %mul3A_473 = arith.muli %scan3A_471, %mul3A_472 : i32
      %add3A_474 = arith.constant 0 : i32
      %add3A_475 = arith.addi %mul3A_473, %add3A_474 : i32
      %add3A_476 = vector.broadcast %add3A_475 : i32 to vector<16xi32>
      %add3A_477 = arith.addi %mul3A_183, %add3A_476 : vector<16xi32>
      %gather3A_478 = tpu.vector_load_idx %arg11[%add3A_477] : memref<34816xf32, #tpu.memory_space<vmem>>[vector<16xi32>], vector<16xf32>,
      %mul3A_479 = arith.mulf %gather3A_478, %mul3A_14 : vector<16xf32>
      %add3A_480 = arith.addf %mul3A_51, %mul3A_479 : vector<16xf32>
      %add3A_481 = arith.constant 1 : i32
      %add3A_482 = arith.addi %mul3A_473, %add3A_481 : i32
      %add3A_483 = vector.broadcast %add3A_482 : i32 to vector<16xi32>
      %add3A_484 = arith.addi %mul3A_183, %add3A_483 : vector<16xi32>
      %gather3A_485 = tpu.vector_load_idx %arg11[%add3A_484] : memref<34816xf32, #tpu.memory_space<vmem>>[vector<16xi32>], vector<16xf32>,
      %mul3A_486 = arith.mulf %gather3A_485, %mul3A_25 : vector<16xf32>
      %add3A_487 = arith.addf %add3A_480, %mul3A_486 : vector<16xf32>
      %add3A_488 = arith.constant 3 : i32
      %add3A_489 = arith.addi %mul3A_473, %add3A_488 : i32
      %add3A_490 = vector.broadcast %add3A_489 : i32 to vector<16xi32>
      %add3A_491 = arith.addi %mul3A_183, %add3A_490 : vector<16xi32>
      %gather3A_492 = tpu.vector_load_idx %arg11[%add3A_491] : memref<34816xf32, #tpu.memory_space<vmem>>[vector<16xi32>], vector<16xf32>,
      %mul3A_493 = arith.mulf %gather3A_492, %mul3A_36 : vector<16xf32>
      %add3A_494 = arith.addf %add3A_487, %mul3A_493 : vector<16xf32>
      %add3A_495 = arith.constant 4 : i32
      %add3A_496 = arith.addi %mul3A_473, %add3A_495 : i32
      %add3A_497 = vector.broadcast %add3A_496 : i32 to vector<16xi32>
      %add3A_498 = arith.addi %mul3A_183, %add3A_497 : vector<16xi32>
      %gather3A_499 = tpu.vector_load_idx %arg11[%add3A_498] : memref<34816xf32, #tpu.memory_space<vmem>>[vector<16xi32>], vector<16xf32>,
      %mul3A_500 = arith.mulf %gather3A_499, %mul3A_47 : vector<16xf32>
      %add3A_501 = arith.addf %add3A_494, %mul3A_500 : vector<16xf32>
      %add3A_502 = arith.constant 2 : i32
      %add3A_503 = arith.addi %mul3A_473, %add3A_502 : i32
      %add3A_504 = vector.broadcast %add3A_503 : i32 to vector<16xi32>
      %add3A_505 = arith.addi %mul3A_183, %add3A_504 : vector<16xi32>
      tpu.vector_store_idx %arg11[%add3A_505], %add3A_501 : memref<34816xf32, #tpu.memory_space<vmem>>[vector<16xi32>], vector<16xf32>,
      %add3A_506 = arith.constant 5 : i32
      %add3A_507 = arith.addi %mul3A_473, %add3A_506 : i32
      %add3A_508 = vector.broadcast %add3A_507 : i32 to vector<16xi32>
      %add3A_509 = arith.addi %mul3A_183, %add3A_508 : vector<16xi32>
      %gather3A_510 = tpu.vector_load_idx %arg11[%add3A_509] : memref<34816xf32, #tpu.memory_space<vmem>>[vector<16xi32>], vector<16xf32>,
      %mul3A_511 = arith.mulf %gather3A_510, %mul3A_68 : vector<16xf32>
      %add3A_512 = arith.addf %mul3A_94, %mul3A_511 : vector<16xf32>
      %add3A_513 = arith.constant 7 : i32
      %add3A_514 = arith.addi %mul3A_473, %add3A_513 : i32
      %add3A_515 = vector.broadcast %add3A_514 : i32 to vector<16xi32>
      %add3A_516 = arith.addi %mul3A_183, %add3A_515 : vector<16xi32>
      %gather3A_517 = tpu.vector_load_idx %arg11[%add3A_516] : memref<34816xf32, #tpu.memory_space<vmem>>[vector<16xi32>], vector<16xf32>,
      %mul3A_518 = arith.mulf %gather3A_517, %mul3A_79 : vector<16xf32>
      %add3A_519 = arith.addf %add3A_512, %mul3A_518 : vector<16xf32>
      %add3A_520 = arith.constant 8 : i32
      %add3A_521 = arith.addi %mul3A_473, %add3A_520 : i32
      %add3A_522 = vector.broadcast %add3A_521 : i32 to vector<16xi32>
      %add3A_523 = arith.addi %mul3A_183, %add3A_522 : vector<16xi32>
      %gather3A_524 = tpu.vector_load_idx %arg11[%add3A_523] : memref<34816xf32, #tpu.memory_space<vmem>>[vector<16xi32>], vector<16xf32>,
      %mul3A_525 = arith.mulf %gather3A_524, %mul3A_90 : vector<16xf32>
      %add3A_526 = arith.addf %add3A_519, %mul3A_525 : vector<16xf32>
      %add3A_527 = arith.constant 6 : i32
      %add3A_528 = arith.addi %mul3A_473, %add3A_527 : i32
      %add3A_529 = vector.broadcast %add3A_528 : i32 to vector<16xi32>
      %add3A_530 = arith.addi %mul3A_183, %add3A_529 : vector<16xi32>
      tpu.vector_store_idx %arg11[%add3A_530], %add3A_526 : memref<34816xf32, #tpu.memory_space<vmem>>[vector<16xi32>], vector<16xf32>,
      %add3A_531 = arith.constant 9 : i32
      %add3A_532 = arith.addi %mul3A_473, %add3A_531 : i32
      %add3A_533 = vector.broadcast %add3A_532 : i32 to vector<16xi32>
      %add3A_534 = arith.addi %mul3A_183, %add3A_533 : vector<16xi32>
      %gather3A_535 = tpu.vector_load_idx %arg11[%add3A_534] : memref<34816xf32, #tpu.memory_space<vmem>>[vector<16xi32>], vector<16xf32>,
      %mul3A_536 = arith.mulf %gather3A_535, %mul3A_111 : vector<16xf32>
      %add3A_537 = arith.addf %mul3A_137, %mul3A_536 : vector<16xf32>
      %add3A_538 = arith.constant 11 : i32
      %add3A_539 = arith.addi %mul3A_473, %add3A_538 : i32
      %add3A_540 = vector.broadcast %add3A_539 : i32 to vector<16xi32>
      %add3A_541 = arith.addi %mul3A_183, %add3A_540 : vector<16xi32>
      %gather3A_542 = tpu.vector_load_idx %arg11[%add3A_541] : memref<34816xf32, #tpu.memory_space<vmem>>[vector<16xi32>], vector<16xf32>,
      %mul3A_543 = arith.mulf %gather3A_542, %mul3A_122 : vector<16xf32>
      %add3A_544 = arith.addf %add3A_537, %mul3A_543 : vector<16xf32>
      %add3A_545 = arith.constant 12 : i32
      %add3A_546 = arith.addi %mul3A_473, %add3A_545 : i32
      %add3A_547 = vector.broadcast %add3A_546 : i32 to vector<16xi32>
      %add3A_548 = arith.addi %mul3A_183, %add3A_547 : vector<16xi32>
      %gather3A_549 = tpu.vector_load_idx %arg11[%add3A_548] : memref<34816xf32, #tpu.memory_space<vmem>>[vector<16xi32>], vector<16xf32>,
      %mul3A_550 = arith.mulf %gather3A_549, %mul3A_133 : vector<16xf32>
      %add3A_551 = arith.addf %add3A_544, %mul3A_550 : vector<16xf32>
      %add3A_552 = arith.constant 10 : i32
      %add3A_553 = arith.addi %mul3A_473, %add3A_552 : i32
      %add3A_554 = vector.broadcast %add3A_553 : i32 to vector<16xi32>
      %add3A_555 = arith.addi %mul3A_183, %add3A_554 : vector<16xi32>
      tpu.vector_store_idx %arg11[%add3A_555], %add3A_551 : memref<34816xf32, #tpu.memory_space<vmem>>[vector<16xi32>], vector<16xf32>,
      %add3A_556 = arith.constant 13 : i32
      %add3A_557 = arith.addi %mul3A_473, %add3A_556 : i32
      %add3A_558 = vector.broadcast %add3A_557 : i32 to vector<16xi32>
      %add3A_559 = arith.addi %mul3A_183, %add3A_558 : vector<16xi32>
      %gather3A_560 = tpu.vector_load_idx %arg11[%add3A_559] : memref<34816xf32, #tpu.memory_space<vmem>>[vector<16xi32>], vector<16xf32>,
      %mul3A_561 = arith.mulf %gather3A_560, %mul3A_154 : vector<16xf32>
      %add3A_562 = arith.addf %mul3A_180, %mul3A_561 : vector<16xf32>
      %add3A_563 = arith.constant 15 : i32
      %add3A_564 = arith.addi %mul3A_473, %add3A_563 : i32
      %add3A_565 = vector.broadcast %add3A_564 : i32 to vector<16xi32>
      %add3A_566 = arith.addi %mul3A_183, %add3A_565 : vector<16xi32>
      %gather3A_567 = tpu.vector_load_idx %arg11[%add3A_566] : memref<34816xf32, #tpu.memory_space<vmem>>[vector<16xi32>], vector<16xf32>,
      %mul3A_568 = arith.mulf %gather3A_567, %mul3A_165 : vector<16xf32>
      %add3A_569 = arith.addf %add3A_562, %mul3A_568 : vector<16xf32>
      %add3A_570 = arith.constant 16 : i32
      %add3A_571 = arith.addi %mul3A_473, %add3A_570 : i32
      %add3A_572 = vector.broadcast %add3A_571 : i32 to vector<16xi32>
      %add3A_573 = arith.addi %mul3A_183, %add3A_572 : vector<16xi32>
      %gather3A_574 = tpu.vector_load_idx %arg11[%add3A_573] : memref<34816xf32, #tpu.memory_space<vmem>>[vector<16xi32>], vector<16xf32>,
      %mul3A_575 = arith.mulf %gather3A_574, %mul3A_176 : vector<16xf32>
      %add3A_576 = arith.addf %add3A_569, %mul3A_575 : vector<16xf32>
      %add3A_577 = arith.constant 14 : i32
      %add3A_578 = arith.addi %mul3A_473, %add3A_577 : i32
      %add3A_579 = vector.broadcast %add3A_578 : i32 to vector<16xi32>
      %add3A_580 = arith.addi %mul3A_183, %add3A_579 : vector<16xi32>
      tpu.vector_store_idx %arg11[%add3A_580], %add3A_576 : memref<34816xf32, #tpu.memory_space<vmem>>[vector<16xi32>], vector<16xf32>,
    }
    %scan3A_360 = arith.constant 128 : i32
    %add3A_361 = arith.constant 313344 : i32
    %add3A_362 = arith.addi %mul3A_185, %add3A_361 : i32
    %dma_start3A_363 = tpu.memref_slice %arg6[%add3A_362] : memref<17825792xf32, #tpu.memory_space<hbm>> -> memref<34816xf32, #tpu.memory_space<hbm>>
    %dma_start3A_364 = tpu.memref_slice %arg6[%add3A_362] : memref<17825792xf32, #tpu.memory_space<hbm>> -> memref<34816xf32, #tpu.memory_space<hbm>>
    tpu.enqueue_dma source(%arg11 : memref<34816xf32, #tpu.memory_space<vmem>>) target(%dma_start3A_364 : memref<34816xf32, #tpu.memory_space<hbm>>) target_semaphore(%arg15 : memref<!tpu.dma_semaphore, #tpu.memory_space<semaphore_mem>>)
    %dma_wait3A_365 = tpu.memref_slice %arg6[%add3A_362] : memref<17825792xf32, #tpu.memory_space<hbm>> -> memref<34816xf32, #tpu.memory_space<hbm>>
    %dma_wait3A_366 = tpu.memref_slice %arg6[%add3A_362] : memref<17825792xf32, #tpu.memory_space<hbm>> -> memref<34816xf32, #tpu.memory_space<hbm>>
    tpu.wait_dma2 semaphore(%arg15 : memref<!tpu.dma_semaphore, #tpu.memory_space<semaphore_mem>>) src(%arg11 : memref<34816xf32, #tpu.memory_space<vmem>>) dst(%dma_wait3A_366 : memref<34816xf32, #tpu.memory_space<hbm>>)
    %add3A_367 = arith.constant 382976 : i32
    %add3A_368 = arith.addi %mul3A_185, %add3A_367 : i32
    %dma_start3A_369 = tpu.memref_slice %arg2[%add3A_368] : memref<17825792xf32, #tpu.memory_space<hbm>> -> memref<34816xf32, #tpu.memory_space<hbm>>
    %dma_start3A_370 = tpu.memref_slice %arg2[%add3A_368] : memref<17825792xf32, #tpu.memory_space<hbm>> -> memref<34816xf32, #tpu.memory_space<hbm>>
    tpu.enqueue_dma source(%dma_start3A_370 : memref<34816xf32, #tpu.memory_space<hbm>>) target(%arg11 : memref<34816xf32, #tpu.memory_space<vmem>>) target_semaphore(%arg13 : memref<!tpu.dma_semaphore, #tpu.memory_space<semaphore_mem>>)
    %dma_wait3A_371 = tpu.memref_slice %arg2[%add3A_350] : memref<17825792xf32, #tpu.memory_space<hbm>> -> memref<34816xf32, #tpu.memory_space<hbm>>
    %dma_wait3A_372 = tpu.memref_slice %arg2[%add3A_350] : memref<17825792xf32, #tpu.memory_space<hbm>> -> memref<34816xf32, #tpu.memory_space<hbm>>
    tpu.wait_dma2 semaphore(%arg12 : memref<!tpu.dma_semaphore, #tpu.memory_space<semaphore_mem>>) src(%dma_wait3A_372 : memref<34816xf32, #tpu.memory_space<hbm>>) dst(%arg10 : memref<34816xf32, #tpu.memory_space<vmem>>)
    %scan3A_373 = arith.constant 0 : i32
    %scan3A_374 = arith.constant 0 : i32
    %scan3A_375 = arith.constant 128 : i32
    %scan3A_376 = arith.addi %scan3A_374, %scan3A_375 : i32
    %scan3A_377 = arith.constant 1 : i32
    scf.for %scan3A_471 = %scan3A_374 to %scan3A_376 step %scan3A_377  : i32 {
      %mul3A_472 = arith.constant 272 : i32
      %mul3A_473 = arith.muli %scan3A_471, %mul3A_472 : i32
      %add3A_474 = arith.constant 0 : i32
      %add3A_475 = arith.addi %mul3A_473, %add3A_474 : i32
      %add3A_476 = vector.broadcast %add3A_475 : i32 to vector<16xi32>
      %add3A_477 = arith.addi %mul3A_183, %add3A_476 : vector<16xi32>
      %gather3A_478 = tpu.vector_load_idx %arg10[%add3A_477] : memref<34816xf32, #tpu.memory_space<vmem>>[vector<16xi32>], vector<16xf32>,
      %mul3A_479 = arith.mulf %gather3A_478, %mul3A_14 : vector<16xf32>
      %add3A_480 = arith.addf %mul3A_51, %mul3A_479 : vector<16xf32>
      %add3A_481 = arith.constant 1 : i32
      %add3A_482 = arith.addi %mul3A_473, %add3A_481 : i32
      %add3A_483 = vector.broadcast %add3A_482 : i32 to vector<16xi32>
      %add3A_484 = arith.addi %mul3A_183, %add3A_483 : vector<16xi32>
      %gather3A_485 = tpu.vector_load_idx %arg10[%add3A_484] : memref<34816xf32, #tpu.memory_space<vmem>>[vector<16xi32>], vector<16xf32>,
      %mul3A_486 = arith.mulf %gather3A_485, %mul3A_25 : vector<16xf32>
      %add3A_487 = arith.addf %add3A_480, %mul3A_486 : vector<16xf32>
      %add3A_488 = arith.constant 3 : i32
      %add3A_489 = arith.addi %mul3A_473, %add3A_488 : i32
      %add3A_490 = vector.broadcast %add3A_489 : i32 to vector<16xi32>
      %add3A_491 = arith.addi %mul3A_183, %add3A_490 : vector<16xi32>
      %gather3A_492 = tpu.vector_load_idx %arg10[%add3A_491] : memref<34816xf32, #tpu.memory_space<vmem>>[vector<16xi32>], vector<16xf32>,
      %mul3A_493 = arith.mulf %gather3A_492, %mul3A_36 : vector<16xf32>
      %add3A_494 = arith.addf %add3A_487, %mul3A_493 : vector<16xf32>
      %add3A_495 = arith.constant 4 : i32
      %add3A_496 = arith.addi %mul3A_473, %add3A_495 : i32
      %add3A_497 = vector.broadcast %add3A_496 : i32 to vector<16xi32>
      %add3A_498 = arith.addi %mul3A_183, %add3A_497 : vector<16xi32>
      %gather3A_499 = tpu.vector_load_idx %arg10[%add3A_498] : memref<34816xf32, #tpu.memory_space<vmem>>[vector<16xi32>], vector<16xf32>,
      %mul3A_500 = arith.mulf %gather3A_499, %mul3A_47 : vector<16xf32>
      %add3A_501 = arith.addf %add3A_494, %mul3A_500 : vector<16xf32>
      %add3A_502 = arith.constant 2 : i32
      %add3A_503 = arith.addi %mul3A_473, %add3A_502 : i32
      %add3A_504 = vector.broadcast %add3A_503 : i32 to vector<16xi32>
      %add3A_505 = arith.addi %mul3A_183, %add3A_504 : vector<16xi32>
      tpu.vector_store_idx %arg10[%add3A_505], %add3A_501 : memref<34816xf32, #tpu.memory_space<vmem>>[vector<16xi32>], vector<16xf32>,
      %add3A_506 = arith.constant 5 : i32
      %add3A_507 = arith.addi %mul3A_473, %add3A_506 : i32
      %add3A_508 = vector.broadcast %add3A_507 : i32 to vector<16xi32>
      %add3A_509 = arith.addi %mul3A_183, %add3A_508 : vector<16xi32>
      %gather3A_510 = tpu.vector_load_idx %arg10[%add3A_509] : memref<34816xf32, #tpu.memory_space<vmem>>[vector<16xi32>], vector<16xf32>,
      %mul3A_511 = arith.mulf %gather3A_510, %mul3A_68 : vector<16xf32>
      %add3A_512 = arith.addf %mul3A_94, %mul3A_511 : vector<16xf32>
      %add3A_513 = arith.constant 7 : i32
      %add3A_514 = arith.addi %mul3A_473, %add3A_513 : i32
      %add3A_515 = vector.broadcast %add3A_514 : i32 to vector<16xi32>
      %add3A_516 = arith.addi %mul3A_183, %add3A_515 : vector<16xi32>
      %gather3A_517 = tpu.vector_load_idx %arg10[%add3A_516] : memref<34816xf32, #tpu.memory_space<vmem>>[vector<16xi32>], vector<16xf32>,
      %mul3A_518 = arith.mulf %gather3A_517, %mul3A_79 : vector<16xf32>
      %add3A_519 = arith.addf %add3A_512, %mul3A_518 : vector<16xf32>
      %add3A_520 = arith.constant 8 : i32
      %add3A_521 = arith.addi %mul3A_473, %add3A_520 : i32
      %add3A_522 = vector.broadcast %add3A_521 : i32 to vector<16xi32>
      %add3A_523 = arith.addi %mul3A_183, %add3A_522 : vector<16xi32>
      %gather3A_524 = tpu.vector_load_idx %arg10[%add3A_523] : memref<34816xf32, #tpu.memory_space<vmem>>[vector<16xi32>], vector<16xf32>,
      %mul3A_525 = arith.mulf %gather3A_524, %mul3A_90 : vector<16xf32>
      %add3A_526 = arith.addf %add3A_519, %mul3A_525 : vector<16xf32>
      %add3A_527 = arith.constant 6 : i32
      %add3A_528 = arith.addi %mul3A_473, %add3A_527 : i32
      %add3A_529 = vector.broadcast %add3A_528 : i32 to vector<16xi32>
      %add3A_530 = arith.addi %mul3A_183, %add3A_529 : vector<16xi32>
      tpu.vector_store_idx %arg10[%add3A_530], %add3A_526 : memref<34816xf32, #tpu.memory_space<vmem>>[vector<16xi32>], vector<16xf32>,
      %add3A_531 = arith.constant 9 : i32
      %add3A_532 = arith.addi %mul3A_473, %add3A_531 : i32
      %add3A_533 = vector.broadcast %add3A_532 : i32 to vector<16xi32>
      %add3A_534 = arith.addi %mul3A_183, %add3A_533 : vector<16xi32>
      %gather3A_535 = tpu.vector_load_idx %arg10[%add3A_534] : memref<34816xf32, #tpu.memory_space<vmem>>[vector<16xi32>], vector<16xf32>,
      %mul3A_536 = arith.mulf %gather3A_535, %mul3A_111 : vector<16xf32>
      %add3A_537 = arith.addf %mul3A_137, %mul3A_536 : vector<16xf32>
      %add3A_538 = arith.constant 11 : i32
      %add3A_539 = arith.addi %mul3A_473, %add3A_538 : i32
      %add3A_540 = vector.broadcast %add3A_539 : i32 to vector<16xi32>
      %add3A_541 = arith.addi %mul3A_183, %add3A_540 : vector<16xi32>
      %gather3A_542 = tpu.vector_load_idx %arg10[%add3A_541] : memref<34816xf32, #tpu.memory_space<vmem>>[vector<16xi32>], vector<16xf32>,
      %mul3A_543 = arith.mulf %gather3A_542, %mul3A_122 : vector<16xf32>
      %add3A_544 = arith.addf %add3A_537, %mul3A_543 : vector<16xf32>
      %add3A_545 = arith.constant 12 : i32
      %add3A_546 = arith.addi %mul3A_473, %add3A_545 : i32
      %add3A_547 = vector.broadcast %add3A_546 : i32 to vector<16xi32>
      %add3A_548 = arith.addi %mul3A_183, %add3A_547 : vector<16xi32>
      %gather3A_549 = tpu.vector_load_idx %arg10[%add3A_548] : memref<34816xf32, #tpu.memory_space<vmem>>[vector<16xi32>], vector<16xf32>,
      %mul3A_550 = arith.mulf %gather3A_549, %mul3A_133 : vector<16xf32>
      %add3A_551 = arith.addf %add3A_544, %mul3A_550 : vector<16xf32>
      %add3A_552 = arith.constant 10 : i32
      %add3A_553 = arith.addi %mul3A_473, %add3A_552 : i32
      %add3A_554 = vector.broadcast %add3A_553 : i32 to vector<16xi32>
      %add3A_555 = arith.addi %mul3A_183, %add3A_554 : vector<16xi32>
      tpu.vector_store_idx %arg10[%add3A_555], %add3A_551 : memref<34816xf32, #tpu.memory_space<vmem>>[vector<16xi32>], vector<16xf32>,
      %add3A_556 = arith.constant 13 : i32
      %add3A_557 = arith.addi %mul3A_473, %add3A_556 : i32
      %add3A_558 = vector.broadcast %add3A_557 : i32 to vector<16xi32>
      %add3A_559 = arith.addi %mul3A_183, %add3A_558 : vector<16xi32>
      %gather3A_560 = tpu.vector_load_idx %arg10[%add3A_559] : memref<34816xf32, #tpu.memory_space<vmem>>[vector<16xi32>], vector<16xf32>,
      %mul3A_561 = arith.mulf %gather3A_560, %mul3A_154 : vector<16xf32>
      %add3A_562 = arith.addf %mul3A_180, %mul3A_561 : vector<16xf32>
      %add3A_563 = arith.constant 15 : i32
      %add3A_564 = arith.addi %mul3A_473, %add3A_563 : i32
      %add3A_565 = vector.broadcast %add3A_564 : i32 to vector<16xi32>
      %add3A_566 = arith.addi %mul3A_183, %add3A_565 : vector<16xi32>
      %gather3A_567 = tpu.vector_load_idx %arg10[%add3A_566] : memref<34816xf32, #tpu.memory_space<vmem>>[vector<16xi32>], vector<16xf32>,
      %mul3A_568 = arith.mulf %gather3A_567, %mul3A_165 : vector<16xf32>
      %add3A_569 = arith.addf %add3A_562, %mul3A_568 : vector<16xf32>
      %add3A_570 = arith.constant 16 : i32
      %add3A_571 = arith.addi %mul3A_473, %add3A_570 : i32
      %add3A_572 = vector.broadcast %add3A_571 : i32 to vector<16xi32>
      %add3A_573 = arith.addi %mul3A_183, %add3A_572 : vector<16xi32>
      %gather3A_574 = tpu.vector_load_idx %arg10[%add3A_573] : memref<34816xf32, #tpu.memory_space<vmem>>[vector<16xi32>], vector<16xf32>,
      %mul3A_575 = arith.mulf %gather3A_574, %mul3A_176 : vector<16xf32>
      %add3A_576 = arith.addf %add3A_569, %mul3A_575 : vector<16xf32>
      %add3A_577 = arith.constant 14 : i32
      %add3A_578 = arith.addi %mul3A_473, %add3A_577 : i32
      %add3A_579 = vector.broadcast %add3A_578 : i32 to vector<16xi32>
      %add3A_580 = arith.addi %mul3A_183, %add3A_579 : vector<16xi32>
      tpu.vector_store_idx %arg10[%add3A_580], %add3A_576 : memref<34816xf32, #tpu.memory_space<vmem>>[vector<16xi32>], vector<16xf32>,
    }
    %scan3A_378 = arith.constant 128 : i32
    %add3A_379 = arith.constant 348160 : i32
    %add3A_380 = arith.addi %mul3A_185, %add3A_379 : i32
    %dma_start3A_381 = tpu.memref_slice %arg6[%add3A_380] : memref<17825792xf32, #tpu.memory_space<hbm>> -> memref<34816xf32, #tpu.memory_space<hbm>>
    %dma_start3A_382 = tpu.memref_slice %arg6[%add3A_380] : memref<17825792xf32, #tpu.memory_space<hbm>> -> memref<34816xf32, #tpu.memory_space<hbm>>
    tpu.enqueue_dma source(%arg10 : memref<34816xf32, #tpu.memory_space<vmem>>) target(%dma_start3A_382 : memref<34816xf32, #tpu.memory_space<hbm>>) target_semaphore(%arg14 : memref<!tpu.dma_semaphore, #tpu.memory_space<semaphore_mem>>)
    %dma_wait3A_383 = tpu.memref_slice %arg6[%add3A_380] : memref<17825792xf32, #tpu.memory_space<hbm>> -> memref<34816xf32, #tpu.memory_space<hbm>>
    %dma_wait3A_384 = tpu.memref_slice %arg6[%add3A_380] : memref<17825792xf32, #tpu.memory_space<hbm>> -> memref<34816xf32, #tpu.memory_space<hbm>>
    tpu.wait_dma2 semaphore(%arg14 : memref<!tpu.dma_semaphore, #tpu.memory_space<semaphore_mem>>) src(%arg10 : memref<34816xf32, #tpu.memory_space<vmem>>) dst(%dma_wait3A_384 : memref<34816xf32, #tpu.memory_space<hbm>>)
    %add3A_385 = arith.constant 417792 : i32
    %add3A_386 = arith.addi %mul3A_185, %add3A_385 : i32
    %dma_start3A_387 = tpu.memref_slice %arg2[%add3A_386] : memref<17825792xf32, #tpu.memory_space<hbm>> -> memref<34816xf32, #tpu.memory_space<hbm>>
    %dma_start3A_388 = tpu.memref_slice %arg2[%add3A_386] : memref<17825792xf32, #tpu.memory_space<hbm>> -> memref<34816xf32, #tpu.memory_space<hbm>>
    tpu.enqueue_dma source(%dma_start3A_388 : memref<34816xf32, #tpu.memory_space<hbm>>) target(%arg10 : memref<34816xf32, #tpu.memory_space<vmem>>) target_semaphore(%arg12 : memref<!tpu.dma_semaphore, #tpu.memory_space<semaphore_mem>>)
    %dma_wait3A_389 = tpu.memref_slice %arg2[%add3A_368] : memref<17825792xf32, #tpu.memory_space<hbm>> -> memref<34816xf32, #tpu.memory_space<hbm>>
    %dma_wait3A_390 = tpu.memref_slice %arg2[%add3A_368] : memref<17825792xf32, #tpu.memory_space<hbm>> -> memref<34816xf32, #tpu.memory_space<hbm>>
    tpu.wait_dma2 semaphore(%arg13 : memref<!tpu.dma_semaphore, #tpu.memory_space<semaphore_mem>>) src(%dma_wait3A_390 : memref<34816xf32, #tpu.memory_space<hbm>>) dst(%arg11 : memref<34816xf32, #tpu.memory_space<vmem>>)
    %scan3A_391 = arith.constant 0 : i32
    %scan3A_392 = arith.constant 0 : i32
    %scan3A_393 = arith.constant 128 : i32
    %scan3A_394 = arith.addi %scan3A_392, %scan3A_393 : i32
    %scan3A_395 = arith.constant 1 : i32
    scf.for %scan3A_471 = %scan3A_392 to %scan3A_394 step %scan3A_395  : i32 {
      %mul3A_472 = arith.constant 272 : i32
      %mul3A_473 = arith.muli %scan3A_471, %mul3A_472 : i32
      %add3A_474 = arith.constant 0 : i32
      %add3A_475 = arith.addi %mul3A_473, %add3A_474 : i32
      %add3A_476 = vector.broadcast %add3A_475 : i32 to vector<16xi32>
      %add3A_477 = arith.addi %mul3A_183, %add3A_476 : vector<16xi32>
      %gather3A_478 = tpu.vector_load_idx %arg11[%add3A_477] : memref<34816xf32, #tpu.memory_space<vmem>>[vector<16xi32>], vector<16xf32>,
      %mul3A_479 = arith.mulf %gather3A_478, %mul3A_14 : vector<16xf32>
      %add3A_480 = arith.addf %mul3A_51, %mul3A_479 : vector<16xf32>
      %add3A_481 = arith.constant 1 : i32
      %add3A_482 = arith.addi %mul3A_473, %add3A_481 : i32
      %add3A_483 = vector.broadcast %add3A_482 : i32 to vector<16xi32>
      %add3A_484 = arith.addi %mul3A_183, %add3A_483 : vector<16xi32>
      %gather3A_485 = tpu.vector_load_idx %arg11[%add3A_484] : memref<34816xf32, #tpu.memory_space<vmem>>[vector<16xi32>], vector<16xf32>,
      %mul3A_486 = arith.mulf %gather3A_485, %mul3A_25 : vector<16xf32>
      %add3A_487 = arith.addf %add3A_480, %mul3A_486 : vector<16xf32>
      %add3A_488 = arith.constant 3 : i32
      %add3A_489 = arith.addi %mul3A_473, %add3A_488 : i32
      %add3A_490 = vector.broadcast %add3A_489 : i32 to vector<16xi32>
      %add3A_491 = arith.addi %mul3A_183, %add3A_490 : vector<16xi32>
      %gather3A_492 = tpu.vector_load_idx %arg11[%add3A_491] : memref<34816xf32, #tpu.memory_space<vmem>>[vector<16xi32>], vector<16xf32>,
      %mul3A_493 = arith.mulf %gather3A_492, %mul3A_36 : vector<16xf32>
      %add3A_494 = arith.addf %add3A_487, %mul3A_493 : vector<16xf32>
      %add3A_495 = arith.constant 4 : i32
      %add3A_496 = arith.addi %mul3A_473, %add3A_495 : i32
      %add3A_497 = vector.broadcast %add3A_496 : i32 to vector<16xi32>
      %add3A_498 = arith.addi %mul3A_183, %add3A_497 : vector<16xi32>
      %gather3A_499 = tpu.vector_load_idx %arg11[%add3A_498] : memref<34816xf32, #tpu.memory_space<vmem>>[vector<16xi32>], vector<16xf32>,
      %mul3A_500 = arith.mulf %gather3A_499, %mul3A_47 : vector<16xf32>
      %add3A_501 = arith.addf %add3A_494, %mul3A_500 : vector<16xf32>
      %add3A_502 = arith.constant 2 : i32
      %add3A_503 = arith.addi %mul3A_473, %add3A_502 : i32
      %add3A_504 = vector.broadcast %add3A_503 : i32 to vector<16xi32>
      %add3A_505 = arith.addi %mul3A_183, %add3A_504 : vector<16xi32>
      tpu.vector_store_idx %arg11[%add3A_505], %add3A_501 : memref<34816xf32, #tpu.memory_space<vmem>>[vector<16xi32>], vector<16xf32>,
      %add3A_506 = arith.constant 5 : i32
      %add3A_507 = arith.addi %mul3A_473, %add3A_506 : i32
      %add3A_508 = vector.broadcast %add3A_507 : i32 to vector<16xi32>
      %add3A_509 = arith.addi %mul3A_183, %add3A_508 : vector<16xi32>
      %gather3A_510 = tpu.vector_load_idx %arg11[%add3A_509] : memref<34816xf32, #tpu.memory_space<vmem>>[vector<16xi32>], vector<16xf32>,
      %mul3A_511 = arith.mulf %gather3A_510, %mul3A_68 : vector<16xf32>
      %add3A_512 = arith.addf %mul3A_94, %mul3A_511 : vector<16xf32>
      %add3A_513 = arith.constant 7 : i32
      %add3A_514 = arith.addi %mul3A_473, %add3A_513 : i32
      %add3A_515 = vector.broadcast %add3A_514 : i32 to vector<16xi32>
      %add3A_516 = arith.addi %mul3A_183, %add3A_515 : vector<16xi32>
      %gather3A_517 = tpu.vector_load_idx %arg11[%add3A_516] : memref<34816xf32, #tpu.memory_space<vmem>>[vector<16xi32>], vector<16xf32>,
      %mul3A_518 = arith.mulf %gather3A_517, %mul3A_79 : vector<16xf32>
      %add3A_519 = arith.addf %add3A_512, %mul3A_518 : vector<16xf32>
      %add3A_520 = arith.constant 8 : i32
      %add3A_521 = arith.addi %mul3A_473, %add3A_520 : i32
      %add3A_522 = vector.broadcast %add3A_521 : i32 to vector<16xi32>
      %add3A_523 = arith.addi %mul3A_183, %add3A_522 : vector<16xi32>
      %gather3A_524 = tpu.vector_load_idx %arg11[%add3A_523] : memref<34816xf32, #tpu.memory_space<vmem>>[vector<16xi32>], vector<16xf32>,
      %mul3A_525 = arith.mulf %gather3A_524, %mul3A_90 : vector<16xf32>
      %add3A_526 = arith.addf %add3A_519, %mul3A_525 : vector<16xf32>
      %add3A_527 = arith.constant 6 : i32
      %add3A_528 = arith.addi %mul3A_473, %add3A_527 : i32
      %add3A_529 = vector.broadcast %add3A_528 : i32 to vector<16xi32>
      %add3A_530 = arith.addi %mul3A_183, %add3A_529 : vector<16xi32>
      tpu.vector_store_idx %arg11[%add3A_530], %add3A_526 : memref<34816xf32, #tpu.memory_space<vmem>>[vector<16xi32>], vector<16xf32>,
      %add3A_531 = arith.constant 9 : i32
      %add3A_532 = arith.addi %mul3A_473, %add3A_531 : i32
      %add3A_533 = vector.broadcast %add3A_532 : i32 to vector<16xi32>
      %add3A_534 = arith.addi %mul3A_183, %add3A_533 : vector<16xi32>
      %gather3A_535 = tpu.vector_load_idx %arg11[%add3A_534] : memref<34816xf32, #tpu.memory_space<vmem>>[vector<16xi32>], vector<16xf32>,
      %mul3A_536 = arith.mulf %gather3A_535, %mul3A_111 : vector<16xf32>
      %add3A_537 = arith.addf %mul3A_137, %mul3A_536 : vector<16xf32>
      %add3A_538 = arith.constant 11 : i32
      %add3A_539 = arith.addi %mul3A_473, %add3A_538 : i32
      %add3A_540 = vector.broadcast %add3A_539 : i32 to vector<16xi32>
      %add3A_541 = arith.addi %mul3A_183, %add3A_540 : vector<16xi32>
      %gather3A_542 = tpu.vector_load_idx %arg11[%add3A_541] : memref<34816xf32, #tpu.memory_space<vmem>>[vector<16xi32>], vector<16xf32>,
      %mul3A_543 = arith.mulf %gather3A_542, %mul3A_122 : vector<16xf32>
      %add3A_544 = arith.addf %add3A_537, %mul3A_543 : vector<16xf32>
      %add3A_545 = arith.constant 12 : i32
      %add3A_546 = arith.addi %mul3A_473, %add3A_545 : i32
      %add3A_547 = vector.broadcast %add3A_546 : i32 to vector<16xi32>
      %add3A_548 = arith.addi %mul3A_183, %add3A_547 : vector<16xi32>
      %gather3A_549 = tpu.vector_load_idx %arg11[%add3A_548] : memref<34816xf32, #tpu.memory_space<vmem>>[vector<16xi32>], vector<16xf32>,
      %mul3A_550 = arith.mulf %gather3A_549, %mul3A_133 : vector<16xf32>
      %add3A_551 = arith.addf %add3A_544, %mul3A_550 : vector<16xf32>
      %add3A_552 = arith.constant 10 : i32
      %add3A_553 = arith.addi %mul3A_473, %add3A_552 : i32
      %add3A_554 = vector.broadcast %add3A_553 : i32 to vector<16xi32>
      %add3A_555 = arith.addi %mul3A_183, %add3A_554 : vector<16xi32>
      tpu.vector_store_idx %arg11[%add3A_555], %add3A_551 : memref<34816xf32, #tpu.memory_space<vmem>>[vector<16xi32>], vector<16xf32>,
      %add3A_556 = arith.constant 13 : i32
      %add3A_557 = arith.addi %mul3A_473, %add3A_556 : i32
      %add3A_558 = vector.broadcast %add3A_557 : i32 to vector<16xi32>
      %add3A_559 = arith.addi %mul3A_183, %add3A_558 : vector<16xi32>
      %gather3A_560 = tpu.vector_load_idx %arg11[%add3A_559] : memref<34816xf32, #tpu.memory_space<vmem>>[vector<16xi32>], vector<16xf32>,
      %mul3A_561 = arith.mulf %gather3A_560, %mul3A_154 : vector<16xf32>
      %add3A_562 = arith.addf %mul3A_180, %mul3A_561 : vector<16xf32>
      %add3A_563 = arith.constant 15 : i32
      %add3A_564 = arith.addi %mul3A_473, %add3A_563 : i32
      %add3A_565 = vector.broadcast %add3A_564 : i32 to vector<16xi32>
      %add3A_566 = arith.addi %mul3A_183, %add3A_565 : vector<16xi32>
      %gather3A_567 = tpu.vector_load_idx %arg11[%add3A_566] : memref<34816xf32, #tpu.memory_space<vmem>>[vector<16xi32>], vector<16xf32>,
      %mul3A_568 = arith.mulf %gather3A_567, %mul3A_165 : vector<16xf32>
      %add3A_569 = arith.addf %add3A_562, %mul3A_568 : vector<16xf32>
      %add3A_570 = arith.constant 16 : i32
      %add3A_571 = arith.addi %mul3A_473, %add3A_570 : i32
      %add3A_572 = vector.broadcast %add3A_571 : i32 to vector<16xi32>
      %add3A_573 = arith.addi %mul3A_183, %add3A_572 : vector<16xi32>
      %gather3A_574 = tpu.vector_load_idx %arg11[%add3A_573] : memref<34816xf32, #tpu.memory_space<vmem>>[vector<16xi32>], vector<16xf32>,
      %mul3A_575 = arith.mulf %gather3A_574, %mul3A_176 : vector<16xf32>
      %add3A_576 = arith.addf %add3A_569, %mul3A_575 : vector<16xf32>
      %add3A_577 = arith.constant 14 : i32
      %add3A_578 = arith.addi %mul3A_473, %add3A_577 : i32
      %add3A_579 = vector.broadcast %add3A_578 : i32 to vector<16xi32>
      %add3A_580 = arith.addi %mul3A_183, %add3A_579 : vector<16xi32>
      tpu.vector_store_idx %arg11[%add3A_580], %add3A_576 : memref<34816xf32, #tpu.memory_space<vmem>>[vector<16xi32>], vector<16xf32>,
    }
    %scan3A_396 = arith.constant 128 : i32
    %add3A_397 = arith.constant 382976 : i32
    %add3A_398 = arith.addi %mul3A_185, %add3A_397 : i32
    %dma_start3A_399 = tpu.memref_slice %arg6[%add3A_398] : memref<17825792xf32, #tpu.memory_space<hbm>> -> memref<34816xf32, #tpu.memory_space<hbm>>
    %dma_start3A_400 = tpu.memref_slice %arg6[%add3A_398] : memref<17825792xf32, #tpu.memory_space<hbm>> -> memref<34816xf32, #tpu.memory_space<hbm>>
    tpu.enqueue_dma source(%arg11 : memref<34816xf32, #tpu.memory_space<vmem>>) target(%dma_start3A_400 : memref<34816xf32, #tpu.memory_space<hbm>>) target_semaphore(%arg15 : memref<!tpu.dma_semaphore, #tpu.memory_space<semaphore_mem>>)
    %dma_wait3A_401 = tpu.memref_slice %arg6[%add3A_398] : memref<17825792xf32, #tpu.memory_space<hbm>> -> memref<34816xf32, #tpu.memory_space<hbm>>
    %dma_wait3A_402 = tpu.memref_slice %arg6[%add3A_398] : memref<17825792xf32, #tpu.memory_space<hbm>> -> memref<34816xf32, #tpu.memory_space<hbm>>
    tpu.wait_dma2 semaphore(%arg15 : memref<!tpu.dma_semaphore, #tpu.memory_space<semaphore_mem>>) src(%arg11 : memref<34816xf32, #tpu.memory_space<vmem>>) dst(%dma_wait3A_402 : memref<34816xf32, #tpu.memory_space<hbm>>)
    %add3A_403 = arith.constant 452608 : i32
    %add3A_404 = arith.addi %mul3A_185, %add3A_403 : i32
    %dma_start3A_405 = tpu.memref_slice %arg2[%add3A_404] : memref<17825792xf32, #tpu.memory_space<hbm>> -> memref<34816xf32, #tpu.memory_space<hbm>>
    %dma_start3A_406 = tpu.memref_slice %arg2[%add3A_404] : memref<17825792xf32, #tpu.memory_space<hbm>> -> memref<34816xf32, #tpu.memory_space<hbm>>
    tpu.enqueue_dma source(%dma_start3A_406 : memref<34816xf32, #tpu.memory_space<hbm>>) target(%arg11 : memref<34816xf32, #tpu.memory_space<vmem>>) target_semaphore(%arg13 : memref<!tpu.dma_semaphore, #tpu.memory_space<semaphore_mem>>)
    %dma_wait3A_407 = tpu.memref_slice %arg2[%add3A_386] : memref<17825792xf32, #tpu.memory_space<hbm>> -> memref<34816xf32, #tpu.memory_space<hbm>>
    %dma_wait3A_408 = tpu.memref_slice %arg2[%add3A_386] : memref<17825792xf32, #tpu.memory_space<hbm>> -> memref<34816xf32, #tpu.memory_space<hbm>>
    tpu.wait_dma2 semaphore(%arg12 : memref<!tpu.dma_semaphore, #tpu.memory_space<semaphore_mem>>) src(%dma_wait3A_408 : memref<34816xf32, #tpu.memory_space<hbm>>) dst(%arg10 : memref<34816xf32, #tpu.memory_space<vmem>>)
    %scan3A_409 = arith.constant 0 : i32
    %scan3A_410 = arith.constant 0 : i32
    %scan3A_411 = arith.constant 128 : i32
    %scan3A_412 = arith.addi %scan3A_410, %scan3A_411 : i32
    %scan3A_413 = arith.constant 1 : i32
    scf.for %scan3A_471 = %scan3A_410 to %scan3A_412 step %scan3A_413  : i32 {
      %mul3A_472 = arith.constant 272 : i32
      %mul3A_473 = arith.muli %scan3A_471, %mul3A_472 : i32
      %add3A_474 = arith.constant 0 : i32
      %add3A_475 = arith.addi %mul3A_473, %add3A_474 : i32
      %add3A_476 = vector.broadcast %add3A_475 : i32 to vector<16xi32>
      %add3A_477 = arith.addi %mul3A_183, %add3A_476 : vector<16xi32>
      %gather3A_478 = tpu.vector_load_idx %arg10[%add3A_477] : memref<34816xf32, #tpu.memory_space<vmem>>[vector<16xi32>], vector<16xf32>,
      %mul3A_479 = arith.mulf %gather3A_478, %mul3A_14 : vector<16xf32>
      %add3A_480 = arith.addf %mul3A_51, %mul3A_479 : vector<16xf32>
      %add3A_481 = arith.constant 1 : i32
      %add3A_482 = arith.addi %mul3A_473, %add3A_481 : i32
      %add3A_483 = vector.broadcast %add3A_482 : i32 to vector<16xi32>
      %add3A_484 = arith.addi %mul3A_183, %add3A_483 : vector<16xi32>
      %gather3A_485 = tpu.vector_load_idx %arg10[%add3A_484] : memref<34816xf32, #tpu.memory_space<vmem>>[vector<16xi32>], vector<16xf32>,
      %mul3A_486 = arith.mulf %gather3A_485, %mul3A_25 : vector<16xf32>
      %add3A_487 = arith.addf %add3A_480, %mul3A_486 : vector<16xf32>
      %add3A_488 = arith.constant 3 : i32
      %add3A_489 = arith.addi %mul3A_473, %add3A_488 : i32
      %add3A_490 = vector.broadcast %add3A_489 : i32 to vector<16xi32>
      %add3A_491 = arith.addi %mul3A_183, %add3A_490 : vector<16xi32>
      %gather3A_492 = tpu.vector_load_idx %arg10[%add3A_491] : memref<34816xf32, #tpu.memory_space<vmem>>[vector<16xi32>], vector<16xf32>,
      %mul3A_493 = arith.mulf %gather3A_492, %mul3A_36 : vector<16xf32>
      %add3A_494 = arith.addf %add3A_487, %mul3A_493 : vector<16xf32>
      %add3A_495 = arith.constant 4 : i32
      %add3A_496 = arith.addi %mul3A_473, %add3A_495 : i32
      %add3A_497 = vector.broadcast %add3A_496 : i32 to vector<16xi32>
      %add3A_498 = arith.addi %mul3A_183, %add3A_497 : vector<16xi32>
      %gather3A_499 = tpu.vector_load_idx %arg10[%add3A_498] : memref<34816xf32, #tpu.memory_space<vmem>>[vector<16xi32>], vector<16xf32>,
      %mul3A_500 = arith.mulf %gather3A_499, %mul3A_47 : vector<16xf32>
      %add3A_501 = arith.addf %add3A_494, %mul3A_500 : vector<16xf32>
      %add3A_502 = arith.constant 2 : i32
      %add3A_503 = arith.addi %mul3A_473, %add3A_502 : i32
      %add3A_504 = vector.broadcast %add3A_503 : i32 to vector<16xi32>
      %add3A_505 = arith.addi %mul3A_183, %add3A_504 : vector<16xi32>
      tpu.vector_store_idx %arg10[%add3A_505], %add3A_501 : memref<34816xf32, #tpu.memory_space<vmem>>[vector<16xi32>], vector<16xf32>,
      %add3A_506 = arith.constant 5 : i32
      %add3A_507 = arith.addi %mul3A_473, %add3A_506 : i32
      %add3A_508 = vector.broadcast %add3A_507 : i32 to vector<16xi32>
      %add3A_509 = arith.addi %mul3A_183, %add3A_508 : vector<16xi32>
      %gather3A_510 = tpu.vector_load_idx %arg10[%add3A_509] : memref<34816xf32, #tpu.memory_space<vmem>>[vector<16xi32>], vector<16xf32>,
      %mul3A_511 = arith.mulf %gather3A_510, %mul3A_68 : vector<16xf32>
      %add3A_512 = arith.addf %mul3A_94, %mul3A_511 : vector<16xf32>
      %add3A_513 = arith.constant 7 : i32
      %add3A_514 = arith.addi %mul3A_473, %add3A_513 : i32
      %add3A_515 = vector.broadcast %add3A_514 : i32 to vector<16xi32>
      %add3A_516 = arith.addi %mul3A_183, %add3A_515 : vector<16xi32>
      %gather3A_517 = tpu.vector_load_idx %arg10[%add3A_516] : memref<34816xf32, #tpu.memory_space<vmem>>[vector<16xi32>], vector<16xf32>,
      %mul3A_518 = arith.mulf %gather3A_517, %mul3A_79 : vector<16xf32>
      %add3A_519 = arith.addf %add3A_512, %mul3A_518 : vector<16xf32>
      %add3A_520 = arith.constant 8 : i32
      %add3A_521 = arith.addi %mul3A_473, %add3A_520 : i32
      %add3A_522 = vector.broadcast %add3A_521 : i32 to vector<16xi32>
      %add3A_523 = arith.addi %mul3A_183, %add3A_522 : vector<16xi32>
      %gather3A_524 = tpu.vector_load_idx %arg10[%add3A_523] : memref<34816xf32, #tpu.memory_space<vmem>>[vector<16xi32>], vector<16xf32>,
      %mul3A_525 = arith.mulf %gather3A_524, %mul3A_90 : vector<16xf32>
      %add3A_526 = arith.addf %add3A_519, %mul3A_525 : vector<16xf32>
      %add3A_527 = arith.constant 6 : i32
      %add3A_528 = arith.addi %mul3A_473, %add3A_527 : i32
      %add3A_529 = vector.broadcast %add3A_528 : i32 to vector<16xi32>
      %add3A_530 = arith.addi %mul3A_183, %add3A_529 : vector<16xi32>
      tpu.vector_store_idx %arg10[%add3A_530], %add3A_526 : memref<34816xf32, #tpu.memory_space<vmem>>[vector<16xi32>], vector<16xf32>,
      %add3A_531 = arith.constant 9 : i32
      %add3A_532 = arith.addi %mul3A_473, %add3A_531 : i32
      %add3A_533 = vector.broadcast %add3A_532 : i32 to vector<16xi32>
      %add3A_534 = arith.addi %mul3A_183, %add3A_533 : vector<16xi32>
      %gather3A_535 = tpu.vector_load_idx %arg10[%add3A_534] : memref<34816xf32, #tpu.memory_space<vmem>>[vector<16xi32>], vector<16xf32>,
      %mul3A_536 = arith.mulf %gather3A_535, %mul3A_111 : vector<16xf32>
      %add3A_537 = arith.addf %mul3A_137, %mul3A_536 : vector<16xf32>
      %add3A_538 = arith.constant 11 : i32
      %add3A_539 = arith.addi %mul3A_473, %add3A_538 : i32
      %add3A_540 = vector.broadcast %add3A_539 : i32 to vector<16xi32>
      %add3A_541 = arith.addi %mul3A_183, %add3A_540 : vector<16xi32>
      %gather3A_542 = tpu.vector_load_idx %arg10[%add3A_541] : memref<34816xf32, #tpu.memory_space<vmem>>[vector<16xi32>], vector<16xf32>,
      %mul3A_543 = arith.mulf %gather3A_542, %mul3A_122 : vector<16xf32>
      %add3A_544 = arith.addf %add3A_537, %mul3A_543 : vector<16xf32>
      %add3A_545 = arith.constant 12 : i32
      %add3A_546 = arith.addi %mul3A_473, %add3A_545 : i32
      %add3A_547 = vector.broadcast %add3A_546 : i32 to vector<16xi32>
      %add3A_548 = arith.addi %mul3A_183, %add3A_547 : vector<16xi32>
      %gather3A_549 = tpu.vector_load_idx %arg10[%add3A_548] : memref<34816xf32, #tpu.memory_space<vmem>>[vector<16xi32>], vector<16xf32>,
      %mul3A_550 = arith.mulf %gather3A_549, %mul3A_133 : vector<16xf32>
      %add3A_551 = arith.addf %add3A_544, %mul3A_550 : vector<16xf32>
      %add3A_552 = arith.constant 10 : i32
      %add3A_553 = arith.addi %mul3A_473, %add3A_552 : i32
      %add3A_554 = vector.broadcast %add3A_553 : i32 to vector<16xi32>
      %add3A_555 = arith.addi %mul3A_183, %add3A_554 : vector<16xi32>
      tpu.vector_store_idx %arg10[%add3A_555], %add3A_551 : memref<34816xf32, #tpu.memory_space<vmem>>[vector<16xi32>], vector<16xf32>,
      %add3A_556 = arith.constant 13 : i32
      %add3A_557 = arith.addi %mul3A_473, %add3A_556 : i32
      %add3A_558 = vector.broadcast %add3A_557 : i32 to vector<16xi32>
      %add3A_559 = arith.addi %mul3A_183, %add3A_558 : vector<16xi32>
      %gather3A_560 = tpu.vector_load_idx %arg10[%add3A_559] : memref<34816xf32, #tpu.memory_space<vmem>>[vector<16xi32>], vector<16xf32>,
      %mul3A_561 = arith.mulf %gather3A_560, %mul3A_154 : vector<16xf32>
      %add3A_562 = arith.addf %mul3A_180, %mul3A_561 : vector<16xf32>
      %add3A_563 = arith.constant 15 : i32
      %add3A_564 = arith.addi %mul3A_473, %add3A_563 : i32
      %add3A_565 = vector.broadcast %add3A_564 : i32 to vector<16xi32>
      %add3A_566 = arith.addi %mul3A_183, %add3A_565 : vector<16xi32>
      %gather3A_567 = tpu.vector_load_idx %arg10[%add3A_566] : memref<34816xf32, #tpu.memory_space<vmem>>[vector<16xi32>], vector<16xf32>,
      %mul3A_568 = arith.mulf %gather3A_567, %mul3A_165 : vector<16xf32>
      %add3A_569 = arith.addf %add3A_562, %mul3A_568 : vector<16xf32>
      %add3A_570 = arith.constant 16 : i32
      %add3A_571 = arith.addi %mul3A_473, %add3A_570 : i32
      %add3A_572 = vector.broadcast %add3A_571 : i32 to vector<16xi32>
      %add3A_573 = arith.addi %mul3A_183, %add3A_572 : vector<16xi32>
      %gather3A_574 = tpu.vector_load_idx %arg10[%add3A_573] : memref<34816xf32, #tpu.memory_space<vmem>>[vector<16xi32>], vector<16xf32>,
      %mul3A_575 = arith.mulf %gather3A_574, %mul3A_176 : vector<16xf32>
      %add3A_576 = arith.addf %add3A_569, %mul3A_575 : vector<16xf32>
      %add3A_577 = arith.constant 14 : i32
      %add3A_578 = arith.addi %mul3A_473, %add3A_577 : i32
      %add3A_579 = vector.broadcast %add3A_578 : i32 to vector<16xi32>
      %add3A_580 = arith.addi %mul3A_183, %add3A_579 : vector<16xi32>
      tpu.vector_store_idx %arg10[%add3A_580], %add3A_576 : memref<34816xf32, #tpu.memory_space<vmem>>[vector<16xi32>], vector<16xf32>,
    }
    %scan3A_414 = arith.constant 128 : i32
    %add3A_415 = arith.constant 417792 : i32
    %add3A_416 = arith.addi %mul3A_185, %add3A_415 : i32
    %dma_start3A_417 = tpu.memref_slice %arg6[%add3A_416] : memref<17825792xf32, #tpu.memory_space<hbm>> -> memref<34816xf32, #tpu.memory_space<hbm>>
    %dma_start3A_418 = tpu.memref_slice %arg6[%add3A_416] : memref<17825792xf32, #tpu.memory_space<hbm>> -> memref<34816xf32, #tpu.memory_space<hbm>>
    tpu.enqueue_dma source(%arg10 : memref<34816xf32, #tpu.memory_space<vmem>>) target(%dma_start3A_418 : memref<34816xf32, #tpu.memory_space<hbm>>) target_semaphore(%arg14 : memref<!tpu.dma_semaphore, #tpu.memory_space<semaphore_mem>>)
    %dma_wait3A_419 = tpu.memref_slice %arg6[%add3A_416] : memref<17825792xf32, #tpu.memory_space<hbm>> -> memref<34816xf32, #tpu.memory_space<hbm>>
    %dma_wait3A_420 = tpu.memref_slice %arg6[%add3A_416] : memref<17825792xf32, #tpu.memory_space<hbm>> -> memref<34816xf32, #tpu.memory_space<hbm>>
    tpu.wait_dma2 semaphore(%arg14 : memref<!tpu.dma_semaphore, #tpu.memory_space<semaphore_mem>>) src(%arg10 : memref<34816xf32, #tpu.memory_space<vmem>>) dst(%dma_wait3A_420 : memref<34816xf32, #tpu.memory_space<hbm>>)
    %add3A_421 = arith.constant 487424 : i32
    %add3A_422 = arith.addi %mul3A_185, %add3A_421 : i32
    %dma_start3A_423 = tpu.memref_slice %arg2[%add3A_422] : memref<17825792xf32, #tpu.memory_space<hbm>> -> memref<34816xf32, #tpu.memory_space<hbm>>
    %dma_start3A_424 = tpu.memref_slice %arg2[%add3A_422] : memref<17825792xf32, #tpu.memory_space<hbm>> -> memref<34816xf32, #tpu.memory_space<hbm>>
    tpu.enqueue_dma source(%dma_start3A_424 : memref<34816xf32, #tpu.memory_space<hbm>>) target(%arg10 : memref<34816xf32, #tpu.memory_space<vmem>>) target_semaphore(%arg12 : memref<!tpu.dma_semaphore, #tpu.memory_space<semaphore_mem>>)
    %dma_wait3A_425 = tpu.memref_slice %arg2[%add3A_404] : memref<17825792xf32, #tpu.memory_space<hbm>> -> memref<34816xf32, #tpu.memory_space<hbm>>
    %dma_wait3A_426 = tpu.memref_slice %arg2[%add3A_404] : memref<17825792xf32, #tpu.memory_space<hbm>> -> memref<34816xf32, #tpu.memory_space<hbm>>
    tpu.wait_dma2 semaphore(%arg13 : memref<!tpu.dma_semaphore, #tpu.memory_space<semaphore_mem>>) src(%dma_wait3A_426 : memref<34816xf32, #tpu.memory_space<hbm>>) dst(%arg11 : memref<34816xf32, #tpu.memory_space<vmem>>)
    %scan3A_427 = arith.constant 0 : i32
    %scan3A_428 = arith.constant 0 : i32
    %scan3A_429 = arith.constant 128 : i32
    %scan3A_430 = arith.addi %scan3A_428, %scan3A_429 : i32
    %scan3A_431 = arith.constant 1 : i32
    scf.for %scan3A_471 = %scan3A_428 to %scan3A_430 step %scan3A_431  : i32 {
      %mul3A_472 = arith.constant 272 : i32
      %mul3A_473 = arith.muli %scan3A_471, %mul3A_472 : i32
      %add3A_474 = arith.constant 0 : i32
      %add3A_475 = arith.addi %mul3A_473, %add3A_474 : i32
      %add3A_476 = vector.broadcast %add3A_475 : i32 to vector<16xi32>
      %add3A_477 = arith.addi %mul3A_183, %add3A_476 : vector<16xi32>
      %gather3A_478 = tpu.vector_load_idx %arg11[%add3A_477] : memref<34816xf32, #tpu.memory_space<vmem>>[vector<16xi32>], vector<16xf32>,
      %mul3A_479 = arith.mulf %gather3A_478, %mul3A_14 : vector<16xf32>
      %add3A_480 = arith.addf %mul3A_51, %mul3A_479 : vector<16xf32>
      %add3A_481 = arith.constant 1 : i32
      %add3A_482 = arith.addi %mul3A_473, %add3A_481 : i32
      %add3A_483 = vector.broadcast %add3A_482 : i32 to vector<16xi32>
      %add3A_484 = arith.addi %mul3A_183, %add3A_483 : vector<16xi32>
      %gather3A_485 = tpu.vector_load_idx %arg11[%add3A_484] : memref<34816xf32, #tpu.memory_space<vmem>>[vector<16xi32>], vector<16xf32>,
      %mul3A_486 = arith.mulf %gather3A_485, %mul3A_25 : vector<16xf32>
      %add3A_487 = arith.addf %add3A_480, %mul3A_486 : vector<16xf32>
      %add3A_488 = arith.constant 3 : i32
      %add3A_489 = arith.addi %mul3A_473, %add3A_488 : i32
      %add3A_490 = vector.broadcast %add3A_489 : i32 to vector<16xi32>
      %add3A_491 = arith.addi %mul3A_183, %add3A_490 : vector<16xi32>
      %gather3A_492 = tpu.vector_load_idx %arg11[%add3A_491] : memref<34816xf32, #tpu.memory_space<vmem>>[vector<16xi32>], vector<16xf32>,
      %mul3A_493 = arith.mulf %gather3A_492, %mul3A_36 : vector<16xf32>
      %add3A_494 = arith.addf %add3A_487, %mul3A_493 : vector<16xf32>
      %add3A_495 = arith.constant 4 : i32
      %add3A_496 = arith.addi %mul3A_473, %add3A_495 : i32
      %add3A_497 = vector.broadcast %add3A_496 : i32 to vector<16xi32>
      %add3A_498 = arith.addi %mul3A_183, %add3A_497 : vector<16xi32>
      %gather3A_499 = tpu.vector_load_idx %arg11[%add3A_498] : memref<34816xf32, #tpu.memory_space<vmem>>[vector<16xi32>], vector<16xf32>,
      %mul3A_500 = arith.mulf %gather3A_499, %mul3A_47 : vector<16xf32>
      %add3A_501 = arith.addf %add3A_494, %mul3A_500 : vector<16xf32>
      %add3A_502 = arith.constant 2 : i32
      %add3A_503 = arith.addi %mul3A_473, %add3A_502 : i32
      %add3A_504 = vector.broadcast %add3A_503 : i32 to vector<16xi32>
      %add3A_505 = arith.addi %mul3A_183, %add3A_504 : vector<16xi32>
      tpu.vector_store_idx %arg11[%add3A_505], %add3A_501 : memref<34816xf32, #tpu.memory_space<vmem>>[vector<16xi32>], vector<16xf32>,
      %add3A_506 = arith.constant 5 : i32
      %add3A_507 = arith.addi %mul3A_473, %add3A_506 : i32
      %add3A_508 = vector.broadcast %add3A_507 : i32 to vector<16xi32>
      %add3A_509 = arith.addi %mul3A_183, %add3A_508 : vector<16xi32>
      %gather3A_510 = tpu.vector_load_idx %arg11[%add3A_509] : memref<34816xf32, #tpu.memory_space<vmem>>[vector<16xi32>], vector<16xf32>,
      %mul3A_511 = arith.mulf %gather3A_510, %mul3A_68 : vector<16xf32>
      %add3A_512 = arith.addf %mul3A_94, %mul3A_511 : vector<16xf32>
      %add3A_513 = arith.constant 7 : i32
      %add3A_514 = arith.addi %mul3A_473, %add3A_513 : i32
      %add3A_515 = vector.broadcast %add3A_514 : i32 to vector<16xi32>
      %add3A_516 = arith.addi %mul3A_183, %add3A_515 : vector<16xi32>
      %gather3A_517 = tpu.vector_load_idx %arg11[%add3A_516] : memref<34816xf32, #tpu.memory_space<vmem>>[vector<16xi32>], vector<16xf32>,
      %mul3A_518 = arith.mulf %gather3A_517, %mul3A_79 : vector<16xf32>
      %add3A_519 = arith.addf %add3A_512, %mul3A_518 : vector<16xf32>
      %add3A_520 = arith.constant 8 : i32
      %add3A_521 = arith.addi %mul3A_473, %add3A_520 : i32
      %add3A_522 = vector.broadcast %add3A_521 : i32 to vector<16xi32>
      %add3A_523 = arith.addi %mul3A_183, %add3A_522 : vector<16xi32>
      %gather3A_524 = tpu.vector_load_idx %arg11[%add3A_523] : memref<34816xf32, #tpu.memory_space<vmem>>[vector<16xi32>], vector<16xf32>,
      %mul3A_525 = arith.mulf %gather3A_524, %mul3A_90 : vector<16xf32>
      %add3A_526 = arith.addf %add3A_519, %mul3A_525 : vector<16xf32>
      %add3A_527 = arith.constant 6 : i32
      %add3A_528 = arith.addi %mul3A_473, %add3A_527 : i32
      %add3A_529 = vector.broadcast %add3A_528 : i32 to vector<16xi32>
      %add3A_530 = arith.addi %mul3A_183, %add3A_529 : vector<16xi32>
      tpu.vector_store_idx %arg11[%add3A_530], %add3A_526 : memref<34816xf32, #tpu.memory_space<vmem>>[vector<16xi32>], vector<16xf32>,
      %add3A_531 = arith.constant 9 : i32
      %add3A_532 = arith.addi %mul3A_473, %add3A_531 : i32
      %add3A_533 = vector.broadcast %add3A_532 : i32 to vector<16xi32>
      %add3A_534 = arith.addi %mul3A_183, %add3A_533 : vector<16xi32>
      %gather3A_535 = tpu.vector_load_idx %arg11[%add3A_534] : memref<34816xf32, #tpu.memory_space<vmem>>[vector<16xi32>], vector<16xf32>,
      %mul3A_536 = arith.mulf %gather3A_535, %mul3A_111 : vector<16xf32>
      %add3A_537 = arith.addf %mul3A_137, %mul3A_536 : vector<16xf32>
      %add3A_538 = arith.constant 11 : i32
      %add3A_539 = arith.addi %mul3A_473, %add3A_538 : i32
      %add3A_540 = vector.broadcast %add3A_539 : i32 to vector<16xi32>
      %add3A_541 = arith.addi %mul3A_183, %add3A_540 : vector<16xi32>
      %gather3A_542 = tpu.vector_load_idx %arg11[%add3A_541] : memref<34816xf32, #tpu.memory_space<vmem>>[vector<16xi32>], vector<16xf32>,
      %mul3A_543 = arith.mulf %gather3A_542, %mul3A_122 : vector<16xf32>
      %add3A_544 = arith.addf %add3A_537, %mul3A_543 : vector<16xf32>
      %add3A_545 = arith.constant 12 : i32
      %add3A_546 = arith.addi %mul3A_473, %add3A_545 : i32
      %add3A_547 = vector.broadcast %add3A_546 : i32 to vector<16xi32>
      %add3A_548 = arith.addi %mul3A_183, %add3A_547 : vector<16xi32>
      %gather3A_549 = tpu.vector_load_idx %arg11[%add3A_548] : memref<34816xf32, #tpu.memory_space<vmem>>[vector<16xi32>], vector<16xf32>,
      %mul3A_550 = arith.mulf %gather3A_549, %mul3A_133 : vector<16xf32>
      %add3A_551 = arith.addf %add3A_544, %mul3A_550 : vector<16xf32>
      %add3A_552 = arith.constant 10 : i32
      %add3A_553 = arith.addi %mul3A_473, %add3A_552 : i32
      %add3A_554 = vector.broadcast %add3A_553 : i32 to vector<16xi32>
      %add3A_555 = arith.addi %mul3A_183, %add3A_554 : vector<16xi32>
      tpu.vector_store_idx %arg11[%add3A_555], %add3A_551 : memref<34816xf32, #tpu.memory_space<vmem>>[vector<16xi32>], vector<16xf32>,
      %add3A_556 = arith.constant 13 : i32
      %add3A_557 = arith.addi %mul3A_473, %add3A_556 : i32
      %add3A_558 = vector.broadcast %add3A_557 : i32 to vector<16xi32>
      %add3A_559 = arith.addi %mul3A_183, %add3A_558 : vector<16xi32>
      %gather3A_560 = tpu.vector_load_idx %arg11[%add3A_559] : memref<34816xf32, #tpu.memory_space<vmem>>[vector<16xi32>], vector<16xf32>,
      %mul3A_561 = arith.mulf %gather3A_560, %mul3A_154 : vector<16xf32>
      %add3A_562 = arith.addf %mul3A_180, %mul3A_561 : vector<16xf32>
      %add3A_563 = arith.constant 15 : i32
      %add3A_564 = arith.addi %mul3A_473, %add3A_563 : i32
      %add3A_565 = vector.broadcast %add3A_564 : i32 to vector<16xi32>
      %add3A_566 = arith.addi %mul3A_183, %add3A_565 : vector<16xi32>
      %gather3A_567 = tpu.vector_load_idx %arg11[%add3A_566] : memref<34816xf32, #tpu.memory_space<vmem>>[vector<16xi32>], vector<16xf32>,
      %mul3A_568 = arith.mulf %gather3A_567, %mul3A_165 : vector<16xf32>
      %add3A_569 = arith.addf %add3A_562, %mul3A_568 : vector<16xf32>
      %add3A_570 = arith.constant 16 : i32
      %add3A_571 = arith.addi %mul3A_473, %add3A_570 : i32
      %add3A_572 = vector.broadcast %add3A_571 : i32 to vector<16xi32>
      %add3A_573 = arith.addi %mul3A_183, %add3A_572 : vector<16xi32>
      %gather3A_574 = tpu.vector_load_idx %arg11[%add3A_573] : memref<34816xf32, #tpu.memory_space<vmem>>[vector<16xi32>], vector<16xf32>,
      %mul3A_575 = arith.mulf %gather3A_574, %mul3A_176 : vector<16xf32>
      %add3A_576 = arith.addf %add3A_569, %mul3A_575 : vector<16xf32>
      %add3A_577 = arith.constant 14 : i32
      %add3A_578 = arith.addi %mul3A_473, %add3A_577 : i32
      %add3A_579 = vector.broadcast %add3A_578 : i32 to vector<16xi32>
      %add3A_580 = arith.addi %mul3A_183, %add3A_579 : vector<16xi32>
      tpu.vector_store_idx %arg11[%add3A_580], %add3A_576 : memref<34816xf32, #tpu.memory_space<vmem>>[vector<16xi32>], vector<16xf32>,
    }
    %scan3A_432 = arith.constant 128 : i32
    %add3A_433 = arith.constant 452608 : i32
    %add3A_434 = arith.addi %mul3A_185, %add3A_433 : i32
    %dma_start3A_435 = tpu.memref_slice %arg6[%add3A_434] : memref<17825792xf32, #tpu.memory_space<hbm>> -> memref<34816xf32, #tpu.memory_space<hbm>>
    %dma_start3A_436 = tpu.memref_slice %arg6[%add3A_434] : memref<17825792xf32, #tpu.memory_space<hbm>> -> memref<34816xf32, #tpu.memory_space<hbm>>
    tpu.enqueue_dma source(%arg11 : memref<34816xf32, #tpu.memory_space<vmem>>) target(%dma_start3A_436 : memref<34816xf32, #tpu.memory_space<hbm>>) target_semaphore(%arg15 : memref<!tpu.dma_semaphore, #tpu.memory_space<semaphore_mem>>)
    %dma_wait3A_437 = tpu.memref_slice %arg6[%add3A_434] : memref<17825792xf32, #tpu.memory_space<hbm>> -> memref<34816xf32, #tpu.memory_space<hbm>>
    %dma_wait3A_438 = tpu.memref_slice %arg6[%add3A_434] : memref<17825792xf32, #tpu.memory_space<hbm>> -> memref<34816xf32, #tpu.memory_space<hbm>>
    tpu.wait_dma2 semaphore(%arg15 : memref<!tpu.dma_semaphore, #tpu.memory_space<semaphore_mem>>) src(%arg11 : memref<34816xf32, #tpu.memory_space<vmem>>) dst(%dma_wait3A_438 : memref<34816xf32, #tpu.memory_space<hbm>>)
    %add3A_439 = arith.constant 522240 : i32
    %add3A_440 = arith.addi %mul3A_185, %add3A_439 : i32
    %dma_start3A_441 = tpu.memref_slice %arg2[%add3A_440] : memref<17825792xf32, #tpu.memory_space<hbm>> -> memref<34816xf32, #tpu.memory_space<hbm>>
    %dma_start3A_442 = tpu.memref_slice %arg2[%add3A_440] : memref<17825792xf32, #tpu.memory_space<hbm>> -> memref<34816xf32, #tpu.memory_space<hbm>>
    tpu.enqueue_dma source(%dma_start3A_442 : memref<34816xf32, #tpu.memory_space<hbm>>) target(%arg11 : memref<34816xf32, #tpu.memory_space<vmem>>) target_semaphore(%arg13 : memref<!tpu.dma_semaphore, #tpu.memory_space<semaphore_mem>>)
    %dma_wait3A_443 = tpu.memref_slice %arg2[%add3A_422] : memref<17825792xf32, #tpu.memory_space<hbm>> -> memref<34816xf32, #tpu.memory_space<hbm>>
    %dma_wait3A_444 = tpu.memref_slice %arg2[%add3A_422] : memref<17825792xf32, #tpu.memory_space<hbm>> -> memref<34816xf32, #tpu.memory_space<hbm>>
    tpu.wait_dma2 semaphore(%arg12 : memref<!tpu.dma_semaphore, #tpu.memory_space<semaphore_mem>>) src(%dma_wait3A_444 : memref<34816xf32, #tpu.memory_space<hbm>>) dst(%arg10 : memref<34816xf32, #tpu.memory_space<vmem>>)
    %scan3A_445 = arith.constant 0 : i32
    %scan3A_446 = arith.constant 0 : i32
    %scan3A_447 = arith.constant 128 : i32
    %scan3A_448 = arith.addi %scan3A_446, %scan3A_447 : i32
    %scan3A_449 = arith.constant 1 : i32
    scf.for %scan3A_471 = %scan3A_446 to %scan3A_448 step %scan3A_449  : i32 {
      %mul3A_472 = arith.constant 272 : i32
      %mul3A_473 = arith.muli %scan3A_471, %mul3A_472 : i32
      %add3A_474 = arith.constant 0 : i32
      %add3A_475 = arith.addi %mul3A_473, %add3A_474 : i32
      %add3A_476 = vector.broadcast %add3A_475 : i32 to vector<16xi32>
      %add3A_477 = arith.addi %mul3A_183, %add3A_476 : vector<16xi32>
      %gather3A_478 = tpu.vector_load_idx %arg10[%add3A_477] : memref<34816xf32, #tpu.memory_space<vmem>>[vector<16xi32>], vector<16xf32>,
      %mul3A_479 = arith.mulf %gather3A_478, %mul3A_14 : vector<16xf32>
      %add3A_480 = arith.addf %mul3A_51, %mul3A_479 : vector<16xf32>
      %add3A_481 = arith.constant 1 : i32
      %add3A_482 = arith.addi %mul3A_473, %add3A_481 : i32
      %add3A_483 = vector.broadcast %add3A_482 : i32 to vector<16xi32>
      %add3A_484 = arith.addi %mul3A_183, %add3A_483 : vector<16xi32>
      %gather3A_485 = tpu.vector_load_idx %arg10[%add3A_484] : memref<34816xf32, #tpu.memory_space<vmem>>[vector<16xi32>], vector<16xf32>,
      %mul3A_486 = arith.mulf %gather3A_485, %mul3A_25 : vector<16xf32>
      %add3A_487 = arith.addf %add3A_480, %mul3A_486 : vector<16xf32>
      %add3A_488 = arith.constant 3 : i32
      %add3A_489 = arith.addi %mul3A_473, %add3A_488 : i32
      %add3A_490 = vector.broadcast %add3A_489 : i32 to vector<16xi32>
      %add3A_491 = arith.addi %mul3A_183, %add3A_490 : vector<16xi32>
      %gather3A_492 = tpu.vector_load_idx %arg10[%add3A_491] : memref<34816xf32, #tpu.memory_space<vmem>>[vector<16xi32>], vector<16xf32>,
      %mul3A_493 = arith.mulf %gather3A_492, %mul3A_36 : vector<16xf32>
      %add3A_494 = arith.addf %add3A_487, %mul3A_493 : vector<16xf32>
      %add3A_495 = arith.constant 4 : i32
      %add3A_496 = arith.addi %mul3A_473, %add3A_495 : i32
      %add3A_497 = vector.broadcast %add3A_496 : i32 to vector<16xi32>
      %add3A_498 = arith.addi %mul3A_183, %add3A_497 : vector<16xi32>
      %gather3A_499 = tpu.vector_load_idx %arg10[%add3A_498] : memref<34816xf32, #tpu.memory_space<vmem>>[vector<16xi32>], vector<16xf32>,
      %mul3A_500 = arith.mulf %gather3A_499, %mul3A_47 : vector<16xf32>
      %add3A_501 = arith.addf %add3A_494, %mul3A_500 : vector<16xf32>
      %add3A_502 = arith.constant 2 : i32
      %add3A_503 = arith.addi %mul3A_473, %add3A_502 : i32
      %add3A_504 = vector.broadcast %add3A_503 : i32 to vector<16xi32>
      %add3A_505 = arith.addi %mul3A_183, %add3A_504 : vector<16xi32>
      tpu.vector_store_idx %arg10[%add3A_505], %add3A_501 : memref<34816xf32, #tpu.memory_space<vmem>>[vector<16xi32>], vector<16xf32>,
      %add3A_506 = arith.constant 5 : i32
      %add3A_507 = arith.addi %mul3A_473, %add3A_506 : i32
      %add3A_508 = vector.broadcast %add3A_507 : i32 to vector<16xi32>
      %add3A_509 = arith.addi %mul3A_183, %add3A_508 : vector<16xi32>
      %gather3A_510 = tpu.vector_load_idx %arg10[%add3A_509] : memref<34816xf32, #tpu.memory_space<vmem>>[vector<16xi32>], vector<16xf32>,
      %mul3A_511 = arith.mulf %gather3A_510, %mul3A_68 : vector<16xf32>
      %add3A_512 = arith.addf %mul3A_94, %mul3A_511 : vector<16xf32>
      %add3A_513 = arith.constant 7 : i32
      %add3A_514 = arith.addi %mul3A_473, %add3A_513 : i32
      %add3A_515 = vector.broadcast %add3A_514 : i32 to vector<16xi32>
      %add3A_516 = arith.addi %mul3A_183, %add3A_515 : vector<16xi32>
      %gather3A_517 = tpu.vector_load_idx %arg10[%add3A_516] : memref<34816xf32, #tpu.memory_space<vmem>>[vector<16xi32>], vector<16xf32>,
      %mul3A_518 = arith.mulf %gather3A_517, %mul3A_79 : vector<16xf32>
      %add3A_519 = arith.addf %add3A_512, %mul3A_518 : vector<16xf32>
      %add3A_520 = arith.constant 8 : i32
      %add3A_521 = arith.addi %mul3A_473, %add3A_520 : i32
      %add3A_522 = vector.broadcast %add3A_521 : i32 to vector<16xi32>
      %add3A_523 = arith.addi %mul3A_183, %add3A_522 : vector<16xi32>
      %gather3A_524 = tpu.vector_load_idx %arg10[%add3A_523] : memref<34816xf32, #tpu.memory_space<vmem>>[vector<16xi32>], vector<16xf32>,
      %mul3A_525 = arith.mulf %gather3A_524, %mul3A_90 : vector<16xf32>
      %add3A_526 = arith.addf %add3A_519, %mul3A_525 : vector<16xf32>
      %add3A_527 = arith.constant 6 : i32
      %add3A_528 = arith.addi %mul3A_473, %add3A_527 : i32
      %add3A_529 = vector.broadcast %add3A_528 : i32 to vector<16xi32>
      %add3A_530 = arith.addi %mul3A_183, %add3A_529 : vector<16xi32>
      tpu.vector_store_idx %arg10[%add3A_530], %add3A_526 : memref<34816xf32, #tpu.memory_space<vmem>>[vector<16xi32>], vector<16xf32>,
      %add3A_531 = arith.constant 9 : i32
      %add3A_532 = arith.addi %mul3A_473, %add3A_531 : i32
      %add3A_533 = vector.broadcast %add3A_532 : i32 to vector<16xi32>
      %add3A_534 = arith.addi %mul3A_183, %add3A_533 : vector<16xi32>
      %gather3A_535 = tpu.vector_load_idx %arg10[%add3A_534] : memref<34816xf32, #tpu.memory_space<vmem>>[vector<16xi32>], vector<16xf32>,
      %mul3A_536 = arith.mulf %gather3A_535, %mul3A_111 : vector<16xf32>
      %add3A_537 = arith.addf %mul3A_137, %mul3A_536 : vector<16xf32>
      %add3A_538 = arith.constant 11 : i32
      %add3A_539 = arith.addi %mul3A_473, %add3A_538 : i32
      %add3A_540 = vector.broadcast %add3A_539 : i32 to vector<16xi32>
      %add3A_541 = arith.addi %mul3A_183, %add3A_540 : vector<16xi32>
      %gather3A_542 = tpu.vector_load_idx %arg10[%add3A_541] : memref<34816xf32, #tpu.memory_space<vmem>>[vector<16xi32>], vector<16xf32>,
      %mul3A_543 = arith.mulf %gather3A_542, %mul3A_122 : vector<16xf32>
      %add3A_544 = arith.addf %add3A_537, %mul3A_543 : vector<16xf32>
      %add3A_545 = arith.constant 12 : i32
      %add3A_546 = arith.addi %mul3A_473, %add3A_545 : i32
      %add3A_547 = vector.broadcast %add3A_546 : i32 to vector<16xi32>
      %add3A_548 = arith.addi %mul3A_183, %add3A_547 : vector<16xi32>
      %gather3A_549 = tpu.vector_load_idx %arg10[%add3A_548] : memref<34816xf32, #tpu.memory_space<vmem>>[vector<16xi32>], vector<16xf32>,
      %mul3A_550 = arith.mulf %gather3A_549, %mul3A_133 : vector<16xf32>
      %add3A_551 = arith.addf %add3A_544, %mul3A_550 : vector<16xf32>
      %add3A_552 = arith.constant 10 : i32
      %add3A_553 = arith.addi %mul3A_473, %add3A_552 : i32
      %add3A_554 = vector.broadcast %add3A_553 : i32 to vector<16xi32>
      %add3A_555 = arith.addi %mul3A_183, %add3A_554 : vector<16xi32>
      tpu.vector_store_idx %arg10[%add3A_555], %add3A_551 : memref<34816xf32, #tpu.memory_space<vmem>>[vector<16xi32>], vector<16xf32>,
      %add3A_556 = arith.constant 13 : i32
      %add3A_557 = arith.addi %mul3A_473, %add3A_556 : i32
      %add3A_558 = vector.broadcast %add3A_557 : i32 to vector<16xi32>
      %add3A_559 = arith.addi %mul3A_183, %add3A_558 : vector<16xi32>
      %gather3A_560 = tpu.vector_load_idx %arg10[%add3A_559] : memref<34816xf32, #tpu.memory_space<vmem>>[vector<16xi32>], vector<16xf32>,
      %mul3A_561 = arith.mulf %gather3A_560, %mul3A_154 : vector<16xf32>
      %add3A_562 = arith.addf %mul3A_180, %mul3A_561 : vector<16xf32>
      %add3A_563 = arith.constant 15 : i32
      %add3A_564 = arith.addi %mul3A_473, %add3A_563 : i32
      %add3A_565 = vector.broadcast %add3A_564 : i32 to vector<16xi32>
      %add3A_566 = arith.addi %mul3A_183, %add3A_565 : vector<16xi32>
      %gather3A_567 = tpu.vector_load_idx %arg10[%add3A_566] : memref<34816xf32, #tpu.memory_space<vmem>>[vector<16xi32>], vector<16xf32>,
      %mul3A_568 = arith.mulf %gather3A_567, %mul3A_165 : vector<16xf32>
      %add3A_569 = arith.addf %add3A_562, %mul3A_568 : vector<16xf32>
      %add3A_570 = arith.constant 16 : i32
      %add3A_571 = arith.addi %mul3A_473, %add3A_570 : i32
      %add3A_572 = vector.broadcast %add3A_571 : i32 to vector<16xi32>
      %add3A_573 = arith.addi %mul3A_183, %add3A_572 : vector<16xi32>
      %gather3A_574 = tpu.vector_load_idx %arg10[%add3A_573] : memref<34816xf32, #tpu.memory_space<vmem>>[vector<16xi32>], vector<16xf32>,
      %mul3A_575 = arith.mulf %gather3A_574, %mul3A_176 : vector<16xf32>
      %add3A_576 = arith.addf %add3A_569, %mul3A_575 : vector<16xf32>
      %add3A_577 = arith.constant 14 : i32
      %add3A_578 = arith.addi %mul3A_473, %add3A_577 : i32
      %add3A_579 = vector.broadcast %add3A_578 : i32 to vector<16xi32>
      %add3A_580 = arith.addi %mul3A_183, %add3A_579 : vector<16xi32>
      tpu.vector_store_idx %arg10[%add3A_580], %add3A_576 : memref<34816xf32, #tpu.memory_space<vmem>>[vector<16xi32>], vector<16xf32>,
    }
    %scan3A_450 = arith.constant 128 : i32
    %add3A_451 = arith.constant 487424 : i32
    %add3A_452 = arith.addi %mul3A_185, %add3A_451 : i32
    %dma_start3A_453 = tpu.memref_slice %arg6[%add3A_452] : memref<17825792xf32, #tpu.memory_space<hbm>> -> memref<34816xf32, #tpu.memory_space<hbm>>
    %dma_start3A_454 = tpu.memref_slice %arg6[%add3A_452] : memref<17825792xf32, #tpu.memory_space<hbm>> -> memref<34816xf32, #tpu.memory_space<hbm>>
    tpu.enqueue_dma source(%arg10 : memref<34816xf32, #tpu.memory_space<vmem>>) target(%dma_start3A_454 : memref<34816xf32, #tpu.memory_space<hbm>>) target_semaphore(%arg14 : memref<!tpu.dma_semaphore, #tpu.memory_space<semaphore_mem>>)
    %dma_wait3A_455 = tpu.memref_slice %arg2[%add3A_440] : memref<17825792xf32, #tpu.memory_space<hbm>> -> memref<34816xf32, #tpu.memory_space<hbm>>
    %dma_wait3A_456 = tpu.memref_slice %arg2[%add3A_440] : memref<17825792xf32, #tpu.memory_space<hbm>> -> memref<34816xf32, #tpu.memory_space<hbm>>
    tpu.wait_dma2 semaphore(%arg13 : memref<!tpu.dma_semaphore, #tpu.memory_space<semaphore_mem>>) src(%dma_wait3A_456 : memref<34816xf32, #tpu.memory_space<hbm>>) dst(%arg11 : memref<34816xf32, #tpu.memory_space<vmem>>)
    %scan3A_457 = arith.constant 0 : i32
    %scan3A_458 = arith.constant 0 : i32
    %scan3A_459 = arith.constant 128 : i32
    %scan3A_460 = arith.addi %scan3A_458, %scan3A_459 : i32
    %scan3A_461 = arith.constant 1 : i32
    scf.for %scan3A_471 = %scan3A_458 to %scan3A_460 step %scan3A_461  : i32 {
      %mul3A_472 = arith.constant 272 : i32
      %mul3A_473 = arith.muli %scan3A_471, %mul3A_472 : i32
      %add3A_474 = arith.constant 0 : i32
      %add3A_475 = arith.addi %mul3A_473, %add3A_474 : i32
      %add3A_476 = vector.broadcast %add3A_475 : i32 to vector<16xi32>
      %add3A_477 = arith.addi %mul3A_183, %add3A_476 : vector<16xi32>
      %gather3A_478 = tpu.vector_load_idx %arg11[%add3A_477] : memref<34816xf32, #tpu.memory_space<vmem>>[vector<16xi32>], vector<16xf32>,
      %mul3A_479 = arith.mulf %gather3A_478, %mul3A_14 : vector<16xf32>
      %add3A_480 = arith.addf %mul3A_51, %mul3A_479 : vector<16xf32>
      %add3A_481 = arith.constant 1 : i32
      %add3A_482 = arith.addi %mul3A_473, %add3A_481 : i32
      %add3A_483 = vector.broadcast %add3A_482 : i32 to vector<16xi32>
      %add3A_484 = arith.addi %mul3A_183, %add3A_483 : vector<16xi32>
      %gather3A_485 = tpu.vector_load_idx %arg11[%add3A_484] : memref<34816xf32, #tpu.memory_space<vmem>>[vector<16xi32>], vector<16xf32>,
      %mul3A_486 = arith.mulf %gather3A_485, %mul3A_25 : vector<16xf32>
      %add3A_487 = arith.addf %add3A_480, %mul3A_486 : vector<16xf32>
      %add3A_488 = arith.constant 3 : i32
      %add3A_489 = arith.addi %mul3A_473, %add3A_488 : i32
      %add3A_490 = vector.broadcast %add3A_489 : i32 to vector<16xi32>
      %add3A_491 = arith.addi %mul3A_183, %add3A_490 : vector<16xi32>
      %gather3A_492 = tpu.vector_load_idx %arg11[%add3A_491] : memref<34816xf32, #tpu.memory_space<vmem>>[vector<16xi32>], vector<16xf32>,
      %mul3A_493 = arith.mulf %gather3A_492, %mul3A_36 : vector<16xf32>
      %add3A_494 = arith.addf %add3A_487, %mul3A_493 : vector<16xf32>
      %add3A_495 = arith.constant 4 : i32
      %add3A_496 = arith.addi %mul3A_473, %add3A_495 : i32
      %add3A_497 = vector.broadcast %add3A_496 : i32 to vector<16xi32>
      %add3A_498 = arith.addi %mul3A_183, %add3A_497 : vector<16xi32>
      %gather3A_499 = tpu.vector_load_idx %arg11[%add3A_498] : memref<34816xf32, #tpu.memory_space<vmem>>[vector<16xi32>], vector<16xf32>,
      %mul3A_500 = arith.mulf %gather3A_499, %mul3A_47 : vector<16xf32>
      %add3A_501 = arith.addf %add3A_494, %mul3A_500 : vector<16xf32>
      %add3A_502 = arith.constant 2 : i32
      %add3A_503 = arith.addi %mul3A_473, %add3A_502 : i32
      %add3A_504 = vector.broadcast %add3A_503 : i32 to vector<16xi32>
      %add3A_505 = arith.addi %mul3A_183, %add3A_504 : vector<16xi32>
      tpu.vector_store_idx %arg11[%add3A_505], %add3A_501 : memref<34816xf32, #tpu.memory_space<vmem>>[vector<16xi32>], vector<16xf32>,
      %add3A_506 = arith.constant 5 : i32
      %add3A_507 = arith.addi %mul3A_473, %add3A_506 : i32
      %add3A_508 = vector.broadcast %add3A_507 : i32 to vector<16xi32>
      %add3A_509 = arith.addi %mul3A_183, %add3A_508 : vector<16xi32>
      %gather3A_510 = tpu.vector_load_idx %arg11[%add3A_509] : memref<34816xf32, #tpu.memory_space<vmem>>[vector<16xi32>], vector<16xf32>,
      %mul3A_511 = arith.mulf %gather3A_510, %mul3A_68 : vector<16xf32>
      %add3A_512 = arith.addf %mul3A_94, %mul3A_511 : vector<16xf32>
      %add3A_513 = arith.constant 7 : i32
      %add3A_514 = arith.addi %mul3A_473, %add3A_513 : i32
      %add3A_515 = vector.broadcast %add3A_514 : i32 to vector<16xi32>
      %add3A_516 = arith.addi %mul3A_183, %add3A_515 : vector<16xi32>
      %gather3A_517 = tpu.vector_load_idx %arg11[%add3A_516] : memref<34816xf32, #tpu.memory_space<vmem>>[vector<16xi32>], vector<16xf32>,
      %mul3A_518 = arith.mulf %gather3A_517, %mul3A_79 : vector<16xf32>
      %add3A_519 = arith.addf %add3A_512, %mul3A_518 : vector<16xf32>
      %add3A_520 = arith.constant 8 : i32
      %add3A_521 = arith.addi %mul3A_473, %add3A_520 : i32
      %add3A_522 = vector.broadcast %add3A_521 : i32 to vector<16xi32>
      %add3A_523 = arith.addi %mul3A_183, %add3A_522 : vector<16xi32>
      %gather3A_524 = tpu.vector_load_idx %arg11[%add3A_523] : memref<34816xf32, #tpu.memory_space<vmem>>[vector<16xi32>], vector<16xf32>,
      %mul3A_525 = arith.mulf %gather3A_524, %mul3A_90 : vector<16xf32>
      %add3A_526 = arith.addf %add3A_519, %mul3A_525 : vector<16xf32>
      %add3A_527 = arith.constant 6 : i32
      %add3A_528 = arith.addi %mul3A_473, %add3A_527 : i32
      %add3A_529 = vector.broadcast %add3A_528 : i32 to vector<16xi32>
      %add3A_530 = arith.addi %mul3A_183, %add3A_529 : vector<16xi32>
      tpu.vector_store_idx %arg11[%add3A_530], %add3A_526 : memref<34816xf32, #tpu.memory_space<vmem>>[vector<16xi32>], vector<16xf32>,
      %add3A_531 = arith.constant 9 : i32
      %add3A_532 = arith.addi %mul3A_473, %add3A_531 : i32
      %add3A_533 = vector.broadcast %add3A_532 : i32 to vector<16xi32>
      %add3A_534 = arith.addi %mul3A_183, %add3A_533 : vector<16xi32>
      %gather3A_535 = tpu.vector_load_idx %arg11[%add3A_534] : memref<34816xf32, #tpu.memory_space<vmem>>[vector<16xi32>], vector<16xf32>,
      %mul3A_536 = arith.mulf %gather3A_535, %mul3A_111 : vector<16xf32>
      %add3A_537 = arith.addf %mul3A_137, %mul3A_536 : vector<16xf32>
      %add3A_538 = arith.constant 11 : i32
      %add3A_539 = arith.addi %mul3A_473, %add3A_538 : i32
      %add3A_540 = vector.broadcast %add3A_539 : i32 to vector<16xi32>
      %add3A_541 = arith.addi %mul3A_183, %add3A_540 : vector<16xi32>
      %gather3A_542 = tpu.vector_load_idx %arg11[%add3A_541] : memref<34816xf32, #tpu.memory_space<vmem>>[vector<16xi32>], vector<16xf32>,
      %mul3A_543 = arith.mulf %gather3A_542, %mul3A_122 : vector<16xf32>
      %add3A_544 = arith.addf %add3A_537, %mul3A_543 : vector<16xf32>
      %add3A_545 = arith.constant 12 : i32
      %add3A_546 = arith.addi %mul3A_473, %add3A_545 : i32
      %add3A_547 = vector.broadcast %add3A_546 : i32 to vector<16xi32>
      %add3A_548 = arith.addi %mul3A_183, %add3A_547 : vector<16xi32>
      %gather3A_549 = tpu.vector_load_idx %arg11[%add3A_548] : memref<34816xf32, #tpu.memory_space<vmem>>[vector<16xi32>], vector<16xf32>,
      %mul3A_550 = arith.mulf %gather3A_549, %mul3A_133 : vector<16xf32>
      %add3A_551 = arith.addf %add3A_544, %mul3A_550 : vector<16xf32>
      %add3A_552 = arith.constant 10 : i32
      %add3A_553 = arith.addi %mul3A_473, %add3A_552 : i32
      %add3A_554 = vector.broadcast %add3A_553 : i32 to vector<16xi32>
      %add3A_555 = arith.addi %mul3A_183, %add3A_554 : vector<16xi32>
      tpu.vector_store_idx %arg11[%add3A_555], %add3A_551 : memref<34816xf32, #tpu.memory_space<vmem>>[vector<16xi32>], vector<16xf32>,
      %add3A_556 = arith.constant 13 : i32
      %add3A_557 = arith.addi %mul3A_473, %add3A_556 : i32
      %add3A_558 = vector.broadcast %add3A_557 : i32 to vector<16xi32>
      %add3A_559 = arith.addi %mul3A_183, %add3A_558 : vector<16xi32>
      %gather3A_560 = tpu.vector_load_idx %arg11[%add3A_559] : memref<34816xf32, #tpu.memory_space<vmem>>[vector<16xi32>], vector<16xf32>,
      %mul3A_561 = arith.mulf %gather3A_560, %mul3A_154 : vector<16xf32>
      %add3A_562 = arith.addf %mul3A_180, %mul3A_561 : vector<16xf32>
      %add3A_563 = arith.constant 15 : i32
      %add3A_564 = arith.addi %mul3A_473, %add3A_563 : i32
      %add3A_565 = vector.broadcast %add3A_564 : i32 to vector<16xi32>
      %add3A_566 = arith.addi %mul3A_183, %add3A_565 : vector<16xi32>
      %gather3A_567 = tpu.vector_load_idx %arg11[%add3A_566] : memref<34816xf32, #tpu.memory_space<vmem>>[vector<16xi32>], vector<16xf32>,
      %mul3A_568 = arith.mulf %gather3A_567, %mul3A_165 : vector<16xf32>
      %add3A_569 = arith.addf %add3A_562, %mul3A_568 : vector<16xf32>
      %add3A_570 = arith.constant 16 : i32
      %add3A_571 = arith.addi %mul3A_473, %add3A_570 : i32
      %add3A_572 = vector.broadcast %add3A_571 : i32 to vector<16xi32>
      %add3A_573 = arith.addi %mul3A_183, %add3A_572 : vector<16xi32>
      %gather3A_574 = tpu.vector_load_idx %arg11[%add3A_573] : memref<34816xf32, #tpu.memory_space<vmem>>[vector<16xi32>], vector<16xf32>,
      %mul3A_575 = arith.mulf %gather3A_574, %mul3A_176 : vector<16xf32>
      %add3A_576 = arith.addf %add3A_569, %mul3A_575 : vector<16xf32>
      %add3A_577 = arith.constant 14 : i32
      %add3A_578 = arith.addi %mul3A_473, %add3A_577 : i32
      %add3A_579 = vector.broadcast %add3A_578 : i32 to vector<16xi32>
      %add3A_580 = arith.addi %mul3A_183, %add3A_579 : vector<16xi32>
      tpu.vector_store_idx %arg11[%add3A_580], %add3A_576 : memref<34816xf32, #tpu.memory_space<vmem>>[vector<16xi32>], vector<16xf32>,
    }
    %scan3A_462 = arith.constant 128 : i32
    %add3A_463 = arith.constant 522240 : i32
    %add3A_464 = arith.addi %mul3A_185, %add3A_463 : i32
    %dma_start3A_465 = tpu.memref_slice %arg6[%add3A_464] : memref<17825792xf32, #tpu.memory_space<hbm>> -> memref<34816xf32, #tpu.memory_space<hbm>>
    %dma_start3A_466 = tpu.memref_slice %arg6[%add3A_464] : memref<17825792xf32, #tpu.memory_space<hbm>> -> memref<34816xf32, #tpu.memory_space<hbm>>
    tpu.enqueue_dma source(%arg11 : memref<34816xf32, #tpu.memory_space<vmem>>) target(%dma_start3A_466 : memref<34816xf32, #tpu.memory_space<hbm>>) target_semaphore(%arg15 : memref<!tpu.dma_semaphore, #tpu.memory_space<semaphore_mem>>)
    %dma_wait3A_467 = tpu.memref_slice %arg6[%add3A_452] : memref<17825792xf32, #tpu.memory_space<hbm>> -> memref<34816xf32, #tpu.memory_space<hbm>>
    %dma_wait3A_468 = tpu.memref_slice %arg6[%add3A_452] : memref<17825792xf32, #tpu.memory_space<hbm>> -> memref<34816xf32, #tpu.memory_space<hbm>>
    tpu.wait_dma2 semaphore(%arg14 : memref<!tpu.dma_semaphore, #tpu.memory_space<semaphore_mem>>) src(%arg10 : memref<34816xf32, #tpu.memory_space<vmem>>) dst(%dma_wait3A_468 : memref<34816xf32, #tpu.memory_space<hbm>>)
    %dma_wait3A_469 = tpu.memref_slice %arg6[%add3A_464] : memref<17825792xf32, #tpu.memory_space<hbm>> -> memref<34816xf32, #tpu.memory_space<hbm>>
    %dma_wait3A_470 = tpu.memref_slice %arg6[%add3A_464] : memref<17825792xf32, #tpu.memory_space<hbm>> -> memref<34816xf32, #tpu.memory_space<hbm>>
    tpu.wait_dma2 semaphore(%arg15 : memref<!tpu.dma_semaphore, #tpu.memory_space<semaphore_mem>>) src(%arg11 : memref<34816xf32, #tpu.memory_space<vmem>>) dst(%dma_wait3A_470 : memref<34816xf32, #tpu.memory_space<hbm>>)
    return
  }
}

</mosaic_0001>

<sc_bundles>
// kernel: _run.3.cloned.1.call-start
scs
__scs_entry_jumppad:
0x0: {  	(pc) =	sbr.rel $0x88, $3  }
0x1: {  	(tag) =	ssettag $0x0;
	lr =	simm.s32 $0x1  }
0x2: {  	[smem:$0x3F9D] =	sst lr;
	_ =	strace $0xD0000000  }
0x3: {  	_ = 	snop  }
0x4: {  	_ = 	snop  }
0x5: {  	_ = 	snop  }
0x6: {  	_ = 	snop  }
0x7: {  	_ = 	snop  }
__scs_overlays_trampoline_lowered:
0x8: {  	[smem:$0x3FAC] =	sst s0  }
0x9: {  	[smem:$0x3FAD] =	sst s1  }
0xa: {  	[smem:$0x3FAE] =	sst s2  }
0xb: {  	[smem:$0x3FAF] =	sst s3  }
0xc: {  	[smem:$0x3FB0] =	sst s4  }
0xd: {  	[smem:$0x3FB1] =	sst s5  }
0xe: {  	[smem:$0x3FB2] =	sst s6  }
0xf: {  	[smem:$0x3FB3] =	sst s7  }
0x10: {  	[smem:$0x3FB4] =	sst s8  }
0x11: {  	[smem:$0x3FB5] =	sst s9;
	s0 =	simm.s32 @!p0 $0x0  }
0x12: {  	s1 =	sld [smem:$0x3F9B];
	s0 =	simm.s32 @p0 $0x1  }
0x13: {  	[smem:$0x3FB6] =	sst s0;
	s0 =	simm.s32 @!p1 $0x0  }
0x14: {  	s2 =	sld [smem:$0x3F9A];
	s0 =	simm.s32 @p1 $0x1  }
0x15: {  	[smem:$0x3FB7] =	sst s0;
	s0 =	simm.s32 @!p2 $0x0  }
0x16: {  	s3 =	sld [smem:$0x3FDB];
	s0 =	simm.s32 @p2 $0x1  }
0x17: {  	s4 =	simm.s32 $0x1BF5;
	[smem:$0x3FB9] =	sst s0  }
0x18: {  	s0 =	sld [smem:$0x3F9C];
	_ =	swait.ge [sflag:s4], $0x0  }
0x19: {  	s7 =	sld [smem:$0x3F9D]  }
0x1a: {  	s8 =	sadd.s32 $0xFFFFE003, lr  }
0x1b: {  	s9 =	sadd.s32 $0xFFFFFEF7, lr;
	s5 =	simm.s32 $0xFFFFFFFF;
	p2 =	slt.u32 s8, $0xFFFFF086  }
0x1c: {  	p1 =	slt.u32 s9, $0xF7A;
	s5 =	simm.s32 @!p2 $0x0  }
0x1d: {  	s5 =	simm.s32 @p1 $0x1;
	p0 =	seq.s32 s7, s2  }
0x1e: {  	s7 =	smul.u32 @!p0 $0xF7A, s2;
	p2 =	seq.s32 @!p0 s5, $0x0  }
0x1f: {  	s9 =	smul.u32 $0xF7A, s1;
	s8 =	simm.s32 @!p0 $0x1BF5;
	p2 =	por !p2, p0  }
0x20: {  	[sflag:s8] =	ssyncset.s32 @!p0 $0xFFFFF086;
	s6 =	sadd.s32 @!p0 s3, s7;
	s7 =	simm.s32 @!p0 $0x108  }
0x21: {  	s3 =	sadd.s32 s3, s9;
	s6 =	sadd.s32 @!p0 $0x88, s6;
	s7 =	simm.s32 @p2 $0x1082  }
0x22: {  	[simem:s7], [sflag:s8] =	dma.local @!p0 [hbm:s6], $0xF7A  }
0x23: {  	s9 =	sor.u32 $0xD0000000, s2;
	s6 =	simm.s32 $0x108;
	_ =	swait.ge @!p0 [sflag:s8], $0x0  }
0x24: {  	s3 =	sadd.s32 $0x88, s3;
	s6 =	simm.s32 @!p1 $0x1082;
	[sflag:s4] =	ssyncset.s32 $0xFFFFF086  }
0x25: {  	[simem:s6], [sflag:s4] =	dma.local [hbm:s3], $0xF7A  }
0x26: {  	[smem:$0x3F9D] =	sst s1;
	(tag) =	ssettag s2;
	_ =	strace s9  }
0x27: {  	s1 =	sld [smem:$0x3FAD]  }
0x28: {  	s2 =	sld [smem:$0x3FAE]  }
0x29: {  	s4 =	sld [smem:$0x3FB0]  }
0x2a: {  	p0 =	seq.s32 s5, $0x0;
	s5 =	sld [smem:$0x3FB1]  }
0x2b: {  	s6 =	sld [smem:$0x3FB2]  }
0x2c: {  	s7 =	sld [smem:$0x3FB3]  }
0x2d: {  	s3 =	simm.s32 $0x108;
	s8 =	sld [smem:$0x3FB4]  }
0x2e: {  	s3 =	simm.s32 @!p0 $0x1082;
	s9 =	sld [smem:$0x3FB5]  }
0x2f: {  	lr =	sadd.s32 s0, s3;
	s0 =	sld [smem:$0x3FAC]  }
0x30: {  	s3 =	sld [smem:$0x3FAF]  }
0x31: {  	[smem:$0x3FB8] =	sst s10  }
0x32: {  	s10 =	sld [smem:$0x3FB6];
	_ =	sdelay $0x3  }
0x33: {  	p0 =	seq.s32 s10, $0x1;
	s10 =	sld [smem:$0x3FB8];
	_ =	sdelay $0x3  }
0x34: {  	[smem:$0x3FB8] =	sst s10  }
0x35: {  	s10 =	sld [smem:$0x3FB7];
	_ =	sdelay $0x3  }
0x36: {  	p1 =	seq.s32 s10, $0x1;
	s10 =	sld [smem:$0x3FB8];
	_ =	sdelay $0x3  }
0x37: {  	[smem:$0x3FB8] =	sst s10  }
0x38: {  	s10 =	sld [smem:$0x3FB9]  }
0x39: {  	_ = 	snop;
	(pc) =	sbr.ind lr, $3  }
0x3a: {  	_ = 	snop  }
0x3b: {  	_ = 	snop  }
0x3c: {  	p2 =	seq.s32 s10, $0x1;
	s10 =	sld [smem:$0x3FB8]  }
0x3d: {  	_ =	shalt  }
0x3e: {  	_ =	shalt  }
0x3f: {  	_ =	shalt  }
0x40: {  	_ =	shalt  }
0x41: {  	_ =	shalt  }
0x42: {  	_ =	shalt  }
0x43: {  	_ =	shalt  }
0x44: {  	_ =	shalt  }
0x45: {  	_ =	shalt  }
0x46: {  	_ =	shalt  }
0x47: {  	_ =	shalt  }
0x48: {  	_ =	shalt  }
0x49: {  	_ =	shalt  }
0x4a: {  	_ =	shalt  }
0x4b: {  	_ =	shalt  }
0x4c: {  	_ =	shalt  }
0x4d: {  	_ =	shalt  }
0x4e: {  	_ =	shalt  }
0x4f: {  	_ =	shalt  }
0x50: {  	_ =	shalt  }
0x51: {  	_ =	shalt  }
0x52: {  	_ =	shalt  }
0x53: {  	_ =	shalt  }
0x54: {  	_ =	shalt  }
0x55: {  	_ =	shalt  }
0x56: {  	_ =	shalt  }
0x57: {  	_ =	shalt  }
0x58: {  	_ =	shalt  }
0x59: {  	_ =	shalt  }
0x5a: {  	_ =	shalt  }
0x5b: {  	_ =	shalt  }
0x5c: {  	_ =	shalt  }
0x5d: {  	_ =	shalt  }
0x5e: {  	_ =	shalt  }
0x5f: {  	_ =	shalt  }
0x60: {  	_ =	shalt  }
0x61: {  	_ =	shalt  }
0x62: {  	_ =	shalt  }
0x63: {  	_ =	shalt  }
0x64: {  	_ =	shalt  }
0x65: {  	_ =	shalt  }
0x66: {  	_ =	shalt  }
0x67: {  	_ =	shalt  }
0x68: {  	_ =	shalt  }
0x69: {  	_ =	shalt  }
0x6a: {  	_ =	shalt  }
0x6b: {  	_ =	shalt  }
0x6c: {  	_ =	shalt  }
0x6d: {  	_ =	shalt  }
0x6e: {  	_ =	shalt  }
0x6f: {  	_ =	shalt  }
0x70: {  	_ =	shalt  }
0x71: {  	_ =	shalt  }
0x72: {  	_ =	shalt  }
0x73: {  	_ =	shalt  }
0x74: {  	_ =	shalt  }
0x75: {  	_ =	shalt  }
0x76: {  	_ =	shalt  }
0x77: {  	_ =	shalt  }
0x78: {  	_ =	shalt  }
0x79: {  	_ =	shalt  }
0x7a: {  	_ =	shalt  }
0x7b: {  	_ =	shalt  }
0x7c: {  	_ =	shalt  }
0x7d: {  	_ =	shalt  }
0x7e: {  	_ =	shalt  }
0x7f: {  	_ =	shalt  }
0x80: {  	_ =	shalt  }
0x81: {  	_ =	shalt  }
0x82: {  	_ =	shalt  }
0x83: {  	_ =	shalt  }
0x84: {  	_ =	shalt  }
0x85: {  	_ =	shalt  }
0x86: {  	_ =	shalt  }
0x87: {  	_ =	shalt  }
.Lfunc_end0:
.L_simem_size_0:
called_computation_lowered:
.L_overlay_start_0:
0x88: {  	s2 =	sld [smem:$0x3FD9]  }
0x89: {  	s3 =	sld [smem:$0x3FFE];
	_ =	sdelay $0x1  }
0x8a: {  	s1 =	srdreg.scid  }
0x8b: {  	s0 =	sand.u32 $0x1, s1  }
0x8c: {  	s18 =	sshll.u32 s0, $0xA;
	s2 =	sadd.s32 s3, s2  }
0x8d: {  	s2 =	sadd.s32 s2, s18  }
0x8e: {  	[smem:$0x3FC4] =	sst s2  }
0x8f: {  	_ = 	snop  }
0x90: {  	s2 =	sld [smem:$0x3FC9]  }
0x91: {  	s19 =	sld [smem:$0x3FC8]  }
0x92: {  	s4 =	sld [smem:$0x3FC7]  }
0x93: {  	s5 =	sld [smem:$0x3FC6]  }
0x94: {  	s6 =	sld [smem:$0x3FD0];
	(tm) =	ssettm $0x1  }
0x95: {  	s7 =	sld [smem:$0x3FFB];
	_ =	sdelay $0x3  }
0x96: {  	_ =	strace s7  }
0x97: {  	s7 =	sld [smem:$0x3FFC];
	_ =	sdelay $0x3  }
0x98: {  	_ =	strace s7  }
0x99: {  	s7 =	sld [smem:$0x3FFD];
	_ =	sdelay $0x3  }
0x9a: {  	_ =	strace s7  }
0x9b: {  	_ =	strace $0x8FFFFFFF  }
0x9c: {  	s20 =	sld [smem:$0x3FDB];
	_ =	sdelay $0x1  }
0x9d: {  	s8 =	simm.s32 $_scs_section_size  }
0x9e: {  	s9 =	simm.s32 $_size__tile_overlayer_lowered;
	s10 =	simm.s32 $_tile_overlayer_lowered  }
0x9f: {  	s23 =	simm.s32 $0x1BFF;
	s22 =	sshll.u32 s10, $0x1;
	s7 =	sadd.s32 s8, s20  }
0xa0: {  	s11 =	simm.s32 $0x0;
	s21 =	sshll.u32 s9, $0x1;
	s9 =	sadd.s32 s22, s7  }
0xa1: {  	[timem:s11], [sflag:s23] =	dma.local [hbm:s9], s21  }
0xa2: {  	_ =	swait.ge [sflag:s23], s21  }
0xa3: {  	s8 =	ssub.s32 $0x0, s21;
	[sflag:s23] =	ssyncset.done $0x0  }
0xa4: {  	[sflag:s23] =	ssyncadd.s32 s8;
	_ =	sdelay $0x1  }
0xa5: {  	s24 =	simm.s32 $0x1B8B  }
0xa6: {  	_ =	swait.ge [sflag:s24], $0x1  }
0xa7: {  	[sflag:s24] =	ssyncset.done $0x0  }
0xa8: {  	s25 =	simm.s32 $0x1B8E;
	[sflag:s24] =	ssyncadd.s32 $0xFFFFFFFF  }
0xa9: {  	s26 =	simm.s32 $execute0_lowered;
	[smem:$0x3FD2] =	sst s25  }
0xaa: {  	s8 =	sshll.u32 s26, $0x1;
	_ =	strace $0x80000046;
	[dreg:$0x1] =	wrdreg $0xFFFFFFFF  }
0xab: {  	s28 =	simm.s32 $_size_execute0_lowered;
	s7 =	sadd.s32 s7, s8;
	[dreg:$0x0] =	wrdreg $0x0  }
0xac: {  	s8 =	sshll.u32 s28, $0x1;
	[dreg:$0x2] =	wrdreg s7  }
0xad: {  	[dreg:$0x3] =	wrdreg s8  }
0xae: {  	[dreg:$0x4] =	wrdreg $0xC0  }
0xaf: {  	_ =	task [dreg:s11], $0x5FFFF  }
0xb0: {  	[dreg:$0x1] =	wrdreg $0xFFFFFFFF  }
0xb1: {  	[dreg:$0x0] =	wrdreg $0x60  }
0xb2: {  	[dreg:$0x2] =	wrdreg s2  }
0xb3: {  	[dreg:$0x3] =	wrdreg s19  }
0xb4: {  	[dreg:$0x4] =	wrdreg s4  }
0xb5: {  	[dreg:$0x5] =	wrdreg s5  }
0xb6: {  	[dreg:$0x6] =	wrdreg s6  }
0xb7: {  	[dreg:$0x7] =	wrdreg $0x9  }
0xb8: {  	_ =	task.clear_ibuf [dreg:s11], $0x8FFFF;
	_ =	strace $0x90000046  }
0xb9: {  	s29 =	simm.s32 $0x9;
	_ =	strace $0x80000048  }
0xba: {  	_ =	swait.ge [sflag:s29], $0x1  }
0xbb: {  	[sflag:s29] =	ssyncadd.s32 $0xFFFFFFFF  }
0xbc: {  	_ =	strace $0x90000048  }
0xbd: {  	_ =	sfence  }
0xbe: {  	s30 =	sld [smem:$0x0];
	_ =	sdelay $0x2  }
0xbf: {  	s31 =	sshll.u32 s1, $0xD;
	s1 =	sshrl.u32 s1, $0x2  }
0xc0: {  	s3 =	sand.u32 $0x4000, s31;
	s1 =	sadd.s32 s1, s30  }
0xc1: {  	s0 =	sor.u32 s3, s0;
	s1 =	sshll.u32 s1, $0x11  }
0xc2: {  	s0 =	sor.u32 s1, s0  }
0xc3: {  	s0 =	sadd.s32 $0x8F2B, s0  }
0xc4: {  	[sflag:s0] =	ssyncadd.remote.s32 $0x1  }
0xc5: {  	_ =	sfence.sel $0xFFFF  }
0xc6: {  	[dreg:$0x0] =	wrdreg $0xFFFFFFFF;
	(pc) =	sbr.abs _section_cstart, $3  }
0xc7: {  	[dreg:$0x1] =	wrdreg $0xFFFFFFFF  }
0xc8: {  	_ =	task.clear_ibuf [dreg:s11], $0x2FFFF;
	_ =	strace $0x9FFFFFFF  }
0xc9: {  	(tm) =	ssettm $0x7FFFFFFF  }
tec
execute0_lowered:
.L_overlay_start_1:
0x0: {  	(tag) =	ssettag $0x1  }
0x1: {  	s0 =	srdreg.scid;
	s1 =	stileid.u32  }
0x2: {  	s0 =	sand.u32 $0x1, s0;
	s1 =	sshll.u32 s1, $0x1  }
0x3: {  	s1 =	sor.u32 s0, s1  }
0x4: {  	s2 =	rddreg [dreg:$0x0];
	s3 =	smul.u32 $0x88000, s1  }
0x5: {  	s4 =	rddreg [dreg:$0x4];
	s0 =	ssub.s32 $0x2, s0  }
0x6: {  	s1 =	simm.s32 $0x0;
	s5 =	sshrl.u32 s0, $0x1;
	s3 =	sshrl.u32 s3, $0x3  }
0x7: {  	[smem:$0x7FF] =	sst s1;
	s5 =	ssub.s32 s0, s5;
	s6 =	sadd.s32 $0x1100, s3  }
0x8: {  	s18 =	sadd.s32 $0x2200, s3;
	s19 =	sadd.s32 $0x3300, s3;
	s21 =	sadd.s32 $0x4400, s3  }
0x9: {  	s23 =	sadd.s32 $0x5500, s3;
	s25 =	sadd.s32 $0x6600, s3;
	s17 =	sadd.s32 s2, s6  }
0xa: {  	s8 =	sadd.s32 $0x7700, s3;
	s7 =	sadd.s32 s2, s18;
	[dreg:$0x6] =	wrdreg s17  }
0xb: {  	s10 =	sadd.s32 $0x8800, s3;
	s6 =	sadd.s32 s4, s6;
	[dreg:$0x7] =	wrdreg s7  }
0xc: {  	s12 =	sadd.s32 $0x9900, s3;
	s20 =	sadd.s32 s2, s19;
	[dreg:$0x8] =	wrdreg s6  }
0xd: {  	s14 =	sadd.s32 $0xAA00, s3;
	s0 =	sadd.s32 s4, s18;
	[dreg:$0x9] =	wrdreg s20  }
0xe: {  	s15 =	sadd.s32 $0xBB00, s3;
	s22 =	sadd.s32 s2, s21;
	[dreg:$0xa] =	wrdreg s0  }
0xf: {  	s16 =	sadd.s32 $0xCC00, s3;
	s24 =	sadd.s32 s2, s23;
	[dreg:$0xb] =	wrdreg s22  }
0x10: {  	s30 =	sadd.s32 s2, s3;
	s26 =	sadd.s32 s2, s25;
	[dreg:$0xd] =	wrdreg s24  }
0x11: {  	s31 =	sadd.s32 s4, s3;
	s9 =	sadd.s32 s2, s8;
	[dreg:$0xf] =	wrdreg s26  }
0x12: {  	s11 =	sadd.s32 s2, s10;
	s13 =	sadd.s32 s2, s12;
	[dreg:$0x11] =	wrdreg s9  }
0x13: {  	s18 =	sadd.s32 $0xEE00, s3;
	s6 =	sadd.s32 s4, s19;
	[dreg:$0x13] =	wrdreg s11  }
0x14: {  	s0 =	sadd.s32 s4, s21;
	[dreg:$0x15] =	wrdreg s13;
	s19 =	sadd.s32 s2, s14  }
0x15: {  	s20 =	sadd.s32 s4, s12;
	s21 =	sadd.s32 s4, s14;
	s22 =	sadd.s32 s2, s15  }
0x16: {  	s24 =	sadd.s32 s2, s16;
	s17 =	sadd.s32 $0xDD00, s3;
	s3 =	sadd.s32 $0xFF00, s3  }
0x17: {  	s29 =	sadd.s32 s2, s18;
	s7 =	simm.s32 $0x100;
	s9 =	simm.s32 $0x8980  }
0x18: {  	s11 =	simm.s32 $0x3;
	s12 =	simm.s32 $0x2;
	[dreg:$0xc] =	wrdreg s6  }
0x19: {  	s13 =	simm.s32 $0x4;
	s14 =	simm.s32 $0x0;
	[dreg:$0xe] =	wrdreg s0  }
0x1a: {  	v0 =	vimm.s32 $0x3;
	s6 =	sadd.s32 s4, s23;
	s0 =	sadd.s32 s4, s25;
	s23 =	sadd.s32 s4, s15  }
0x1b: {  	v1 =	vimm.s32 $0x1;
	v2 =	vimm.s32 $0x2;
	v3 =	vimm.s32 $0x4;
	s25 =	sadd.s32 s4, s16;
	s26 =	sadd.s32 s2, s17;
	[dreg:$0x10] =	wrdreg s6  }
0x1c: {  	v4 =	vimm.s32 $0x5;
	v5 =	vimm.s32 $0x7;
	v6 =	vimm.s32 $0x6;
	s28 =	sadd.s32 s4, s17;
	[dreg:$0x12] =	wrdreg s0;
	s6 =	sadd.s32 s4, s8  }
0x1d: {  	v7 =	vimm.s32 $0x8;
	v8 =	vimm.s32 $0x9;
	v9 =	vimm.s32 $0xB;
	s0 =	sadd.s32 s4, s10;
	s8 =	simm.s32 $0x180;
	[dreg:$0x14] =	wrdreg s6  }
0x1e: {  	v10 =	vimm.s32 $0xA;
	v11 =	vimm.s32 $0xC;
	v17 =	vlaneseq.u32;
	s10 =	simm.s32 $0x1;
	[dreg:$0x16] =	wrdreg s0;
	s0 =	sadd.s32 s2, s3  }
0x1f: {  	v12 =	vimm.s32 $0xD;
	v13 =	vimm.s32 $0xF;
	v17 =	vmul.u32 $0x11, v17;
	s2 =	sadd.s32 s4, s18;
	s3 =	sadd.s32 s4, s3;
	s4 =	smax.u32 s5, $0x1  }
0x20: {  	v14 =	vimm.s32 $0xE;
	v15 =	vimm.s32 $0x10;
	v16 =	vimm.s32 $0x11;
	s5 =	simm.s32 $0x5;
	s6 =	simm.s32 $0x80;
	_ =	strace $0x80000047  }
.LBB2_1:
0x21: {  	s15 =	rddreg [dreg:$0x1]  }
0x22: {  	[tilespmem:s1], [sflag:$0x5] =	stream.linear.gather [hbm4b:s15+s1], $0x80, $0x38;
	[tilespmem:$0x11180] =	vst v63  }
0x23: {  	_ =	swait.ge [sflag:s5], $0x80  }
0x24: {  	[sflag:s5] =	ssyncset.done $0x0  }
0x25: {  	[sflag:s5] =	ssyncadd.s32 $0xFFFFFF80  }
0x26: {  	s18 =	rddreg [dreg:$0x2]  }
0x27: {  	[tilespmem:s6], [sflag:$0x5] =	stream.linear.gather [hbm4b:s18+s1], $0x80, $0x38;
	[tilespmem:$0x11180] =	vst v63  }
0x28: {  	_ =	swait.ge [sflag:s5], $0x80  }
0x29: {  	[sflag:s5] =	ssyncset.done $0x0  }
0x2a: {  	[sflag:s5] =	ssyncadd.s32 $0xFFFFFF80  }
0x2b: {  	s16 =	rddreg [dreg:$0x3]  }
0x2c: {  	[tilespmem:s7], [sflag:$0x5] =	stream.linear.gather [hbm4b:s16+s1], $0x80, $0x38;
	[tilespmem:$0x11180] =	vst v63  }
0x2d: {  	_ =	swait.ge [sflag:s5], $0x80  }
0x2e: {  	[sflag:s5] =	ssyncset.done $0x0  }
0x2f: {  	[sflag:s5] =	ssyncadd.s32 $0xFFFFFF80  }
0x30: {  	v21 =	vld.idx.msk [tilespmem:v0+s7+$0x0], $0xffff  }
0x31: {  	v18 =	vld.idx.msk [tilespmem:v0+s1+$0x0], $0xffff  }
0x32: {  	v19 =	vld.idx.msk [tilespmem:v1+s1+$0x0], $0xffff  }
0x33: {  	v20 =	vld.idx.msk [tilespmem:v1+s6+$0x0], $0xffff  }
0x34: {  	v22 =	vld.idx.msk [tilespmem:v2+s1+$0x0], $0xffff  }
0x35: {  	v23 =	vld.idx.msk [tilespmem:v2+s6+$0x0], $0xffff  }
0x36: {  	v24 =	vld.idx.msk [tilespmem:v3+s1+$0x0], $0xffff  }
0x37: {  	v25 =	vld.idx.msk [tilespmem:v3+s6+$0x0], $0xffff  }
0x38: {  	v26 =	vld.idx.msk [tilespmem:v4+s1+$0x0], $0xffff  }
0x39: {  	v27 =	vld.idx.msk [tilespmem:v4+s6+$0x0], $0xffff  }
0x3a: {  	v28 =	vld.idx.msk [tilespmem:v5+s7+$0x0], $0xffff  }
0x3b: {  	v29 =	vld.idx.msk [tilespmem:v5+s1+$0x0], $0xffff  }
0x3c: {  	v30 =	vld.idx.msk [tilespmem:v6+s1+$0x0], $0xffff  }
0x3d: {  	v31 =	vld.idx.msk [tilespmem:v6+s6+$0x0], $0xffff  }
0x3e: {  	v32 =	vld.idx.msk [tilespmem:v7+s1+$0x0], $0xffff  }
0x3f: {  	v33 =	vld.idx.msk [tilespmem:v7+s6+$0x0], $0xffff  }
0x40: {  	v34 =	vld.idx.msk [tilespmem:v8+s1+$0x0], $0xffff  }
0x41: {  	v35 =	vld.idx.msk [tilespmem:v8+s6+$0x0], $0xffff  }
0x42: {  	v36 =	vld.idx.msk [tilespmem:v9+s7+$0x0], $0xffff  }
0x43: {  	v37 =	vld.idx.msk [tilespmem:v9+s1+$0x0], $0xffff  }
0x44: {  	v38 =	vld.idx.msk [tilespmem:v10+s1+$0x0], $0xffff  }
0x45: {  	v39 =	vld.idx.msk [tilespmem:v10+s6+$0x0], $0xffff  }
0x46: {  	v40 =	vld.idx.msk [tilespmem:v11+s1+$0x0], $0xffff  }
0x47: {  	v41 =	vld.idx.msk [tilespmem:v11+s6+$0x0], $0xffff  }
0x48: {  	v42 =	vld.idx.msk [tilespmem:v12+s1+$0x0], $0xffff  }
0x49: {  	v43 =	vld.idx.msk [tilespmem:v12+s6+$0x0], $0xffff  }
0x4a: {  	v44 =	vld.idx.msk [tilespmem:v13+s7+$0x0], $0xffff  }
0x4b: {  	v45 =	vld.idx.msk [tilespmem:v13+s1+$0x0], $0xffff  }
0x4c: {  	v46 =	vld.idx.msk [tilespmem:v14+s1+$0x0], $0xffff  }
0x4d: {  	v47 =	vld.idx.msk [tilespmem:v14+s6+$0x0], $0xffff  }
0x4e: {  	v48 =	vld.idx.msk [tilespmem:v15+s1+$0x0], $0xffff  }
0x4f: {  	v49 =	vld.idx.msk [tilespmem:v15+s6+$0x0], $0xffff  }
0x50: {  	s17 =	simm.s32 $0x0;
	v50 =	vld.idx.msk [tilespmem:v16+s1+$0x0], $0xffff  }
0x51: {  	v51 =	vld.idx.msk [tilespmem:v16+s6+$0x0], $0xffff;
	[tilespmem:s8], [sflag:$0x1] =	stream.linear.gather [hbm4b:s30+s1], $0x8800, $0x38  }
0x52: {  	s18 =	simm.s32 $0x1;
	s16 =	rddreg [dreg:$0x6];
	v18 =	vadd.f32 v19, v18;
	v19 =	vadd.s32 s17, v17  }
0x53: {  	[tilespmem:s9], [sflag:$0x2] =	stream.linear.gather [hbm4b:s16+s1], $0x8800, $0x38;
	[tilespmem:$0x11180] =	vst v63  }
0x54: {  	_ =	swait.ge [sflag:s10], $0x8800;
	v18 =	vadd.f32 v22, v18;
	v22 =	vadd.s32 s18, v17  }
0x55: {  	s16 =	simm.s32 $0x3;
	[sflag:s10] =	ssyncset.done $0x0  }
0x56: {  	[sflag:s10] =	ssyncadd.s32 $0xFFFF7800;
	v18 =	vadd.f32 v24, v18;
	v24 =	vadd.s32 s16, v17  }
0x57: {  	s17 =	simm.s32 $0x4;
	v52 =	vld.idx.msk [tilespmem:v19+s8+$0x0], $0xffff  }
0x58: {  	v19 =	vsub.f32 $0.0e+00, v20;
	v18 =	vadd.f32 v26, v18;
	v26 =	vadd.s32 s17, v17  }
0x59: {  	v20 =	vsub.f32 $0.0e+00, v23;
	v23 =	vld.idx.msk [tilespmem:v22+s8+$0x0], $0xffff  }
0x5a: {  	v19 =	vmul.f32 v19, v21;
	v22 =	vsub.f32 $0.0e+00, v18  }
0x5b: {  	v18 =	vmul.f32 v20, v21;
	v24 =	vld.idx.msk [tilespmem:v24+s8+$0x0], $0xffff  }
0x5c: {  	v20 =	vsub.f32 $0.0e+00, v25;
	v22 =	vmul.f32 v22, v21;
	v25 =	vmul.f32 v52, v19  }
0x5d: {  	v27 =	vsub.f32 $0.0e+00, v27;
	v26 =	vld.idx.msk [tilespmem:v26+s8+$0x0], $0xffff  }
0x5e: {  	v20 =	vmul.f32 v20, v21;
	v25 =	vadd.f32 v25, v22;
	v23 =	vmul.f32 v23, v18;
	_ =	sdelay $0x1  }
0x5f: {  	s18 =	simm.s32 $0x2;
	v21 =	vmul.f32 v27, v21;
	v23 =	vadd.f32 v23, v25;
	v24 =	vmul.f32 v24, v20  }
0x60: {  	s16 =	simm.s32 $0x5;
	v25 =	vadd.s32 s18, v17  }
0x61: {  	v23 =	vadd.f32 v24, v23;
	v24 =	vmul.f32 v26, v21;
	v26 =	vadd.s32 s16, v17  }
0x62: {  	s17 =	simm.s32 $0x7  }
0x63: {  	v27 =	vadd.f32 v30, v29;
	v23 =	vadd.f32 v24, v23;
	v24 =	vadd.s32 s17, v17  }
0x64: {  	s18 =	simm.s32 $0x8  }
0x65: {  	[tilespmem:v25+s8+$0x0] =	vst.idx.msk $0xffff, v23;
	v23 =	vadd.f32 v32, v27;
	v25 =	vadd.s32 s18, v17  }
0x66: {  	v27 =	vld.idx.msk [tilespmem:v26+s8+$0x0], $0xffff  }
0x67: {  	v26 =	vadd.f32 v34, v23;
	v23 =	vsub.f32 $0.0e+00, v31  }
0x68: {  	v29 =	vsub.f32 $0.0e+00, v33;
	v30 =	vld.idx.msk [tilespmem:v24+s8+$0x0], $0xffff  }
0x69: {  	v23 =	vmul.f32 v23, v28;
	v26 =	vsub.f32 $0.0e+00, v26  }
0x6a: {  	v24 =	vmul.f32 v29, v28;
	v29 =	vld.idx.msk [tilespmem:v25+s8+$0x0], $0xffff  }
0x6b: {  	v25 =	vsub.f32 $0.0e+00, v35;
	v26 =	vmul.f32 v26, v28;
	v27 =	vmul.f32 v27, v23;
	_ =	sdelay $0x1  }
0x6c: {  	s16 =	simm.s32 $0x6;
	v25 =	vmul.f32 v25, v28;
	v27 =	vadd.f32 v27, v26;
	v28 =	vmul.f32 v30, v24  }
0x6d: {  	s17 =	simm.s32 $0x9;
	v30 =	vadd.s32 s16, v17  }
0x6e: {  	v27 =	vadd.f32 v28, v27;
	v28 =	vmul.f32 v29, v25;
	v29 =	vadd.s32 s17, v17  }
0x6f: {  	s18 =	simm.s32 $0xB  }
0x70: {  	v31 =	vadd.f32 v38, v37;
	v27 =	vadd.f32 v28, v27;
	v28 =	vadd.s32 s18, v17  }
0x71: {  	s16 =	simm.s32 $0xC  }
0x72: {  	[tilespmem:v30+s8+$0x0] =	vst.idx.msk $0xffff, v27;
	v27 =	vadd.f32 v40, v31;
	v30 =	vadd.s32 s16, v17  }
0x73: {  	v29 =	vld.idx.msk [tilespmem:v29+s8+$0x0], $0xffff  }
0x74: {  	v31 =	vadd.f32 v42, v27;
	v27 =	vsub.f32 $0.0e+00, v39  }
0x75: {  	v38 =	vsub.f32 $0.0e+00, v41;
	v39 =	vld.idx.msk [tilespmem:v28+s8+$0x0], $0xffff  }
0x76: {  	v27 =	vmul.f32 v27, v36;
	v31 =	vsub.f32 $0.0e+00, v31  }
0x77: {  	v28 =	vmul.f32 v38, v36;
	v40 =	vld.idx.msk [tilespmem:v30+s8+$0x0], $0xffff  }
0x78: {  	v41 =	vsub.f32 $0.0e+00, v43;
	v30 =	vmul.f32 v31, v36;
	v31 =	vmul.f32 v29, v27;
	_ =	sdelay $0x1  }
0x79: {  	s17 =	simm.s32 $0xA;
	v29 =	vmul.f32 v41, v36;
	v31 =	vadd.f32 v31, v30;
	v33 =	vmul.f32 v39, v28  }
0x7a: {  	s18 =	simm.s32 $0xD;
	v42 =	vadd.s32 s17, v17  }
0x7b: {  	v43 =	vadd.s32 s18, v17;
	v31 =	vadd.f32 v33, v31;
	v32 =	vmul.f32 v40, v29  }
0x7c: {  	s16 =	simm.s32 $0xF  }
0x7d: {  	v46 =	vadd.f32 v46, v45;
	v52 =	vadd.s32 s16, v17;
	v31 =	vadd.f32 v32, v31;
	_ =	sdelay $0x1  }
0x7e: {  	s17 =	simm.s32 $0x10;
	[tilespmem:v42+s8+$0x0] =	vst.idx.msk $0xffff, v31;
	v31 =	vadd.f32 v48, v46  }
0x7f: {  	v53 =	vadd.s32 s17, v17;
	v33 =	vld.idx.msk [tilespmem:v43+s8+$0x0], $0xffff  }
0x80: {  	v54 =	vsub.f32 $0.0e+00, v47;
	v55 =	vadd.f32 v50, v31  }
0x81: {  	v56 =	vsub.f32 $0.0e+00, v49;
	v57 =	vld.idx.msk [tilespmem:v52+s8+$0x0], $0xffff  }
0x82: {  	v31 =	vmul.f32 v54, v44;
	v58 =	vsub.f32 $0.0e+00, v55  }
0x83: {  	v32 =	vmul.f32 v56, v44  }
0x84: {  	v59 =	vld.idx.msk [tilespmem:v53+s8+$0x0], $0xffff;
	v34 =	vmul.f32 v58, v44;
	v61 =	vmul.f32 v33, v31  }
0x85: {  	v60 =	vsub.f32 $0.0e+00, v51  }
0x86: {  	v62 =	vmul.f32 v57, v32;
	v35 =	vadd.f32 v61, v34  }
0x87: {  	s18 =	simm.s32 $0xE;
	v33 =	vmul.f32 v60, v44  }
0x88: {  	s17 =	simm.s32 $0x110;
	v38 =	vadd.f32 v62, v35;
	v35 =	vadd.s32 s18, v17  }
0x89: {  	v37 =	vadd.s32 s17, v17;
	v63 =	vmul.f32 v59, v33  }
0x8a: {  	s18 =	simm.s32 $0x111  }
0x8b: {  	v36 =	vadd.s32 s18, v17;
	v38 =	vadd.f32 v63, v38  }
0x8c: {  	s15 =	simm.s32 $0x120;
	s16 =	simm.s32 $0x230;
	s17 =	simm.s32 $0x113  }
.LBB2_2:
0x8d: {  	p0 =	sne.s32 s16, $0x8700;
	v39 =	vadd.s32 s17, v17;
	[tilespmem:v35+s8+$0x0] =	vst.idx.msk $0xffff, v38;
	s17 =	smov.u32 s16;
	s16 =	sadd.s32 $0x110, s16  }
0x8e: {  	s18 =	sadd.s32 $0xFFFFFFF4, s15;
	v35 =	vld.idx.msk [tilespmem:v37+s8+$0x0], $0xffff  }
0x8f: {  	v37 =	vadd.s32 s18, v17  }
0x90: {  	v36 =	vld.idx.msk [tilespmem:v36+s8+$0x0], $0xffff;
	_ =	sdelay $0x1  }
0x91: {  	v38 =	vld.idx.msk [tilespmem:v39+s8+$0x0], $0xffff;
	_ =	sdelay $0x1  }
0x92: {  	v35 =	vmul.f32 v35, v19;
	v37 =	vld.idx.msk [tilespmem:v37+s8+$0x0], $0xffff;
	_ =	sdelay $0x1  }
0x93: {  	v35 =	vadd.f32 v35, v22;
	v36 =	vmul.f32 v36, v18;
	_ =	sdelay $0x1  }
0x94: {  	s18 =	sadd.s32 $0xFFFFFFF2, s15;
	v35 =	vadd.f32 v36, v35;
	v36 =	vmul.f32 v38, v20  }
0x95: {  	v38 =	vadd.s32 s18, v17;
	s18 =	sadd.s32 $0xFFFFFFF5, s15  }
0x96: {  	v35 =	vadd.f32 v36, v35;
	v36 =	vmul.f32 v37, v21;
	v37 =	vadd.s32 s18, v17  }
0x97: {  	s18 =	sadd.s32 $0xFFFFFFF7, s15  }
0x98: {  	v35 =	vadd.f32 v36, v35;
	v36 =	vadd.s32 s18, v17  }
0x99: {  	s18 =	sadd.s32 $0xFFFFFFF8, s15  }
0x9a: {  	[tilespmem:v38+s8+$0x0] =	vst.idx.msk $0xffff, v35;
	v35 =	vadd.s32 s18, v17  }
0x9b: {  	v37 =	vld.idx.msk [tilespmem:v37+s8+$0x0], $0xffff;
	_ =	sdelay $0x1  }
0x9c: {  	v36 =	vld.idx.msk [tilespmem:v36+s8+$0x0], $0xffff;
	_ =	sdelay $0x1  }
0x9d: {  	v35 =	vld.idx.msk [tilespmem:v35+s8+$0x0], $0xffff;
	_ =	sdelay $0x1  }
0x9e: {  	v37 =	vmul.f32 v37, v23;
	_ =	sdelay $0x1  }
0x9f: {  	s18 =	sadd.s32 $0xFFFFFFF6, s15;
	v37 =	vadd.f32 v37, v26;
	v36 =	vmul.f32 v36, v24  }
0xa0: {  	v38 =	vadd.s32 s18, v17;
	s18 =	sadd.s32 $0xFFFFFFF9, s15  }
0xa1: {  	v36 =	vadd.f32 v36, v37;
	v35 =	vmul.f32 v35, v25;
	v37 =	vadd.s32 s18, v17  }
0xa2: {  	s18 =	sadd.s32 $0xFFFFFFFB, s15  }
0xa3: {  	v35 =	vadd.f32 v35, v36;
	v36 =	vadd.s32 s18, v17  }
0xa4: {  	s18 =	sadd.s32 $0xFFFFFFFC, s15  }
0xa5: {  	[tilespmem:v38+s8+$0x0] =	vst.idx.msk $0xffff, v35;
	v35 =	vadd.s32 s18, v17  }
0xa6: {  	v37 =	vld.idx.msk [tilespmem:v37+s8+$0x0], $0xffff;
	_ =	sdelay $0x1  }
0xa7: {  	v36 =	vld.idx.msk [tilespmem:v36+s8+$0x0], $0xffff;
	_ =	sdelay $0x1  }
0xa8: {  	v35 =	vld.idx.msk [tilespmem:v35+s8+$0x0], $0xffff;
	_ =	sdelay $0x1  }
0xa9: {  	v37 =	vmul.f32 v37, v27;
	_ =	sdelay $0x1  }
0xaa: {  	s18 =	sadd.s32 $0xFFFFFFFA, s15;
	v37 =	vadd.f32 v37, v30;
	v36 =	vmul.f32 v36, v28  }
0xab: {  	v38 =	vadd.s32 s18, v17;
	s18 =	sadd.s32 $0xFFFFFFFD, s15  }
0xac: {  	v36 =	vadd.f32 v36, v37;
	v35 =	vmul.f32 v35, v29;
	v37 =	vadd.s32 s18, v17;
	s18 =	sadd.s32 $0xFFFFFFFF, s15  }
0xad: {  	v39 =	vadd.s32 s18, v17  }
0xae: {  	v35 =	vadd.f32 v35, v36;
	v36 =	vadd.s32 s15, v17;
	_ =	sdelay $0x1  }
0xaf: {  	[tilespmem:v38+s8+$0x0] =	vst.idx.msk $0xffff, v35  }
0xb0: {  	v35 =	vld.idx.msk [tilespmem:v37+s8+$0x0], $0xffff  }
0xb1: {  	v37 =	vld.idx.msk [tilespmem:v39+s8+$0x0], $0xffff  }
0xb2: {  	v36 =	vld.idx.msk [tilespmem:v36+s8+$0x0], $0xffff;
	_ =	sdelay $0x3  }
0xb3: {  	v35 =	vmul.f32 v35, v31;
	_ =	sdelay $0x1  }
0xb4: {  	s18 =	sadd.s32 $0xFFFFFFFE, s15;
	s15 =	smov.u32 s17;
	v39 =	vmul.f32 v37, v32;
	v38 =	vadd.f32 v35, v34  }
.Ltmp0:
0xb5: {  	s17 =	sadd.s32 $0xFFFFFFF0, s15;
	v35 =	vadd.s32 s18, v17;
	(pc) =	sbr.rel @p0 .LBB2_2-.Ltmp0, $4  }
0xb6: {  	v37 =	vadd.s32 s17, v17;
	v38 =	vadd.f32 v39, v38;
	v39 =	vmul.f32 v36, v33  }
0xb7: {  	s17 =	sadd.s32 $0xFFFFFFF1, s15  }
0xb8: {  	v36 =	vadd.s32 s17, v17;
	v38 =	vadd.f32 v39, v38  }
0xb9: {  	s17 =	sadd.s32 $0xFFFFFFF3, s15  }
0xba: {  	_ =	sdelay $0x3  }
0xbb: {  	v39 =	vadd.s32 s17, v17;
	[tilespmem:v35+s8+$0x0] =	vst.idx.msk $0xffff, v38  }
0xbc: {  	s16 =	sadd.s32 $0xFFFFFFF4, s15;
	v35 =	vld.idx.msk [tilespmem:v37+s8+$0x0], $0xffff  }
0xbd: {  	v50 =	vadd.s32 s16, v17  }
0xbe: {  	v36 =	vld.idx.msk [tilespmem:v36+s8+$0x0], $0xffff;
	_ =	sdelay $0x1  }
0xbf: {  	v38 =	vld.idx.msk [tilespmem:v39+s8+$0x0], $0xffff  }
0xc0: {  	v35 =	vmul.f32 v35, v19  }
0xc1: {  	v37 =	vld.idx.msk [tilespmem:v50+s8+$0x0], $0xffff  }
0xc2: {  	v36 =	vmul.f32 v36, v18;
	v35 =	vadd.f32 v35, v22;
	_ =	sdelay $0x1  }
0xc3: {  	s18 =	sadd.s32 $0xFFFFFFF2, s15;
	v35 =	vadd.f32 v36, v35;
	v51 =	vmul.f32 v38, v20  }
0xc4: {  	s17 =	sadd.s32 $0xFFFFFFF5, s15;
	v52 =	vadd.s32 s18, v17  }
0xc5: {  	v54 =	vadd.s32 s17, v17;
	v53 =	vmul.f32 v37, v21;
	v35 =	vadd.f32 v51, v35  }
0xc6: {  	s18 =	sadd.s32 $0xFFFFFFF7, s15  }
0xc7: {  	v55 =	vadd.s32 s18, v17;
	v35 =	vadd.f32 v53, v35  }
0xc8: {  	s17 =	sadd.s32 $0xFFFFFFF8, s15  }
0xc9: {  	v56 =	vadd.s32 s17, v17;
	[tilespmem:v52+s8+$0x0] =	vst.idx.msk $0xffff, v35  }
0xca: {  	v37 =	vld.idx.msk [tilespmem:v54+s8+$0x0], $0xffff;
	_ =	sdelay $0x1  }
0xcb: {  	v36 =	vld.idx.msk [tilespmem:v55+s8+$0x0], $0xffff;
	_ =	sdelay $0x1  }
0xcc: {  	v35 =	vld.idx.msk [tilespmem:v56+s8+$0x0], $0xffff  }
0xcd: {  	v37 =	vmul.f32 v37, v23;
	_ =	sdelay $0x1  }
0xce: {  	s18 =	sadd.s32 $0xFFFFFFF6, s15;
	v36 =	vmul.f32 v36, v24;
	v37 =	vadd.f32 v37, v26  }
0xcf: {  	s17 =	sadd.s32 $0xFFFFFFF9, s15;
	v57 =	vadd.s32 s18, v17  }
0xd0: {  	v58 =	vadd.s32 s17, v17;
	v35 =	vmul.f32 v35, v25;
	v36 =	vadd.f32 v36, v37  }
0xd1: {  	s18 =	sadd.s32 $0xFFFFFFFB, s15  }
0xd2: {  	v59 =	vadd.s32 s18, v17;
	v35 =	vadd.f32 v35, v36  }
0xd3: {  	s17 =	sadd.s32 $0xFFFFFFFC, s15  }
0xd4: {  	v60 =	vadd.s32 s17, v17;
	[tilespmem:v57+s8+$0x0] =	vst.idx.msk $0xffff, v35  }
0xd5: {  	v37 =	vld.idx.msk [tilespmem:v58+s8+$0x0], $0xffff;
	_ =	sdelay $0x1  }
0xd6: {  	v36 =	vld.idx.msk [tilespmem:v59+s8+$0x0], $0xffff;
	_ =	sdelay $0x1  }
0xd7: {  	v35 =	vld.idx.msk [tilespmem:v60+s8+$0x0], $0xffff  }
0xd8: {  	v37 =	vmul.f32 v37, v27;
	_ =	sdelay $0x1  }
0xd9: {  	s18 =	sadd.s32 $0xFFFFFFFA, s15;
	v36 =	vmul.f32 v36, v28;
	v37 =	vadd.f32 v37, v30  }
0xda: {  	s17 =	sadd.s32 $0xFFFFFFFD, s15;
	v61 =	vadd.s32 s18, v17  }
0xdb: {  	v62 =	vadd.s32 s17, v17;
	v35 =	vmul.f32 v35, v29;
	v36 =	vadd.f32 v36, v37  }
0xdc: {  	s18 =	sadd.s32 $0xFFFFFFFF, s15  }
0xdd: {  	v63 =	vadd.s32 s18, v17;
	v35 =	vadd.f32 v35, v36;
	_ =	sdelay $0x1  }
0xde: {  	v40 =	vadd.s32 s15, v17;
	[tilespmem:v61+s8+$0x0] =	vst.idx.msk $0xffff, v35  }
0xdf: {  	v35 =	vld.idx.msk [tilespmem:v62+s8+$0x0], $0xffff;
	_ =	sdelay $0x1  }
0xe0: {  	v41 =	vld.idx.msk [tilespmem:v63+s8+$0x0], $0xffff;
	_ =	sdelay $0x1  }
0xe1: {  	v36 =	vld.idx.msk [tilespmem:v40+s8+$0x0], $0xffff  }
0xe2: {  	v35 =	vmul.f32 v35, v31;
	_ =	sdelay $0x1  }
0xe3: {  	s17 =	sadd.s32 $0xFFFFFFFE, s15;
	v37 =	vmul.f32 v41, v32;
	v35 =	vadd.f32 v35, v34  }
0xe4: {  	v42 =	vadd.s32 s17, v17  }
0xe5: {  	v36 =	vmul.f32 v36, v33;
	v35 =	vadd.f32 v37, v35;
	_ =	sdelay $0x1  }
0xe6: {  	v35 =	vadd.f32 v36, v35;
	_ =	sdelay $0x1  }
0xe7: {  	[tilespmem:v42+s8+$0x0] =	vst.idx.msk $0xffff, v35  }
0xe8: {  	[hbm4b:s31+s1] =	stream.linear.scatter [tilespmem:s8], [sflag:$0x3], $0x8800, $0x38;
	[tilespmem:$0x11180] =	vst v63  }
0xe9: {  	_ =	swait.ge [sflag:s11], $0x8800  }
0xea: {  	s18 =	simm.s32 $0x0;
	[sflag:s11] =	ssyncset.done $0x0  }
0xeb: {  	v43 =	vadd.s32 s18, v17;
	s18 =	simm.s32 $0x1;
	s17 =	rddreg [dreg:$0x7];
	[sflag:s11] =	ssyncadd.s32 $0xFFFF7800  }
0xec: {  	[tilespmem:s8], [sflag:$0x1] =	stream.linear.gather [hbm4b:s17+s1], $0x8800, $0x38;
	[tilespmem:$0x11180] =	vst v63  }
0xed: {  	v44 =	vadd.s32 s18, v17;
	_ =	swait.ge [sflag:s12], $0x8800  }
0xee: {  	s16 =	simm.s32 $0x3;
	[sflag:s12] =	ssyncset.done $0x0  }
0xef: {  	v45 =	vadd.s32 s16, v17;
	[sflag:s12] =	ssyncadd.s32 $0xFFFF7800  }
0xf0: {  	s17 =	simm.s32 $0x4;
	v35 =	vld.idx.msk [tilespmem:v43+s9+$0x0], $0xffff  }
0xf1: {  	v46 =	vadd.s32 s17, v17  }
0xf2: {  	v36 =	vld.idx.msk [tilespmem:v44+s9+$0x0], $0xffff;
	_ =	sdelay $0x1  }
0xf3: {  	v37 =	vld.idx.msk [tilespmem:v45+s9+$0x0], $0xffff  }
0xf4: {  	v35 =	vmul.f32 v35, v19  }
0xf5: {  	v38 =	vld.idx.msk [tilespmem:v46+s9+$0x0], $0xffff  }
0xf6: {  	v36 =	vmul.f32 v36, v18;
	v35 =	vadd.f32 v35, v22;
	_ =	sdelay $0x1  }
0xf7: {  	s18 =	simm.s32 $0x2;
	v47 =	vmul.f32 v37, v20;
	v35 =	vadd.f32 v36, v35  }
0xf8: {  	s16 =	simm.s32 $0x5;
	v48 =	vadd.s32 s18, v17  }
0xf9: {  	v50 =	vadd.s32 s16, v17;
	v49 =	vmul.f32 v38, v21;
	v35 =	vadd.f32 v47, v35  }
0xfa: {  	s17 =	simm.s32 $0x7  }
0xfb: {  	v51 =	vadd.s32 s17, v17;
	v35 =	vadd.f32 v49, v35  }
0xfc: {  	s18 =	simm.s32 $0x8  }
0xfd: {  	v52 =	vadd.s32 s18, v17;
	[tilespmem:v48+s9+$0x0] =	vst.idx.msk $0xffff, v35  }
0xfe: {  	v37 =	vld.idx.msk [tilespmem:v50+s9+$0x0], $0xffff;
	_ =	sdelay $0x1  }
0xff: {  	v36 =	vld.idx.msk [tilespmem:v51+s9+$0x0], $0xffff;
	_ =	sdelay $0x1  }
0x100: {  	v35 =	vld.idx.msk [tilespmem:v52+s9+$0x0], $0xffff  }
0x101: {  	v37 =	vmul.f32 v37, v23;
	_ =	sdelay $0x1  }
0x102: {  	s16 =	simm.s32 $0x6;
	v36 =	vmul.f32 v36, v24;
	v37 =	vadd.f32 v37, v26  }
0x103: {  	v53 =	vadd.s32 s16, v17;
	s17 =	simm.s32 $0x9  }
0x104: {  	v54 =	vadd.s32 s17, v17;
	v35 =	vmul.f32 v35, v25;
	v36 =	vadd.f32 v36, v37  }
0x105: {  	s18 =	simm.s32 $0xB  }
0x106: {  	v55 =	vadd.s32 s18, v17;
	v35 =	vadd.f32 v35, v36  }
0x107: {  	s16 =	simm.s32 $0xC  }
0x108: {  	v56 =	vadd.s32 s16, v17;
	[tilespmem:v53+s9+$0x0] =	vst.idx.msk $0xffff, v35  }
0x109: {  	v37 =	vld.idx.msk [tilespmem:v54+s9+$0x0], $0xffff;
	_ =	sdelay $0x1  }
0x10a: {  	v36 =	vld.idx.msk [tilespmem:v55+s9+$0x0], $0xffff;
	_ =	sdelay $0x1  }
0x10b: {  	v35 =	vld.idx.msk [tilespmem:v56+s9+$0x0], $0xffff  }
0x10c: {  	v37 =	vmul.f32 v37, v27;
	_ =	sdelay $0x1  }
0x10d: {  	s17 =	simm.s32 $0xA;
	v36 =	vmul.f32 v36, v28;
	v37 =	vadd.f32 v37, v30  }
0x10e: {  	s18 =	simm.s32 $0xD;
	v57 =	vadd.s32 s17, v17  }
0x10f: {  	v58 =	vadd.s32 s18, v17;
	v35 =	vmul.f32 v35, v29;
	v36 =	vadd.f32 v36, v37  }
0x110: {  	s16 =	simm.s32 $0xF  }
0x111: {  	v59 =	vadd.s32 s16, v17;
	v35 =	vadd.f32 v35, v36;
	_ =	sdelay $0x1  }
0x112: {  	s17 =	simm.s32 $0x10;
	[tilespmem:v57+s9+$0x0] =	vst.idx.msk $0xffff, v35  }
0x113: {  	v60 =	vadd.s32 s17, v17;
	v35 =	vld.idx.msk [tilespmem:v58+s9+$0x0], $0xffff;
	_ =	sdelay $0x1  }
0x114: {  	v61 =	vld.idx.msk [tilespmem:v59+s9+$0x0], $0xffff;
	_ =	sdelay $0x2  }
0x115: {  	v36 =	vld.idx.msk [tilespmem:v60+s9+$0x0], $0xffff;
	v35 =	vmul.f32 v35, v31;
	_ =	sdelay $0x1  }
0x116: {  	v37 =	vmul.f32 v61, v32;
	v35 =	vadd.f32 v35, v34  }
0x117: {  	s18 =	simm.s32 $0xE  }
0x118: {  	s17 =	simm.s32 $0x110;
	v62 =	vadd.f32 v37, v35;
	v35 =	vadd.s32 s18, v17  }
0x119: {  	v63 =	vmul.f32 v36, v33;
	v37 =	vadd.s32 s17, v17  }
0x11a: {  	s18 =	simm.s32 $0x111  }
0x11b: {  	v36 =	vadd.s32 s18, v17;
	v38 =	vadd.f32 v63, v62  }
0x11c: {  	s15 =	simm.s32 $0x120;
	s16 =	simm.s32 $0x230;
	s17 =	simm.s32 $0x113  }
.LBB2_4:
0x11d: {  	p0 =	sne.s32 s16, $0x8700;
	v39 =	vadd.s32 s17, v17;
	[tilespmem:v35+s9+$0x0] =	vst.idx.msk $0xffff, v38;
	s17 =	smov.u32 s16;
	s16 =	sadd.s32 $0x110, s16  }
0x11e: {  	s18 =	sadd.s32 $0xFFFFFFF4, s15;
	v35 =	vld.idx.msk [tilespmem:v37+s9+$0x0], $0xffff  }
0x11f: {  	v37 =	vadd.s32 s18, v17  }
0x120: {  	v36 =	vld.idx.msk [tilespmem:v36+s9+$0x0], $0xffff;
	_ =	sdelay $0x1  }
0x121: {  	v38 =	vld.idx.msk [tilespmem:v39+s9+$0x0], $0xffff;
	_ =	sdelay $0x1  }
0x122: {  	v35 =	vmul.f32 v35, v19;
	v37 =	vld.idx.msk [tilespmem:v37+s9+$0x0], $0xffff;
	_ =	sdelay $0x1  }
0x123: {  	v35 =	vadd.f32 v35, v22;
	v36 =	vmul.f32 v36, v18;
	_ =	sdelay $0x1  }
0x124: {  	s18 =	sadd.s32 $0xFFFFFFF2, s15;
	v35 =	vadd.f32 v36, v35;
	v36 =	vmul.f32 v38, v20  }
0x125: {  	v38 =	vadd.s32 s18, v17;
	s18 =	sadd.s32 $0xFFFFFFF5, s15  }
0x126: {  	v35 =	vadd.f32 v36, v35;
	v36 =	vmul.f32 v37, v21;
	v37 =	vadd.s32 s18, v17  }
0x127: {  	s18 =	sadd.s32 $0xFFFFFFF7, s15  }
0x128: {  	v35 =	vadd.f32 v36, v35;
	v36 =	vadd.s32 s18, v17  }
0x129: {  	s18 =	sadd.s32 $0xFFFFFFF8, s15  }
0x12a: {  	[tilespmem:v38+s9+$0x0] =	vst.idx.msk $0xffff, v35;
	v35 =	vadd.s32 s18, v17  }
0x12b: {  	v37 =	vld.idx.msk [tilespmem:v37+s9+$0x0], $0xffff;
	_ =	sdelay $0x1  }
0x12c: {  	v36 =	vld.idx.msk [tilespmem:v36+s9+$0x0], $0xffff;
	_ =	sdelay $0x1  }
0x12d: {  	v35 =	vld.idx.msk [tilespmem:v35+s9+$0x0], $0xffff;
	_ =	sdelay $0x1  }
0x12e: {  	v37 =	vmul.f32 v37, v23;
	_ =	sdelay $0x1  }
0x12f: {  	s18 =	sadd.s32 $0xFFFFFFF6, s15;
	v37 =	vadd.f32 v37, v26;
	v36 =	vmul.f32 v36, v24  }
0x130: {  	v38 =	vadd.s32 s18, v17;
	s18 =	sadd.s32 $0xFFFFFFF9, s15  }
0x131: {  	v36 =	vadd.f32 v36, v37;
	v35 =	vmul.f32 v35, v25;
	v37 =	vadd.s32 s18, v17  }
0x132: {  	s18 =	sadd.s32 $0xFFFFFFFB, s15  }
0x133: {  	v35 =	vadd.f32 v35, v36;
	v36 =	vadd.s32 s18, v17  }
0x134: {  	s18 =	sadd.s32 $0xFFFFFFFC, s15  }
0x135: {  	[tilespmem:v38+s9+$0x0] =	vst.idx.msk $0xffff, v35;
	v35 =	vadd.s32 s18, v17  }
0x136: {  	v37 =	vld.idx.msk [tilespmem:v37+s9+$0x0], $0xffff;
	_ =	sdelay $0x1  }
0x137: {  	v36 =	vld.idx.msk [tilespmem:v36+s9+$0x0], $0xffff;
	_ =	sdelay $0x1  }
0x138: {  	v35 =	vld.idx.msk [tilespmem:v35+s9+$0x0], $0xffff;
	_ =	sdelay $0x1  }
0x139: {  	v37 =	vmul.f32 v37, v27;
	_ =	sdelay $0x1  }
0x13a: {  	s18 =	sadd.s32 $0xFFFFFFFA, s15;
	v37 =	vadd.f32 v37, v30;
	v36 =	vmul.f32 v36, v28  }
0x13b: {  	v38 =	vadd.s32 s18, v17;
	s18 =	sadd.s32 $0xFFFFFFFD, s15  }
0x13c: {  	v36 =	vadd.f32 v36, v37;
	v35 =	vmul.f32 v35, v29;
	v37 =	vadd.s32 s18, v17;
	s18 =	sadd.s32 $0xFFFFFFFF, s15  }
0x13d: {  	v39 =	vadd.s32 s18, v17  }
0x13e: {  	v35 =	vadd.f32 v35, v36;
	v36 =	vadd.s32 s15, v17;
	_ =	sdelay $0x1  }
0x13f: {  	[tilespmem:v38+s9+$0x0] =	vst.idx.msk $0xffff, v35  }
0x140: {  	v35 =	vld.idx.msk [tilespmem:v37+s9+$0x0], $0xffff  }
0x141: {  	v37 =	vld.idx.msk [tilespmem:v39+s9+$0x0], $0xffff  }
0x142: {  	v36 =	vld.idx.msk [tilespmem:v36+s9+$0x0], $0xffff;
	_ =	sdelay $0x3  }
0x143: {  	v35 =	vmul.f32 v35, v31;
	_ =	sdelay $0x1  }
0x144: {  	s18 =	sadd.s32 $0xFFFFFFFE, s15;
	s15 =	smov.u32 s17;
	v39 =	vmul.f32 v37, v32;
	v38 =	vadd.f32 v35, v34  }
.Ltmp1:
0x145: {  	s17 =	sadd.s32 $0xFFFFFFF0, s15;
	v35 =	vadd.s32 s18, v17;
	(pc) =	sbr.rel @p0 .LBB2_4-.Ltmp1, $4  }
0x146: {  	v37 =	vadd.s32 s17, v17;
	v38 =	vadd.f32 v39, v38;
	v39 =	vmul.f32 v36, v33  }
0x147: {  	s17 =	sadd.s32 $0xFFFFFFF1, s15  }
0x148: {  	v36 =	vadd.s32 s17, v17;
	v38 =	vadd.f32 v39, v38  }
0x149: {  	s17 =	sadd.s32 $0xFFFFFFF3, s15  }
0x14a: {  	_ =	sdelay $0x3  }
0x14b: {  	v39 =	vadd.s32 s17, v17;
	[tilespmem:v35+s9+$0x0] =	vst.idx.msk $0xffff, v38  }
0x14c: {  	s16 =	sadd.s32 $0xFFFFFFF4, s15;
	v35 =	vld.idx.msk [tilespmem:v37+s9+$0x0], $0xffff  }
0x14d: {  	v50 =	vadd.s32 s16, v17  }
0x14e: {  	v36 =	vld.idx.msk [tilespmem:v36+s9+$0x0], $0xffff;
	_ =	sdelay $0x1  }
0x14f: {  	v38 =	vld.idx.msk [tilespmem:v39+s9+$0x0], $0xffff  }
0x150: {  	v35 =	vmul.f32 v35, v19  }
0x151: {  	v37 =	vld.idx.msk [tilespmem:v50+s9+$0x0], $0xffff  }
0x152: {  	v36 =	vmul.f32 v36, v18;
	v35 =	vadd.f32 v35, v22;
	_ =	sdelay $0x1  }
0x153: {  	s18 =	sadd.s32 $0xFFFFFFF2, s15;
	v35 =	vadd.f32 v36, v35;
	v51 =	vmul.f32 v38, v20  }
0x154: {  	s17 =	sadd.s32 $0xFFFFFFF5, s15;
	v52 =	vadd.s32 s18, v17  }
0x155: {  	v54 =	vadd.s32 s17, v17;
	v53 =	vmul.f32 v37, v21;
	v35 =	vadd.f32 v51, v35  }
0x156: {  	s18 =	sadd.s32 $0xFFFFFFF7, s15  }
0x157: {  	v55 =	vadd.s32 s18, v17;
	v35 =	vadd.f32 v53, v35  }
0x158: {  	s17 =	sadd.s32 $0xFFFFFFF8, s15  }
0x159: {  	v56 =	vadd.s32 s17, v17;
	[tilespmem:v52+s9+$0x0] =	vst.idx.msk $0xffff, v35  }
0x15a: {  	v37 =	vld.idx.msk [tilespmem:v54+s9+$0x0], $0xffff;
	_ =	sdelay $0x1  }
0x15b: {  	v36 =	vld.idx.msk [tilespmem:v55+s9+$0x0], $0xffff;
	_ =	sdelay $0x1  }
0x15c: {  	v35 =	vld.idx.msk [tilespmem:v56+s9+$0x0], $0xffff  }
0x15d: {  	v37 =	vmul.f32 v37, v23;
	_ =	sdelay $0x1  }
0x15e: {  	s18 =	sadd.s32 $0xFFFFFFF6, s15;
	v36 =	vmul.f32 v36, v24;
	v37 =	vadd.f32 v37, v26  }
0x15f: {  	s17 =	sadd.s32 $0xFFFFFFF9, s15;
	v57 =	vadd.s32 s18, v17  }
0x160: {  	v58 =	vadd.s32 s17, v17;
	v35 =	vmul.f32 v35, v25;
	v36 =	vadd.f32 v36, v37  }
0x161: {  	s18 =	sadd.s32 $0xFFFFFFFB, s15  }
0x162: {  	v59 =	vadd.s32 s18, v17;
	v35 =	vadd.f32 v35, v36  }
0x163: {  	s17 =	sadd.s32 $0xFFFFFFFC, s15  }
0x164: {  	v60 =	vadd.s32 s17, v17;
	[tilespmem:v57+s9+$0x0] =	vst.idx.msk $0xffff, v35  }
0x165: {  	v37 =	vld.idx.msk [tilespmem:v58+s9+$0x0], $0xffff;
	_ =	sdelay $0x1  }
0x166: {  	v36 =	vld.idx.msk [tilespmem:v59+s9+$0x0], $0xffff;
	_ =	sdelay $0x1  }
0x167: {  	v35 =	vld.idx.msk [tilespmem:v60+s9+$0x0], $0xffff  }
0x168: {  	v37 =	vmul.f32 v37, v27;
	_ =	sdelay $0x1  }
0x169: {  	s18 =	sadd.s32 $0xFFFFFFFA, s15;
	v36 =	vmul.f32 v36, v28;
	v37 =	vadd.f32 v37, v30  }
0x16a: {  	s17 =	sadd.s32 $0xFFFFFFFD, s15;
	v61 =	vadd.s32 s18, v17  }
0x16b: {  	v62 =	vadd.s32 s17, v17;
	v35 =	vmul.f32 v35, v29;
	v36 =	vadd.f32 v36, v37  }
0x16c: {  	s18 =	sadd.s32 $0xFFFFFFFF, s15  }
0x16d: {  	v63 =	vadd.s32 s18, v17;
	v35 =	vadd.f32 v35, v36;
	_ =	sdelay $0x1  }
0x16e: {  	v40 =	vadd.s32 s15, v17;
	[tilespmem:v61+s9+$0x0] =	vst.idx.msk $0xffff, v35  }
0x16f: {  	v35 =	vld.idx.msk [tilespmem:v62+s9+$0x0], $0xffff;
	_ =	sdelay $0x1  }
0x170: {  	v41 =	vld.idx.msk [tilespmem:v63+s9+$0x0], $0xffff;
	_ =	sdelay $0x1  }
0x171: {  	v36 =	vld.idx.msk [tilespmem:v40+s9+$0x0], $0xffff  }
0x172: {  	v35 =	vmul.f32 v35, v31;
	_ =	sdelay $0x1  }
0x173: {  	s16 =	sadd.s32 $0xFFFFFFFE, s15;
	v37 =	vmul.f32 v41, v32;
	v35 =	vadd.f32 v35, v34  }
0x174: {  	v42 =	vadd.s32 s16, v17  }
0x175: {  	v36 =	vmul.f32 v36, v33;
	v35 =	vadd.f32 v37, v35;
	_ =	sdelay $0x1  }
0x176: {  	v35 =	vadd.f32 v36, v35;
	_ =	sdelay $0x1  }
0x177: {  	s17 =	rddreg [dreg:$0x8];
	[tilespmem:v42+s9+$0x0] =	vst.idx.msk $0xffff, v35  }
0x178: {  	[hbm4b:s17+s1] =	stream.linear.scatter [tilespmem:s9], [sflag:$0x4], $0x8800, $0x38;
	[tilespmem:$0x11180] =	vst v63  }
0x179: {  	_ =	swait.ge [sflag:s13], $0x8800  }
0x17a: {  	s18 =	simm.s32 $0x0;
	[sflag:s13] =	ssyncset.done $0x0  }
0x17b: {  	v43 =	vadd.s32 s18, v17;
	s18 =	simm.s32 $0x1;
	s17 =	rddreg [dreg:$0x9];
	[sflag:s13] =	ssyncadd.s32 $0xFFFF7800  }
0x17c: {  	[tilespmem:s9], [sflag:$0x2] =	stream.linear.gather [hbm4b:s17+s1], $0x8800, $0x38;
	[tilespmem:$0x11180] =	vst v63  }
0x17d: {  	v44 =	vadd.s32 s18, v17;
	_ =	swait.ge [sflag:s10], $0x8800  }
0x17e: {  	s16 =	simm.s32 $0x3;
	[sflag:s10] =	ssyncset.done $0x0  }
0x17f: {  	v45 =	vadd.s32 s16, v17;
	[sflag:s10] =	ssyncadd.s32 $0xFFFF7800  }
0x180: {  	s17 =	simm.s32 $0x4;
	v35 =	vld.idx.msk [tilespmem:v43+s8+$0x0], $0xffff  }
0x181: {  	v46 =	vadd.s32 s17, v17  }
0x182: {  	v36 =	vld.idx.msk [tilespmem:v44+s8+$0x0], $0xffff;
	_ =	sdelay $0x1  }
0x183: {  	v37 =	vld.idx.msk [tilespmem:v45+s8+$0x0], $0xffff  }
0x184: {  	v35 =	vmul.f32 v35, v19  }
0x185: {  	v38 =	vld.idx.msk [tilespmem:v46+s8+$0x0], $0xffff  }
0x186: {  	v36 =	vmul.f32 v36, v18;
	v35 =	vadd.f32 v35, v22;
	_ =	sdelay $0x1  }
0x187: {  	s18 =	simm.s32 $0x2;
	v47 =	vmul.f32 v37, v20;
	v35 =	vadd.f32 v36, v35  }
0x188: {  	s16 =	simm.s32 $0x5;
	v48 =	vadd.s32 s18, v17  }
0x189: {  	v50 =	vadd.s32 s16, v17;
	v49 =	vmul.f32 v38, v21;
	v35 =	vadd.f32 v47, v35  }
0x18a: {  	s17 =	simm.s32 $0x7  }
0x18b: {  	v51 =	vadd.s32 s17, v17;
	v35 =	vadd.f32 v49, v35  }
0x18c: {  	s18 =	simm.s32 $0x8  }
0x18d: {  	v52 =	vadd.s32 s18, v17;
	[tilespmem:v48+s8+$0x0] =	vst.idx.msk $0xffff, v35  }
0x18e: {  	v37 =	vld.idx.msk [tilespmem:v50+s8+$0x0], $0xffff;
	_ =	sdelay $0x1  }
0x18f: {  	v36 =	vld.idx.msk [tilespmem:v51+s8+$0x0], $0xffff;
	_ =	sdelay $0x1  }
0x190: {  	v35 =	vld.idx.msk [tilespmem:v52+s8+$0x0], $0xffff  }
0x191: {  	v37 =	vmul.f32 v37, v23;
	_ =	sdelay $0x1  }
0x192: {  	s16 =	simm.s32 $0x6;
	v36 =	vmul.f32 v36, v24;
	v37 =	vadd.f32 v37, v26  }
0x193: {  	v53 =	vadd.s32 s16, v17;
	s17 =	simm.s32 $0x9  }
0x194: {  	v54 =	vadd.s32 s17, v17;
	v35 =	vmul.f32 v35, v25;
	v36 =	vadd.f32 v36, v37  }
0x195: {  	s18 =	simm.s32 $0xB  }
0x196: {  	v55 =	vadd.s32 s18, v17;
	v35 =	vadd.f32 v35, v36  }
0x197: {  	s16 =	simm.s32 $0xC  }
0x198: {  	v56 =	vadd.s32 s16, v17;
	[tilespmem:v53+s8+$0x0] =	vst.idx.msk $0xffff, v35  }
0x199: {  	v37 =	vld.idx.msk [tilespmem:v54+s8+$0x0], $0xffff;
	_ =	sdelay $0x1  }
0x19a: {  	v36 =	vld.idx.msk [tilespmem:v55+s8+$0x0], $0xffff;
	_ =	sdelay $0x1  }
0x19b: {  	v35 =	vld.idx.msk [tilespmem:v56+s8+$0x0], $0xffff  }
0x19c: {  	v37 =	vmul.f32 v37, v27;
	_ =	sdelay $0x1  }
0x19d: {  	s17 =	simm.s32 $0xA;
	v36 =	vmul.f32 v36, v28;
	v37 =	vadd.f32 v37, v30  }
0x19e: {  	s18 =	simm.s32 $0xD;
	v57 =	vadd.s32 s17, v17  }
0x19f: {  	v58 =	vadd.s32 s18, v17;
	v35 =	vmul.f32 v35, v29;
	v36 =	vadd.f32 v36, v37  }
0x1a0: {  	s16 =	simm.s32 $0xF  }
0x1a1: {  	v59 =	vadd.s32 s16, v17;
	v35 =	vadd.f32 v35, v36;
	_ =	sdelay $0x1  }
0x1a2: {  	s17 =	simm.s32 $0x10;
	[tilespmem:v57+s8+$0x0] =	vst.idx.msk $0xffff, v35  }
0x1a3: {  	v60 =	vadd.s32 s17, v17;
	v35 =	vld.idx.msk [tilespmem:v58+s8+$0x0], $0xffff;
	_ =	sdelay $0x1  }
0x1a4: {  	v61 =	vld.idx.msk [tilespmem:v59+s8+$0x0], $0xffff;
	_ =	sdelay $0x2  }
0x1a5: {  	v36 =	vld.idx.msk [tilespmem:v60+s8+$0x0], $0xffff;
	v35 =	vmul.f32 v35, v31;
	_ =	sdelay $0x1  }
0x1a6: {  	v37 =	vmul.f32 v61, v32;
	v35 =	vadd.f32 v35, v34  }
0x1a7: {  	s18 =	simm.s32 $0xE  }
0x1a8: {  	s17 =	simm.s32 $0x110;
	v62 =	vadd.f32 v37, v35;
	v35 =	vadd.s32 s18, v17  }
0x1a9: {  	v63 =	vmul.f32 v36, v33;
	v37 =	vadd.s32 s17, v17  }
0x1aa: {  	s18 =	simm.s32 $0x111  }
0x1ab: {  	v36 =	vadd.s32 s18, v17;
	v38 =	vadd.f32 v63, v62  }
0x1ac: {  	s15 =	simm.s32 $0x120;
	s16 =	simm.s32 $0x230;
	s17 =	simm.s32 $0x113  }
.LBB2_6:
0x1ad: {  	p0 =	sne.s32 s16, $0x8700;
	v39 =	vadd.s32 s17, v17;
	[tilespmem:v35+s8+$0x0] =	vst.idx.msk $0xffff, v38;
	s17 =	smov.u32 s16;
	s16 =	sadd.s32 $0x110, s16  }
0x1ae: {  	s18 =	sadd.s32 $0xFFFFFFF4, s15;
	v35 =	vld.idx.msk [tilespmem:v37+s8+$0x0], $0xffff  }
0x1af: {  	v37 =	vadd.s32 s18, v17  }
0x1b0: {  	v36 =	vld.idx.msk [tilespmem:v36+s8+$0x0], $0xffff;
	_ =	sdelay $0x1  }
0x1b1: {  	v38 =	vld.idx.msk [tilespmem:v39+s8+$0x0], $0xffff;
	_ =	sdelay $0x1  }
0x1b2: {  	v35 =	vmul.f32 v35, v19;
	v37 =	vld.idx.msk [tilespmem:v37+s8+$0x0], $0xffff;
	_ =	sdelay $0x1  }
0x1b3: {  	v35 =	vadd.f32 v35, v22;
	v36 =	vmul.f32 v36, v18;
	_ =	sdelay $0x1  }
0x1b4: {  	s18 =	sadd.s32 $0xFFFFFFF2, s15;
	v35 =	vadd.f32 v36, v35;
	v36 =	vmul.f32 v38, v20  }
0x1b5: {  	v38 =	vadd.s32 s18, v17;
	s18 =	sadd.s32 $0xFFFFFFF5, s15  }
0x1b6: {  	v35 =	vadd.f32 v36, v35;
	v36 =	vmul.f32 v37, v21;
	v37 =	vadd.s32 s18, v17  }
0x1b7: {  	s18 =	sadd.s32 $0xFFFFFFF7, s15  }
0x1b8: {  	v35 =	vadd.f32 v36, v35;
	v36 =	vadd.s32 s18, v17  }
0x1b9: {  	s18 =	sadd.s32 $0xFFFFFFF8, s15  }
0x1ba: {  	[tilespmem:v38+s8+$0x0] =	vst.idx.msk $0xffff, v35;
	v35 =	vadd.s32 s18, v17  }
0x1bb: {  	v37 =	vld.idx.msk [tilespmem:v37+s8+$0x0], $0xffff;
	_ =	sdelay $0x1  }
0x1bc: {  	v36 =	vld.idx.msk [tilespmem:v36+s8+$0x0], $0xffff;
	_ =	sdelay $0x1  }
0x1bd: {  	v35 =	vld.idx.msk [tilespmem:v35+s8+$0x0], $0xffff;
	_ =	sdelay $0x1  }
0x1be: {  	v37 =	vmul.f32 v37, v23;
	_ =	sdelay $0x1  }
0x1bf: {  	s18 =	sadd.s32 $0xFFFFFFF6, s15;
	v37 =	vadd.f32 v37, v26;
	v36 =	vmul.f32 v36, v24  }
0x1c0: {  	v38 =	vadd.s32 s18, v17;
	s18 =	sadd.s32 $0xFFFFFFF9, s15  }
0x1c1: {  	v36 =	vadd.f32 v36, v37;
	v35 =	vmul.f32 v35, v25;
	v37 =	vadd.s32 s18, v17  }
0x1c2: {  	s18 =	sadd.s32 $0xFFFFFFFB, s15  }
0x1c3: {  	v35 =	vadd.f32 v35, v36;
	v36 =	vadd.s32 s18, v17  }
0x1c4: {  	s18 =	sadd.s32 $0xFFFFFFFC, s15  }
0x1c5: {  	[tilespmem:v38+s8+$0x0] =	vst.idx.msk $0xffff, v35;
	v35 =	vadd.s32 s18, v17  }
0x1c6: {  	v37 =	vld.idx.msk [tilespmem:v37+s8+$0x0], $0xffff;
	_ =	sdelay $0x1  }
0x1c7: {  	v36 =	vld.idx.msk [tilespmem:v36+s8+$0x0], $0xffff;
	_ =	sdelay $0x1  }
0x1c8: {  	v35 =	vld.idx.msk [tilespmem:v35+s8+$0x0], $0xffff;
	_ =	sdelay $0x1  }
0x1c9: {  	v37 =	vmul.f32 v37, v27;
	_ =	sdelay $0x1  }
0x1ca: {  	s18 =	sadd.s32 $0xFFFFFFFA, s15;
	v37 =	vadd.f32 v37, v30;
	v36 =	vmul.f32 v36, v28  }
0x1cb: {  	v38 =	vadd.s32 s18, v17;
	s18 =	sadd.s32 $0xFFFFFFFD, s15  }
0x1cc: {  	v36 =	vadd.f32 v36, v37;
	v35 =	vmul.f32 v35, v29;
	v37 =	vadd.s32 s18, v17;
	s18 =	sadd.s32 $0xFFFFFFFF, s15  }
0x1cd: {  	v39 =	vadd.s32 s18, v17  }
0x1ce: {  	v35 =	vadd.f32 v35, v36;
	v36 =	vadd.s32 s15, v17;
	_ =	sdelay $0x1  }
0x1cf: {  	[tilespmem:v38+s8+$0x0] =	vst.idx.msk $0xffff, v35  }
0x1d0: {  	v35 =	vld.idx.msk [tilespmem:v37+s8+$0x0], $0xffff  }
0x1d1: {  	v37 =	vld.idx.msk [tilespmem:v39+s8+$0x0], $0xffff  }
0x1d2: {  	v36 =	vld.idx.msk [tilespmem:v36+s8+$0x0], $0xffff;
	_ =	sdelay $0x3  }
0x1d3: {  	v35 =	vmul.f32 v35, v31;
	_ =	sdelay $0x1  }
0x1d4: {  	s18 =	sadd.s32 $0xFFFFFFFE, s15;
	s15 =	smov.u32 s17;
	v39 =	vmul.f32 v37, v32;
	v38 =	vadd.f32 v35, v34  }
.Ltmp2:
0x1d5: {  	s17 =	sadd.s32 $0xFFFFFFF0, s15;
	v35 =	vadd.s32 s18, v17;
	(pc) =	sbr.rel @p0 .LBB2_6-.Ltmp2, $4  }
0x1d6: {  	v37 =	vadd.s32 s17, v17;
	v38 =	vadd.f32 v39, v38;
	v39 =	vmul.f32 v36, v33  }
0x1d7: {  	s17 =	sadd.s32 $0xFFFFFFF1, s15  }
0x1d8: {  	v36 =	vadd.s32 s17, v17;
	v38 =	vadd.f32 v39, v38  }
0x1d9: {  	s17 =	sadd.s32 $0xFFFFFFF3, s15  }
0x1da: {  	_ =	sdelay $0x3  }
0x1db: {  	v39 =	vadd.s32 s17, v17;
	[tilespmem:v35+s8+$0x0] =	vst.idx.msk $0xffff, v38  }
0x1dc: {  	s16 =	sadd.s32 $0xFFFFFFF4, s15;
	v35 =	vld.idx.msk [tilespmem:v37+s8+$0x0], $0xffff  }
0x1dd: {  	v50 =	vadd.s32 s16, v17  }
0x1de: {  	v36 =	vld.idx.msk [tilespmem:v36+s8+$0x0], $0xffff;
	_ =	sdelay $0x1  }
0x1df: {  	v38 =	vld.idx.msk [tilespmem:v39+s8+$0x0], $0xffff  }
0x1e0: {  	v35 =	vmul.f32 v35, v19  }
0x1e1: {  	v37 =	vld.idx.msk [tilespmem:v50+s8+$0x0], $0xffff  }
0x1e2: {  	v36 =	vmul.f32 v36, v18;
	v35 =	vadd.f32 v35, v22;
	_ =	sdelay $0x1  }
0x1e3: {  	s18 =	sadd.s32 $0xFFFFFFF2, s15;
	v35 =	vadd.f32 v36, v35;
	v51 =	vmul.f32 v38, v20  }
0x1e4: {  	s17 =	sadd.s32 $0xFFFFFFF5, s15;
	v52 =	vadd.s32 s18, v17  }
0x1e5: {  	v54 =	vadd.s32 s17, v17;
	v53 =	vmul.f32 v37, v21;
	v35 =	vadd.f32 v51, v35  }
0x1e6: {  	s18 =	sadd.s32 $0xFFFFFFF7, s15  }
0x1e7: {  	v55 =	vadd.s32 s18, v17;
	v35 =	vadd.f32 v53, v35  }
0x1e8: {  	s17 =	sadd.s32 $0xFFFFFFF8, s15  }
0x1e9: {  	v56 =	vadd.s32 s17, v17;
	[tilespmem:v52+s8+$0x0] =	vst.idx.msk $0xffff, v35  }
0x1ea: {  	v37 =	vld.idx.msk [tilespmem:v54+s8+$0x0], $0xffff;
	_ =	sdelay $0x1  }
0x1eb: {  	v36 =	vld.idx.msk [tilespmem:v55+s8+$0x0], $0xffff;
	_ =	sdelay $0x1  }
0x1ec: {  	v35 =	vld.idx.msk [tilespmem:v56+s8+$0x0], $0xffff  }
0x1ed: {  	v37 =	vmul.f32 v37, v23;
	_ =	sdelay $0x1  }
0x1ee: {  	s18 =	sadd.s32 $0xFFFFFFF6, s15;
	v36 =	vmul.f32 v36, v24;
	v37 =	vadd.f32 v37, v26  }
0x1ef: {  	s17 =	sadd.s32 $0xFFFFFFF9, s15;
	v57 =	vadd.s32 s18, v17  }
0x1f0: {  	v58 =	vadd.s32 s17, v17;
	v35 =	vmul.f32 v35, v25;
	v36 =	vadd.f32 v36, v37  }
0x1f1: {  	s18 =	sadd.s32 $0xFFFFFFFB, s15  }
0x1f2: {  	v59 =	vadd.s32 s18, v17;
	v35 =	vadd.f32 v35, v36  }
0x1f3: {  	s17 =	sadd.s32 $0xFFFFFFFC, s15  }
0x1f4: {  	v60 =	vadd.s32 s17, v17;
	[tilespmem:v57+s8+$0x0] =	vst.idx.msk $0xffff, v35  }
0x1f5: {  	v37 =	vld.idx.msk [tilespmem:v58+s8+$0x0], $0xffff;
	_ =	sdelay $0x1  }
0x1f6: {  	v36 =	vld.idx.msk [tilespmem:v59+s8+$0x0], $0xffff;
	_ =	sdelay $0x1  }
0x1f7: {  	v35 =	vld.idx.msk [tilespmem:v60+s8+$0x0], $0xffff  }
0x1f8: {  	v37 =	vmul.f32 v37, v27;
	_ =	sdelay $0x1  }
0x1f9: {  	s18 =	sadd.s32 $0xFFFFFFFA, s15;
	v36 =	vmul.f32 v36, v28;
	v37 =	vadd.f32 v37, v30  }
0x1fa: {  	s17 =	sadd.s32 $0xFFFFFFFD, s15;
	v61 =	vadd.s32 s18, v17  }
0x1fb: {  	v62 =	vadd.s32 s17, v17;
	v35 =	vmul.f32 v35, v29;
	v36 =	vadd.f32 v36, v37  }
0x1fc: {  	s18 =	sadd.s32 $0xFFFFFFFF, s15  }
0x1fd: {  	v63 =	vadd.s32 s18, v17;
	v35 =	vadd.f32 v35, v36;
	_ =	sdelay $0x1  }
0x1fe: {  	v40 =	vadd.s32 s15, v17;
	[tilespmem:v61+s8+$0x0] =	vst.idx.msk $0xffff, v35  }
0x1ff: {  	v35 =	vld.idx.msk [tilespmem:v62+s8+$0x0], $0xffff;
	_ =	sdelay $0x1  }
0x200: {  	v41 =	vld.idx.msk [tilespmem:v63+s8+$0x0], $0xffff;
	_ =	sdelay $0x1  }
0x201: {  	v36 =	vld.idx.msk [tilespmem:v40+s8+$0x0], $0xffff  }
0x202: {  	v35 =	vmul.f32 v35, v31;
	_ =	sdelay $0x1  }
0x203: {  	s16 =	sadd.s32 $0xFFFFFFFE, s15;
	v37 =	vmul.f32 v41, v32;
	v35 =	vadd.f32 v35, v34  }
0x204: {  	v42 =	vadd.s32 s16, v17  }
0x205: {  	v36 =	vmul.f32 v36, v33;
	v35 =	vadd.f32 v37, v35;
	_ =	sdelay $0x1  }
0x206: {  	v35 =	vadd.f32 v36, v35;
	_ =	sdelay $0x1  }
0x207: {  	s17 =	rddreg [dreg:$0xa];
	[tilespmem:v42+s8+$0x0] =	vst.idx.msk $0xffff, v35  }
0x208: {  	[hbm4b:s17+s1] =	stream.linear.scatter [tilespmem:s8], [sflag:$0x3], $0x8800, $0x38;
	[tilespmem:$0x11180] =	vst v63  }
0x209: {  	_ =	swait.ge [sflag:s11], $0x8800  }
0x20a: {  	s18 =	simm.s32 $0x0;
	[sflag:s11] =	ssyncset.done $0x0  }
0x20b: {  	v43 =	vadd.s32 s18, v17;
	s18 =	simm.s32 $0x1;
	s17 =	rddreg [dreg:$0xb];
	[sflag:s11] =	ssyncadd.s32 $0xFFFF7800  }
0x20c: {  	[tilespmem:s8], [sflag:$0x1] =	stream.linear.gather [hbm4b:s17+s1], $0x8800, $0x38;
	[tilespmem:$0x11180] =	vst v63  }
0x20d: {  	v44 =	vadd.s32 s18, v17;
	_ =	swait.ge [sflag:s12], $0x8800  }
0x20e: {  	s16 =	simm.s32 $0x3;
	[sflag:s12] =	ssyncset.done $0x0  }
0x20f: {  	v45 =	vadd.s32 s16, v17;
	[sflag:s12] =	ssyncadd.s32 $0xFFFF7800  }
0x210: {  	s17 =	simm.s32 $0x4;
	v35 =	vld.idx.msk [tilespmem:v43+s9+$0x0], $0xffff  }
0x211: {  	v46 =	vadd.s32 s17, v17  }
0x212: {  	v36 =	vld.idx.msk [tilespmem:v44+s9+$0x0], $0xffff;
	_ =	sdelay $0x1  }
0x213: {  	v37 =	vld.idx.msk [tilespmem:v45+s9+$0x0], $0xffff  }
0x214: {  	v35 =	vmul.f32 v35, v19  }
0x215: {  	v38 =	vld.idx.msk [tilespmem:v46+s9+$0x0], $0xffff  }
0x216: {  	v36 =	vmul.f32 v36, v18;
	v35 =	vadd.f32 v35, v22;
	_ =	sdelay $0x1  }
0x217: {  	s18 =	simm.s32 $0x2;
	v47 =	vmul.f32 v37, v20;
	v35 =	vadd.f32 v36, v35  }
0x218: {  	s16 =	simm.s32 $0x5;
	v48 =	vadd.s32 s18, v17  }
0x219: {  	v50 =	vadd.s32 s16, v17;
	v49 =	vmul.f32 v38, v21;
	v35 =	vadd.f32 v47, v35  }
0x21a: {  	s17 =	simm.s32 $0x7  }
0x21b: {  	v51 =	vadd.s32 s17, v17;
	v35 =	vadd.f32 v49, v35  }
0x21c: {  	s18 =	simm.s32 $0x8  }
0x21d: {  	v52 =	vadd.s32 s18, v17;
	[tilespmem:v48+s9+$0x0] =	vst.idx.msk $0xffff, v35  }
0x21e: {  	v37 =	vld.idx.msk [tilespmem:v50+s9+$0x0], $0xffff;
	_ =	sdelay $0x1  }
0x21f: {  	v36 =	vld.idx.msk [tilespmem:v51+s9+$0x0], $0xffff;
	_ =	sdelay $0x1  }
0x220: {  	v35 =	vld.idx.msk [tilespmem:v52+s9+$0x0], $0xffff  }
0x221: {  	v37 =	vmul.f32 v37, v23;
	_ =	sdelay $0x1  }
0x222: {  	s16 =	simm.s32 $0x6;
	v36 =	vmul.f32 v36, v24;
	v37 =	vadd.f32 v37, v26  }
0x223: {  	v53 =	vadd.s32 s16, v17;
	s17 =	simm.s32 $0x9  }
0x224: {  	v54 =	vadd.s32 s17, v17;
	v35 =	vmul.f32 v35, v25;
	v36 =	vadd.f32 v36, v37  }
0x225: {  	s18 =	simm.s32 $0xB  }
0x226: {  	v55 =	vadd.s32 s18, v17;
	v35 =	vadd.f32 v35, v36  }
0x227: {  	s16 =	simm.s32 $0xC  }
0x228: {  	v56 =	vadd.s32 s16, v17;
	[tilespmem:v53+s9+$0x0] =	vst.idx.msk $0xffff, v35  }
0x229: {  	v37 =	vld.idx.msk [tilespmem:v54+s9+$0x0], $0xffff;
	_ =	sdelay $0x1  }
0x22a: {  	v36 =	vld.idx.msk [tilespmem:v55+s9+$0x0], $0xffff;
	_ =	sdelay $0x1  }
0x22b: {  	v35 =	vld.idx.msk [tilespmem:v56+s9+$0x0], $0xffff  }
0x22c: {  	v37 =	vmul.f32 v37, v27;
	_ =	sdelay $0x1  }
0x22d: {  	s17 =	simm.s32 $0xA;
	v36 =	vmul.f32 v36, v28;
	v37 =	vadd.f32 v37, v30  }
0x22e: {  	s18 =	simm.s32 $0xD;
	v57 =	vadd.s32 s17, v17  }
0x22f: {  	v58 =	vadd.s32 s18, v17;
	v35 =	vmul.f32 v35, v29;
	v36 =	vadd.f32 v36, v37  }
0x230: {  	s16 =	simm.s32 $0xF  }
0x231: {  	v59 =	vadd.s32 s16, v17;
	v35 =	vadd.f32 v35, v36;
	_ =	sdelay $0x1  }
0x232: {  	s17 =	simm.s32 $0x10;
	[tilespmem:v57+s9+$0x0] =	vst.idx.msk $0xffff, v35  }
0x233: {  	v60 =	vadd.s32 s17, v17;
	v35 =	vld.idx.msk [tilespmem:v58+s9+$0x0], $0xffff;
	_ =	sdelay $0x1  }
0x234: {  	v61 =	vld.idx.msk [tilespmem:v59+s9+$0x0], $0xffff;
	_ =	sdelay $0x2  }
0x235: {  	v36 =	vld.idx.msk [tilespmem:v60+s9+$0x0], $0xffff;
	v35 =	vmul.f32 v35, v31;
	_ =	sdelay $0x1  }
0x236: {  	v37 =	vmul.f32 v61, v32;
	v35 =	vadd.f32 v35, v34  }
0x237: {  	s18 =	simm.s32 $0xE  }
0x238: {  	s17 =	simm.s32 $0x110;
	v62 =	vadd.f32 v37, v35;
	v35 =	vadd.s32 s18, v17  }
0x239: {  	v63 =	vmul.f32 v36, v33;
	v37 =	vadd.s32 s17, v17  }
0x23a: {  	s18 =	simm.s32 $0x111  }
0x23b: {  	v36 =	vadd.s32 s18, v17;
	v38 =	vadd.f32 v63, v62  }
0x23c: {  	s15 =	simm.s32 $0x120;
	s16 =	simm.s32 $0x230;
	s17 =	simm.s32 $0x113  }
.LBB2_8:
0x23d: {  	p0 =	sne.s32 s16, $0x8700;
	v39 =	vadd.s32 s17, v17;
	[tilespmem:v35+s9+$0x0] =	vst.idx.msk $0xffff, v38;
	s17 =	smov.u32 s16;
	s16 =	sadd.s32 $0x110, s16  }
0x23e: {  	s18 =	sadd.s32 $0xFFFFFFF4, s15;
	v35 =	vld.idx.msk [tilespmem:v37+s9+$0x0], $0xffff  }
0x23f: {  	v37 =	vadd.s32 s18, v17  }
0x240: {  	v36 =	vld.idx.msk [tilespmem:v36+s9+$0x0], $0xffff;
	_ =	sdelay $0x1  }
0x241: {  	v38 =	vld.idx.msk [tilespmem:v39+s9+$0x0], $0xffff;
	_ =	sdelay $0x1  }
0x242: {  	v35 =	vmul.f32 v35, v19;
	v37 =	vld.idx.msk [tilespmem:v37+s9+$0x0], $0xffff;
	_ =	sdelay $0x1  }
0x243: {  	v35 =	vadd.f32 v35, v22;
	v36 =	vmul.f32 v36, v18;
	_ =	sdelay $0x1  }
0x244: {  	s18 =	sadd.s32 $0xFFFFFFF2, s15;
	v35 =	vadd.f32 v36, v35;
	v36 =	vmul.f32 v38, v20  }
0x245: {  	v38 =	vadd.s32 s18, v17;
	s18 =	sadd.s32 $0xFFFFFFF5, s15  }
0x246: {  	v35 =	vadd.f32 v36, v35;
	v36 =	vmul.f32 v37, v21;
	v37 =	vadd.s32 s18, v17  }
0x247: {  	s18 =	sadd.s32 $0xFFFFFFF7, s15  }
0x248: {  	v35 =	vadd.f32 v36, v35;
	v36 =	vadd.s32 s18, v17  }
0x249: {  	s18 =	sadd.s32 $0xFFFFFFF8, s15  }
0x24a: {  	[tilespmem:v38+s9+$0x0] =	vst.idx.msk $0xffff, v35;
	v35 =	vadd.s32 s18, v17  }
0x24b: {  	v37 =	vld.idx.msk [tilespmem:v37+s9+$0x0], $0xffff;
	_ =	sdelay $0x1  }
0x24c: {  	v36 =	vld.idx.msk [tilespmem:v36+s9+$0x0], $0xffff;
	_ =	sdelay $0x1  }
0x24d: {  	v35 =	vld.idx.msk [tilespmem:v35+s9+$0x0], $0xffff;
	_ =	sdelay $0x1  }
0x24e: {  	v37 =	vmul.f32 v37, v23;
	_ =	sdelay $0x1  }
0x24f: {  	s18 =	sadd.s32 $0xFFFFFFF6, s15;
	v37 =	vadd.f32 v37, v26;
	v36 =	vmul.f32 v36, v24  }
0x250: {  	v38 =	vadd.s32 s18, v17;
	s18 =	sadd.s32 $0xFFFFFFF9, s15  }
0x251: {  	v36 =	vadd.f32 v36, v37;
	v35 =	vmul.f32 v35, v25;
	v37 =	vadd.s32 s18, v17  }
0x252: {  	s18 =	sadd.s32 $0xFFFFFFFB, s15  }
0x253: {  	v35 =	vadd.f32 v35, v36;
	v36 =	vadd.s32 s18, v17  }
0x254: {  	s18 =	sadd.s32 $0xFFFFFFFC, s15  }
0x255: {  	[tilespmem:v38+s9+$0x0] =	vst.idx.msk $0xffff, v35;
	v35 =	vadd.s32 s18, v17  }
0x256: {  	v37 =	vld.idx.msk [tilespmem:v37+s9+$0x0], $0xffff;
	_ =	sdelay $0x1  }
0x257: {  	v36 =	vld.idx.msk [tilespmem:v36+s9+$0x0], $0xffff;
	_ =	sdelay $0x1  }
0x258: {  	v35 =	vld.idx.msk [tilespmem:v35+s9+$0x0], $0xffff;
	_ =	sdelay $0x1  }
0x259: {  	v37 =	vmul.f32 v37, v27;
	_ =	sdelay $0x1  }
0x25a: {  	s18 =	sadd.s32 $0xFFFFFFFA, s15;
	v37 =	vadd.f32 v37, v30;
	v36 =	vmul.f32 v36, v28  }
0x25b: {  	v38 =	vadd.s32 s18, v17;
	s18 =	sadd.s32 $0xFFFFFFFD, s15  }
0x25c: {  	v36 =	vadd.f32 v36, v37;
	v35 =	vmul.f32 v35, v29;
	v37 =	vadd.s32 s18, v17;
	s18 =	sadd.s32 $0xFFFFFFFF, s15  }
0x25d: {  	v39 =	vadd.s32 s18, v17  }
0x25e: {  	v35 =	vadd.f32 v35, v36;
	v36 =	vadd.s32 s15, v17;
	_ =	sdelay $0x1  }
0x25f: {  	[tilespmem:v38+s9+$0x0] =	vst.idx.msk $0xffff, v35  }
0x260: {  	v35 =	vld.idx.msk [tilespmem:v37+s9+$0x0], $0xffff  }
0x261: {  	v37 =	vld.idx.msk [tilespmem:v39+s9+$0x0], $0xffff  }
0x262: {  	v36 =	vld.idx.msk [tilespmem:v36+s9+$0x0], $0xffff;
	_ =	sdelay $0x3  }
0x263: {  	v35 =	vmul.f32 v35, v31;
	_ =	sdelay $0x1  }
0x264: {  	s18 =	sadd.s32 $0xFFFFFFFE, s15;
	s15 =	smov.u32 s17;
	v39 =	vmul.f32 v37, v32;
	v38 =	vadd.f32 v35, v34  }
.Ltmp3:
0x265: {  	s17 =	sadd.s32 $0xFFFFFFF0, s15;
	v35 =	vadd.s32 s18, v17;
	(pc) =	sbr.rel @p0 .LBB2_8-.Ltmp3, $4  }
0x266: {  	v37 =	vadd.s32 s17, v17;
	v38 =	vadd.f32 v39, v38;
	v39 =	vmul.f32 v36, v33  }
0x267: {  	s17 =	sadd.s32 $0xFFFFFFF1, s15  }
0x268: {  	v36 =	vadd.s32 s17, v17;
	v38 =	vadd.f32 v39, v38  }
0x269: {  	s17 =	sadd.s32 $0xFFFFFFF3, s15  }
0x26a: {  	_ =	sdelay $0x3  }
0x26b: {  	v39 =	vadd.s32 s17, v17;
	[tilespmem:v35+s9+$0x0] =	vst.idx.msk $0xffff, v38  }
0x26c: {  	s16 =	sadd.s32 $0xFFFFFFF4, s15;
	v35 =	vld.idx.msk [tilespmem:v37+s9+$0x0], $0xffff  }
0x26d: {  	v50 =	vadd.s32 s16, v17  }
0x26e: {  	v36 =	vld.idx.msk [tilespmem:v36+s9+$0x0], $0xffff;
	_ =	sdelay $0x1  }
0x26f: {  	v38 =	vld.idx.msk [tilespmem:v39+s9+$0x0], $0xffff  }
0x270: {  	v35 =	vmul.f32 v35, v19  }
0x271: {  	v37 =	vld.idx.msk [tilespmem:v50+s9+$0x0], $0xffff  }
0x272: {  	v36 =	vmul.f32 v36, v18;
	v35 =	vadd.f32 v35, v22;
	_ =	sdelay $0x1  }
0x273: {  	s18 =	sadd.s32 $0xFFFFFFF2, s15;
	v35 =	vadd.f32 v36, v35;
	v51 =	vmul.f32 v38, v20  }
0x274: {  	s17 =	sadd.s32 $0xFFFFFFF5, s15;
	v52 =	vadd.s32 s18, v17  }
0x275: {  	v54 =	vadd.s32 s17, v17;
	v53 =	vmul.f32 v37, v21;
	v35 =	vadd.f32 v51, v35  }
0x276: {  	s18 =	sadd.s32 $0xFFFFFFF7, s15  }
0x277: {  	v55 =	vadd.s32 s18, v17;
	v35 =	vadd.f32 v53, v35  }
0x278: {  	s17 =	sadd.s32 $0xFFFFFFF8, s15  }
0x279: {  	v56 =	vadd.s32 s17, v17;
	[tilespmem:v52+s9+$0x0] =	vst.idx.msk $0xffff, v35  }
0x27a: {  	v37 =	vld.idx.msk [tilespmem:v54+s9+$0x0], $0xffff;
	_ =	sdelay $0x1  }
0x27b: {  	v36 =	vld.idx.msk [tilespmem:v55+s9+$0x0], $0xffff;
	_ =	sdelay $0x1  }
0x27c: {  	v35 =	vld.idx.msk [tilespmem:v56+s9+$0x0], $0xffff  }
0x27d: {  	v37 =	vmul.f32 v37, v23;
	_ =	sdelay $0x1  }
0x27e: {  	s18 =	sadd.s32 $0xFFFFFFF6, s15;
	v36 =	vmul.f32 v36, v24;
	v37 =	vadd.f32 v37, v26  }
0x27f: {  	s17 =	sadd.s32 $0xFFFFFFF9, s15;
	v57 =	vadd.s32 s18, v17  }
0x280: {  	v58 =	vadd.s32 s17, v17;
	v35 =	vmul.f32 v35, v25;
	v36 =	vadd.f32 v36, v37  }
0x281: {  	s18 =	sadd.s32 $0xFFFFFFFB, s15  }
0x282: {  	v59 =	vadd.s32 s18, v17;
	v35 =	vadd.f32 v35, v36  }
0x283: {  	s17 =	sadd.s32 $0xFFFFFFFC, s15  }
0x284: {  	v60 =	vadd.s32 s17, v17;
	[tilespmem:v57+s9+$0x0] =	vst.idx.msk $0xffff, v35  }
0x285: {  	v37 =	vld.idx.msk [tilespmem:v58+s9+$0x0], $0xffff;
	_ =	sdelay $0x1  }
0x286: {  	v36 =	vld.idx.msk [tilespmem:v59+s9+$0x0], $0xffff;
	_ =	sdelay $0x1  }
0x287: {  	v35 =	vld.idx.msk [tilespmem:v60+s9+$0x0], $0xffff  }
0x288: {  	v37 =	vmul.f32 v37, v27;
	_ =	sdelay $0x1  }
0x289: {  	s18 =	sadd.s32 $0xFFFFFFFA, s15;
	v36 =	vmul.f32 v36, v28;
	v37 =	vadd.f32 v37, v30  }
0x28a: {  	s17 =	sadd.s32 $0xFFFFFFFD, s15;
	v61 =	vadd.s32 s18, v17  }
0x28b: {  	v62 =	vadd.s32 s17, v17;
	v35 =	vmul.f32 v35, v29;
	v36 =	vadd.f32 v36, v37  }
0x28c: {  	s18 =	sadd.s32 $0xFFFFFFFF, s15  }
0x28d: {  	v63 =	vadd.s32 s18, v17;
	v35 =	vadd.f32 v35, v36;
	_ =	sdelay $0x1  }
0x28e: {  	v40 =	vadd.s32 s15, v17;
	[tilespmem:v61+s9+$0x0] =	vst.idx.msk $0xffff, v35  }
0x28f: {  	v35 =	vld.idx.msk [tilespmem:v62+s9+$0x0], $0xffff;
	_ =	sdelay $0x1  }
0x290: {  	v41 =	vld.idx.msk [tilespmem:v63+s9+$0x0], $0xffff;
	_ =	sdelay $0x1  }
0x291: {  	v36 =	vld.idx.msk [tilespmem:v40+s9+$0x0], $0xffff  }
0x292: {  	v35 =	vmul.f32 v35, v31;
	_ =	sdelay $0x1  }
0x293: {  	s16 =	sadd.s32 $0xFFFFFFFE, s15;
	v37 =	vmul.f32 v41, v32;
	v35 =	vadd.f32 v35, v34  }
0x294: {  	v42 =	vadd.s32 s16, v17  }
0x295: {  	v36 =	vmul.f32 v36, v33;
	v35 =	vadd.f32 v37, v35;
	_ =	sdelay $0x1  }
0x296: {  	v35 =	vadd.f32 v36, v35;
	_ =	sdelay $0x1  }
0x297: {  	s17 =	rddreg [dreg:$0xc];
	[tilespmem:v42+s9+$0x0] =	vst.idx.msk $0xffff, v35  }
0x298: {  	[hbm4b:s17+s1] =	stream.linear.scatter [tilespmem:s9], [sflag:$0x4], $0x8800, $0x38;
	[tilespmem:$0x11180] =	vst v63  }
0x299: {  	_ =	swait.ge [sflag:s13], $0x8800  }
0x29a: {  	s18 =	simm.s32 $0x0;
	[sflag:s13] =	ssyncset.done $0x0  }
0x29b: {  	v43 =	vadd.s32 s18, v17;
	s18 =	simm.s32 $0x1;
	s17 =	rddreg [dreg:$0xd];
	[sflag:s13] =	ssyncadd.s32 $0xFFFF7800  }
0x29c: {  	[tilespmem:s9], [sflag:$0x2] =	stream.linear.gather [hbm4b:s17+s1], $0x8800, $0x38;
	[tilespmem:$0x11180] =	vst v63  }
0x29d: {  	v44 =	vadd.s32 s18, v17;
	_ =	swait.ge [sflag:s10], $0x8800  }
0x29e: {  	s16 =	simm.s32 $0x3;
	[sflag:s10] =	ssyncset.done $0x0  }
0x29f: {  	v45 =	vadd.s32 s16, v17;
	[sflag:s10] =	ssyncadd.s32 $0xFFFF7800  }
0x2a0: {  	s17 =	simm.s32 $0x4;
	v35 =	vld.idx.msk [tilespmem:v43+s8+$0x0], $0xffff  }
0x2a1: {  	v46 =	vadd.s32 s17, v17  }
0x2a2: {  	v36 =	vld.idx.msk [tilespmem:v44+s8+$0x0], $0xffff;
	_ =	sdelay $0x1  }
0x2a3: {  	v37 =	vld.idx.msk [tilespmem:v45+s8+$0x0], $0xffff  }
0x2a4: {  	v35 =	vmul.f32 v35, v19  }
0x2a5: {  	v38 =	vld.idx.msk [tilespmem:v46+s8+$0x0], $0xffff  }
0x2a6: {  	v36 =	vmul.f32 v36, v18;
	v35 =	vadd.f32 v35, v22;
	_ =	sdelay $0x1  }
0x2a7: {  	s18 =	simm.s32 $0x2;
	v47 =	vmul.f32 v37, v20;
	v35 =	vadd.f32 v36, v35  }
0x2a8: {  	s16 =	simm.s32 $0x5;
	v48 =	vadd.s32 s18, v17  }
0x2a9: {  	v50 =	vadd.s32 s16, v17;
	v49 =	vmul.f32 v38, v21;
	v35 =	vadd.f32 v47, v35  }
0x2aa: {  	s17 =	simm.s32 $0x7  }
0x2ab: {  	v51 =	vadd.s32 s17, v17;
	v35 =	vadd.f32 v49, v35  }
0x2ac: {  	s18 =	simm.s32 $0x8  }
0x2ad: {  	v52 =	vadd.s32 s18, v17;
	[tilespmem:v48+s8+$0x0] =	vst.idx.msk $0xffff, v35  }
0x2ae: {  	v37 =	vld.idx.msk [tilespmem:v50+s8+$0x0], $0xffff;
	_ =	sdelay $0x1  }
0x2af: {  	v36 =	vld.idx.msk [tilespmem:v51+s8+$0x0], $0xffff;
	_ =	sdelay $0x1  }
0x2b0: {  	v35 =	vld.idx.msk [tilespmem:v52+s8+$0x0], $0xffff  }
0x2b1: {  	v37 =	vmul.f32 v37, v23;
	_ =	sdelay $0x1  }
0x2b2: {  	s16 =	simm.s32 $0x6;
	v36 =	vmul.f32 v36, v24;
	v37 =	vadd.f32 v37, v26  }
0x2b3: {  	v53 =	vadd.s32 s16, v17;
	s17 =	simm.s32 $0x9  }
0x2b4: {  	v54 =	vadd.s32 s17, v17;
	v35 =	vmul.f32 v35, v25;
	v36 =	vadd.f32 v36, v37  }
0x2b5: {  	s18 =	simm.s32 $0xB  }
0x2b6: {  	v55 =	vadd.s32 s18, v17;
	v35 =	vadd.f32 v35, v36  }
0x2b7: {  	s16 =	simm.s32 $0xC  }
0x2b8: {  	v56 =	vadd.s32 s16, v17;
	[tilespmem:v53+s8+$0x0] =	vst.idx.msk $0xffff, v35  }
0x2b9: {  	v37 =	vld.idx.msk [tilespmem:v54+s8+$0x0], $0xffff;
	_ =	sdelay $0x1  }
0x2ba: {  	v36 =	vld.idx.msk [tilespmem:v55+s8+$0x0], $0xffff;
	_ =	sdelay $0x1  }
0x2bb: {  	v35 =	vld.idx.msk [tilespmem:v56+s8+$0x0], $0xffff  }
0x2bc: {  	v37 =	vmul.f32 v37, v27;
	_ =	sdelay $0x1  }
0x2bd: {  	s17 =	simm.s32 $0xA;
	v36 =	vmul.f32 v36, v28;
	v37 =	vadd.f32 v37, v30  }
0x2be: {  	s18 =	simm.s32 $0xD;
	v57 =	vadd.s32 s17, v17  }
0x2bf: {  	v58 =	vadd.s32 s18, v17;
	v35 =	vmul.f32 v35, v29;
	v36 =	vadd.f32 v36, v37  }
0x2c0: {  	s16 =	simm.s32 $0xF  }
0x2c1: {  	v59 =	vadd.s32 s16, v17;
	v35 =	vadd.f32 v35, v36;
	_ =	sdelay $0x1  }
0x2c2: {  	s17 =	simm.s32 $0x10;
	[tilespmem:v57+s8+$0x0] =	vst.idx.msk $0xffff, v35  }
0x2c3: {  	v60 =	vadd.s32 s17, v17;
	v35 =	vld.idx.msk [tilespmem:v58+s8+$0x0], $0xffff;
	_ =	sdelay $0x1  }
0x2c4: {  	v61 =	vld.idx.msk [tilespmem:v59+s8+$0x0], $0xffff;
	_ =	sdelay $0x2  }
0x2c5: {  	v36 =	vld.idx.msk [tilespmem:v60+s8+$0x0], $0xffff;
	v35 =	vmul.f32 v35, v31;
	_ =	sdelay $0x1  }
0x2c6: {  	v37 =	vmul.f32 v61, v32;
	v35 =	vadd.f32 v35, v34  }
0x2c7: {  	s18 =	simm.s32 $0xE  }
0x2c8: {  	s17 =	simm.s32 $0x110;
	v62 =	vadd.f32 v37, v35;
	v35 =	vadd.s32 s18, v17  }
0x2c9: {  	v63 =	vmul.f32 v36, v33;
	v37 =	vadd.s32 s17, v17  }
0x2ca: {  	s18 =	simm.s32 $0x111  }
0x2cb: {  	v36 =	vadd.s32 s18, v17;
	v38 =	vadd.f32 v63, v62  }
0x2cc: {  	s15 =	simm.s32 $0x120;
	s16 =	simm.s32 $0x230;
	s17 =	simm.s32 $0x113  }
.LBB2_10:
0x2cd: {  	p0 =	sne.s32 s16, $0x8700;
	v39 =	vadd.s32 s17, v17;
	[tilespmem:v35+s8+$0x0] =	vst.idx.msk $0xffff, v38;
	s17 =	smov.u32 s16;
	s16 =	sadd.s32 $0x110, s16  }
0x2ce: {  	s18 =	sadd.s32 $0xFFFFFFF4, s15;
	v35 =	vld.idx.msk [tilespmem:v37+s8+$0x0], $0xffff  }
0x2cf: {  	v37 =	vadd.s32 s18, v17  }
0x2d0: {  	v36 =	vld.idx.msk [tilespmem:v36+s8+$0x0], $0xffff;
	_ =	sdelay $0x1  }
0x2d1: {  	v38 =	vld.idx.msk [tilespmem:v39+s8+$0x0], $0xffff;
	_ =	sdelay $0x1  }
0x2d2: {  	v35 =	vmul.f32 v35, v19;
	v37 =	vld.idx.msk [tilespmem:v37+s8+$0x0], $0xffff;
	_ =	sdelay $0x1  }
0x2d3: {  	v35 =	vadd.f32 v35, v22;
	v36 =	vmul.f32 v36, v18;
	_ =	sdelay $0x1  }
0x2d4: {  	s18 =	sadd.s32 $0xFFFFFFF2, s15;
	v35 =	vadd.f32 v36, v35;
	v36 =	vmul.f32 v38, v20  }
0x2d5: {  	v38 =	vadd.s32 s18, v17;
	s18 =	sadd.s32 $0xFFFFFFF5, s15  }
0x2d6: {  	v35 =	vadd.f32 v36, v35;
	v36 =	vmul.f32 v37, v21;
	v37 =	vadd.s32 s18, v17  }
0x2d7: {  	s18 =	sadd.s32 $0xFFFFFFF7, s15  }
0x2d8: {  	v35 =	vadd.f32 v36, v35;
	v36 =	vadd.s32 s18, v17  }
0x2d9: {  	s18 =	sadd.s32 $0xFFFFFFF8, s15  }
0x2da: {  	[tilespmem:v38+s8+$0x0] =	vst.idx.msk $0xffff, v35;
	v35 =	vadd.s32 s18, v17  }
0x2db: {  	v37 =	vld.idx.msk [tilespmem:v37+s8+$0x0], $0xffff;
	_ =	sdelay $0x1  }
0x2dc: {  	v36 =	vld.idx.msk [tilespmem:v36+s8+$0x0], $0xffff;
	_ =	sdelay $0x1  }
0x2dd: {  	v35 =	vld.idx.msk [tilespmem:v35+s8+$0x0], $0xffff;
	_ =	sdelay $0x1  }
0x2de: {  	v37 =	vmul.f32 v37, v23;
	_ =	sdelay $0x1  }
0x2df: {  	s18 =	sadd.s32 $0xFFFFFFF6, s15;
	v37 =	vadd.f32 v37, v26;
	v36 =	vmul.f32 v36, v24  }
0x2e0: {  	v38 =	vadd.s32 s18, v17;
	s18 =	sadd.s32 $0xFFFFFFF9, s15  }
0x2e1: {  	v36 =	vadd.f32 v36, v37;
	v35 =	vmul.f32 v35, v25;
	v37 =	vadd.s32 s18, v17  }
0x2e2: {  	s18 =	sadd.s32 $0xFFFFFFFB, s15  }
0x2e3: {  	v35 =	vadd.f32 v35, v36;
	v36 =	vadd.s32 s18, v17  }
0x2e4: {  	s18 =	sadd.s32 $0xFFFFFFFC, s15  }
0x2e5: {  	[tilespmem:v38+s8+$0x0] =	vst.idx.msk $0xffff, v35;
	v35 =	vadd.s32 s18, v17  }
0x2e6: {  	v37 =	vld.idx.msk [tilespmem:v37+s8+$0x0], $0xffff;
	_ =	sdelay $0x1  }
0x2e7: {  	v36 =	vld.idx.msk [tilespmem:v36+s8+$0x0], $0xffff;
	_ =	sdelay $0x1  }
0x2e8: {  	v35 =	vld.idx.msk [tilespmem:v35+s8+$0x0], $0xffff;
	_ =	sdelay $0x1  }
0x2e9: {  	v37 =	vmul.f32 v37, v27;
	_ =	sdelay $0x1  }
0x2ea: {  	s18 =	sadd.s32 $0xFFFFFFFA, s15;
	v37 =	vadd.f32 v37, v30;
	v36 =	vmul.f32 v36, v28  }
0x2eb: {  	v38 =	vadd.s32 s18, v17;
	s18 =	sadd.s32 $0xFFFFFFFD, s15  }
0x2ec: {  	v36 =	vadd.f32 v36, v37;
	v35 =	vmul.f32 v35, v29;
	v37 =	vadd.s32 s18, v17;
	s18 =	sadd.s32 $0xFFFFFFFF, s15  }
0x2ed: {  	v39 =	vadd.s32 s18, v17  }
0x2ee: {  	v35 =	vadd.f32 v35, v36;
	v36 =	vadd.s32 s15, v17;
	_ =	sdelay $0x1  }
0x2ef: {  	[tilespmem:v38+s8+$0x0] =	vst.idx.msk $0xffff, v35  }
0x2f0: {  	v35 =	vld.idx.msk [tilespmem:v37+s8+$0x0], $0xffff  }
0x2f1: {  	v37 =	vld.idx.msk [tilespmem:v39+s8+$0x0], $0xffff  }
0x2f2: {  	v36 =	vld.idx.msk [tilespmem:v36+s8+$0x0], $0xffff;
	_ =	sdelay $0x3  }
0x2f3: {  	v35 =	vmul.f32 v35, v31;
	_ =	sdelay $0x1  }
0x2f4: {  	s18 =	sadd.s32 $0xFFFFFFFE, s15;
	s15 =	smov.u32 s17;
	v39 =	vmul.f32 v37, v32;
	v38 =	vadd.f32 v35, v34  }
.Ltmp4:
0x2f5: {  	s17 =	sadd.s32 $0xFFFFFFF0, s15;
	v35 =	vadd.s32 s18, v17;
	(pc) =	sbr.rel @p0 .LBB2_10-.Ltmp4, $4  }
0x2f6: {  	v37 =	vadd.s32 s17, v17;
	v38 =	vadd.f32 v39, v38;
	v39 =	vmul.f32 v36, v33  }
0x2f7: {  	s17 =	sadd.s32 $0xFFFFFFF1, s15  }
0x2f8: {  	v36 =	vadd.s32 s17, v17;
	v38 =	vadd.f32 v39, v38  }
0x2f9: {  	s17 =	sadd.s32 $0xFFFFFFF3, s15  }
0x2fa: {  	_ =	sdelay $0x3  }
0x2fb: {  	v39 =	vadd.s32 s17, v17;
	[tilespmem:v35+s8+$0x0] =	vst.idx.msk $0xffff, v38  }
0x2fc: {  	s16 =	sadd.s32 $0xFFFFFFF4, s15;
	v35 =	vld.idx.msk [tilespmem:v37+s8+$0x0], $0xffff  }
0x2fd: {  	v50 =	vadd.s32 s16, v17  }
0x2fe: {  	v36 =	vld.idx.msk [tilespmem:v36+s8+$0x0], $0xffff;
	_ =	sdelay $0x1  }
0x2ff: {  	v38 =	vld.idx.msk [tilespmem:v39+s8+$0x0], $0xffff  }
0x300: {  	v35 =	vmul.f32 v35, v19  }
0x301: {  	v37 =	vld.idx.msk [tilespmem:v50+s8+$0x0], $0xffff  }
0x302: {  	v36 =	vmul.f32 v36, v18;
	v35 =	vadd.f32 v35, v22;
	_ =	sdelay $0x1  }
0x303: {  	s18 =	sadd.s32 $0xFFFFFFF2, s15;
	v35 =	vadd.f32 v36, v35;
	v51 =	vmul.f32 v38, v20  }
0x304: {  	s17 =	sadd.s32 $0xFFFFFFF5, s15;
	v52 =	vadd.s32 s18, v17  }
0x305: {  	v54 =	vadd.s32 s17, v17;
	v53 =	vmul.f32 v37, v21;
	v35 =	vadd.f32 v51, v35  }
0x306: {  	s18 =	sadd.s32 $0xFFFFFFF7, s15  }
0x307: {  	v55 =	vadd.s32 s18, v17;
	v35 =	vadd.f32 v53, v35  }
0x308: {  	s17 =	sadd.s32 $0xFFFFFFF8, s15  }
0x309: {  	v56 =	vadd.s32 s17, v17;
	[tilespmem:v52+s8+$0x0] =	vst.idx.msk $0xffff, v35  }
0x30a: {  	v37 =	vld.idx.msk [tilespmem:v54+s8+$0x0], $0xffff;
	_ =	sdelay $0x1  }
0x30b: {  	v36 =	vld.idx.msk [tilespmem:v55+s8+$0x0], $0xffff;
	_ =	sdelay $0x1  }
0x30c: {  	v35 =	vld.idx.msk [tilespmem:v56+s8+$0x0], $0xffff  }
0x30d: {  	v37 =	vmul.f32 v37, v23;
	_ =	sdelay $0x1  }
0x30e: {  	s18 =	sadd.s32 $0xFFFFFFF6, s15;
	v36 =	vmul.f32 v36, v24;
	v37 =	vadd.f32 v37, v26  }
0x30f: {  	s17 =	sadd.s32 $0xFFFFFFF9, s15;
	v57 =	vadd.s32 s18, v17  }
0x310: {  	v58 =	vadd.s32 s17, v17;
	v35 =	vmul.f32 v35, v25;
	v36 =	vadd.f32 v36, v37  }
0x311: {  	s18 =	sadd.s32 $0xFFFFFFFB, s15  }
0x312: {  	v59 =	vadd.s32 s18, v17;
	v35 =	vadd.f32 v35, v36  }
0x313: {  	s17 =	sadd.s32 $0xFFFFFFFC, s15  }
0x314: {  	v60 =	vadd.s32 s17, v17;
	[tilespmem:v57+s8+$0x0] =	vst.idx.msk $0xffff, v35  }
0x315: {  	v37 =	vld.idx.msk [tilespmem:v58+s8+$0x0], $0xffff;
	_ =	sdelay $0x1  }
0x316: {  	v36 =	vld.idx.msk [tilespmem:v59+s8+$0x0], $0xffff;
	_ =	sdelay $0x1  }
0x317: {  	v35 =	vld.idx.msk [tilespmem:v60+s8+$0x0], $0xffff  }
0x318: {  	v37 =	vmul.f32 v37, v27;
	_ =	sdelay $0x1  }
0x319: {  	s18 =	sadd.s32 $0xFFFFFFFA, s15;
	v36 =	vmul.f32 v36, v28;
	v37 =	vadd.f32 v37, v30  }
0x31a: {  	s17 =	sadd.s32 $0xFFFFFFFD, s15;
	v61 =	vadd.s32 s18, v17  }
0x31b: {  	v62 =	vadd.s32 s17, v17;
	v35 =	vmul.f32 v35, v29;
	v36 =	vadd.f32 v36, v37  }
0x31c: {  	s18 =	sadd.s32 $0xFFFFFFFF, s15  }
0x31d: {  	v63 =	vadd.s32 s18, v17;
	v35 =	vadd.f32 v35, v36;
	_ =	sdelay $0x1  }
0x31e: {  	v40 =	vadd.s32 s15, v17;
	[tilespmem:v61+s8+$0x0] =	vst.idx.msk $0xffff, v35  }
0x31f: {  	v35 =	vld.idx.msk [tilespmem:v62+s8+$0x0], $0xffff;
	_ =	sdelay $0x1  }
0x320: {  	v41 =	vld.idx.msk [tilespmem:v63+s8+$0x0], $0xffff;
	_ =	sdelay $0x1  }
0x321: {  	v36 =	vld.idx.msk [tilespmem:v40+s8+$0x0], $0xffff  }
0x322: {  	v35 =	vmul.f32 v35, v31;
	_ =	sdelay $0x1  }
0x323: {  	s16 =	sadd.s32 $0xFFFFFFFE, s15;
	v37 =	vmul.f32 v41, v32;
	v35 =	vadd.f32 v35, v34  }
0x324: {  	v42 =	vadd.s32 s16, v17  }
0x325: {  	v36 =	vmul.f32 v36, v33;
	v35 =	vadd.f32 v37, v35;
	_ =	sdelay $0x1  }
0x326: {  	v35 =	vadd.f32 v36, v35;
	_ =	sdelay $0x1  }
0x327: {  	s17 =	rddreg [dreg:$0xe];
	[tilespmem:v42+s8+$0x0] =	vst.idx.msk $0xffff, v35  }
0x328: {  	[hbm4b:s17+s1] =	stream.linear.scatter [tilespmem:s8], [sflag:$0x3], $0x8800, $0x38;
	[tilespmem:$0x11180] =	vst v63  }
0x329: {  	_ =	swait.ge [sflag:s11], $0x8800  }
0x32a: {  	s18 =	simm.s32 $0x0;
	[sflag:s11] =	ssyncset.done $0x0  }
0x32b: {  	v43 =	vadd.s32 s18, v17;
	s18 =	simm.s32 $0x1;
	s17 =	rddreg [dreg:$0xf];
	[sflag:s11] =	ssyncadd.s32 $0xFFFF7800  }
0x32c: {  	[tilespmem:s8], [sflag:$0x1] =	stream.linear.gather [hbm4b:s17+s1], $0x8800, $0x38;
	[tilespmem:$0x11180] =	vst v63  }
0x32d: {  	v44 =	vadd.s32 s18, v17;
	_ =	swait.ge [sflag:s12], $0x8800  }
0x32e: {  	s16 =	simm.s32 $0x3;
	[sflag:s12] =	ssyncset.done $0x0  }
0x32f: {  	v45 =	vadd.s32 s16, v17;
	[sflag:s12] =	ssyncadd.s32 $0xFFFF7800  }
0x330: {  	s17 =	simm.s32 $0x4;
	v35 =	vld.idx.msk [tilespmem:v43+s9+$0x0], $0xffff  }
0x331: {  	v46 =	vadd.s32 s17, v17  }
0x332: {  	v36 =	vld.idx.msk [tilespmem:v44+s9+$0x0], $0xffff;
	_ =	sdelay $0x1  }
0x333: {  	v37 =	vld.idx.msk [tilespmem:v45+s9+$0x0], $0xffff  }
0x334: {  	v35 =	vmul.f32 v35, v19  }
0x335: {  	v38 =	vld.idx.msk [tilespmem:v46+s9+$0x0], $0xffff  }
0x336: {  	v36 =	vmul.f32 v36, v18;
	v35 =	vadd.f32 v35, v22;
	_ =	sdelay $0x1  }
0x337: {  	s18 =	simm.s32 $0x2;
	v47 =	vmul.f32 v37, v20;
	v35 =	vadd.f32 v36, v35  }
0x338: {  	s16 =	simm.s32 $0x5;
	v48 =	vadd.s32 s18, v17  }
0x339: {  	v50 =	vadd.s32 s16, v17;
	v49 =	vmul.f32 v38, v21;
	v35 =	vadd.f32 v47, v35  }
0x33a: {  	s17 =	simm.s32 $0x7  }
0x33b: {  	v51 =	vadd.s32 s17, v17;
	v35 =	vadd.f32 v49, v35  }
0x33c: {  	s18 =	simm.s32 $0x8  }
0x33d: {  	v52 =	vadd.s32 s18, v17;
	[tilespmem:v48+s9+$0x0] =	vst.idx.msk $0xffff, v35  }
0x33e: {  	v37 =	vld.idx.msk [tilespmem:v50+s9+$0x0], $0xffff;
	_ =	sdelay $0x1  }
0x33f: {  	v36 =	vld.idx.msk [tilespmem:v51+s9+$0x0], $0xffff;
	_ =	sdelay $0x1  }
0x340: {  	v35 =	vld.idx.msk [tilespmem:v52+s9+$0x0], $0xffff  }
0x341: {  	v37 =	vmul.f32 v37, v23;
	_ =	sdelay $0x1  }
0x342: {  	s16 =	simm.s32 $0x6;
	v36 =	vmul.f32 v36, v24;
	v37 =	vadd.f32 v37, v26  }
0x343: {  	v53 =	vadd.s32 s16, v17;
	s17 =	simm.s32 $0x9  }
0x344: {  	v54 =	vadd.s32 s17, v17;
	v35 =	vmul.f32 v35, v25;
	v36 =	vadd.f32 v36, v37  }
0x345: {  	s18 =	simm.s32 $0xB  }
0x346: {  	v55 =	vadd.s32 s18, v17;
	v35 =	vadd.f32 v35, v36  }
0x347: {  	s16 =	simm.s32 $0xC  }
0x348: {  	v56 =	vadd.s32 s16, v17;
	[tilespmem:v53+s9+$0x0] =	vst.idx.msk $0xffff, v35  }
0x349: {  	v37 =	vld.idx.msk [tilespmem:v54+s9+$0x0], $0xffff;
	_ =	sdelay $0x1  }
0x34a: {  	v36 =	vld.idx.msk [tilespmem:v55+s9+$0x0], $0xffff;
	_ =	sdelay $0x1  }
0x34b: {  	v35 =	vld.idx.msk [tilespmem:v56+s9+$0x0], $0xffff  }
0x34c: {  	v37 =	vmul.f32 v37, v27;
	_ =	sdelay $0x1  }
0x34d: {  	s17 =	simm.s32 $0xA;
	v36 =	vmul.f32 v36, v28;
	v37 =	vadd.f32 v37, v30  }
0x34e: {  	s18 =	simm.s32 $0xD;
	v57 =	vadd.s32 s17, v17  }
0x34f: {  	v58 =	vadd.s32 s18, v17;
	v35 =	vmul.f32 v35, v29;
	v36 =	vadd.f32 v36, v37  }
0x350: {  	s16 =	simm.s32 $0xF  }
0x351: {  	v59 =	vadd.s32 s16, v17;
	v35 =	vadd.f32 v35, v36;
	_ =	sdelay $0x1  }
0x352: {  	s17 =	simm.s32 $0x10;
	[tilespmem:v57+s9+$0x0] =	vst.idx.msk $0xffff, v35  }
0x353: {  	v60 =	vadd.s32 s17, v17;
	v35 =	vld.idx.msk [tilespmem:v58+s9+$0x0], $0xffff;
	_ =	sdelay $0x1  }
0x354: {  	v61 =	vld.idx.msk [tilespmem:v59+s9+$0x0], $0xffff;
	_ =	sdelay $0x2  }
0x355: {  	v36 =	vld.idx.msk [tilespmem:v60+s9+$0x0], $0xffff;
	v35 =	vmul.f32 v35, v31;
	_ =	sdelay $0x1  }
0x356: {  	v37 =	vmul.f32 v61, v32;
	v35 =	vadd.f32 v35, v34  }
0x357: {  	s18 =	simm.s32 $0xE  }
0x358: {  	s17 =	simm.s32 $0x110;
	v62 =	vadd.f32 v37, v35;
	v35 =	vadd.s32 s18, v17  }
0x359: {  	v63 =	vmul.f32 v36, v33;
	v37 =	vadd.s32 s17, v17  }
0x35a: {  	s18 =	simm.s32 $0x111  }
0x35b: {  	v36 =	vadd.s32 s18, v17;
	v38 =	vadd.f32 v63, v62  }
0x35c: {  	s15 =	simm.s32 $0x120;
	s16 =	simm.s32 $0x230;
	s17 =	simm.s32 $0x113  }
.LBB2_12:
0x35d: {  	p0 =	sne.s32 s16, $0x8700;
	v39 =	vadd.s32 s17, v17;
	[tilespmem:v35+s9+$0x0] =	vst.idx.msk $0xffff, v38;
	s17 =	smov.u32 s16;
	s16 =	sadd.s32 $0x110, s16  }
0x35e: {  	s18 =	sadd.s32 $0xFFFFFFF4, s15;
	v35 =	vld.idx.msk [tilespmem:v37+s9+$0x0], $0xffff  }
0x35f: {  	v37 =	vadd.s32 s18, v17  }
0x360: {  	v36 =	vld.idx.msk [tilespmem:v36+s9+$0x0], $0xffff;
	_ =	sdelay $0x1  }
0x361: {  	v38 =	vld.idx.msk [tilespmem:v39+s9+$0x0], $0xffff;
	_ =	sdelay $0x1  }
0x362: {  	v35 =	vmul.f32 v35, v19;
	v37 =	vld.idx.msk [tilespmem:v37+s9+$0x0], $0xffff;
	_ =	sdelay $0x1  }
0x363: {  	v35 =	vadd.f32 v35, v22;
	v36 =	vmul.f32 v36, v18;
	_ =	sdelay $0x1  }
0x364: {  	s18 =	sadd.s32 $0xFFFFFFF2, s15;
	v35 =	vadd.f32 v36, v35;
	v36 =	vmul.f32 v38, v20  }
0x365: {  	v38 =	vadd.s32 s18, v17;
	s18 =	sadd.s32 $0xFFFFFFF5, s15  }
0x366: {  	v35 =	vadd.f32 v36, v35;
	v36 =	vmul.f32 v37, v21;
	v37 =	vadd.s32 s18, v17  }
0x367: {  	s18 =	sadd.s32 $0xFFFFFFF7, s15  }
0x368: {  	v35 =	vadd.f32 v36, v35;
	v36 =	vadd.s32 s18, v17  }
0x369: {  	s18 =	sadd.s32 $0xFFFFFFF8, s15  }
0x36a: {  	[tilespmem:v38+s9+$0x0] =	vst.idx.msk $0xffff, v35;
	v35 =	vadd.s32 s18, v17  }
0x36b: {  	v37 =	vld.idx.msk [tilespmem:v37+s9+$0x0], $0xffff;
	_ =	sdelay $0x1  }
0x36c: {  	v36 =	vld.idx.msk [tilespmem:v36+s9+$0x0], $0xffff;
	_ =	sdelay $0x1  }
0x36d: {  	v35 =	vld.idx.msk [tilespmem:v35+s9+$0x0], $0xffff;
	_ =	sdelay $0x1  }
0x36e: {  	v37 =	vmul.f32 v37, v23;
	_ =	sdelay $0x1  }
0x36f: {  	s18 =	sadd.s32 $0xFFFFFFF6, s15;
	v37 =	vadd.f32 v37, v26;
	v36 =	vmul.f32 v36, v24  }
0x370: {  	v38 =	vadd.s32 s18, v17;
	s18 =	sadd.s32 $0xFFFFFFF9, s15  }
0x371: {  	v36 =	vadd.f32 v36, v37;
	v35 =	vmul.f32 v35, v25;
	v37 =	vadd.s32 s18, v17  }
0x372: {  	s18 =	sadd.s32 $0xFFFFFFFB, s15  }
0x373: {  	v35 =	vadd.f32 v35, v36;
	v36 =	vadd.s32 s18, v17  }
0x374: {  	s18 =	sadd.s32 $0xFFFFFFFC, s15  }
0x375: {  	[tilespmem:v38+s9+$0x0] =	vst.idx.msk $0xffff, v35;
	v35 =	vadd.s32 s18, v17  }
0x376: {  	v37 =	vld.idx.msk [tilespmem:v37+s9+$0x0], $0xffff;
	_ =	sdelay $0x1  }
0x377: {  	v36 =	vld.idx.msk [tilespmem:v36+s9+$0x0], $0xffff;
	_ =	sdelay $0x1  }
0x378: {  	v35 =	vld.idx.msk [tilespmem:v35+s9+$0x0], $0xffff;
	_ =	sdelay $0x1  }
0x379: {  	v37 =	vmul.f32 v37, v27;
	_ =	sdelay $0x1  }
0x37a: {  	s18 =	sadd.s32 $0xFFFFFFFA, s15;
	v37 =	vadd.f32 v37, v30;
	v36 =	vmul.f32 v36, v28  }
0x37b: {  	v38 =	vadd.s32 s18, v17;
	s18 =	sadd.s32 $0xFFFFFFFD, s15  }
0x37c: {  	v36 =	vadd.f32 v36, v37;
	v35 =	vmul.f32 v35, v29;
	v37 =	vadd.s32 s18, v17;
	s18 =	sadd.s32 $0xFFFFFFFF, s15  }
0x37d: {  	v39 =	vadd.s32 s18, v17  }
0x37e: {  	v35 =	vadd.f32 v35, v36;
	v36 =	vadd.s32 s15, v17;
	_ =	sdelay $0x1  }
0x37f: {  	[tilespmem:v38+s9+$0x0] =	vst.idx.msk $0xffff, v35  }
0x380: {  	v35 =	vld.idx.msk [tilespmem:v37+s9+$0x0], $0xffff  }
0x381: {  	v37 =	vld.idx.msk [tilespmem:v39+s9+$0x0], $0xffff  }
0x382: {  	v36 =	vld.idx.msk [tilespmem:v36+s9+$0x0], $0xffff;
	_ =	sdelay $0x3  }
0x383: {  	v35 =	vmul.f32 v35, v31;
	_ =	sdelay $0x1  }
0x384: {  	s18 =	sadd.s32 $0xFFFFFFFE, s15;
	s15 =	smov.u32 s17;
	v39 =	vmul.f32 v37, v32;
	v38 =	vadd.f32 v35, v34  }
.Ltmp5:
0x385: {  	s17 =	sadd.s32 $0xFFFFFFF0, s15;
	v35 =	vadd.s32 s18, v17;
	(pc) =	sbr.rel @p0 .LBB2_12-.Ltmp5, $4  }
0x386: {  	v37 =	vadd.s32 s17, v17;
	v38 =	vadd.f32 v39, v38;
	v39 =	vmul.f32 v36, v33  }
0x387: {  	s17 =	sadd.s32 $0xFFFFFFF1, s15  }
0x388: {  	v36 =	vadd.s32 s17, v17;
	v38 =	vadd.f32 v39, v38  }
0x389: {  	s17 =	sadd.s32 $0xFFFFFFF3, s15  }
0x38a: {  	_ =	sdelay $0x3  }
0x38b: {  	v39 =	vadd.s32 s17, v17;
	[tilespmem:v35+s9+$0x0] =	vst.idx.msk $0xffff, v38  }
0x38c: {  	s16 =	sadd.s32 $0xFFFFFFF4, s15;
	v35 =	vld.idx.msk [tilespmem:v37+s9+$0x0], $0xffff  }
0x38d: {  	v50 =	vadd.s32 s16, v17  }
0x38e: {  	v36 =	vld.idx.msk [tilespmem:v36+s9+$0x0], $0xffff;
	_ =	sdelay $0x1  }
0x38f: {  	v38 =	vld.idx.msk [tilespmem:v39+s9+$0x0], $0xffff  }
0x390: {  	v35 =	vmul.f32 v35, v19  }
0x391: {  	v37 =	vld.idx.msk [tilespmem:v50+s9+$0x0], $0xffff  }
0x392: {  	v36 =	vmul.f32 v36, v18;
	v35 =	vadd.f32 v35, v22;
	_ =	sdelay $0x1  }
0x393: {  	s18 =	sadd.s32 $0xFFFFFFF2, s15;
	v35 =	vadd.f32 v36, v35;
	v51 =	vmul.f32 v38, v20  }
0x394: {  	s17 =	sadd.s32 $0xFFFFFFF5, s15;
	v52 =	vadd.s32 s18, v17  }
0x395: {  	v54 =	vadd.s32 s17, v17;
	v53 =	vmul.f32 v37, v21;
	v35 =	vadd.f32 v51, v35  }
0x396: {  	s18 =	sadd.s32 $0xFFFFFFF7, s15  }
0x397: {  	v55 =	vadd.s32 s18, v17;
	v35 =	vadd.f32 v53, v35  }
0x398: {  	s17 =	sadd.s32 $0xFFFFFFF8, s15  }
0x399: {  	v56 =	vadd.s32 s17, v17;
	[tilespmem:v52+s9+$0x0] =	vst.idx.msk $0xffff, v35  }
0x39a: {  	v37 =	vld.idx.msk [tilespmem:v54+s9+$0x0], $0xffff;
	_ =	sdelay $0x1  }
0x39b: {  	v36 =	vld.idx.msk [tilespmem:v55+s9+$0x0], $0xffff;
	_ =	sdelay $0x1  }
0x39c: {  	v35 =	vld.idx.msk [tilespmem:v56+s9+$0x0], $0xffff  }
0x39d: {  	v37 =	vmul.f32 v37, v23;
	_ =	sdelay $0x1  }
0x39e: {  	s18 =	sadd.s32 $0xFFFFFFF6, s15;
	v36 =	vmul.f32 v36, v24;
	v37 =	vadd.f32 v37, v26  }
0x39f: {  	s17 =	sadd.s32 $0xFFFFFFF9, s15;
	v57 =	vadd.s32 s18, v17  }
0x3a0: {  	v58 =	vadd.s32 s17, v17;
	v35 =	vmul.f32 v35, v25;
	v36 =	vadd.f32 v36, v37  }
0x3a1: {  	s18 =	sadd.s32 $0xFFFFFFFB, s15  }
0x3a2: {  	v59 =	vadd.s32 s18, v17;
	v35 =	vadd.f32 v35, v36  }
0x3a3: {  	s17 =	sadd.s32 $0xFFFFFFFC, s15  }
0x3a4: {  	v60 =	vadd.s32 s17, v17;
	[tilespmem:v57+s9+$0x0] =	vst.idx.msk $0xffff, v35  }
0x3a5: {  	v37 =	vld.idx.msk [tilespmem:v58+s9+$0x0], $0xffff;
	_ =	sdelay $0x1  }
0x3a6: {  	v36 =	vld.idx.msk [tilespmem:v59+s9+$0x0], $0xffff;
	_ =	sdelay $0x1  }
0x3a7: {  	v35 =	vld.idx.msk [tilespmem:v60+s9+$0x0], $0xffff  }
0x3a8: {  	v37 =	vmul.f32 v37, v27;
	_ =	sdelay $0x1  }
0x3a9: {  	s18 =	sadd.s32 $0xFFFFFFFA, s15;
	v36 =	vmul.f32 v36, v28;
	v37 =	vadd.f32 v37, v30  }
0x3aa: {  	s17 =	sadd.s32 $0xFFFFFFFD, s15;
	v61 =	vadd.s32 s18, v17  }
0x3ab: {  	v62 =	vadd.s32 s17, v17;
	v35 =	vmul.f32 v35, v29;
	v36 =	vadd.f32 v36, v37  }
0x3ac: {  	s18 =	sadd.s32 $0xFFFFFFFF, s15  }
0x3ad: {  	v63 =	vadd.s32 s18, v17;
	v35 =	vadd.f32 v35, v36;
	_ =	sdelay $0x1  }
0x3ae: {  	v40 =	vadd.s32 s15, v17;
	[tilespmem:v61+s9+$0x0] =	vst.idx.msk $0xffff, v35  }
0x3af: {  	v35 =	vld.idx.msk [tilespmem:v62+s9+$0x0], $0xffff;
	_ =	sdelay $0x1  }
0x3b0: {  	v41 =	vld.idx.msk [tilespmem:v63+s9+$0x0], $0xffff;
	_ =	sdelay $0x1  }
0x3b1: {  	v36 =	vld.idx.msk [tilespmem:v40+s9+$0x0], $0xffff  }
0x3b2: {  	v35 =	vmul.f32 v35, v31;
	_ =	sdelay $0x1  }
0x3b3: {  	s16 =	sadd.s32 $0xFFFFFFFE, s15;
	v37 =	vmul.f32 v41, v32;
	v35 =	vadd.f32 v35, v34  }
0x3b4: {  	v42 =	vadd.s32 s16, v17  }
0x3b5: {  	v36 =	vmul.f32 v36, v33;
	v35 =	vadd.f32 v37, v35;
	_ =	sdelay $0x1  }
0x3b6: {  	v35 =	vadd.f32 v36, v35;
	_ =	sdelay $0x1  }
0x3b7: {  	s17 =	rddreg [dreg:$0x10];
	[tilespmem:v42+s9+$0x0] =	vst.idx.msk $0xffff, v35  }
0x3b8: {  	[hbm4b:s17+s1] =	stream.linear.scatter [tilespmem:s9], [sflag:$0x4], $0x8800, $0x38;
	[tilespmem:$0x11180] =	vst v63  }
0x3b9: {  	_ =	swait.ge [sflag:s13], $0x8800  }
0x3ba: {  	s18 =	simm.s32 $0x0;
	[sflag:s13] =	ssyncset.done $0x0  }
0x3bb: {  	v43 =	vadd.s32 s18, v17;
	s18 =	simm.s32 $0x1;
	s17 =	rddreg [dreg:$0x11];
	[sflag:s13] =	ssyncadd.s32 $0xFFFF7800  }
0x3bc: {  	[tilespmem:s9], [sflag:$0x2] =	stream.linear.gather [hbm4b:s17+s1], $0x8800, $0x38;
	[tilespmem:$0x11180] =	vst v63  }
0x3bd: {  	v44 =	vadd.s32 s18, v17;
	_ =	swait.ge [sflag:s10], $0x8800  }
0x3be: {  	s16 =	simm.s32 $0x3;
	[sflag:s10] =	ssyncset.done $0x0  }
0x3bf: {  	v45 =	vadd.s32 s16, v17;
	[sflag:s10] =	ssyncadd.s32 $0xFFFF7800  }
0x3c0: {  	s17 =	simm.s32 $0x4;
	v35 =	vld.idx.msk [tilespmem:v43+s8+$0x0], $0xffff  }
0x3c1: {  	v46 =	vadd.s32 s17, v17  }
0x3c2: {  	v36 =	vld.idx.msk [tilespmem:v44+s8+$0x0], $0xffff;
	_ =	sdelay $0x1  }
0x3c3: {  	v37 =	vld.idx.msk [tilespmem:v45+s8+$0x0], $0xffff  }
0x3c4: {  	v35 =	vmul.f32 v35, v19  }
0x3c5: {  	v38 =	vld.idx.msk [tilespmem:v46+s8+$0x0], $0xffff  }
0x3c6: {  	v36 =	vmul.f32 v36, v18;
	v35 =	vadd.f32 v35, v22;
	_ =	sdelay $0x1  }
0x3c7: {  	s18 =	simm.s32 $0x2;
	v47 =	vmul.f32 v37, v20;
	v35 =	vadd.f32 v36, v35  }
0x3c8: {  	s16 =	simm.s32 $0x5;
	v48 =	vadd.s32 s18, v17  }
0x3c9: {  	v50 =	vadd.s32 s16, v17;
	v49 =	vmul.f32 v38, v21;
	v35 =	vadd.f32 v47, v35  }
0x3ca: {  	s17 =	simm.s32 $0x7  }
0x3cb: {  	v51 =	vadd.s32 s17, v17;
	v35 =	vadd.f32 v49, v35  }
0x3cc: {  	s18 =	simm.s32 $0x8  }
0x3cd: {  	v52 =	vadd.s32 s18, v17;
	[tilespmem:v48+s8+$0x0] =	vst.idx.msk $0xffff, v35  }
0x3ce: {  	v37 =	vld.idx.msk [tilespmem:v50+s8+$0x0], $0xffff;
	_ =	sdelay $0x1  }
0x3cf: {  	v36 =	vld.idx.msk [tilespmem:v51+s8+$0x0], $0xffff;
	_ =	sdelay $0x1  }
0x3d0: {  	v35 =	vld.idx.msk [tilespmem:v52+s8+$0x0], $0xffff  }
0x3d1: {  	v37 =	vmul.f32 v37, v23;
	_ =	sdelay $0x1  }
0x3d2: {  	s16 =	simm.s32 $0x6;
	v36 =	vmul.f32 v36, v24;
	v37 =	vadd.f32 v37, v26  }
0x3d3: {  	v53 =	vadd.s32 s16, v17;
	s17 =	simm.s32 $0x9  }
0x3d4: {  	v54 =	vadd.s32 s17, v17;
	v35 =	vmul.f32 v35, v25;
	v36 =	vadd.f32 v36, v37  }
0x3d5: {  	s18 =	simm.s32 $0xB  }
0x3d6: {  	v55 =	vadd.s32 s18, v17;
	v35 =	vadd.f32 v35, v36  }
0x3d7: {  	s16 =	simm.s32 $0xC  }
0x3d8: {  	v56 =	vadd.s32 s16, v17;
	[tilespmem:v53+s8+$0x0] =	vst.idx.msk $0xffff, v35  }
0x3d9: {  	v37 =	vld.idx.msk [tilespmem:v54+s8+$0x0], $0xffff;
	_ =	sdelay $0x1  }
0x3da: {  	v36 =	vld.idx.msk [tilespmem:v55+s8+$0x0], $0xffff;
	_ =	sdelay $0x1  }
0x3db: {  	v35 =	vld.idx.msk [tilespmem:v56+s8+$0x0], $0xffff  }
0x3dc: {  	v37 =	vmul.f32 v37, v27;
	_ =	sdelay $0x1  }
0x3dd: {  	s17 =	simm.s32 $0xA;
	v36 =	vmul.f32 v36, v28;
	v37 =	vadd.f32 v37, v30  }
0x3de: {  	s18 =	simm.s32 $0xD;
	v57 =	vadd.s32 s17, v17  }
0x3df: {  	v58 =	vadd.s32 s18, v17;
	v35 =	vmul.f32 v35, v29;
	v36 =	vadd.f32 v36, v37  }
0x3e0: {  	s16 =	simm.s32 $0xF  }
0x3e1: {  	v59 =	vadd.s32 s16, v17;
	v35 =	vadd.f32 v35, v36;
	_ =	sdelay $0x1  }
0x3e2: {  	s17 =	simm.s32 $0x10;
	[tilespmem:v57+s8+$0x0] =	vst.idx.msk $0xffff, v35  }
0x3e3: {  	v60 =	vadd.s32 s17, v17;
	v35 =	vld.idx.msk [tilespmem:v58+s8+$0x0], $0xffff;
	_ =	sdelay $0x1  }
0x3e4: {  	v61 =	vld.idx.msk [tilespmem:v59+s8+$0x0], $0xffff;
	_ =	sdelay $0x2  }
0x3e5: {  	v36 =	vld.idx.msk [tilespmem:v60+s8+$0x0], $0xffff;
	v35 =	vmul.f32 v35, v31;
	_ =	sdelay $0x1  }
0x3e6: {  	v37 =	vmul.f32 v61, v32;
	v35 =	vadd.f32 v35, v34  }
0x3e7: {  	s18 =	simm.s32 $0xE  }
0x3e8: {  	s17 =	simm.s32 $0x110;
	v62 =	vadd.f32 v37, v35;
	v35 =	vadd.s32 s18, v17  }
0x3e9: {  	v63 =	vmul.f32 v36, v33;
	v37 =	vadd.s32 s17, v17  }
0x3ea: {  	s18 =	simm.s32 $0x111  }
0x3eb: {  	v36 =	vadd.s32 s18, v17;
	v38 =	vadd.f32 v63, v62  }
0x3ec: {  	s15 =	simm.s32 $0x120;
	s16 =	simm.s32 $0x230;
	s17 =	simm.s32 $0x113  }
.LBB2_14:
0x3ed: {  	p0 =	sne.s32 s16, $0x8700;
	v39 =	vadd.s32 s17, v17;
	[tilespmem:v35+s8+$0x0] =	vst.idx.msk $0xffff, v38;
	s17 =	smov.u32 s16;
	s16 =	sadd.s32 $0x110, s16  }
0x3ee: {  	s18 =	sadd.s32 $0xFFFFFFF4, s15;
	v35 =	vld.idx.msk [tilespmem:v37+s8+$0x0], $0xffff  }
0x3ef: {  	v37 =	vadd.s32 s18, v17  }
0x3f0: {  	v36 =	vld.idx.msk [tilespmem:v36+s8+$0x0], $0xffff;
	_ =	sdelay $0x1  }
0x3f1: {  	v38 =	vld.idx.msk [tilespmem:v39+s8+$0x0], $0xffff;
	_ =	sdelay $0x1  }
0x3f2: {  	v35 =	vmul.f32 v35, v19;
	v37 =	vld.idx.msk [tilespmem:v37+s8+$0x0], $0xffff;
	_ =	sdelay $0x1  }
0x3f3: {  	v35 =	vadd.f32 v35, v22;
	v36 =	vmul.f32 v36, v18;
	_ =	sdelay $0x1  }
0x3f4: {  	s18 =	sadd.s32 $0xFFFFFFF2, s15;
	v35 =	vadd.f32 v36, v35;
	v36 =	vmul.f32 v38, v20  }
0x3f5: {  	v38 =	vadd.s32 s18, v17;
	s18 =	sadd.s32 $0xFFFFFFF5, s15  }
0x3f6: {  	v35 =	vadd.f32 v36, v35;
	v36 =	vmul.f32 v37, v21;
	v37 =	vadd.s32 s18, v17  }
0x3f7: {  	s18 =	sadd.s32 $0xFFFFFFF7, s15  }
0x3f8: {  	v35 =	vadd.f32 v36, v35;
	v36 =	vadd.s32 s18, v17  }
0x3f9: {  	s18 =	sadd.s32 $0xFFFFFFF8, s15  }
0x3fa: {  	[tilespmem:v38+s8+$0x0] =	vst.idx.msk $0xffff, v35;
	v35 =	vadd.s32 s18, v17  }
0x3fb: {  	v37 =	vld.idx.msk [tilespmem:v37+s8+$0x0], $0xffff;
	_ =	sdelay $0x1  }
0x3fc: {  	v36 =	vld.idx.msk [tilespmem:v36+s8+$0x0], $0xffff;
	_ =	sdelay $0x1  }
0x3fd: {  	v35 =	vld.idx.msk [tilespmem:v35+s8+$0x0], $0xffff;
	_ =	sdelay $0x1  }
0x3fe: {  	v37 =	vmul.f32 v37, v23;
	_ =	sdelay $0x1  }
0x3ff: {  	s18 =	sadd.s32 $0xFFFFFFF6, s15;
	v37 =	vadd.f32 v37, v26;
	v36 =	vmul.f32 v36, v24  }
0x400: {  	v38 =	vadd.s32 s18, v17;
	s18 =	sadd.s32 $0xFFFFFFF9, s15  }
0x401: {  	v36 =	vadd.f32 v36, v37;
	v35 =	vmul.f32 v35, v25;
	v37 =	vadd.s32 s18, v17  }
0x402: {  	s18 =	sadd.s32 $0xFFFFFFFB, s15  }
0x403: {  	v35 =	vadd.f32 v35, v36;
	v36 =	vadd.s32 s18, v17  }
0x404: {  	s18 =	sadd.s32 $0xFFFFFFFC, s15  }
0x405: {  	[tilespmem:v38+s8+$0x0] =	vst.idx.msk $0xffff, v35;
	v35 =	vadd.s32 s18, v17  }
0x406: {  	v37 =	vld.idx.msk [tilespmem:v37+s8+$0x0], $0xffff;
	_ =	sdelay $0x1  }
0x407: {  	v36 =	vld.idx.msk [tilespmem:v36+s8+$0x0], $0xffff;
	_ =	sdelay $0x1  }
0x408: {  	v35 =	vld.idx.msk [tilespmem:v35+s8+$0x0], $0xffff;
	_ =	sdelay $0x1  }
0x409: {  	v37 =	vmul.f32 v37, v27;
	_ =	sdelay $0x1  }
0x40a: {  	s18 =	sadd.s32 $0xFFFFFFFA, s15;
	v37 =	vadd.f32 v37, v30;
	v36 =	vmul.f32 v36, v28  }
0x40b: {  	v38 =	vadd.s32 s18, v17;
	s18 =	sadd.s32 $0xFFFFFFFD, s15  }
0x40c: {  	v36 =	vadd.f32 v36, v37;
	v35 =	vmul.f32 v35, v29;
	v37 =	vadd.s32 s18, v17;
	s18 =	sadd.s32 $0xFFFFFFFF, s15  }
0x40d: {  	v39 =	vadd.s32 s18, v17  }
0x40e: {  	v35 =	vadd.f32 v35, v36;
	v36 =	vadd.s32 s15, v17;
	_ =	sdelay $0x1  }
0x40f: {  	[tilespmem:v38+s8+$0x0] =	vst.idx.msk $0xffff, v35  }
0x410: {  	v35 =	vld.idx.msk [tilespmem:v37+s8+$0x0], $0xffff  }
0x411: {  	v37 =	vld.idx.msk [tilespmem:v39+s8+$0x0], $0xffff  }
0x412: {  	v36 =	vld.idx.msk [tilespmem:v36+s8+$0x0], $0xffff;
	_ =	sdelay $0x3  }
0x413: {  	v35 =	vmul.f32 v35, v31;
	_ =	sdelay $0x1  }
0x414: {  	s18 =	sadd.s32 $0xFFFFFFFE, s15;
	s15 =	smov.u32 s17;
	v39 =	vmul.f32 v37, v32;
	v38 =	vadd.f32 v35, v34  }
.Ltmp6:
0x415: {  	s17 =	sadd.s32 $0xFFFFFFF0, s15;
	v35 =	vadd.s32 s18, v17;
	(pc) =	sbr.rel @p0 .LBB2_14-.Ltmp6, $4  }
0x416: {  	v37 =	vadd.s32 s17, v17;
	v38 =	vadd.f32 v39, v38;
	v39 =	vmul.f32 v36, v33  }
0x417: {  	s17 =	sadd.s32 $0xFFFFFFF1, s15  }
0x418: {  	v36 =	vadd.s32 s17, v17;
	v38 =	vadd.f32 v39, v38  }
0x419: {  	s17 =	sadd.s32 $0xFFFFFFF3, s15  }
0x41a: {  	_ =	sdelay $0x3  }
0x41b: {  	v39 =	vadd.s32 s17, v17;
	[tilespmem:v35+s8+$0x0] =	vst.idx.msk $0xffff, v38  }
0x41c: {  	s16 =	sadd.s32 $0xFFFFFFF4, s15;
	v35 =	vld.idx.msk [tilespmem:v37+s8+$0x0], $0xffff  }
0x41d: {  	v50 =	vadd.s32 s16, v17  }
0x41e: {  	v36 =	vld.idx.msk [tilespmem:v36+s8+$0x0], $0xffff;
	_ =	sdelay $0x1  }
0x41f: {  	v38 =	vld.idx.msk [tilespmem:v39+s8+$0x0], $0xffff  }
0x420: {  	v35 =	vmul.f32 v35, v19  }
0x421: {  	v37 =	vld.idx.msk [tilespmem:v50+s8+$0x0], $0xffff  }
0x422: {  	v36 =	vmul.f32 v36, v18;
	v35 =	vadd.f32 v35, v22;
	_ =	sdelay $0x1  }
0x423: {  	s18 =	sadd.s32 $0xFFFFFFF2, s15;
	v35 =	vadd.f32 v36, v35;
	v51 =	vmul.f32 v38, v20  }
0x424: {  	s17 =	sadd.s32 $0xFFFFFFF5, s15;
	v52 =	vadd.s32 s18, v17  }
0x425: {  	v54 =	vadd.s32 s17, v17;
	v53 =	vmul.f32 v37, v21;
	v35 =	vadd.f32 v51, v35  }
0x426: {  	s18 =	sadd.s32 $0xFFFFFFF7, s15  }
0x427: {  	v55 =	vadd.s32 s18, v17;
	v35 =	vadd.f32 v53, v35  }
0x428: {  	s17 =	sadd.s32 $0xFFFFFFF8, s15  }
0x429: {  	v56 =	vadd.s32 s17, v17;
	[tilespmem:v52+s8+$0x0] =	vst.idx.msk $0xffff, v35  }
0x42a: {  	v37 =	vld.idx.msk [tilespmem:v54+s8+$0x0], $0xffff;
	_ =	sdelay $0x1  }
0x42b: {  	v36 =	vld.idx.msk [tilespmem:v55+s8+$0x0], $0xffff;
	_ =	sdelay $0x1  }
0x42c: {  	v35 =	vld.idx.msk [tilespmem:v56+s8+$0x0], $0xffff  }
0x42d: {  	v37 =	vmul.f32 v37, v23;
	_ =	sdelay $0x1  }
0x42e: {  	s18 =	sadd.s32 $0xFFFFFFF6, s15;
	v36 =	vmul.f32 v36, v24;
	v37 =	vadd.f32 v37, v26  }
0x42f: {  	s17 =	sadd.s32 $0xFFFFFFF9, s15;
	v57 =	vadd.s32 s18, v17  }
0x430: {  	v58 =	vadd.s32 s17, v17;
	v35 =	vmul.f32 v35, v25;
	v36 =	vadd.f32 v36, v37  }
0x431: {  	s18 =	sadd.s32 $0xFFFFFFFB, s15  }
0x432: {  	v59 =	vadd.s32 s18, v17;
	v35 =	vadd.f32 v35, v36  }
0x433: {  	s17 =	sadd.s32 $0xFFFFFFFC, s15  }
0x434: {  	v60 =	vadd.s32 s17, v17;
	[tilespmem:v57+s8+$0x0] =	vst.idx.msk $0xffff, v35  }
0x435: {  	v37 =	vld.idx.msk [tilespmem:v58+s8+$0x0], $0xffff;
	_ =	sdelay $0x1  }
0x436: {  	v36 =	vld.idx.msk [tilespmem:v59+s8+$0x0], $0xffff;
	_ =	sdelay $0x1  }
0x437: {  	v35 =	vld.idx.msk [tilespmem:v60+s8+$0x0], $0xffff  }
0x438: {  	v37 =	vmul.f32 v37, v27;
	_ =	sdelay $0x1  }
0x439: {  	s18 =	sadd.s32 $0xFFFFFFFA, s15;
	v36 =	vmul.f32 v36, v28;
	v37 =	vadd.f32 v37, v30  }
0x43a: {  	s17 =	sadd.s32 $0xFFFFFFFD, s15;
	v61 =	vadd.s32 s18, v17  }
0x43b: {  	v62 =	vadd.s32 s17, v17;
	v35 =	vmul.f32 v35, v29;
	v36 =	vadd.f32 v36, v37  }
0x43c: {  	s18 =	sadd.s32 $0xFFFFFFFF, s15  }
0x43d: {  	v63 =	vadd.s32 s18, v17;
	v35 =	vadd.f32 v35, v36;
	_ =	sdelay $0x1  }
0x43e: {  	v40 =	vadd.s32 s15, v17;
	[tilespmem:v61+s8+$0x0] =	vst.idx.msk $0xffff, v35  }
0x43f: {  	v35 =	vld.idx.msk [tilespmem:v62+s8+$0x0], $0xffff;
	_ =	sdelay $0x1  }
0x440: {  	v41 =	vld.idx.msk [tilespmem:v63+s8+$0x0], $0xffff;
	_ =	sdelay $0x1  }
0x441: {  	v36 =	vld.idx.msk [tilespmem:v40+s8+$0x0], $0xffff  }
0x442: {  	v35 =	vmul.f32 v35, v31;
	_ =	sdelay $0x1  }
0x443: {  	s16 =	sadd.s32 $0xFFFFFFFE, s15;
	v37 =	vmul.f32 v41, v32;
	v35 =	vadd.f32 v35, v34  }
0x444: {  	v42 =	vadd.s32 s16, v17  }
0x445: {  	v36 =	vmul.f32 v36, v33;
	v35 =	vadd.f32 v37, v35;
	_ =	sdelay $0x1  }
0x446: {  	v35 =	vadd.f32 v36, v35;
	_ =	sdelay $0x1  }
0x447: {  	s17 =	rddreg [dreg:$0x12];
	[tilespmem:v42+s8+$0x0] =	vst.idx.msk $0xffff, v35  }
0x448: {  	[hbm4b:s17+s1] =	stream.linear.scatter [tilespmem:s8], [sflag:$0x3], $0x8800, $0x38;
	[tilespmem:$0x11180] =	vst v63  }
0x449: {  	_ =	swait.ge [sflag:s11], $0x8800  }
0x44a: {  	s18 =	simm.s32 $0x0;
	[sflag:s11] =	ssyncset.done $0x0  }
0x44b: {  	v43 =	vadd.s32 s18, v17;
	s18 =	simm.s32 $0x1;
	s17 =	rddreg [dreg:$0x13];
	[sflag:s11] =	ssyncadd.s32 $0xFFFF7800  }
0x44c: {  	[tilespmem:s8], [sflag:$0x1] =	stream.linear.gather [hbm4b:s17+s1], $0x8800, $0x38;
	[tilespmem:$0x11180] =	vst v63  }
0x44d: {  	v44 =	vadd.s32 s18, v17;
	_ =	swait.ge [sflag:s12], $0x8800  }
0x44e: {  	s16 =	simm.s32 $0x3;
	[sflag:s12] =	ssyncset.done $0x0  }
0x44f: {  	v45 =	vadd.s32 s16, v17;
	[sflag:s12] =	ssyncadd.s32 $0xFFFF7800  }
0x450: {  	s17 =	simm.s32 $0x4;
	v35 =	vld.idx.msk [tilespmem:v43+s9+$0x0], $0xffff  }
0x451: {  	v46 =	vadd.s32 s17, v17  }
0x452: {  	v36 =	vld.idx.msk [tilespmem:v44+s9+$0x0], $0xffff;
	_ =	sdelay $0x1  }
0x453: {  	v37 =	vld.idx.msk [tilespmem:v45+s9+$0x0], $0xffff  }
0x454: {  	v35 =	vmul.f32 v35, v19  }
0x455: {  	v38 =	vld.idx.msk [tilespmem:v46+s9+$0x0], $0xffff  }
0x456: {  	v36 =	vmul.f32 v36, v18;
	v35 =	vadd.f32 v35, v22;
	_ =	sdelay $0x1  }
0x457: {  	s18 =	simm.s32 $0x2;
	v47 =	vmul.f32 v37, v20;
	v35 =	vadd.f32 v36, v35  }
0x458: {  	s16 =	simm.s32 $0x5;
	v48 =	vadd.s32 s18, v17  }
0x459: {  	v50 =	vadd.s32 s16, v17;
	v49 =	vmul.f32 v38, v21;
	v35 =	vadd.f32 v47, v35  }
0x45a: {  	s17 =	simm.s32 $0x7  }
0x45b: {  	v51 =	vadd.s32 s17, v17;
	v35 =	vadd.f32 v49, v35  }
0x45c: {  	s18 =	simm.s32 $0x8  }
0x45d: {  	v52 =	vadd.s32 s18, v17;
	[tilespmem:v48+s9+$0x0] =	vst.idx.msk $0xffff, v35  }
0x45e: {  	v37 =	vld.idx.msk [tilespmem:v50+s9+$0x0], $0xffff;
	_ =	sdelay $0x1  }
0x45f: {  	v36 =	vld.idx.msk [tilespmem:v51+s9+$0x0], $0xffff;
	_ =	sdelay $0x1  }
0x460: {  	v35 =	vld.idx.msk [tilespmem:v52+s9+$0x0], $0xffff  }
0x461: {  	v37 =	vmul.f32 v37, v23;
	_ =	sdelay $0x1  }
0x462: {  	s16 =	simm.s32 $0x6;
	v36 =	vmul.f32 v36, v24;
	v37 =	vadd.f32 v37, v26  }
0x463: {  	v53 =	vadd.s32 s16, v17;
	s17 =	simm.s32 $0x9  }
0x464: {  	v54 =	vadd.s32 s17, v17;
	v35 =	vmul.f32 v35, v25;
	v36 =	vadd.f32 v36, v37  }
0x465: {  	s18 =	simm.s32 $0xB  }
0x466: {  	v55 =	vadd.s32 s18, v17;
	v35 =	vadd.f32 v35, v36  }
0x467: {  	s16 =	simm.s32 $0xC  }
0x468: {  	v56 =	vadd.s32 s16, v17;
	[tilespmem:v53+s9+$0x0] =	vst.idx.msk $0xffff, v35  }
0x469: {  	v37 =	vld.idx.msk [tilespmem:v54+s9+$0x0], $0xffff;
	_ =	sdelay $0x1  }
0x46a: {  	v36 =	vld.idx.msk [tilespmem:v55+s9+$0x0], $0xffff;
	_ =	sdelay $0x1  }
0x46b: {  	v35 =	vld.idx.msk [tilespmem:v56+s9+$0x0], $0xffff  }
0x46c: {  	v37 =	vmul.f32 v37, v27;
	_ =	sdelay $0x1  }
0x46d: {  	s17 =	simm.s32 $0xA;
	v36 =	vmul.f32 v36, v28;
	v37 =	vadd.f32 v37, v30  }
0x46e: {  	s18 =	simm.s32 $0xD;
	v57 =	vadd.s32 s17, v17  }
0x46f: {  	v58 =	vadd.s32 s18, v17;
	v35 =	vmul.f32 v35, v29;
	v36 =	vadd.f32 v36, v37  }
0x470: {  	s16 =	simm.s32 $0xF  }
0x471: {  	v59 =	vadd.s32 s16, v17;
	v35 =	vadd.f32 v35, v36;
	_ =	sdelay $0x1  }
0x472: {  	s17 =	simm.s32 $0x10;
	[tilespmem:v57+s9+$0x0] =	vst.idx.msk $0xffff, v35  }
0x473: {  	v60 =	vadd.s32 s17, v17;
	v35 =	vld.idx.msk [tilespmem:v58+s9+$0x0], $0xffff;
	_ =	sdelay $0x1  }
0x474: {  	v61 =	vld.idx.msk [tilespmem:v59+s9+$0x0], $0xffff;
	_ =	sdelay $0x2  }
0x475: {  	v36 =	vld.idx.msk [tilespmem:v60+s9+$0x0], $0xffff;
	v35 =	vmul.f32 v35, v31;
	_ =	sdelay $0x1  }
0x476: {  	v37 =	vmul.f32 v61, v32;
	v35 =	vadd.f32 v35, v34  }
0x477: {  	s18 =	simm.s32 $0xE  }
0x478: {  	s17 =	simm.s32 $0x110;
	v62 =	vadd.f32 v37, v35;
	v35 =	vadd.s32 s18, v17  }
0x479: {  	v63 =	vmul.f32 v36, v33;
	v37 =	vadd.s32 s17, v17  }
0x47a: {  	s18 =	simm.s32 $0x111  }
0x47b: {  	v36 =	vadd.s32 s18, v17;
	v38 =	vadd.f32 v63, v62  }
0x47c: {  	s15 =	simm.s32 $0x120;
	s16 =	simm.s32 $0x230;
	s17 =	simm.s32 $0x113  }
.LBB2_16:
0x47d: {  	p0 =	sne.s32 s16, $0x8700;
	v39 =	vadd.s32 s17, v17;
	[tilespmem:v35+s9+$0x0] =	vst.idx.msk $0xffff, v38;
	s17 =	smov.u32 s16;
	s16 =	sadd.s32 $0x110, s16  }
0x47e: {  	s18 =	sadd.s32 $0xFFFFFFF4, s15;
	v35 =	vld.idx.msk [tilespmem:v37+s9+$0x0], $0xffff  }
0x47f: {  	v37 =	vadd.s32 s18, v17  }
0x480: {  	v36 =	vld.idx.msk [tilespmem:v36+s9+$0x0], $0xffff;
	_ =	sdelay $0x1  }
0x481: {  	v38 =	vld.idx.msk [tilespmem:v39+s9+$0x0], $0xffff;
	_ =	sdelay $0x1  }
0x482: {  	v35 =	vmul.f32 v35, v19;
	v37 =	vld.idx.msk [tilespmem:v37+s9+$0x0], $0xffff;
	_ =	sdelay $0x1  }
0x483: {  	v35 =	vadd.f32 v35, v22;
	v36 =	vmul.f32 v36, v18;
	_ =	sdelay $0x1  }
0x484: {  	s18 =	sadd.s32 $0xFFFFFFF2, s15;
	v35 =	vadd.f32 v36, v35;
	v36 =	vmul.f32 v38, v20  }
0x485: {  	v38 =	vadd.s32 s18, v17;
	s18 =	sadd.s32 $0xFFFFFFF5, s15  }
0x486: {  	v35 =	vadd.f32 v36, v35;
	v36 =	vmul.f32 v37, v21;
	v37 =	vadd.s32 s18, v17  }
0x487: {  	s18 =	sadd.s32 $0xFFFFFFF7, s15  }
0x488: {  	v35 =	vadd.f32 v36, v35;
	v36 =	vadd.s32 s18, v17  }
0x489: {  	s18 =	sadd.s32 $0xFFFFFFF8, s15  }
0x48a: {  	[tilespmem:v38+s9+$0x0] =	vst.idx.msk $0xffff, v35;
	v35 =	vadd.s32 s18, v17  }
0x48b: {  	v37 =	vld.idx.msk [tilespmem:v37+s9+$0x0], $0xffff;
	_ =	sdelay $0x1  }
0x48c: {  	v36 =	vld.idx.msk [tilespmem:v36+s9+$0x0], $0xffff;
	_ =	sdelay $0x1  }
0x48d: {  	v35 =	vld.idx.msk [tilespmem:v35+s9+$0x0], $0xffff;
	_ =	sdelay $0x1  }
0x48e: {  	v37 =	vmul.f32 v37, v23;
	_ =	sdelay $0x1  }
0x48f: {  	s18 =	sadd.s32 $0xFFFFFFF6, s15;
	v37 =	vadd.f32 v37, v26;
	v36 =	vmul.f32 v36, v24  }
0x490: {  	v38 =	vadd.s32 s18, v17;
	s18 =	sadd.s32 $0xFFFFFFF9, s15  }
0x491: {  	v36 =	vadd.f32 v36, v37;
	v35 =	vmul.f32 v35, v25;
	v37 =	vadd.s32 s18, v17  }
0x492: {  	s18 =	sadd.s32 $0xFFFFFFFB, s15  }
0x493: {  	v35 =	vadd.f32 v35, v36;
	v36 =	vadd.s32 s18, v17  }
0x494: {  	s18 =	sadd.s32 $0xFFFFFFFC, s15  }
0x495: {  	[tilespmem:v38+s9+$0x0] =	vst.idx.msk $0xffff, v35;
	v35 =	vadd.s32 s18, v17  }
0x496: {  	v37 =	vld.idx.msk [tilespmem:v37+s9+$0x0], $0xffff;
	_ =	sdelay $0x1  }
0x497: {  	v36 =	vld.idx.msk [tilespmem:v36+s9+$0x0], $0xffff;
	_ =	sdelay $0x1  }
0x498: {  	v35 =	vld.idx.msk [tilespmem:v35+s9+$0x0], $0xffff;
	_ =	sdelay $0x1  }
0x499: {  	v37 =	vmul.f32 v37, v27;
	_ =	sdelay $0x1  }
0x49a: {  	s18 =	sadd.s32 $0xFFFFFFFA, s15;
	v37 =	vadd.f32 v37, v30;
	v36 =	vmul.f32 v36, v28  }
0x49b: {  	v38 =	vadd.s32 s18, v17;
	s18 =	sadd.s32 $0xFFFFFFFD, s15  }
0x49c: {  	v36 =	vadd.f32 v36, v37;
	v35 =	vmul.f32 v35, v29;
	v37 =	vadd.s32 s18, v17;
	s18 =	sadd.s32 $0xFFFFFFFF, s15  }
0x49d: {  	v39 =	vadd.s32 s18, v17  }
0x49e: {  	v35 =	vadd.f32 v35, v36;
	v36 =	vadd.s32 s15, v17;
	_ =	sdelay $0x1  }
0x49f: {  	[tilespmem:v38+s9+$0x0] =	vst.idx.msk $0xffff, v35  }
0x4a0: {  	v35 =	vld.idx.msk [tilespmem:v37+s9+$0x0], $0xffff  }
0x4a1: {  	v37 =	vld.idx.msk [tilespmem:v39+s9+$0x0], $0xffff  }
0x4a2: {  	v36 =	vld.idx.msk [tilespmem:v36+s9+$0x0], $0xffff;
	_ =	sdelay $0x3  }
0x4a3: {  	v35 =	vmul.f32 v35, v31;
	_ =	sdelay $0x1  }
0x4a4: {  	s18 =	sadd.s32 $0xFFFFFFFE, s15;
	s15 =	smov.u32 s17;
	v39 =	vmul.f32 v37, v32;
	v38 =	vadd.f32 v35, v34  }
.Ltmp7:
0x4a5: {  	s17 =	sadd.s32 $0xFFFFFFF0, s15;
	v35 =	vadd.s32 s18, v17;
	(pc) =	sbr.rel @p0 .LBB2_16-.Ltmp7, $4  }
0x4a6: {  	v37 =	vadd.s32 s17, v17;
	v38 =	vadd.f32 v39, v38;
	v39 =	vmul.f32 v36, v33  }
0x4a7: {  	s17 =	sadd.s32 $0xFFFFFFF1, s15  }
0x4a8: {  	v36 =	vadd.s32 s17, v17;
	v38 =	vadd.f32 v39, v38  }
0x4a9: {  	s17 =	sadd.s32 $0xFFFFFFF3, s15  }
0x4aa: {  	_ =	sdelay $0x3  }
0x4ab: {  	v39 =	vadd.s32 s17, v17;
	[tilespmem:v35+s9+$0x0] =	vst.idx.msk $0xffff, v38  }
0x4ac: {  	s16 =	sadd.s32 $0xFFFFFFF4, s15;
	v35 =	vld.idx.msk [tilespmem:v37+s9+$0x0], $0xffff  }
0x4ad: {  	v50 =	vadd.s32 s16, v17  }
0x4ae: {  	v36 =	vld.idx.msk [tilespmem:v36+s9+$0x0], $0xffff;
	_ =	sdelay $0x1  }
0x4af: {  	v38 =	vld.idx.msk [tilespmem:v39+s9+$0x0], $0xffff  }
0x4b0: {  	v35 =	vmul.f32 v35, v19  }
0x4b1: {  	v37 =	vld.idx.msk [tilespmem:v50+s9+$0x0], $0xffff  }
0x4b2: {  	v36 =	vmul.f32 v36, v18;
	v35 =	vadd.f32 v35, v22;
	_ =	sdelay $0x1  }
0x4b3: {  	s18 =	sadd.s32 $0xFFFFFFF2, s15;
	v35 =	vadd.f32 v36, v35;
	v51 =	vmul.f32 v38, v20  }
0x4b4: {  	s17 =	sadd.s32 $0xFFFFFFF5, s15;
	v52 =	vadd.s32 s18, v17  }
0x4b5: {  	v54 =	vadd.s32 s17, v17;
	v53 =	vmul.f32 v37, v21;
	v35 =	vadd.f32 v51, v35  }
0x4b6: {  	s18 =	sadd.s32 $0xFFFFFFF7, s15  }
0x4b7: {  	v55 =	vadd.s32 s18, v17;
	v35 =	vadd.f32 v53, v35  }
0x4b8: {  	s17 =	sadd.s32 $0xFFFFFFF8, s15  }
0x4b9: {  	v56 =	vadd.s32 s17, v17;
	[tilespmem:v52+s9+$0x0] =	vst.idx.msk $0xffff, v35  }
0x4ba: {  	v37 =	vld.idx.msk [tilespmem:v54+s9+$0x0], $0xffff;
	_ =	sdelay $0x1  }
0x4bb: {  	v36 =	vld.idx.msk [tilespmem:v55+s9+$0x0], $0xffff;
	_ =	sdelay $0x1  }
0x4bc: {  	v35 =	vld.idx.msk [tilespmem:v56+s9+$0x0], $0xffff  }
0x4bd: {  	v37 =	vmul.f32 v37, v23;
	_ =	sdelay $0x1  }
0x4be: {  	s18 =	sadd.s32 $0xFFFFFFF6, s15;
	v36 =	vmul.f32 v36, v24;
	v37 =	vadd.f32 v37, v26  }
0x4bf: {  	s17 =	sadd.s32 $0xFFFFFFF9, s15;
	v57 =	vadd.s32 s18, v17  }
0x4c0: {  	v58 =	vadd.s32 s17, v17;
	v35 =	vmul.f32 v35, v25;
	v36 =	vadd.f32 v36, v37  }
0x4c1: {  	s18 =	sadd.s32 $0xFFFFFFFB, s15  }
0x4c2: {  	v59 =	vadd.s32 s18, v17;
	v35 =	vadd.f32 v35, v36  }
0x4c3: {  	s17 =	sadd.s32 $0xFFFFFFFC, s15  }
0x4c4: {  	v60 =	vadd.s32 s17, v17;
	[tilespmem:v57+s9+$0x0] =	vst.idx.msk $0xffff, v35  }
0x4c5: {  	v37 =	vld.idx.msk [tilespmem:v58+s9+$0x0], $0xffff;
	_ =	sdelay $0x1  }
0x4c6: {  	v36 =	vld.idx.msk [tilespmem:v59+s9+$0x0], $0xffff;
	_ =	sdelay $0x1  }
0x4c7: {  	v35 =	vld.idx.msk [tilespmem:v60+s9+$0x0], $0xffff  }
0x4c8: {  	v37 =	vmul.f32 v37, v27;
	_ =	sdelay $0x1  }
0x4c9: {  	s18 =	sadd.s32 $0xFFFFFFFA, s15;
	v36 =	vmul.f32 v36, v28;
	v37 =	vadd.f32 v37, v30  }
0x4ca: {  	s17 =	sadd.s32 $0xFFFFFFFD, s15;
	v61 =	vadd.s32 s18, v17  }
0x4cb: {  	v62 =	vadd.s32 s17, v17;
	v35 =	vmul.f32 v35, v29;
	v36 =	vadd.f32 v36, v37  }
0x4cc: {  	s18 =	sadd.s32 $0xFFFFFFFF, s15  }
0x4cd: {  	v63 =	vadd.s32 s18, v17;
	v35 =	vadd.f32 v35, v36;
	_ =	sdelay $0x1  }
0x4ce: {  	v40 =	vadd.s32 s15, v17;
	[tilespmem:v61+s9+$0x0] =	vst.idx.msk $0xffff, v35  }
0x4cf: {  	v35 =	vld.idx.msk [tilespmem:v62+s9+$0x0], $0xffff;
	_ =	sdelay $0x1  }
0x4d0: {  	v41 =	vld.idx.msk [tilespmem:v63+s9+$0x0], $0xffff;
	_ =	sdelay $0x1  }
0x4d1: {  	v36 =	vld.idx.msk [tilespmem:v40+s9+$0x0], $0xffff  }
0x4d2: {  	v35 =	vmul.f32 v35, v31;
	_ =	sdelay $0x1  }
0x4d3: {  	s16 =	sadd.s32 $0xFFFFFFFE, s15;
	v37 =	vmul.f32 v41, v32;
	v35 =	vadd.f32 v35, v34  }
0x4d4: {  	v42 =	vadd.s32 s16, v17  }
0x4d5: {  	v36 =	vmul.f32 v36, v33;
	v35 =	vadd.f32 v37, v35;
	_ =	sdelay $0x1  }
0x4d6: {  	v35 =	vadd.f32 v36, v35;
	_ =	sdelay $0x1  }
0x4d7: {  	s17 =	rddreg [dreg:$0x14];
	[tilespmem:v42+s9+$0x0] =	vst.idx.msk $0xffff, v35  }
0x4d8: {  	[hbm4b:s17+s1] =	stream.linear.scatter [tilespmem:s9], [sflag:$0x4], $0x8800, $0x38;
	[tilespmem:$0x11180] =	vst v63  }
0x4d9: {  	_ =	swait.ge [sflag:s13], $0x8800  }
0x4da: {  	s18 =	simm.s32 $0x0;
	[sflag:s13] =	ssyncset.done $0x0  }
0x4db: {  	v43 =	vadd.s32 s18, v17;
	s18 =	simm.s32 $0x1;
	s17 =	rddreg [dreg:$0x15];
	[sflag:s13] =	ssyncadd.s32 $0xFFFF7800  }
0x4dc: {  	[tilespmem:s9], [sflag:$0x2] =	stream.linear.gather [hbm4b:s17+s1], $0x8800, $0x38;
	[tilespmem:$0x11180] =	vst v63  }
0x4dd: {  	v44 =	vadd.s32 s18, v17;
	_ =	swait.ge [sflag:s10], $0x8800  }
0x4de: {  	s16 =	simm.s32 $0x3;
	[sflag:s10] =	ssyncset.done $0x0  }
0x4df: {  	v45 =	vadd.s32 s16, v17;
	[sflag:s10] =	ssyncadd.s32 $0xFFFF7800  }
0x4e0: {  	s17 =	simm.s32 $0x4;
	v35 =	vld.idx.msk [tilespmem:v43+s8+$0x0], $0xffff  }
0x4e1: {  	v46 =	vadd.s32 s17, v17  }
0x4e2: {  	v36 =	vld.idx.msk [tilespmem:v44+s8+$0x0], $0xffff;
	_ =	sdelay $0x1  }
0x4e3: {  	v37 =	vld.idx.msk [tilespmem:v45+s8+$0x0], $0xffff  }
0x4e4: {  	v35 =	vmul.f32 v35, v19  }
0x4e5: {  	v38 =	vld.idx.msk [tilespmem:v46+s8+$0x0], $0xffff  }
0x4e6: {  	v36 =	vmul.f32 v36, v18;
	v35 =	vadd.f32 v35, v22;
	_ =	sdelay $0x1  }
0x4e7: {  	s18 =	simm.s32 $0x2;
	v47 =	vmul.f32 v37, v20;
	v35 =	vadd.f32 v36, v35  }
0x4e8: {  	s16 =	simm.s32 $0x5;
	v48 =	vadd.s32 s18, v17  }
0x4e9: {  	v50 =	vadd.s32 s16, v17;
	v49 =	vmul.f32 v38, v21;
	v35 =	vadd.f32 v47, v35  }
0x4ea: {  	s17 =	simm.s32 $0x7  }
0x4eb: {  	v51 =	vadd.s32 s17, v17;
	v35 =	vadd.f32 v49, v35  }
0x4ec: {  	s18 =	simm.s32 $0x8  }
0x4ed: {  	v52 =	vadd.s32 s18, v17;
	[tilespmem:v48+s8+$0x0] =	vst.idx.msk $0xffff, v35  }
0x4ee: {  	v37 =	vld.idx.msk [tilespmem:v50+s8+$0x0], $0xffff;
	_ =	sdelay $0x1  }
0x4ef: {  	v36 =	vld.idx.msk [tilespmem:v51+s8+$0x0], $0xffff;
	_ =	sdelay $0x1  }
0x4f0: {  	v35 =	vld.idx.msk [tilespmem:v52+s8+$0x0], $0xffff  }
0x4f1: {  	v37 =	vmul.f32 v37, v23;
	_ =	sdelay $0x1  }
0x4f2: {  	s16 =	simm.s32 $0x6;
	v36 =	vmul.f32 v36, v24;
	v37 =	vadd.f32 v37, v26  }
0x4f3: {  	v53 =	vadd.s32 s16, v17;
	s17 =	simm.s32 $0x9  }
0x4f4: {  	v54 =	vadd.s32 s17, v17;
	v35 =	vmul.f32 v35, v25;
	v36 =	vadd.f32 v36, v37  }
0x4f5: {  	s18 =	simm.s32 $0xB  }
0x4f6: {  	v55 =	vadd.s32 s18, v17;
	v35 =	vadd.f32 v35, v36  }
0x4f7: {  	s16 =	simm.s32 $0xC  }
0x4f8: {  	v56 =	vadd.s32 s16, v17;
	[tilespmem:v53+s8+$0x0] =	vst.idx.msk $0xffff, v35  }
0x4f9: {  	v37 =	vld.idx.msk [tilespmem:v54+s8+$0x0], $0xffff;
	_ =	sdelay $0x1  }
0x4fa: {  	v36 =	vld.idx.msk [tilespmem:v55+s8+$0x0], $0xffff;
	_ =	sdelay $0x1  }
0x4fb: {  	v35 =	vld.idx.msk [tilespmem:v56+s8+$0x0], $0xffff  }
0x4fc: {  	v37 =	vmul.f32 v37, v27;
	_ =	sdelay $0x1  }
0x4fd: {  	s17 =	simm.s32 $0xA;
	v36 =	vmul.f32 v36, v28;
	v37 =	vadd.f32 v37, v30  }
0x4fe: {  	s18 =	simm.s32 $0xD;
	v57 =	vadd.s32 s17, v17  }
0x4ff: {  	v58 =	vadd.s32 s18, v17;
	v35 =	vmul.f32 v35, v29;
	v36 =	vadd.f32 v36, v37  }
0x500: {  	s16 =	simm.s32 $0xF  }
0x501: {  	v59 =	vadd.s32 s16, v17;
	v35 =	vadd.f32 v35, v36;
	_ =	sdelay $0x1  }
0x502: {  	s17 =	simm.s32 $0x10;
	[tilespmem:v57+s8+$0x0] =	vst.idx.msk $0xffff, v35  }
0x503: {  	v60 =	vadd.s32 s17, v17;
	v35 =	vld.idx.msk [tilespmem:v58+s8+$0x0], $0xffff;
	_ =	sdelay $0x1  }
0x504: {  	v61 =	vld.idx.msk [tilespmem:v59+s8+$0x0], $0xffff;
	_ =	sdelay $0x2  }
0x505: {  	v36 =	vld.idx.msk [tilespmem:v60+s8+$0x0], $0xffff;
	v35 =	vmul.f32 v35, v31;
	_ =	sdelay $0x1  }
0x506: {  	v37 =	vmul.f32 v61, v32;
	v35 =	vadd.f32 v35, v34  }
0x507: {  	s18 =	simm.s32 $0xE  }
0x508: {  	s17 =	simm.s32 $0x110;
	v62 =	vadd.f32 v37, v35;
	v35 =	vadd.s32 s18, v17  }
0x509: {  	v63 =	vmul.f32 v36, v33;
	v37 =	vadd.s32 s17, v17  }
0x50a: {  	s18 =	simm.s32 $0x111  }
0x50b: {  	v36 =	vadd.s32 s18, v17;
	v38 =	vadd.f32 v63, v62  }
0x50c: {  	s15 =	simm.s32 $0x120;
	s16 =	simm.s32 $0x230;
	s17 =	simm.s32 $0x113  }
.LBB2_18:
0x50d: {  	p0 =	sne.s32 s16, $0x8700;
	v39 =	vadd.s32 s17, v17;
	[tilespmem:v35+s8+$0x0] =	vst.idx.msk $0xffff, v38;
	s17 =	smov.u32 s16;
	s16 =	sadd.s32 $0x110, s16  }
0x50e: {  	s18 =	sadd.s32 $0xFFFFFFF4, s15;
	v35 =	vld.idx.msk [tilespmem:v37+s8+$0x0], $0xffff  }
0x50f: {  	v37 =	vadd.s32 s18, v17  }
0x510: {  	v36 =	vld.idx.msk [tilespmem:v36+s8+$0x0], $0xffff;
	_ =	sdelay $0x1  }
0x511: {  	v38 =	vld.idx.msk [tilespmem:v39+s8+$0x0], $0xffff;
	_ =	sdelay $0x1  }
0x512: {  	v35 =	vmul.f32 v35, v19;
	v37 =	vld.idx.msk [tilespmem:v37+s8+$0x0], $0xffff;
	_ =	sdelay $0x1  }
0x513: {  	v35 =	vadd.f32 v35, v22;
	v36 =	vmul.f32 v36, v18;
	_ =	sdelay $0x1  }
0x514: {  	s18 =	sadd.s32 $0xFFFFFFF2, s15;
	v35 =	vadd.f32 v36, v35;
	v36 =	vmul.f32 v38, v20  }
0x515: {  	v38 =	vadd.s32 s18, v17;
	s18 =	sadd.s32 $0xFFFFFFF5, s15  }
0x516: {  	v35 =	vadd.f32 v36, v35;
	v36 =	vmul.f32 v37, v21;
	v37 =	vadd.s32 s18, v17  }
0x517: {  	s18 =	sadd.s32 $0xFFFFFFF7, s15  }
0x518: {  	v35 =	vadd.f32 v36, v35;
	v36 =	vadd.s32 s18, v17  }
0x519: {  	s18 =	sadd.s32 $0xFFFFFFF8, s15  }
0x51a: {  	[tilespmem:v38+s8+$0x0] =	vst.idx.msk $0xffff, v35;
	v35 =	vadd.s32 s18, v17  }
0x51b: {  	v37 =	vld.idx.msk [tilespmem:v37+s8+$0x0], $0xffff;
	_ =	sdelay $0x1  }
0x51c: {  	v36 =	vld.idx.msk [tilespmem:v36+s8+$0x0], $0xffff;
	_ =	sdelay $0x1  }
0x51d: {  	v35 =	vld.idx.msk [tilespmem:v35+s8+$0x0], $0xffff;
	_ =	sdelay $0x1  }
0x51e: {  	v37 =	vmul.f32 v37, v23;
	_ =	sdelay $0x1  }
0x51f: {  	s18 =	sadd.s32 $0xFFFFFFF6, s15;
	v37 =	vadd.f32 v37, v26;
	v36 =	vmul.f32 v36, v24  }
0x520: {  	v38 =	vadd.s32 s18, v17;
	s18 =	sadd.s32 $0xFFFFFFF9, s15  }
0x521: {  	v36 =	vadd.f32 v36, v37;
	v35 =	vmul.f32 v35, v25;
	v37 =	vadd.s32 s18, v17  }
0x522: {  	s18 =	sadd.s32 $0xFFFFFFFB, s15  }
0x523: {  	v35 =	vadd.f32 v35, v36;
	v36 =	vadd.s32 s18, v17  }
0x524: {  	s18 =	sadd.s32 $0xFFFFFFFC, s15  }
0x525: {  	[tilespmem:v38+s8+$0x0] =	vst.idx.msk $0xffff, v35;
	v35 =	vadd.s32 s18, v17  }
0x526: {  	v37 =	vld.idx.msk [tilespmem:v37+s8+$0x0], $0xffff;
	_ =	sdelay $0x1  }
0x527: {  	v36 =	vld.idx.msk [tilespmem:v36+s8+$0x0], $0xffff;
	_ =	sdelay $0x1  }
0x528: {  	v35 =	vld.idx.msk [tilespmem:v35+s8+$0x0], $0xffff;
	_ =	sdelay $0x1  }
0x529: {  	v37 =	vmul.f32 v37, v27;
	_ =	sdelay $0x1  }
0x52a: {  	s18 =	sadd.s32 $0xFFFFFFFA, s15;
	v37 =	vadd.f32 v37, v30;
	v36 =	vmul.f32 v36, v28  }
0x52b: {  	v38 =	vadd.s32 s18, v17;
	s18 =	sadd.s32 $0xFFFFFFFD, s15  }
0x52c: {  	v36 =	vadd.f32 v36, v37;
	v35 =	vmul.f32 v35, v29;
	v37 =	vadd.s32 s18, v17;
	s18 =	sadd.s32 $0xFFFFFFFF, s15  }
0x52d: {  	v39 =	vadd.s32 s18, v17  }
0x52e: {  	v35 =	vadd.f32 v35, v36;
	v36 =	vadd.s32 s15, v17;
	_ =	sdelay $0x1  }
0x52f: {  	[tilespmem:v38+s8+$0x0] =	vst.idx.msk $0xffff, v35  }
0x530: {  	v35 =	vld.idx.msk [tilespmem:v37+s8+$0x0], $0xffff  }
0x531: {  	v37 =	vld.idx.msk [tilespmem:v39+s8+$0x0], $0xffff  }
0x532: {  	v36 =	vld.idx.msk [tilespmem:v36+s8+$0x0], $0xffff;
	_ =	sdelay $0x3  }
0x533: {  	v35 =	vmul.f32 v35, v31;
	_ =	sdelay $0x1  }
0x534: {  	s18 =	sadd.s32 $0xFFFFFFFE, s15;
	s15 =	smov.u32 s17;
	v39 =	vmul.f32 v37, v32;
	v38 =	vadd.f32 v35, v34  }
.Ltmp8:
0x535: {  	s17 =	sadd.s32 $0xFFFFFFF0, s15;
	v35 =	vadd.s32 s18, v17;
	(pc) =	sbr.rel @p0 .LBB2_18-.Ltmp8, $4  }
0x536: {  	v37 =	vadd.s32 s17, v17;
	v38 =	vadd.f32 v39, v38;
	v39 =	vmul.f32 v36, v33  }
0x537: {  	s17 =	sadd.s32 $0xFFFFFFF1, s15  }
0x538: {  	v36 =	vadd.s32 s17, v17;
	v38 =	vadd.f32 v39, v38  }
0x539: {  	s17 =	sadd.s32 $0xFFFFFFF3, s15  }
0x53a: {  	_ =	sdelay $0x3  }
0x53b: {  	v39 =	vadd.s32 s17, v17;
	[tilespmem:v35+s8+$0x0] =	vst.idx.msk $0xffff, v38  }
0x53c: {  	s16 =	sadd.s32 $0xFFFFFFF4, s15;
	v35 =	vld.idx.msk [tilespmem:v37+s8+$0x0], $0xffff  }
0x53d: {  	v50 =	vadd.s32 s16, v17  }
0x53e: {  	v36 =	vld.idx.msk [tilespmem:v36+s8+$0x0], $0xffff;
	_ =	sdelay $0x1  }
0x53f: {  	v38 =	vld.idx.msk [tilespmem:v39+s8+$0x0], $0xffff  }
0x540: {  	v35 =	vmul.f32 v35, v19  }
0x541: {  	v37 =	vld.idx.msk [tilespmem:v50+s8+$0x0], $0xffff  }
0x542: {  	v36 =	vmul.f32 v36, v18;
	v35 =	vadd.f32 v35, v22;
	_ =	sdelay $0x1  }
0x543: {  	s17 =	sadd.s32 $0xFFFFFFF2, s15;
	v35 =	vadd.f32 v36, v35;
	v51 =	vmul.f32 v38, v20  }
0x544: {  	s18 =	sadd.s32 $0xFFFFFFF5, s15;
	v52 =	vadd.s32 s17, v17  }
0x545: {  	v54 =	vadd.s32 s18, v17;
	v53 =	vmul.f32 v37, v21;
	v35 =	vadd.f32 v51, v35  }
0x546: {  	s17 =	sadd.s32 $0xFFFFFFF7, s15  }
0x547: {  	v55 =	vadd.s32 s17, v17;
	v35 =	vadd.f32 v53, v35  }
0x548: {  	s18 =	sadd.s32 $0xFFFFFFF8, s15  }
0x549: {  	v56 =	vadd.s32 s18, v17;
	[tilespmem:v52+s8+$0x0] =	vst.idx.msk $0xffff, v35  }
0x54a: {  	v37 =	vld.idx.msk [tilespmem:v54+s8+$0x0], $0xffff;
	_ =	sdelay $0x1  }
0x54b: {  	v36 =	vld.idx.msk [tilespmem:v55+s8+$0x0], $0xffff;
	_ =	sdelay $0x1  }
0x54c: {  	v35 =	vld.idx.msk [tilespmem:v56+s8+$0x0], $0xffff  }
0x54d: {  	v37 =	vmul.f32 v37, v23;
	_ =	sdelay $0x1  }
0x54e: {  	s17 =	sadd.s32 $0xFFFFFFF6, s15;
	v36 =	vmul.f32 v36, v24;
	v37 =	vadd.f32 v37, v26  }
0x54f: {  	s18 =	sadd.s32 $0xFFFFFFF9, s15;
	v57 =	vadd.s32 s17, v17  }
0x550: {  	v58 =	vadd.s32 s18, v17;
	v35 =	vmul.f32 v35, v25;
	v36 =	vadd.f32 v36, v37  }
0x551: {  	s17 =	sadd.s32 $0xFFFFFFFB, s15  }
0x552: {  	v59 =	vadd.s32 s17, v17;
	v35 =	vadd.f32 v35, v36  }
0x553: {  	s18 =	sadd.s32 $0xFFFFFFFC, s15  }
0x554: {  	v60 =	vadd.s32 s18, v17;
	[tilespmem:v57+s8+$0x0] =	vst.idx.msk $0xffff, v35  }
0x555: {  	v37 =	vld.idx.msk [tilespmem:v58+s8+$0x0], $0xffff;
	_ =	sdelay $0x1  }
0x556: {  	v36 =	vld.idx.msk [tilespmem:v59+s8+$0x0], $0xffff;
	_ =	sdelay $0x1  }
0x557: {  	v35 =	vld.idx.msk [tilespmem:v60+s8+$0x0], $0xffff  }
0x558: {  	v37 =	vmul.f32 v37, v27;
	_ =	sdelay $0x1  }
0x559: {  	s17 =	sadd.s32 $0xFFFFFFFA, s15;
	v36 =	vmul.f32 v36, v28;
	v37 =	vadd.f32 v37, v30  }
0x55a: {  	s18 =	sadd.s32 $0xFFFFFFFD, s15;
	v61 =	vadd.s32 s17, v17  }
0x55b: {  	v62 =	vadd.s32 s18, v17;
	v35 =	vmul.f32 v35, v29;
	v36 =	vadd.f32 v36, v37  }
0x55c: {  	s17 =	sadd.s32 $0xFFFFFFFF, s15  }
0x55d: {  	v63 =	vadd.s32 s17, v17;
	v35 =	vadd.f32 v35, v36;
	_ =	sdelay $0x1  }
0x55e: {  	v40 =	vadd.s32 s15, v17;
	[tilespmem:v61+s8+$0x0] =	vst.idx.msk $0xffff, v35  }
0x55f: {  	v35 =	vld.idx.msk [tilespmem:v62+s8+$0x0], $0xffff;
	_ =	sdelay $0x1  }
0x560: {  	v41 =	vld.idx.msk [tilespmem:v63+s8+$0x0], $0xffff;
	_ =	sdelay $0x1  }
0x561: {  	v36 =	vld.idx.msk [tilespmem:v40+s8+$0x0], $0xffff  }
0x562: {  	v35 =	vmul.f32 v35, v31;
	_ =	sdelay $0x1  }
0x563: {  	s18 =	sadd.s32 $0xFFFFFFFE, s15;
	v37 =	vmul.f32 v41, v32;
	v35 =	vadd.f32 v35, v34  }
0x564: {  	v42 =	vadd.s32 s18, v17  }
0x565: {  	v36 =	vmul.f32 v36, v33;
	v35 =	vadd.f32 v37, v35;
	_ =	sdelay $0x1  }
0x566: {  	v35 =	vadd.f32 v36, v35;
	_ =	sdelay $0x1  }
0x567: {  	s16 =	rddreg [dreg:$0x16];
	[tilespmem:v42+s8+$0x0] =	vst.idx.msk $0xffff, v35  }
0x568: {  	[hbm4b:s16+s1] =	stream.linear.scatter [tilespmem:s8], [sflag:$0x3], $0x8800, $0x38;
	[tilespmem:$0x11180] =	vst v63  }
0x569: {  	_ =	swait.ge [sflag:s11], $0x8800  }
0x56a: {  	s17 =	simm.s32 $0x0;
	[sflag:s11] =	ssyncset.done $0x0  }
0x56b: {  	s18 =	simm.s32 $0x1;
	v43 =	vadd.s32 s17, v17;
	[sflag:s11] =	ssyncadd.s32 $0xFFFF7800  }
0x56c: {  	[tilespmem:s8], [sflag:$0x1] =	stream.linear.gather [hbm4b:s19+s1], $0x8800, $0x38;
	[tilespmem:$0x11180] =	vst v63  }
0x56d: {  	v44 =	vadd.s32 s18, v17;
	_ =	swait.ge [sflag:s12], $0x8800  }
0x56e: {  	s16 =	simm.s32 $0x3;
	[sflag:s12] =	ssyncset.done $0x0  }
0x56f: {  	v45 =	vadd.s32 s16, v17;
	[sflag:s12] =	ssyncadd.s32 $0xFFFF7800  }
0x570: {  	s17 =	simm.s32 $0x4;
	v35 =	vld.idx.msk [tilespmem:v43+s9+$0x0], $0xffff  }
0x571: {  	v46 =	vadd.s32 s17, v17  }
0x572: {  	v36 =	vld.idx.msk [tilespmem:v44+s9+$0x0], $0xffff;
	_ =	sdelay $0x1  }
0x573: {  	v37 =	vld.idx.msk [tilespmem:v45+s9+$0x0], $0xffff  }
0x574: {  	v35 =	vmul.f32 v35, v19  }
0x575: {  	v38 =	vld.idx.msk [tilespmem:v46+s9+$0x0], $0xffff  }
0x576: {  	v36 =	vmul.f32 v36, v18;
	v35 =	vadd.f32 v35, v22;
	_ =	sdelay $0x1  }
0x577: {  	s18 =	simm.s32 $0x2;
	v47 =	vmul.f32 v37, v20;
	v35 =	vadd.f32 v36, v35  }
0x578: {  	v48 =	vadd.s32 s18, v17;
	s16 =	simm.s32 $0x5  }
0x579: {  	v50 =	vadd.s32 s16, v17;
	v49 =	vmul.f32 v38, v21;
	v35 =	vadd.f32 v47, v35  }
0x57a: {  	s17 =	simm.s32 $0x7  }
0x57b: {  	v51 =	vadd.s32 s17, v17;
	v35 =	vadd.f32 v49, v35  }
0x57c: {  	s18 =	simm.s32 $0x8  }
0x57d: {  	v52 =	vadd.s32 s18, v17;
	[tilespmem:v48+s9+$0x0] =	vst.idx.msk $0xffff, v35  }
0x57e: {  	v37 =	vld.idx.msk [tilespmem:v50+s9+$0x0], $0xffff;
	_ =	sdelay $0x1  }
0x57f: {  	v36 =	vld.idx.msk [tilespmem:v51+s9+$0x0], $0xffff;
	_ =	sdelay $0x1  }
0x580: {  	v35 =	vld.idx.msk [tilespmem:v52+s9+$0x0], $0xffff  }
0x581: {  	v37 =	vmul.f32 v37, v23;
	_ =	sdelay $0x1  }
0x582: {  	s16 =	simm.s32 $0x6;
	v36 =	vmul.f32 v36, v24;
	v37 =	vadd.f32 v37, v26  }
0x583: {  	s17 =	simm.s32 $0x9;
	v53 =	vadd.s32 s16, v17  }
0x584: {  	v54 =	vadd.s32 s17, v17;
	v35 =	vmul.f32 v35, v25;
	v36 =	vadd.f32 v36, v37  }
0x585: {  	s18 =	simm.s32 $0xB  }
0x586: {  	v55 =	vadd.s32 s18, v17;
	v35 =	vadd.f32 v35, v36  }
0x587: {  	s16 =	simm.s32 $0xC  }
0x588: {  	v56 =	vadd.s32 s16, v17;
	[tilespmem:v53+s9+$0x0] =	vst.idx.msk $0xffff, v35  }
0x589: {  	v37 =	vld.idx.msk [tilespmem:v54+s9+$0x0], $0xffff;
	_ =	sdelay $0x1  }
0x58a: {  	v36 =	vld.idx.msk [tilespmem:v55+s9+$0x0], $0xffff;
	_ =	sdelay $0x1  }
0x58b: {  	v35 =	vld.idx.msk [tilespmem:v56+s9+$0x0], $0xffff  }
0x58c: {  	v37 =	vmul.f32 v37, v27;
	_ =	sdelay $0x1  }
0x58d: {  	s17 =	simm.s32 $0xA;
	v36 =	vmul.f32 v36, v28;
	v37 =	vadd.f32 v37, v30  }
0x58e: {  	s18 =	simm.s32 $0xD;
	v57 =	vadd.s32 s17, v17  }
0x58f: {  	v58 =	vadd.s32 s18, v17;
	v35 =	vmul.f32 v35, v29;
	v36 =	vadd.f32 v36, v37  }
0x590: {  	s16 =	simm.s32 $0xF  }
0x591: {  	v59 =	vadd.s32 s16, v17;
	v35 =	vadd.f32 v35, v36;
	_ =	sdelay $0x1  }
0x592: {  	s17 =	simm.s32 $0x10;
	[tilespmem:v57+s9+$0x0] =	vst.idx.msk $0xffff, v35  }
0x593: {  	v60 =	vadd.s32 s17, v17;
	v35 =	vld.idx.msk [tilespmem:v58+s9+$0x0], $0xffff;
	_ =	sdelay $0x1  }
0x594: {  	v61 =	vld.idx.msk [tilespmem:v59+s9+$0x0], $0xffff;
	_ =	sdelay $0x2  }
0x595: {  	v36 =	vld.idx.msk [tilespmem:v60+s9+$0x0], $0xffff;
	v35 =	vmul.f32 v35, v31;
	_ =	sdelay $0x1  }
0x596: {  	v37 =	vmul.f32 v61, v32;
	v35 =	vadd.f32 v35, v34  }
0x597: {  	s18 =	simm.s32 $0xE  }
0x598: {  	s17 =	simm.s32 $0x110;
	v62 =	vadd.f32 v37, v35;
	v35 =	vadd.s32 s18, v17  }
0x599: {  	v63 =	vmul.f32 v36, v33;
	v37 =	vadd.s32 s17, v17  }
0x59a: {  	s18 =	simm.s32 $0x111  }
0x59b: {  	v36 =	vadd.s32 s18, v17;
	v38 =	vadd.f32 v63, v62  }
0x59c: {  	s15 =	simm.s32 $0x120;
	s16 =	simm.s32 $0x230;
	s17 =	simm.s32 $0x113  }
.LBB2_20:
0x59d: {  	p0 =	sne.s32 s16, $0x8700;
	v39 =	vadd.s32 s17, v17;
	[tilespmem:v35+s9+$0x0] =	vst.idx.msk $0xffff, v38;
	s17 =	smov.u32 s16;
	s16 =	sadd.s32 $0x110, s16  }
0x59e: {  	s18 =	sadd.s32 $0xFFFFFFF4, s15;
	v35 =	vld.idx.msk [tilespmem:v37+s9+$0x0], $0xffff  }
0x59f: {  	v37 =	vadd.s32 s18, v17  }
0x5a0: {  	v36 =	vld.idx.msk [tilespmem:v36+s9+$0x0], $0xffff;
	_ =	sdelay $0x1  }
0x5a1: {  	v38 =	vld.idx.msk [tilespmem:v39+s9+$0x0], $0xffff;
	_ =	sdelay $0x1  }
0x5a2: {  	v35 =	vmul.f32 v35, v19;
	v37 =	vld.idx.msk [tilespmem:v37+s9+$0x0], $0xffff;
	_ =	sdelay $0x1  }
0x5a3: {  	v35 =	vadd.f32 v35, v22;
	v36 =	vmul.f32 v36, v18;
	_ =	sdelay $0x1  }
0x5a4: {  	s18 =	sadd.s32 $0xFFFFFFF2, s15;
	v35 =	vadd.f32 v36, v35;
	v36 =	vmul.f32 v38, v20  }
0x5a5: {  	v38 =	vadd.s32 s18, v17;
	s18 =	sadd.s32 $0xFFFFFFF5, s15  }
0x5a6: {  	v35 =	vadd.f32 v36, v35;
	v36 =	vmul.f32 v37, v21;
	v37 =	vadd.s32 s18, v17  }
0x5a7: {  	s18 =	sadd.s32 $0xFFFFFFF7, s15  }
0x5a8: {  	v35 =	vadd.f32 v36, v35;
	v36 =	vadd.s32 s18, v17  }
0x5a9: {  	s18 =	sadd.s32 $0xFFFFFFF8, s15  }
0x5aa: {  	[tilespmem:v38+s9+$0x0] =	vst.idx.msk $0xffff, v35;
	v35 =	vadd.s32 s18, v17  }
0x5ab: {  	v37 =	vld.idx.msk [tilespmem:v37+s9+$0x0], $0xffff;
	_ =	sdelay $0x1  }
0x5ac: {  	v36 =	vld.idx.msk [tilespmem:v36+s9+$0x0], $0xffff;
	_ =	sdelay $0x1  }
0x5ad: {  	v35 =	vld.idx.msk [tilespmem:v35+s9+$0x0], $0xffff;
	_ =	sdelay $0x1  }
0x5ae: {  	v37 =	vmul.f32 v37, v23;
	_ =	sdelay $0x1  }
0x5af: {  	s18 =	sadd.s32 $0xFFFFFFF6, s15;
	v37 =	vadd.f32 v37, v26;
	v36 =	vmul.f32 v36, v24  }
0x5b0: {  	v38 =	vadd.s32 s18, v17;
	s18 =	sadd.s32 $0xFFFFFFF9, s15  }
0x5b1: {  	v36 =	vadd.f32 v36, v37;
	v35 =	vmul.f32 v35, v25;
	v37 =	vadd.s32 s18, v17  }
0x5b2: {  	s18 =	sadd.s32 $0xFFFFFFFB, s15  }
0x5b3: {  	v35 =	vadd.f32 v35, v36;
	v36 =	vadd.s32 s18, v17  }
0x5b4: {  	s18 =	sadd.s32 $0xFFFFFFFC, s15  }
0x5b5: {  	[tilespmem:v38+s9+$0x0] =	vst.idx.msk $0xffff, v35;
	v35 =	vadd.s32 s18, v17  }
0x5b6: {  	v37 =	vld.idx.msk [tilespmem:v37+s9+$0x0], $0xffff;
	_ =	sdelay $0x1  }
0x5b7: {  	v36 =	vld.idx.msk [tilespmem:v36+s9+$0x0], $0xffff;
	_ =	sdelay $0x1  }
0x5b8: {  	v35 =	vld.idx.msk [tilespmem:v35+s9+$0x0], $0xffff;
	_ =	sdelay $0x1  }
0x5b9: {  	v37 =	vmul.f32 v37, v27;
	_ =	sdelay $0x1  }
0x5ba: {  	s18 =	sadd.s32 $0xFFFFFFFA, s15;
	v37 =	vadd.f32 v37, v30;
	v36 =	vmul.f32 v36, v28  }
0x5bb: {  	v38 =	vadd.s32 s18, v17;
	s18 =	sadd.s32 $0xFFFFFFFD, s15  }
0x5bc: {  	v36 =	vadd.f32 v36, v37;
	v35 =	vmul.f32 v35, v29;
	v37 =	vadd.s32 s18, v17;
	s18 =	sadd.s32 $0xFFFFFFFF, s15  }
0x5bd: {  	v39 =	vadd.s32 s18, v17  }
0x5be: {  	v35 =	vadd.f32 v35, v36;
	v36 =	vadd.s32 s15, v17;
	_ =	sdelay $0x1  }
0x5bf: {  	[tilespmem:v38+s9+$0x0] =	vst.idx.msk $0xffff, v35  }
0x5c0: {  	v35 =	vld.idx.msk [tilespmem:v37+s9+$0x0], $0xffff  }
0x5c1: {  	v37 =	vld.idx.msk [tilespmem:v39+s9+$0x0], $0xffff  }
0x5c2: {  	v36 =	vld.idx.msk [tilespmem:v36+s9+$0x0], $0xffff;
	_ =	sdelay $0x3  }
0x5c3: {  	v35 =	vmul.f32 v35, v31;
	_ =	sdelay $0x1  }
0x5c4: {  	s18 =	sadd.s32 $0xFFFFFFFE, s15;
	s15 =	smov.u32 s17;
	v39 =	vmul.f32 v37, v32;
	v38 =	vadd.f32 v35, v34  }
.Ltmp9:
0x5c5: {  	s17 =	sadd.s32 $0xFFFFFFF0, s15;
	v35 =	vadd.s32 s18, v17;
	(pc) =	sbr.rel @p0 .LBB2_20-.Ltmp9, $4  }
0x5c6: {  	v37 =	vadd.s32 s17, v17;
	v38 =	vadd.f32 v39, v38;
	v39 =	vmul.f32 v36, v33  }
0x5c7: {  	s17 =	sadd.s32 $0xFFFFFFF1, s15  }
0x5c8: {  	v36 =	vadd.s32 s17, v17;
	v38 =	vadd.f32 v39, v38  }
0x5c9: {  	s17 =	sadd.s32 $0xFFFFFFF3, s15  }
0x5ca: {  	_ =	sdelay $0x3  }
0x5cb: {  	v39 =	vadd.s32 s17, v17;
	[tilespmem:v35+s9+$0x0] =	vst.idx.msk $0xffff, v38  }
0x5cc: {  	s16 =	sadd.s32 $0xFFFFFFF4, s15;
	v35 =	vld.idx.msk [tilespmem:v37+s9+$0x0], $0xffff  }
0x5cd: {  	v50 =	vadd.s32 s16, v17  }
0x5ce: {  	v36 =	vld.idx.msk [tilespmem:v36+s9+$0x0], $0xffff;
	_ =	sdelay $0x1  }
0x5cf: {  	v38 =	vld.idx.msk [tilespmem:v39+s9+$0x0], $0xffff  }
0x5d0: {  	v35 =	vmul.f32 v35, v19  }
0x5d1: {  	v37 =	vld.idx.msk [tilespmem:v50+s9+$0x0], $0xffff  }
0x5d2: {  	v36 =	vmul.f32 v36, v18;
	v35 =	vadd.f32 v35, v22;
	_ =	sdelay $0x1  }
0x5d3: {  	s18 =	sadd.s32 $0xFFFFFFF2, s15;
	v35 =	vadd.f32 v36, v35;
	v51 =	vmul.f32 v38, v20  }
0x5d4: {  	s17 =	sadd.s32 $0xFFFFFFF5, s15;
	v52 =	vadd.s32 s18, v17  }
0x5d5: {  	v54 =	vadd.s32 s17, v17;
	v53 =	vmul.f32 v37, v21;
	v35 =	vadd.f32 v51, v35  }
0x5d6: {  	s18 =	sadd.s32 $0xFFFFFFF7, s15  }
0x5d7: {  	v55 =	vadd.s32 s18, v17;
	v35 =	vadd.f32 v53, v35  }
0x5d8: {  	s17 =	sadd.s32 $0xFFFFFFF8, s15  }
0x5d9: {  	v56 =	vadd.s32 s17, v17;
	[tilespmem:v52+s9+$0x0] =	vst.idx.msk $0xffff, v35  }
0x5da: {  	v37 =	vld.idx.msk [tilespmem:v54+s9+$0x0], $0xffff;
	_ =	sdelay $0x1  }
0x5db: {  	v36 =	vld.idx.msk [tilespmem:v55+s9+$0x0], $0xffff;
	_ =	sdelay $0x1  }
0x5dc: {  	v35 =	vld.idx.msk [tilespmem:v56+s9+$0x0], $0xffff  }
0x5dd: {  	v37 =	vmul.f32 v37, v23;
	_ =	sdelay $0x1  }
0x5de: {  	s18 =	sadd.s32 $0xFFFFFFF6, s15;
	v36 =	vmul.f32 v36, v24;
	v37 =	vadd.f32 v37, v26  }
0x5df: {  	s17 =	sadd.s32 $0xFFFFFFF9, s15;
	v57 =	vadd.s32 s18, v17  }
0x5e0: {  	v58 =	vadd.s32 s17, v17;
	v35 =	vmul.f32 v35, v25;
	v36 =	vadd.f32 v36, v37  }
0x5e1: {  	s18 =	sadd.s32 $0xFFFFFFFB, s15  }
0x5e2: {  	v59 =	vadd.s32 s18, v17;
	v35 =	vadd.f32 v35, v36  }
0x5e3: {  	s17 =	sadd.s32 $0xFFFFFFFC, s15  }
0x5e4: {  	v60 =	vadd.s32 s17, v17;
	[tilespmem:v57+s9+$0x0] =	vst.idx.msk $0xffff, v35  }
0x5e5: {  	v37 =	vld.idx.msk [tilespmem:v58+s9+$0x0], $0xffff;
	_ =	sdelay $0x1  }
0x5e6: {  	v36 =	vld.idx.msk [tilespmem:v59+s9+$0x0], $0xffff;
	_ =	sdelay $0x1  }
0x5e7: {  	v35 =	vld.idx.msk [tilespmem:v60+s9+$0x0], $0xffff  }
0x5e8: {  	v37 =	vmul.f32 v37, v27;
	_ =	sdelay $0x1  }
0x5e9: {  	s18 =	sadd.s32 $0xFFFFFFFA, s15;
	v36 =	vmul.f32 v36, v28;
	v37 =	vadd.f32 v37, v30  }
0x5ea: {  	s17 =	sadd.s32 $0xFFFFFFFD, s15;
	v61 =	vadd.s32 s18, v17  }
0x5eb: {  	v62 =	vadd.s32 s17, v17;
	v35 =	vmul.f32 v35, v29;
	v36 =	vadd.f32 v36, v37  }
0x5ec: {  	s18 =	sadd.s32 $0xFFFFFFFF, s15  }
0x5ed: {  	v63 =	vadd.s32 s18, v17;
	v35 =	vadd.f32 v35, v36;
	_ =	sdelay $0x1  }
0x5ee: {  	v40 =	vadd.s32 s15, v17;
	[tilespmem:v61+s9+$0x0] =	vst.idx.msk $0xffff, v35  }
0x5ef: {  	v35 =	vld.idx.msk [tilespmem:v62+s9+$0x0], $0xffff;
	_ =	sdelay $0x1  }
0x5f0: {  	v41 =	vld.idx.msk [tilespmem:v63+s9+$0x0], $0xffff;
	_ =	sdelay $0x1  }
0x5f1: {  	v36 =	vld.idx.msk [tilespmem:v40+s9+$0x0], $0xffff  }
0x5f2: {  	v35 =	vmul.f32 v35, v31;
	_ =	sdelay $0x1  }
0x5f3: {  	s16 =	sadd.s32 $0xFFFFFFFE, s15;
	v37 =	vmul.f32 v41, v32;
	v35 =	vadd.f32 v35, v34  }
0x5f4: {  	v42 =	vadd.s32 s16, v17  }
0x5f5: {  	v36 =	vmul.f32 v36, v33;
	v35 =	vadd.f32 v37, v35;
	_ =	sdelay $0x1  }
0x5f6: {  	v35 =	vadd.f32 v36, v35;
	_ =	sdelay $0x1  }
0x5f7: {  	[tilespmem:v42+s9+$0x0] =	vst.idx.msk $0xffff, v35  }
0x5f8: {  	[hbm4b:s20+s1] =	stream.linear.scatter [tilespmem:s9], [sflag:$0x4], $0x8800, $0x38;
	[tilespmem:$0x11180] =	vst v63  }
0x5f9: {  	_ =	swait.ge [sflag:s13], $0x8800  }
0x5fa: {  	s17 =	simm.s32 $0x0;
	[sflag:s13] =	ssyncset.done $0x0  }
0x5fb: {  	v43 =	vadd.s32 s17, v17;
	s18 =	simm.s32 $0x1;
	[sflag:s13] =	ssyncadd.s32 $0xFFFF7800  }
0x5fc: {  	[tilespmem:s9], [sflag:$0x2] =	stream.linear.gather [hbm4b:s22+s1], $0x8800, $0x38;
	[tilespmem:$0x11180] =	vst v63  }
0x5fd: {  	v44 =	vadd.s32 s18, v17;
	_ =	swait.ge [sflag:s10], $0x8800  }
0x5fe: {  	s16 =	simm.s32 $0x3;
	[sflag:s10] =	ssyncset.done $0x0  }
0x5ff: {  	v45 =	vadd.s32 s16, v17;
	[sflag:s10] =	ssyncadd.s32 $0xFFFF7800  }
0x600: {  	s17 =	simm.s32 $0x4;
	v35 =	vld.idx.msk [tilespmem:v43+s8+$0x0], $0xffff  }
0x601: {  	v46 =	vadd.s32 s17, v17  }
0x602: {  	v36 =	vld.idx.msk [tilespmem:v44+s8+$0x0], $0xffff;
	_ =	sdelay $0x1  }
0x603: {  	v37 =	vld.idx.msk [tilespmem:v45+s8+$0x0], $0xffff  }
0x604: {  	v35 =	vmul.f32 v35, v19  }
0x605: {  	v38 =	vld.idx.msk [tilespmem:v46+s8+$0x0], $0xffff  }
0x606: {  	v36 =	vmul.f32 v36, v18;
	v35 =	vadd.f32 v35, v22;
	_ =	sdelay $0x1  }
0x607: {  	s18 =	simm.s32 $0x2;
	v47 =	vmul.f32 v37, v20;
	v35 =	vadd.f32 v36, v35  }
0x608: {  	s16 =	simm.s32 $0x5;
	v48 =	vadd.s32 s18, v17  }
0x609: {  	v50 =	vadd.s32 s16, v17;
	v49 =	vmul.f32 v38, v21;
	v35 =	vadd.f32 v47, v35  }
0x60a: {  	s17 =	simm.s32 $0x7  }
0x60b: {  	v51 =	vadd.s32 s17, v17;
	v35 =	vadd.f32 v49, v35  }
0x60c: {  	s18 =	simm.s32 $0x8  }
0x60d: {  	v52 =	vadd.s32 s18, v17;
	[tilespmem:v48+s8+$0x0] =	vst.idx.msk $0xffff, v35  }
0x60e: {  	v37 =	vld.idx.msk [tilespmem:v50+s8+$0x0], $0xffff;
	_ =	sdelay $0x1  }
0x60f: {  	v36 =	vld.idx.msk [tilespmem:v51+s8+$0x0], $0xffff;
	_ =	sdelay $0x1  }
0x610: {  	v35 =	vld.idx.msk [tilespmem:v52+s8+$0x0], $0xffff  }
0x611: {  	v37 =	vmul.f32 v37, v23;
	_ =	sdelay $0x1  }
0x612: {  	s16 =	simm.s32 $0x6;
	v36 =	vmul.f32 v36, v24;
	v37 =	vadd.f32 v37, v26  }
0x613: {  	s17 =	simm.s32 $0x9;
	v53 =	vadd.s32 s16, v17  }
0x614: {  	v54 =	vadd.s32 s17, v17;
	v35 =	vmul.f32 v35, v25;
	v36 =	vadd.f32 v36, v37  }
0x615: {  	s18 =	simm.s32 $0xB  }
0x616: {  	v55 =	vadd.s32 s18, v17;
	v35 =	vadd.f32 v35, v36  }
0x617: {  	s16 =	simm.s32 $0xC  }
0x618: {  	v56 =	vadd.s32 s16, v17;
	[tilespmem:v53+s8+$0x0] =	vst.idx.msk $0xffff, v35  }
0x619: {  	v37 =	vld.idx.msk [tilespmem:v54+s8+$0x0], $0xffff;
	_ =	sdelay $0x1  }
0x61a: {  	v36 =	vld.idx.msk [tilespmem:v55+s8+$0x0], $0xffff;
	_ =	sdelay $0x1  }
0x61b: {  	v35 =	vld.idx.msk [tilespmem:v56+s8+$0x0], $0xffff  }
0x61c: {  	v37 =	vmul.f32 v37, v27;
	_ =	sdelay $0x1  }
0x61d: {  	s17 =	simm.s32 $0xA;
	v36 =	vmul.f32 v36, v28;
	v37 =	vadd.f32 v37, v30  }
0x61e: {  	s18 =	simm.s32 $0xD;
	v57 =	vadd.s32 s17, v17  }
0x61f: {  	v58 =	vadd.s32 s18, v17;
	v35 =	vmul.f32 v35, v29;
	v36 =	vadd.f32 v36, v37  }
0x620: {  	s16 =	simm.s32 $0xF  }
0x621: {  	v59 =	vadd.s32 s16, v17;
	v35 =	vadd.f32 v35, v36;
	_ =	sdelay $0x1  }
0x622: {  	s17 =	simm.s32 $0x10;
	[tilespmem:v57+s8+$0x0] =	vst.idx.msk $0xffff, v35  }
0x623: {  	v60 =	vadd.s32 s17, v17;
	v35 =	vld.idx.msk [tilespmem:v58+s8+$0x0], $0xffff;
	_ =	sdelay $0x1  }
0x624: {  	v61 =	vld.idx.msk [tilespmem:v59+s8+$0x0], $0xffff;
	_ =	sdelay $0x2  }
0x625: {  	v36 =	vld.idx.msk [tilespmem:v60+s8+$0x0], $0xffff;
	v35 =	vmul.f32 v35, v31;
	_ =	sdelay $0x1  }
0x626: {  	v37 =	vmul.f32 v61, v32;
	v35 =	vadd.f32 v35, v34  }
0x627: {  	s18 =	simm.s32 $0xE  }
0x628: {  	s17 =	simm.s32 $0x110;
	v62 =	vadd.f32 v37, v35;
	v35 =	vadd.s32 s18, v17  }
0x629: {  	v63 =	vmul.f32 v36, v33;
	v37 =	vadd.s32 s17, v17  }
0x62a: {  	s18 =	simm.s32 $0x111  }
0x62b: {  	v36 =	vadd.s32 s18, v17;
	v38 =	vadd.f32 v63, v62  }
0x62c: {  	s15 =	simm.s32 $0x120;
	s16 =	simm.s32 $0x230;
	s17 =	simm.s32 $0x113  }
.LBB2_22:
0x62d: {  	p0 =	sne.s32 s16, $0x8700;
	v39 =	vadd.s32 s17, v17;
	[tilespmem:v35+s8+$0x0] =	vst.idx.msk $0xffff, v38;
	s17 =	smov.u32 s16;
	s16 =	sadd.s32 $0x110, s16  }
0x62e: {  	s18 =	sadd.s32 $0xFFFFFFF4, s15;
	v35 =	vld.idx.msk [tilespmem:v37+s8+$0x0], $0xffff  }
0x62f: {  	v37 =	vadd.s32 s18, v17  }
0x630: {  	v36 =	vld.idx.msk [tilespmem:v36+s8+$0x0], $0xffff;
	_ =	sdelay $0x1  }
0x631: {  	v38 =	vld.idx.msk [tilespmem:v39+s8+$0x0], $0xffff;
	_ =	sdelay $0x1  }
0x632: {  	v35 =	vmul.f32 v35, v19;
	v37 =	vld.idx.msk [tilespmem:v37+s8+$0x0], $0xffff;
	_ =	sdelay $0x1  }
0x633: {  	v35 =	vadd.f32 v35, v22;
	v36 =	vmul.f32 v36, v18;
	_ =	sdelay $0x1  }
0x634: {  	s18 =	sadd.s32 $0xFFFFFFF2, s15;
	v35 =	vadd.f32 v36, v35;
	v36 =	vmul.f32 v38, v20  }
0x635: {  	v38 =	vadd.s32 s18, v17;
	s18 =	sadd.s32 $0xFFFFFFF5, s15  }
0x636: {  	v35 =	vadd.f32 v36, v35;
	v36 =	vmul.f32 v37, v21;
	v37 =	vadd.s32 s18, v17  }
0x637: {  	s18 =	sadd.s32 $0xFFFFFFF7, s15  }
0x638: {  	v35 =	vadd.f32 v36, v35;
	v36 =	vadd.s32 s18, v17  }
0x639: {  	s18 =	sadd.s32 $0xFFFFFFF8, s15  }
0x63a: {  	[tilespmem:v38+s8+$0x0] =	vst.idx.msk $0xffff, v35;
	v35 =	vadd.s32 s18, v17  }
0x63b: {  	v37 =	vld.idx.msk [tilespmem:v37+s8+$0x0], $0xffff;
	_ =	sdelay $0x1  }
0x63c: {  	v36 =	vld.idx.msk [tilespmem:v36+s8+$0x0], $0xffff;
	_ =	sdelay $0x1  }
0x63d: {  	v35 =	vld.idx.msk [tilespmem:v35+s8+$0x0], $0xffff;
	_ =	sdelay $0x1  }
0x63e: {  	v37 =	vmul.f32 v37, v23;
	_ =	sdelay $0x1  }
0x63f: {  	s18 =	sadd.s32 $0xFFFFFFF6, s15;
	v37 =	vadd.f32 v37, v26;
	v36 =	vmul.f32 v36, v24  }
0x640: {  	v38 =	vadd.s32 s18, v17;
	s18 =	sadd.s32 $0xFFFFFFF9, s15  }
0x641: {  	v36 =	vadd.f32 v36, v37;
	v35 =	vmul.f32 v35, v25;
	v37 =	vadd.s32 s18, v17  }
0x642: {  	s18 =	sadd.s32 $0xFFFFFFFB, s15  }
0x643: {  	v35 =	vadd.f32 v35, v36;
	v36 =	vadd.s32 s18, v17  }
0x644: {  	s18 =	sadd.s32 $0xFFFFFFFC, s15  }
0x645: {  	[tilespmem:v38+s8+$0x0] =	vst.idx.msk $0xffff, v35;
	v35 =	vadd.s32 s18, v17  }
0x646: {  	v37 =	vld.idx.msk [tilespmem:v37+s8+$0x0], $0xffff;
	_ =	sdelay $0x1  }
0x647: {  	v36 =	vld.idx.msk [tilespmem:v36+s8+$0x0], $0xffff;
	_ =	sdelay $0x1  }
0x648: {  	v35 =	vld.idx.msk [tilespmem:v35+s8+$0x0], $0xffff;
	_ =	sdelay $0x1  }
0x649: {  	v37 =	vmul.f32 v37, v27;
	_ =	sdelay $0x1  }
0x64a: {  	s18 =	sadd.s32 $0xFFFFFFFA, s15;
	v37 =	vadd.f32 v37, v30;
	v36 =	vmul.f32 v36, v28  }
0x64b: {  	v38 =	vadd.s32 s18, v17;
	s18 =	sadd.s32 $0xFFFFFFFD, s15  }
0x64c: {  	v36 =	vadd.f32 v36, v37;
	v35 =	vmul.f32 v35, v29;
	v37 =	vadd.s32 s18, v17;
	s18 =	sadd.s32 $0xFFFFFFFF, s15  }
0x64d: {  	v39 =	vadd.s32 s18, v17  }
0x64e: {  	v35 =	vadd.f32 v35, v36;
	v36 =	vadd.s32 s15, v17;
	_ =	sdelay $0x1  }
0x64f: {  	[tilespmem:v38+s8+$0x0] =	vst.idx.msk $0xffff, v35  }
0x650: {  	v35 =	vld.idx.msk [tilespmem:v37+s8+$0x0], $0xffff  }
0x651: {  	v37 =	vld.idx.msk [tilespmem:v39+s8+$0x0], $0xffff  }
0x652: {  	v36 =	vld.idx.msk [tilespmem:v36+s8+$0x0], $0xffff;
	_ =	sdelay $0x3  }
0x653: {  	v35 =	vmul.f32 v35, v31;
	_ =	sdelay $0x1  }
0x654: {  	s18 =	sadd.s32 $0xFFFFFFFE, s15;
	s15 =	smov.u32 s17;
	v39 =	vmul.f32 v37, v32;
	v38 =	vadd.f32 v35, v34  }
.Ltmp10:
0x655: {  	s17 =	sadd.s32 $0xFFFFFFF0, s15;
	v35 =	vadd.s32 s18, v17;
	(pc) =	sbr.rel @p0 .LBB2_22-.Ltmp10, $4  }
0x656: {  	v37 =	vadd.s32 s17, v17;
	v38 =	vadd.f32 v39, v38;
	v39 =	vmul.f32 v36, v33  }
0x657: {  	s17 =	sadd.s32 $0xFFFFFFF1, s15  }
0x658: {  	v36 =	vadd.s32 s17, v17;
	v38 =	vadd.f32 v39, v38  }
0x659: {  	s17 =	sadd.s32 $0xFFFFFFF3, s15  }
0x65a: {  	_ =	sdelay $0x3  }
0x65b: {  	v39 =	vadd.s32 s17, v17;
	[tilespmem:v35+s8+$0x0] =	vst.idx.msk $0xffff, v38  }
0x65c: {  	s16 =	sadd.s32 $0xFFFFFFF4, s15;
	v35 =	vld.idx.msk [tilespmem:v37+s8+$0x0], $0xffff  }
0x65d: {  	v50 =	vadd.s32 s16, v17  }
0x65e: {  	v36 =	vld.idx.msk [tilespmem:v36+s8+$0x0], $0xffff;
	_ =	sdelay $0x1  }
0x65f: {  	v38 =	vld.idx.msk [tilespmem:v39+s8+$0x0], $0xffff  }
0x660: {  	v35 =	vmul.f32 v35, v19  }
0x661: {  	v37 =	vld.idx.msk [tilespmem:v50+s8+$0x0], $0xffff  }
0x662: {  	v36 =	vmul.f32 v36, v18;
	v35 =	vadd.f32 v35, v22;
	_ =	sdelay $0x1  }
0x663: {  	s18 =	sadd.s32 $0xFFFFFFF2, s15;
	v35 =	vadd.f32 v36, v35;
	v51 =	vmul.f32 v38, v20  }
0x664: {  	s17 =	sadd.s32 $0xFFFFFFF5, s15;
	v52 =	vadd.s32 s18, v17  }
0x665: {  	v54 =	vadd.s32 s17, v17;
	v53 =	vmul.f32 v37, v21;
	v35 =	vadd.f32 v51, v35  }
0x666: {  	s18 =	sadd.s32 $0xFFFFFFF7, s15  }
0x667: {  	v55 =	vadd.s32 s18, v17;
	v35 =	vadd.f32 v53, v35  }
0x668: {  	s17 =	sadd.s32 $0xFFFFFFF8, s15  }
0x669: {  	v56 =	vadd.s32 s17, v17;
	[tilespmem:v52+s8+$0x0] =	vst.idx.msk $0xffff, v35  }
0x66a: {  	v37 =	vld.idx.msk [tilespmem:v54+s8+$0x0], $0xffff;
	_ =	sdelay $0x1  }
0x66b: {  	v36 =	vld.idx.msk [tilespmem:v55+s8+$0x0], $0xffff;
	_ =	sdelay $0x1  }
0x66c: {  	v35 =	vld.idx.msk [tilespmem:v56+s8+$0x0], $0xffff  }
0x66d: {  	v37 =	vmul.f32 v37, v23;
	_ =	sdelay $0x1  }
0x66e: {  	s18 =	sadd.s32 $0xFFFFFFF6, s15;
	v36 =	vmul.f32 v36, v24;
	v37 =	vadd.f32 v37, v26  }
0x66f: {  	s17 =	sadd.s32 $0xFFFFFFF9, s15;
	v57 =	vadd.s32 s18, v17  }
0x670: {  	v58 =	vadd.s32 s17, v17;
	v35 =	vmul.f32 v35, v25;
	v36 =	vadd.f32 v36, v37  }
0x671: {  	s18 =	sadd.s32 $0xFFFFFFFB, s15  }
0x672: {  	v59 =	vadd.s32 s18, v17;
	v35 =	vadd.f32 v35, v36  }
0x673: {  	s17 =	sadd.s32 $0xFFFFFFFC, s15  }
0x674: {  	v60 =	vadd.s32 s17, v17;
	[tilespmem:v57+s8+$0x0] =	vst.idx.msk $0xffff, v35  }
0x675: {  	v37 =	vld.idx.msk [tilespmem:v58+s8+$0x0], $0xffff;
	_ =	sdelay $0x1  }
0x676: {  	v36 =	vld.idx.msk [tilespmem:v59+s8+$0x0], $0xffff;
	_ =	sdelay $0x1  }
0x677: {  	v35 =	vld.idx.msk [tilespmem:v60+s8+$0x0], $0xffff  }
0x678: {  	v37 =	vmul.f32 v37, v27;
	_ =	sdelay $0x1  }
0x679: {  	s18 =	sadd.s32 $0xFFFFFFFA, s15;
	v36 =	vmul.f32 v36, v28;
	v37 =	vadd.f32 v37, v30  }
0x67a: {  	s17 =	sadd.s32 $0xFFFFFFFD, s15;
	v61 =	vadd.s32 s18, v17  }
0x67b: {  	v62 =	vadd.s32 s17, v17;
	v35 =	vmul.f32 v35, v29;
	v36 =	vadd.f32 v36, v37  }
0x67c: {  	s18 =	sadd.s32 $0xFFFFFFFF, s15  }
0x67d: {  	v63 =	vadd.s32 s18, v17;
	v35 =	vadd.f32 v35, v36;
	_ =	sdelay $0x1  }
0x67e: {  	v40 =	vadd.s32 s15, v17;
	[tilespmem:v61+s8+$0x0] =	vst.idx.msk $0xffff, v35  }
0x67f: {  	v35 =	vld.idx.msk [tilespmem:v62+s8+$0x0], $0xffff;
	_ =	sdelay $0x1  }
0x680: {  	v41 =	vld.idx.msk [tilespmem:v63+s8+$0x0], $0xffff;
	_ =	sdelay $0x1  }
0x681: {  	v36 =	vld.idx.msk [tilespmem:v40+s8+$0x0], $0xffff  }
0x682: {  	v35 =	vmul.f32 v35, v31;
	_ =	sdelay $0x1  }
0x683: {  	s16 =	sadd.s32 $0xFFFFFFFE, s15;
	v37 =	vmul.f32 v41, v32;
	v35 =	vadd.f32 v35, v34  }
0x684: {  	v42 =	vadd.s32 s16, v17  }
0x685: {  	v36 =	vmul.f32 v36, v33;
	v35 =	vadd.f32 v37, v35;
	_ =	sdelay $0x1  }
0x686: {  	v35 =	vadd.f32 v36, v35;
	_ =	sdelay $0x1  }
0x687: {  	[tilespmem:v42+s8+$0x0] =	vst.idx.msk $0xffff, v35  }
0x688: {  	[hbm4b:s21+s1] =	stream.linear.scatter [tilespmem:s8], [sflag:$0x3], $0x8800, $0x38;
	[tilespmem:$0x11180] =	vst v63  }
0x689: {  	_ =	swait.ge [sflag:s11], $0x8800  }
0x68a: {  	s17 =	simm.s32 $0x0;
	[sflag:s11] =	ssyncset.done $0x0  }
0x68b: {  	v43 =	vadd.s32 s17, v17;
	s18 =	simm.s32 $0x1;
	[sflag:s11] =	ssyncadd.s32 $0xFFFF7800  }
0x68c: {  	[tilespmem:s8], [sflag:$0x1] =	stream.linear.gather [hbm4b:s24+s1], $0x8800, $0x38;
	[tilespmem:$0x11180] =	vst v63  }
0x68d: {  	v44 =	vadd.s32 s18, v17;
	_ =	swait.ge [sflag:s12], $0x8800  }
0x68e: {  	s16 =	simm.s32 $0x3;
	[sflag:s12] =	ssyncset.done $0x0  }
0x68f: {  	v45 =	vadd.s32 s16, v17;
	[sflag:s12] =	ssyncadd.s32 $0xFFFF7800  }
0x690: {  	s17 =	simm.s32 $0x4;
	v35 =	vld.idx.msk [tilespmem:v43+s9+$0x0], $0xffff  }
0x691: {  	v46 =	vadd.s32 s17, v17  }
0x692: {  	v36 =	vld.idx.msk [tilespmem:v44+s9+$0x0], $0xffff;
	_ =	sdelay $0x1  }
0x693: {  	v37 =	vld.idx.msk [tilespmem:v45+s9+$0x0], $0xffff  }
0x694: {  	v35 =	vmul.f32 v35, v19  }
0x695: {  	v38 =	vld.idx.msk [tilespmem:v46+s9+$0x0], $0xffff  }
0x696: {  	v36 =	vmul.f32 v36, v18;
	v35 =	vadd.f32 v35, v22;
	_ =	sdelay $0x1  }
0x697: {  	s18 =	simm.s32 $0x2;
	v47 =	vmul.f32 v37, v20;
	v35 =	vadd.f32 v36, v35  }
0x698: {  	s16 =	simm.s32 $0x5;
	v48 =	vadd.s32 s18, v17  }
0x699: {  	v50 =	vadd.s32 s16, v17;
	v49 =	vmul.f32 v38, v21;
	v35 =	vadd.f32 v47, v35  }
0x69a: {  	s17 =	simm.s32 $0x7  }
0x69b: {  	v51 =	vadd.s32 s17, v17;
	v35 =	vadd.f32 v49, v35  }
0x69c: {  	s18 =	simm.s32 $0x8  }
0x69d: {  	v52 =	vadd.s32 s18, v17;
	[tilespmem:v48+s9+$0x0] =	vst.idx.msk $0xffff, v35  }
0x69e: {  	v37 =	vld.idx.msk [tilespmem:v50+s9+$0x0], $0xffff;
	_ =	sdelay $0x1  }
0x69f: {  	v36 =	vld.idx.msk [tilespmem:v51+s9+$0x0], $0xffff;
	_ =	sdelay $0x1  }
0x6a0: {  	v35 =	vld.idx.msk [tilespmem:v52+s9+$0x0], $0xffff  }
0x6a1: {  	v37 =	vmul.f32 v37, v23;
	_ =	sdelay $0x1  }
0x6a2: {  	s16 =	simm.s32 $0x6;
	v36 =	vmul.f32 v36, v24;
	v37 =	vadd.f32 v37, v26  }
0x6a3: {  	s17 =	simm.s32 $0x9;
	v53 =	vadd.s32 s16, v17  }
0x6a4: {  	v54 =	vadd.s32 s17, v17;
	v35 =	vmul.f32 v35, v25;
	v36 =	vadd.f32 v36, v37  }
0x6a5: {  	s18 =	simm.s32 $0xB  }
0x6a6: {  	v55 =	vadd.s32 s18, v17;
	v35 =	vadd.f32 v35, v36  }
0x6a7: {  	s16 =	simm.s32 $0xC  }
0x6a8: {  	v56 =	vadd.s32 s16, v17;
	[tilespmem:v53+s9+$0x0] =	vst.idx.msk $0xffff, v35  }
0x6a9: {  	v37 =	vld.idx.msk [tilespmem:v54+s9+$0x0], $0xffff;
	_ =	sdelay $0x1  }
0x6aa: {  	v36 =	vld.idx.msk [tilespmem:v55+s9+$0x0], $0xffff;
	_ =	sdelay $0x1  }
0x6ab: {  	v35 =	vld.idx.msk [tilespmem:v56+s9+$0x0], $0xffff  }
0x6ac: {  	v37 =	vmul.f32 v37, v27;
	_ =	sdelay $0x1  }
0x6ad: {  	s17 =	simm.s32 $0xA;
	v36 =	vmul.f32 v36, v28;
	v37 =	vadd.f32 v37, v30  }
0x6ae: {  	s18 =	simm.s32 $0xD;
	v57 =	vadd.s32 s17, v17  }
0x6af: {  	v58 =	vadd.s32 s18, v17;
	v35 =	vmul.f32 v35, v29;
	v36 =	vadd.f32 v36, v37  }
0x6b0: {  	s16 =	simm.s32 $0xF  }
0x6b1: {  	v59 =	vadd.s32 s16, v17;
	v35 =	vadd.f32 v35, v36;
	_ =	sdelay $0x1  }
0x6b2: {  	s17 =	simm.s32 $0x10;
	[tilespmem:v57+s9+$0x0] =	vst.idx.msk $0xffff, v35  }
0x6b3: {  	v60 =	vadd.s32 s17, v17;
	v35 =	vld.idx.msk [tilespmem:v58+s9+$0x0], $0xffff;
	_ =	sdelay $0x1  }
0x6b4: {  	v61 =	vld.idx.msk [tilespmem:v59+s9+$0x0], $0xffff;
	_ =	sdelay $0x2  }
0x6b5: {  	v36 =	vld.idx.msk [tilespmem:v60+s9+$0x0], $0xffff;
	v35 =	vmul.f32 v35, v31;
	_ =	sdelay $0x1  }
0x6b6: {  	v37 =	vmul.f32 v61, v32;
	v35 =	vadd.f32 v35, v34  }
0x6b7: {  	s18 =	simm.s32 $0xE  }
0x6b8: {  	s17 =	simm.s32 $0x110;
	v62 =	vadd.f32 v37, v35;
	v35 =	vadd.s32 s18, v17  }
0x6b9: {  	v63 =	vmul.f32 v36, v33;
	v37 =	vadd.s32 s17, v17  }
0x6ba: {  	s18 =	simm.s32 $0x111  }
0x6bb: {  	v36 =	vadd.s32 s18, v17;
	v38 =	vadd.f32 v63, v62  }
0x6bc: {  	s15 =	simm.s32 $0x120;
	s16 =	simm.s32 $0x230;
	s17 =	simm.s32 $0x113  }
.LBB2_24:
0x6bd: {  	p0 =	sne.s32 s16, $0x8700;
	v39 =	vadd.s32 s17, v17;
	[tilespmem:v35+s9+$0x0] =	vst.idx.msk $0xffff, v38;
	s17 =	smov.u32 s16;
	s16 =	sadd.s32 $0x110, s16  }
0x6be: {  	s18 =	sadd.s32 $0xFFFFFFF4, s15;
	v35 =	vld.idx.msk [tilespmem:v37+s9+$0x0], $0xffff  }
0x6bf: {  	v37 =	vadd.s32 s18, v17  }
0x6c0: {  	v36 =	vld.idx.msk [tilespmem:v36+s9+$0x0], $0xffff;
	_ =	sdelay $0x1  }
0x6c1: {  	v38 =	vld.idx.msk [tilespmem:v39+s9+$0x0], $0xffff;
	_ =	sdelay $0x1  }
0x6c2: {  	v35 =	vmul.f32 v35, v19;
	v37 =	vld.idx.msk [tilespmem:v37+s9+$0x0], $0xffff;
	_ =	sdelay $0x1  }
0x6c3: {  	v35 =	vadd.f32 v35, v22;
	v36 =	vmul.f32 v36, v18;
	_ =	sdelay $0x1  }
0x6c4: {  	s18 =	sadd.s32 $0xFFFFFFF2, s15;
	v35 =	vadd.f32 v36, v35;
	v36 =	vmul.f32 v38, v20  }
0x6c5: {  	v38 =	vadd.s32 s18, v17;
	s18 =	sadd.s32 $0xFFFFFFF5, s15  }
0x6c6: {  	v35 =	vadd.f32 v36, v35;
	v36 =	vmul.f32 v37, v21;
	v37 =	vadd.s32 s18, v17  }
0x6c7: {  	s18 =	sadd.s32 $0xFFFFFFF7, s15  }
0x6c8: {  	v35 =	vadd.f32 v36, v35;
	v36 =	vadd.s32 s18, v17  }
0x6c9: {  	s18 =	sadd.s32 $0xFFFFFFF8, s15  }
0x6ca: {  	[tilespmem:v38+s9+$0x0] =	vst.idx.msk $0xffff, v35;
	v35 =	vadd.s32 s18, v17  }
0x6cb: {  	v37 =	vld.idx.msk [tilespmem:v37+s9+$0x0], $0xffff;
	_ =	sdelay $0x1  }
0x6cc: {  	v36 =	vld.idx.msk [tilespmem:v36+s9+$0x0], $0xffff;
	_ =	sdelay $0x1  }
0x6cd: {  	v35 =	vld.idx.msk [tilespmem:v35+s9+$0x0], $0xffff;
	_ =	sdelay $0x1  }
0x6ce: {  	v37 =	vmul.f32 v37, v23;
	_ =	sdelay $0x1  }
0x6cf: {  	s18 =	sadd.s32 $0xFFFFFFF6, s15;
	v37 =	vadd.f32 v37, v26;
	v36 =	vmul.f32 v36, v24  }
0x6d0: {  	v38 =	vadd.s32 s18, v17;
	s18 =	sadd.s32 $0xFFFFFFF9, s15  }
0x6d1: {  	v36 =	vadd.f32 v36, v37;
	v35 =	vmul.f32 v35, v25;
	v37 =	vadd.s32 s18, v17  }
0x6d2: {  	s18 =	sadd.s32 $0xFFFFFFFB, s15  }
0x6d3: {  	v35 =	vadd.f32 v35, v36;
	v36 =	vadd.s32 s18, v17  }
0x6d4: {  	s18 =	sadd.s32 $0xFFFFFFFC, s15  }
0x6d5: {  	[tilespmem:v38+s9+$0x0] =	vst.idx.msk $0xffff, v35;
	v35 =	vadd.s32 s18, v17  }
0x6d6: {  	v37 =	vld.idx.msk [tilespmem:v37+s9+$0x0], $0xffff;
	_ =	sdelay $0x1  }
0x6d7: {  	v36 =	vld.idx.msk [tilespmem:v36+s9+$0x0], $0xffff;
	_ =	sdelay $0x1  }
0x6d8: {  	v35 =	vld.idx.msk [tilespmem:v35+s9+$0x0], $0xffff;
	_ =	sdelay $0x1  }
0x6d9: {  	v37 =	vmul.f32 v37, v27;
	_ =	sdelay $0x1  }
0x6da: {  	s18 =	sadd.s32 $0xFFFFFFFA, s15;
	v37 =	vadd.f32 v37, v30;
	v36 =	vmul.f32 v36, v28  }
0x6db: {  	v38 =	vadd.s32 s18, v17;
	s18 =	sadd.s32 $0xFFFFFFFD, s15  }
0x6dc: {  	v36 =	vadd.f32 v36, v37;
	v35 =	vmul.f32 v35, v29;
	v37 =	vadd.s32 s18, v17;
	s18 =	sadd.s32 $0xFFFFFFFF, s15  }
0x6dd: {  	v39 =	vadd.s32 s18, v17  }
0x6de: {  	v35 =	vadd.f32 v35, v36;
	v36 =	vadd.s32 s15, v17;
	_ =	sdelay $0x1  }
0x6df: {  	[tilespmem:v38+s9+$0x0] =	vst.idx.msk $0xffff, v35  }
0x6e0: {  	v35 =	vld.idx.msk [tilespmem:v37+s9+$0x0], $0xffff  }
0x6e1: {  	v37 =	vld.idx.msk [tilespmem:v39+s9+$0x0], $0xffff  }
0x6e2: {  	v36 =	vld.idx.msk [tilespmem:v36+s9+$0x0], $0xffff;
	_ =	sdelay $0x3  }
0x6e3: {  	v35 =	vmul.f32 v35, v31;
	_ =	sdelay $0x1  }
0x6e4: {  	s18 =	sadd.s32 $0xFFFFFFFE, s15;
	s15 =	smov.u32 s17;
	v39 =	vmul.f32 v37, v32;
	v38 =	vadd.f32 v35, v34  }
.Ltmp11:
0x6e5: {  	s17 =	sadd.s32 $0xFFFFFFF0, s15;
	v35 =	vadd.s32 s18, v17;
	(pc) =	sbr.rel @p0 .LBB2_24-.Ltmp11, $4  }
0x6e6: {  	v37 =	vadd.s32 s17, v17;
	v38 =	vadd.f32 v39, v38;
	v39 =	vmul.f32 v36, v33  }
0x6e7: {  	s17 =	sadd.s32 $0xFFFFFFF1, s15  }
0x6e8: {  	v36 =	vadd.s32 s17, v17;
	v38 =	vadd.f32 v39, v38  }
0x6e9: {  	s17 =	sadd.s32 $0xFFFFFFF3, s15  }
0x6ea: {  	_ =	sdelay $0x3  }
0x6eb: {  	v39 =	vadd.s32 s17, v17;
	[tilespmem:v35+s9+$0x0] =	vst.idx.msk $0xffff, v38  }
0x6ec: {  	s16 =	sadd.s32 $0xFFFFFFF4, s15;
	v35 =	vld.idx.msk [tilespmem:v37+s9+$0x0], $0xffff  }
0x6ed: {  	v50 =	vadd.s32 s16, v17  }
0x6ee: {  	v36 =	vld.idx.msk [tilespmem:v36+s9+$0x0], $0xffff;
	_ =	sdelay $0x1  }
0x6ef: {  	v38 =	vld.idx.msk [tilespmem:v39+s9+$0x0], $0xffff  }
0x6f0: {  	v35 =	vmul.f32 v35, v19  }
0x6f1: {  	v37 =	vld.idx.msk [tilespmem:v50+s9+$0x0], $0xffff  }
0x6f2: {  	v36 =	vmul.f32 v36, v18;
	v35 =	vadd.f32 v35, v22;
	_ =	sdelay $0x1  }
0x6f3: {  	s18 =	sadd.s32 $0xFFFFFFF2, s15;
	v35 =	vadd.f32 v36, v35;
	v51 =	vmul.f32 v38, v20  }
0x6f4: {  	s17 =	sadd.s32 $0xFFFFFFF5, s15;
	v52 =	vadd.s32 s18, v17  }
0x6f5: {  	v54 =	vadd.s32 s17, v17;
	v53 =	vmul.f32 v37, v21;
	v35 =	vadd.f32 v51, v35  }
0x6f6: {  	s18 =	sadd.s32 $0xFFFFFFF7, s15  }
0x6f7: {  	v55 =	vadd.s32 s18, v17;
	v35 =	vadd.f32 v53, v35  }
0x6f8: {  	s17 =	sadd.s32 $0xFFFFFFF8, s15  }
0x6f9: {  	v56 =	vadd.s32 s17, v17;
	[tilespmem:v52+s9+$0x0] =	vst.idx.msk $0xffff, v35  }
0x6fa: {  	v37 =	vld.idx.msk [tilespmem:v54+s9+$0x0], $0xffff;
	_ =	sdelay $0x1  }
0x6fb: {  	v36 =	vld.idx.msk [tilespmem:v55+s9+$0x0], $0xffff;
	_ =	sdelay $0x1  }
0x6fc: {  	v35 =	vld.idx.msk [tilespmem:v56+s9+$0x0], $0xffff  }
0x6fd: {  	v37 =	vmul.f32 v37, v23;
	_ =	sdelay $0x1  }
0x6fe: {  	s18 =	sadd.s32 $0xFFFFFFF6, s15;
	v36 =	vmul.f32 v36, v24;
	v37 =	vadd.f32 v37, v26  }
0x6ff: {  	s17 =	sadd.s32 $0xFFFFFFF9, s15;
	v57 =	vadd.s32 s18, v17  }
0x700: {  	v58 =	vadd.s32 s17, v17;
	v35 =	vmul.f32 v35, v25;
	v36 =	vadd.f32 v36, v37  }
0x701: {  	s18 =	sadd.s32 $0xFFFFFFFB, s15  }
0x702: {  	v59 =	vadd.s32 s18, v17;
	v35 =	vadd.f32 v35, v36  }
0x703: {  	s17 =	sadd.s32 $0xFFFFFFFC, s15  }
0x704: {  	v60 =	vadd.s32 s17, v17;
	[tilespmem:v57+s9+$0x0] =	vst.idx.msk $0xffff, v35  }
0x705: {  	v37 =	vld.idx.msk [tilespmem:v58+s9+$0x0], $0xffff;
	_ =	sdelay $0x1  }
0x706: {  	v36 =	vld.idx.msk [tilespmem:v59+s9+$0x0], $0xffff;
	_ =	sdelay $0x1  }
0x707: {  	v35 =	vld.idx.msk [tilespmem:v60+s9+$0x0], $0xffff  }
0x708: {  	v37 =	vmul.f32 v37, v27;
	_ =	sdelay $0x1  }
0x709: {  	s18 =	sadd.s32 $0xFFFFFFFA, s15;
	v36 =	vmul.f32 v36, v28;
	v37 =	vadd.f32 v37, v30  }
0x70a: {  	s17 =	sadd.s32 $0xFFFFFFFD, s15;
	v61 =	vadd.s32 s18, v17  }
0x70b: {  	v62 =	vadd.s32 s17, v17;
	v35 =	vmul.f32 v35, v29;
	v36 =	vadd.f32 v36, v37  }
0x70c: {  	s18 =	sadd.s32 $0xFFFFFFFF, s15  }
0x70d: {  	v63 =	vadd.s32 s18, v17;
	v35 =	vadd.f32 v35, v36;
	_ =	sdelay $0x1  }
0x70e: {  	v40 =	vadd.s32 s15, v17;
	[tilespmem:v61+s9+$0x0] =	vst.idx.msk $0xffff, v35  }
0x70f: {  	v35 =	vld.idx.msk [tilespmem:v62+s9+$0x0], $0xffff;
	_ =	sdelay $0x1  }
0x710: {  	v41 =	vld.idx.msk [tilespmem:v63+s9+$0x0], $0xffff;
	_ =	sdelay $0x1  }
0x711: {  	v36 =	vld.idx.msk [tilespmem:v40+s9+$0x0], $0xffff  }
0x712: {  	v35 =	vmul.f32 v35, v31;
	_ =	sdelay $0x1  }
0x713: {  	s16 =	sadd.s32 $0xFFFFFFFE, s15;
	v37 =	vmul.f32 v41, v32;
	v35 =	vadd.f32 v35, v34  }
0x714: {  	v42 =	vadd.s32 s16, v17  }
0x715: {  	v36 =	vmul.f32 v36, v33;
	v35 =	vadd.f32 v37, v35;
	_ =	sdelay $0x1  }
0x716: {  	v35 =	vadd.f32 v36, v35;
	_ =	sdelay $0x1  }
0x717: {  	[tilespmem:v42+s9+$0x0] =	vst.idx.msk $0xffff, v35  }
0x718: {  	[hbm4b:s23+s1] =	stream.linear.scatter [tilespmem:s9], [sflag:$0x4], $0x8800, $0x38;
	[tilespmem:$0x11180] =	vst v63  }
0x719: {  	_ =	swait.ge [sflag:s13], $0x8800  }
0x71a: {  	s17 =	simm.s32 $0x0;
	[sflag:s13] =	ssyncset.done $0x0  }
0x71b: {  	v43 =	vadd.s32 s17, v17;
	s18 =	simm.s32 $0x1;
	[sflag:s13] =	ssyncadd.s32 $0xFFFF7800  }
0x71c: {  	[tilespmem:s9], [sflag:$0x2] =	stream.linear.gather [hbm4b:s26+s1], $0x8800, $0x38;
	[tilespmem:$0x11180] =	vst v63  }
0x71d: {  	v44 =	vadd.s32 s18, v17;
	_ =	swait.ge [sflag:s10], $0x8800  }
0x71e: {  	s16 =	simm.s32 $0x3;
	[sflag:s10] =	ssyncset.done $0x0  }
0x71f: {  	v45 =	vadd.s32 s16, v17;
	[sflag:s10] =	ssyncadd.s32 $0xFFFF7800  }
0x720: {  	s17 =	simm.s32 $0x4;
	v35 =	vld.idx.msk [tilespmem:v43+s8+$0x0], $0xffff  }
0x721: {  	v46 =	vadd.s32 s17, v17  }
0x722: {  	v36 =	vld.idx.msk [tilespmem:v44+s8+$0x0], $0xffff;
	_ =	sdelay $0x1  }
0x723: {  	v37 =	vld.idx.msk [tilespmem:v45+s8+$0x0], $0xffff  }
0x724: {  	v35 =	vmul.f32 v35, v19  }
0x725: {  	v38 =	vld.idx.msk [tilespmem:v46+s8+$0x0], $0xffff  }
0x726: {  	v36 =	vmul.f32 v36, v18;
	v35 =	vadd.f32 v35, v22;
	_ =	sdelay $0x1  }
0x727: {  	s18 =	simm.s32 $0x2;
	v47 =	vmul.f32 v37, v20;
	v35 =	vadd.f32 v36, v35  }
0x728: {  	s16 =	simm.s32 $0x5;
	v48 =	vadd.s32 s18, v17  }
0x729: {  	v50 =	vadd.s32 s16, v17;
	v49 =	vmul.f32 v38, v21;
	v35 =	vadd.f32 v47, v35  }
0x72a: {  	s17 =	simm.s32 $0x7  }
0x72b: {  	v51 =	vadd.s32 s17, v17;
	v35 =	vadd.f32 v49, v35  }
0x72c: {  	s18 =	simm.s32 $0x8  }
0x72d: {  	v52 =	vadd.s32 s18, v17;
	[tilespmem:v48+s8+$0x0] =	vst.idx.msk $0xffff, v35  }
0x72e: {  	v37 =	vld.idx.msk [tilespmem:v50+s8+$0x0], $0xffff;
	_ =	sdelay $0x1  }
0x72f: {  	v36 =	vld.idx.msk [tilespmem:v51+s8+$0x0], $0xffff;
	_ =	sdelay $0x1  }
0x730: {  	v35 =	vld.idx.msk [tilespmem:v52+s8+$0x0], $0xffff  }
0x731: {  	v37 =	vmul.f32 v37, v23;
	_ =	sdelay $0x1  }
0x732: {  	s16 =	simm.s32 $0x6;
	v36 =	vmul.f32 v36, v24;
	v37 =	vadd.f32 v37, v26  }
0x733: {  	s17 =	simm.s32 $0x9;
	v53 =	vadd.s32 s16, v17  }
0x734: {  	v54 =	vadd.s32 s17, v17;
	v35 =	vmul.f32 v35, v25;
	v36 =	vadd.f32 v36, v37  }
0x735: {  	s18 =	simm.s32 $0xB  }
0x736: {  	v55 =	vadd.s32 s18, v17;
	v35 =	vadd.f32 v35, v36  }
0x737: {  	s16 =	simm.s32 $0xC  }
0x738: {  	v56 =	vadd.s32 s16, v17;
	[tilespmem:v53+s8+$0x0] =	vst.idx.msk $0xffff, v35  }
0x739: {  	v37 =	vld.idx.msk [tilespmem:v54+s8+$0x0], $0xffff;
	_ =	sdelay $0x1  }
0x73a: {  	v36 =	vld.idx.msk [tilespmem:v55+s8+$0x0], $0xffff;
	_ =	sdelay $0x1  }
0x73b: {  	v35 =	vld.idx.msk [tilespmem:v56+s8+$0x0], $0xffff  }
0x73c: {  	v37 =	vmul.f32 v37, v27;
	_ =	sdelay $0x1  }
0x73d: {  	s17 =	simm.s32 $0xA;
	v36 =	vmul.f32 v36, v28;
	v37 =	vadd.f32 v37, v30  }
0x73e: {  	s18 =	simm.s32 $0xD;
	v57 =	vadd.s32 s17, v17  }
0x73f: {  	v58 =	vadd.s32 s18, v17;
	v35 =	vmul.f32 v35, v29;
	v36 =	vadd.f32 v36, v37  }
0x740: {  	s16 =	simm.s32 $0xF  }
0x741: {  	v59 =	vadd.s32 s16, v17;
	v35 =	vadd.f32 v35, v36;
	_ =	sdelay $0x1  }
0x742: {  	s17 =	simm.s32 $0x10;
	[tilespmem:v57+s8+$0x0] =	vst.idx.msk $0xffff, v35  }
0x743: {  	v60 =	vadd.s32 s17, v17;
	v35 =	vld.idx.msk [tilespmem:v58+s8+$0x0], $0xffff;
	_ =	sdelay $0x1  }
0x744: {  	v61 =	vld.idx.msk [tilespmem:v59+s8+$0x0], $0xffff;
	_ =	sdelay $0x2  }
0x745: {  	v36 =	vld.idx.msk [tilespmem:v60+s8+$0x0], $0xffff;
	v35 =	vmul.f32 v35, v31;
	_ =	sdelay $0x1  }
0x746: {  	v37 =	vmul.f32 v61, v32;
	v35 =	vadd.f32 v35, v34  }
0x747: {  	s18 =	simm.s32 $0xE  }
0x748: {  	s17 =	simm.s32 $0x110;
	v62 =	vadd.f32 v37, v35;
	v35 =	vadd.s32 s18, v17  }
0x749: {  	v63 =	vmul.f32 v36, v33;
	v37 =	vadd.s32 s17, v17  }
0x74a: {  	s18 =	simm.s32 $0x111  }
0x74b: {  	v36 =	vadd.s32 s18, v17;
	v38 =	vadd.f32 v63, v62  }
0x74c: {  	s15 =	simm.s32 $0x120;
	s16 =	simm.s32 $0x230;
	s17 =	simm.s32 $0x113  }
.LBB2_26:
0x74d: {  	p0 =	sne.s32 s16, $0x8700;
	v39 =	vadd.s32 s17, v17;
	[tilespmem:v35+s8+$0x0] =	vst.idx.msk $0xffff, v38;
	s17 =	smov.u32 s16;
	s16 =	sadd.s32 $0x110, s16  }
0x74e: {  	s18 =	sadd.s32 $0xFFFFFFF4, s15;
	v35 =	vld.idx.msk [tilespmem:v37+s8+$0x0], $0xffff  }
0x74f: {  	v37 =	vadd.s32 s18, v17  }
0x750: {  	v36 =	vld.idx.msk [tilespmem:v36+s8+$0x0], $0xffff;
	_ =	sdelay $0x1  }
0x751: {  	v38 =	vld.idx.msk [tilespmem:v39+s8+$0x0], $0xffff;
	_ =	sdelay $0x1  }
0x752: {  	v35 =	vmul.f32 v35, v19;
	v37 =	vld.idx.msk [tilespmem:v37+s8+$0x0], $0xffff;
	_ =	sdelay $0x1  }
0x753: {  	v35 =	vadd.f32 v35, v22;
	v36 =	vmul.f32 v36, v18;
	_ =	sdelay $0x1  }
0x754: {  	s18 =	sadd.s32 $0xFFFFFFF2, s15;
	v35 =	vadd.f32 v36, v35;
	v36 =	vmul.f32 v38, v20  }
0x755: {  	v38 =	vadd.s32 s18, v17;
	s18 =	sadd.s32 $0xFFFFFFF5, s15  }
0x756: {  	v35 =	vadd.f32 v36, v35;
	v36 =	vmul.f32 v37, v21;
	v37 =	vadd.s32 s18, v17  }
0x757: {  	s18 =	sadd.s32 $0xFFFFFFF7, s15  }
0x758: {  	v35 =	vadd.f32 v36, v35;
	v36 =	vadd.s32 s18, v17  }
0x759: {  	s18 =	sadd.s32 $0xFFFFFFF8, s15  }
0x75a: {  	[tilespmem:v38+s8+$0x0] =	vst.idx.msk $0xffff, v35;
	v35 =	vadd.s32 s18, v17  }
0x75b: {  	v37 =	vld.idx.msk [tilespmem:v37+s8+$0x0], $0xffff;
	_ =	sdelay $0x1  }
0x75c: {  	v36 =	vld.idx.msk [tilespmem:v36+s8+$0x0], $0xffff;
	_ =	sdelay $0x1  }
0x75d: {  	v35 =	vld.idx.msk [tilespmem:v35+s8+$0x0], $0xffff;
	_ =	sdelay $0x1  }
0x75e: {  	v37 =	vmul.f32 v37, v23;
	_ =	sdelay $0x1  }
0x75f: {  	s18 =	sadd.s32 $0xFFFFFFF6, s15;
	v37 =	vadd.f32 v37, v26;
	v36 =	vmul.f32 v36, v24  }
0x760: {  	v38 =	vadd.s32 s18, v17;
	s18 =	sadd.s32 $0xFFFFFFF9, s15  }
0x761: {  	v36 =	vadd.f32 v36, v37;
	v35 =	vmul.f32 v35, v25;
	v37 =	vadd.s32 s18, v17  }
0x762: {  	s18 =	sadd.s32 $0xFFFFFFFB, s15  }
0x763: {  	v35 =	vadd.f32 v35, v36;
	v36 =	vadd.s32 s18, v17  }
0x764: {  	s18 =	sadd.s32 $0xFFFFFFFC, s15  }
0x765: {  	[tilespmem:v38+s8+$0x0] =	vst.idx.msk $0xffff, v35;
	v35 =	vadd.s32 s18, v17  }
0x766: {  	v37 =	vld.idx.msk [tilespmem:v37+s8+$0x0], $0xffff;
	_ =	sdelay $0x1  }
0x767: {  	v36 =	vld.idx.msk [tilespmem:v36+s8+$0x0], $0xffff;
	_ =	sdelay $0x1  }
0x768: {  	v35 =	vld.idx.msk [tilespmem:v35+s8+$0x0], $0xffff;
	_ =	sdelay $0x1  }
0x769: {  	v37 =	vmul.f32 v37, v27;
	_ =	sdelay $0x1  }
0x76a: {  	s18 =	sadd.s32 $0xFFFFFFFA, s15;
	v37 =	vadd.f32 v37, v30;
	v36 =	vmul.f32 v36, v28  }
0x76b: {  	v38 =	vadd.s32 s18, v17;
	s18 =	sadd.s32 $0xFFFFFFFD, s15  }
0x76c: {  	v36 =	vadd.f32 v36, v37;
	v35 =	vmul.f32 v35, v29;
	v37 =	vadd.s32 s18, v17;
	s18 =	sadd.s32 $0xFFFFFFFF, s15  }
0x76d: {  	v39 =	vadd.s32 s18, v17  }
0x76e: {  	v35 =	vadd.f32 v35, v36;
	v36 =	vadd.s32 s15, v17;
	_ =	sdelay $0x1  }
0x76f: {  	[tilespmem:v38+s8+$0x0] =	vst.idx.msk $0xffff, v35  }
0x770: {  	v35 =	vld.idx.msk [tilespmem:v37+s8+$0x0], $0xffff  }
0x771: {  	v37 =	vld.idx.msk [tilespmem:v39+s8+$0x0], $0xffff  }
0x772: {  	v36 =	vld.idx.msk [tilespmem:v36+s8+$0x0], $0xffff;
	_ =	sdelay $0x3  }
0x773: {  	v35 =	vmul.f32 v35, v31;
	_ =	sdelay $0x1  }
0x774: {  	s18 =	sadd.s32 $0xFFFFFFFE, s15;
	s15 =	smov.u32 s17;
	v39 =	vmul.f32 v37, v32;
	v38 =	vadd.f32 v35, v34  }
.Ltmp12:
0x775: {  	s17 =	sadd.s32 $0xFFFFFFF0, s15;
	v35 =	vadd.s32 s18, v17;
	(pc) =	sbr.rel @p0 .LBB2_26-.Ltmp12, $4  }
0x776: {  	v37 =	vadd.s32 s17, v17;
	v38 =	vadd.f32 v39, v38;
	v39 =	vmul.f32 v36, v33  }
0x777: {  	s17 =	sadd.s32 $0xFFFFFFF1, s15  }
0x778: {  	v36 =	vadd.s32 s17, v17;
	v38 =	vadd.f32 v39, v38  }
0x779: {  	s17 =	sadd.s32 $0xFFFFFFF3, s15  }
0x77a: {  	_ =	sdelay $0x3  }
0x77b: {  	v39 =	vadd.s32 s17, v17;
	[tilespmem:v35+s8+$0x0] =	vst.idx.msk $0xffff, v38  }
0x77c: {  	s16 =	sadd.s32 $0xFFFFFFF4, s15;
	v35 =	vld.idx.msk [tilespmem:v37+s8+$0x0], $0xffff  }
0x77d: {  	v50 =	vadd.s32 s16, v17  }
0x77e: {  	v36 =	vld.idx.msk [tilespmem:v36+s8+$0x0], $0xffff;
	_ =	sdelay $0x1  }
0x77f: {  	v38 =	vld.idx.msk [tilespmem:v39+s8+$0x0], $0xffff  }
0x780: {  	v35 =	vmul.f32 v35, v19  }
0x781: {  	v37 =	vld.idx.msk [tilespmem:v50+s8+$0x0], $0xffff  }
0x782: {  	v36 =	vmul.f32 v36, v18;
	v35 =	vadd.f32 v35, v22;
	_ =	sdelay $0x1  }
0x783: {  	s18 =	sadd.s32 $0xFFFFFFF2, s15;
	v35 =	vadd.f32 v36, v35;
	v51 =	vmul.f32 v38, v20  }
0x784: {  	s17 =	sadd.s32 $0xFFFFFFF5, s15;
	v52 =	vadd.s32 s18, v17  }
0x785: {  	v54 =	vadd.s32 s17, v17;
	v53 =	vmul.f32 v37, v21;
	v35 =	vadd.f32 v51, v35  }
0x786: {  	s18 =	sadd.s32 $0xFFFFFFF7, s15  }
0x787: {  	v55 =	vadd.s32 s18, v17;
	v35 =	vadd.f32 v53, v35  }
0x788: {  	s17 =	sadd.s32 $0xFFFFFFF8, s15  }
0x789: {  	v56 =	vadd.s32 s17, v17;
	[tilespmem:v52+s8+$0x0] =	vst.idx.msk $0xffff, v35  }
0x78a: {  	v37 =	vld.idx.msk [tilespmem:v54+s8+$0x0], $0xffff;
	_ =	sdelay $0x1  }
0x78b: {  	v36 =	vld.idx.msk [tilespmem:v55+s8+$0x0], $0xffff;
	_ =	sdelay $0x1  }
0x78c: {  	v35 =	vld.idx.msk [tilespmem:v56+s8+$0x0], $0xffff  }
0x78d: {  	v37 =	vmul.f32 v37, v23;
	_ =	sdelay $0x1  }
0x78e: {  	s18 =	sadd.s32 $0xFFFFFFF6, s15;
	v36 =	vmul.f32 v36, v24;
	v37 =	vadd.f32 v37, v26  }
0x78f: {  	s17 =	sadd.s32 $0xFFFFFFF9, s15;
	v57 =	vadd.s32 s18, v17  }
0x790: {  	v58 =	vadd.s32 s17, v17;
	v35 =	vmul.f32 v35, v25;
	v36 =	vadd.f32 v36, v37  }
0x791: {  	s18 =	sadd.s32 $0xFFFFFFFB, s15  }
0x792: {  	v59 =	vadd.s32 s18, v17;
	v35 =	vadd.f32 v35, v36  }
0x793: {  	s17 =	sadd.s32 $0xFFFFFFFC, s15  }
0x794: {  	v60 =	vadd.s32 s17, v17;
	[tilespmem:v57+s8+$0x0] =	vst.idx.msk $0xffff, v35  }
0x795: {  	v37 =	vld.idx.msk [tilespmem:v58+s8+$0x0], $0xffff;
	_ =	sdelay $0x1  }
0x796: {  	v36 =	vld.idx.msk [tilespmem:v59+s8+$0x0], $0xffff;
	_ =	sdelay $0x1  }
0x797: {  	v35 =	vld.idx.msk [tilespmem:v60+s8+$0x0], $0xffff  }
0x798: {  	v37 =	vmul.f32 v37, v27;
	_ =	sdelay $0x1  }
0x799: {  	s18 =	sadd.s32 $0xFFFFFFFA, s15;
	v36 =	vmul.f32 v36, v28;
	v37 =	vadd.f32 v37, v30  }
0x79a: {  	s17 =	sadd.s32 $0xFFFFFFFD, s15;
	v61 =	vadd.s32 s18, v17  }
0x79b: {  	v62 =	vadd.s32 s17, v17;
	v35 =	vmul.f32 v35, v29;
	v36 =	vadd.f32 v36, v37  }
0x79c: {  	s18 =	sadd.s32 $0xFFFFFFFF, s15  }
0x79d: {  	v63 =	vadd.s32 s18, v17;
	v35 =	vadd.f32 v35, v36;
	_ =	sdelay $0x1  }
0x79e: {  	v40 =	vadd.s32 s15, v17;
	[tilespmem:v61+s8+$0x0] =	vst.idx.msk $0xffff, v35  }
0x79f: {  	v35 =	vld.idx.msk [tilespmem:v62+s8+$0x0], $0xffff;
	_ =	sdelay $0x1  }
0x7a0: {  	v41 =	vld.idx.msk [tilespmem:v63+s8+$0x0], $0xffff;
	_ =	sdelay $0x1  }
0x7a1: {  	v36 =	vld.idx.msk [tilespmem:v40+s8+$0x0], $0xffff  }
0x7a2: {  	v35 =	vmul.f32 v35, v31;
	_ =	sdelay $0x1  }
0x7a3: {  	s16 =	sadd.s32 $0xFFFFFFFE, s15;
	v37 =	vmul.f32 v41, v32;
	v35 =	vadd.f32 v35, v34  }
0x7a4: {  	v42 =	vadd.s32 s16, v17  }
0x7a5: {  	v36 =	vmul.f32 v36, v33;
	v35 =	vadd.f32 v37, v35;
	_ =	sdelay $0x1  }
0x7a6: {  	v35 =	vadd.f32 v36, v35;
	_ =	sdelay $0x1  }
0x7a7: {  	[tilespmem:v42+s8+$0x0] =	vst.idx.msk $0xffff, v35  }
0x7a8: {  	[hbm4b:s25+s1] =	stream.linear.scatter [tilespmem:s8], [sflag:$0x3], $0x8800, $0x38;
	[tilespmem:$0x11180] =	vst v63  }
0x7a9: {  	_ =	swait.ge [sflag:s11], $0x8800  }
0x7aa: {  	s17 =	simm.s32 $0x0;
	[sflag:s11] =	ssyncset.done $0x0  }
0x7ab: {  	v43 =	vadd.s32 s17, v17;
	s18 =	simm.s32 $0x1;
	[sflag:s11] =	ssyncadd.s32 $0xFFFF7800  }
0x7ac: {  	[tilespmem:s8], [sflag:$0x1] =	stream.linear.gather [hbm4b:s29+s1], $0x8800, $0x38;
	[tilespmem:$0x11180] =	vst v63  }
0x7ad: {  	v44 =	vadd.s32 s18, v17;
	_ =	swait.ge [sflag:s12], $0x8800  }
0x7ae: {  	s16 =	simm.s32 $0x3;
	[sflag:s12] =	ssyncset.done $0x0  }
0x7af: {  	v45 =	vadd.s32 s16, v17;
	[sflag:s12] =	ssyncadd.s32 $0xFFFF7800  }
0x7b0: {  	s17 =	simm.s32 $0x4;
	v35 =	vld.idx.msk [tilespmem:v43+s9+$0x0], $0xffff  }
0x7b1: {  	v46 =	vadd.s32 s17, v17  }
0x7b2: {  	v36 =	vld.idx.msk [tilespmem:v44+s9+$0x0], $0xffff;
	_ =	sdelay $0x1  }
0x7b3: {  	v37 =	vld.idx.msk [tilespmem:v45+s9+$0x0], $0xffff  }
0x7b4: {  	v35 =	vmul.f32 v35, v19  }
0x7b5: {  	v38 =	vld.idx.msk [tilespmem:v46+s9+$0x0], $0xffff  }
0x7b6: {  	v36 =	vmul.f32 v36, v18;
	v35 =	vadd.f32 v35, v22;
	_ =	sdelay $0x1  }
0x7b7: {  	s18 =	simm.s32 $0x2;
	v47 =	vmul.f32 v37, v20;
	v35 =	vadd.f32 v36, v35  }
0x7b8: {  	s16 =	simm.s32 $0x5;
	v48 =	vadd.s32 s18, v17  }
0x7b9: {  	v50 =	vadd.s32 s16, v17;
	v49 =	vmul.f32 v38, v21;
	v35 =	vadd.f32 v47, v35  }
0x7ba: {  	s17 =	simm.s32 $0x7  }
0x7bb: {  	v51 =	vadd.s32 s17, v17;
	v35 =	vadd.f32 v49, v35  }
0x7bc: {  	s18 =	simm.s32 $0x8  }
0x7bd: {  	v52 =	vadd.s32 s18, v17;
	[tilespmem:v48+s9+$0x0] =	vst.idx.msk $0xffff, v35  }
0x7be: {  	v37 =	vld.idx.msk [tilespmem:v50+s9+$0x0], $0xffff;
	_ =	sdelay $0x1  }
0x7bf: {  	v36 =	vld.idx.msk [tilespmem:v51+s9+$0x0], $0xffff;
	_ =	sdelay $0x1  }
0x7c0: {  	v35 =	vld.idx.msk [tilespmem:v52+s9+$0x0], $0xffff  }
0x7c1: {  	v37 =	vmul.f32 v37, v23;
	_ =	sdelay $0x1  }
0x7c2: {  	s16 =	simm.s32 $0x6;
	v36 =	vmul.f32 v36, v24;
	v37 =	vadd.f32 v37, v26  }
0x7c3: {  	s17 =	simm.s32 $0x9;
	v53 =	vadd.s32 s16, v17  }
0x7c4: {  	v54 =	vadd.s32 s17, v17;
	v35 =	vmul.f32 v35, v25;
	v36 =	vadd.f32 v36, v37  }
0x7c5: {  	s18 =	simm.s32 $0xB  }
0x7c6: {  	v55 =	vadd.s32 s18, v17;
	v35 =	vadd.f32 v35, v36  }
0x7c7: {  	s16 =	simm.s32 $0xC  }
0x7c8: {  	v56 =	vadd.s32 s16, v17;
	[tilespmem:v53+s9+$0x0] =	vst.idx.msk $0xffff, v35  }
0x7c9: {  	v37 =	vld.idx.msk [tilespmem:v54+s9+$0x0], $0xffff;
	_ =	sdelay $0x1  }
0x7ca: {  	v36 =	vld.idx.msk [tilespmem:v55+s9+$0x0], $0xffff;
	_ =	sdelay $0x1  }
0x7cb: {  	v35 =	vld.idx.msk [tilespmem:v56+s9+$0x0], $0xffff  }
0x7cc: {  	v37 =	vmul.f32 v37, v27;
	_ =	sdelay $0x1  }
0x7cd: {  	s17 =	simm.s32 $0xA;
	v36 =	vmul.f32 v36, v28;
	v37 =	vadd.f32 v37, v30  }
0x7ce: {  	s18 =	simm.s32 $0xD;
	v57 =	vadd.s32 s17, v17  }
0x7cf: {  	v58 =	vadd.s32 s18, v17;
	v35 =	vmul.f32 v35, v29;
	v36 =	vadd.f32 v36, v37  }
0x7d0: {  	s16 =	simm.s32 $0xF  }
0x7d1: {  	v59 =	vadd.s32 s16, v17;
	v35 =	vadd.f32 v35, v36;
	_ =	sdelay $0x1  }
0x7d2: {  	s17 =	simm.s32 $0x10;
	[tilespmem:v57+s9+$0x0] =	vst.idx.msk $0xffff, v35  }
0x7d3: {  	v60 =	vadd.s32 s17, v17;
	v35 =	vld.idx.msk [tilespmem:v58+s9+$0x0], $0xffff;
	_ =	sdelay $0x1  }
0x7d4: {  	v61 =	vld.idx.msk [tilespmem:v59+s9+$0x0], $0xffff;
	_ =	sdelay $0x2  }
0x7d5: {  	v36 =	vld.idx.msk [tilespmem:v60+s9+$0x0], $0xffff;
	v35 =	vmul.f32 v35, v31;
	_ =	sdelay $0x1  }
0x7d6: {  	v37 =	vmul.f32 v61, v32;
	v35 =	vadd.f32 v35, v34  }
0x7d7: {  	s18 =	simm.s32 $0xE  }
0x7d8: {  	s17 =	simm.s32 $0x110;
	v62 =	vadd.f32 v37, v35;
	v35 =	vadd.s32 s18, v17  }
0x7d9: {  	v63 =	vmul.f32 v36, v33;
	v37 =	vadd.s32 s17, v17  }
0x7da: {  	s18 =	simm.s32 $0x111  }
0x7db: {  	v36 =	vadd.s32 s18, v17;
	v38 =	vadd.f32 v63, v62  }
0x7dc: {  	s15 =	simm.s32 $0x120;
	s16 =	simm.s32 $0x230;
	s17 =	simm.s32 $0x113  }
.LBB2_28:
0x7dd: {  	p0 =	sne.s32 s16, $0x8700;
	v39 =	vadd.s32 s17, v17;
	[tilespmem:v35+s9+$0x0] =	vst.idx.msk $0xffff, v38;
	s17 =	smov.u32 s16;
	s16 =	sadd.s32 $0x110, s16  }
0x7de: {  	s18 =	sadd.s32 $0xFFFFFFF4, s15;
	v35 =	vld.idx.msk [tilespmem:v37+s9+$0x0], $0xffff  }
0x7df: {  	v37 =	vadd.s32 s18, v17  }
0x7e0: {  	v36 =	vld.idx.msk [tilespmem:v36+s9+$0x0], $0xffff;
	_ =	sdelay $0x1  }
0x7e1: {  	v38 =	vld.idx.msk [tilespmem:v39+s9+$0x0], $0xffff;
	_ =	sdelay $0x1  }
0x7e2: {  	v35 =	vmul.f32 v35, v19;
	v37 =	vld.idx.msk [tilespmem:v37+s9+$0x0], $0xffff;
	_ =	sdelay $0x1  }
0x7e3: {  	v35 =	vadd.f32 v35, v22;
	v36 =	vmul.f32 v36, v18;
	_ =	sdelay $0x1  }
0x7e4: {  	s18 =	sadd.s32 $0xFFFFFFF2, s15;
	v35 =	vadd.f32 v36, v35;
	v36 =	vmul.f32 v38, v20  }
0x7e5: {  	v38 =	vadd.s32 s18, v17;
	s18 =	sadd.s32 $0xFFFFFFF5, s15  }
0x7e6: {  	v35 =	vadd.f32 v36, v35;
	v36 =	vmul.f32 v37, v21;
	v37 =	vadd.s32 s18, v17  }
0x7e7: {  	s18 =	sadd.s32 $0xFFFFFFF7, s15  }
0x7e8: {  	v35 =	vadd.f32 v36, v35;
	v36 =	vadd.s32 s18, v17  }
0x7e9: {  	s18 =	sadd.s32 $0xFFFFFFF8, s15  }
0x7ea: {  	[tilespmem:v38+s9+$0x0] =	vst.idx.msk $0xffff, v35;
	v35 =	vadd.s32 s18, v17  }
0x7eb: {  	v37 =	vld.idx.msk [tilespmem:v37+s9+$0x0], $0xffff;
	_ =	sdelay $0x1  }
0x7ec: {  	v36 =	vld.idx.msk [tilespmem:v36+s9+$0x0], $0xffff;
	_ =	sdelay $0x1  }
0x7ed: {  	v35 =	vld.idx.msk [tilespmem:v35+s9+$0x0], $0xffff;
	_ =	sdelay $0x1  }
0x7ee: {  	v37 =	vmul.f32 v37, v23;
	_ =	sdelay $0x1  }
0x7ef: {  	s18 =	sadd.s32 $0xFFFFFFF6, s15;
	v37 =	vadd.f32 v37, v26;
	v36 =	vmul.f32 v36, v24  }
0x7f0: {  	v38 =	vadd.s32 s18, v17;
	s18 =	sadd.s32 $0xFFFFFFF9, s15  }
0x7f1: {  	v36 =	vadd.f32 v36, v37;
	v35 =	vmul.f32 v35, v25;
	v37 =	vadd.s32 s18, v17  }
0x7f2: {  	s18 =	sadd.s32 $0xFFFFFFFB, s15  }
0x7f3: {  	v35 =	vadd.f32 v35, v36;
	v36 =	vadd.s32 s18, v17  }
0x7f4: {  	s18 =	sadd.s32 $0xFFFFFFFC, s15  }
0x7f5: {  	[tilespmem:v38+s9+$0x0] =	vst.idx.msk $0xffff, v35;
	v35 =	vadd.s32 s18, v17  }
0x7f6: {  	v37 =	vld.idx.msk [tilespmem:v37+s9+$0x0], $0xffff;
	_ =	sdelay $0x1  }
0x7f7: {  	v36 =	vld.idx.msk [tilespmem:v36+s9+$0x0], $0xffff;
	_ =	sdelay $0x1  }
0x7f8: {  	v35 =	vld.idx.msk [tilespmem:v35+s9+$0x0], $0xffff;
	_ =	sdelay $0x1  }
0x7f9: {  	v37 =	vmul.f32 v37, v27;
	_ =	sdelay $0x1  }
0x7fa: {  	s18 =	sadd.s32 $0xFFFFFFFA, s15;
	v37 =	vadd.f32 v37, v30;
	v36 =	vmul.f32 v36, v28  }
0x7fb: {  	v38 =	vadd.s32 s18, v17;
	s18 =	sadd.s32 $0xFFFFFFFD, s15  }
0x7fc: {  	v36 =	vadd.f32 v36, v37;
	v35 =	vmul.f32 v35, v29;
	v37 =	vadd.s32 s18, v17;
	s18 =	sadd.s32 $0xFFFFFFFF, s15  }
0x7fd: {  	v39 =	vadd.s32 s18, v17  }
0x7fe: {  	v35 =	vadd.f32 v35, v36;
	v36 =	vadd.s32 s15, v17;
	_ =	sdelay $0x1  }
0x7ff: {  	[tilespmem:v38+s9+$0x0] =	vst.idx.msk $0xffff, v35  }
0x800: {  	v35 =	vld.idx.msk [tilespmem:v37+s9+$0x0], $0xffff  }
0x801: {  	v37 =	vld.idx.msk [tilespmem:v39+s9+$0x0], $0xffff  }
0x802: {  	v36 =	vld.idx.msk [tilespmem:v36+s9+$0x0], $0xffff;
	_ =	sdelay $0x3  }
0x803: {  	v35 =	vmul.f32 v35, v31;
	_ =	sdelay $0x1  }
0x804: {  	s18 =	sadd.s32 $0xFFFFFFFE, s15;
	s15 =	smov.u32 s17;
	v39 =	vmul.f32 v37, v32;
	v38 =	vadd.f32 v35, v34  }
.Ltmp13:
0x805: {  	s17 =	sadd.s32 $0xFFFFFFF0, s15;
	v35 =	vadd.s32 s18, v17;
	(pc) =	sbr.rel @p0 .LBB2_28-.Ltmp13, $4  }
0x806: {  	v37 =	vadd.s32 s17, v17;
	v38 =	vadd.f32 v39, v38;
	v39 =	vmul.f32 v36, v33  }
0x807: {  	s17 =	sadd.s32 $0xFFFFFFF1, s15  }
0x808: {  	v36 =	vadd.s32 s17, v17;
	v38 =	vadd.f32 v39, v38  }
0x809: {  	s17 =	sadd.s32 $0xFFFFFFF3, s15  }
0x80a: {  	_ =	sdelay $0x3  }
0x80b: {  	v39 =	vadd.s32 s17, v17;
	[tilespmem:v35+s9+$0x0] =	vst.idx.msk $0xffff, v38  }
0x80c: {  	s16 =	sadd.s32 $0xFFFFFFF4, s15;
	v35 =	vld.idx.msk [tilespmem:v37+s9+$0x0], $0xffff  }
0x80d: {  	v50 =	vadd.s32 s16, v17  }
0x80e: {  	v36 =	vld.idx.msk [tilespmem:v36+s9+$0x0], $0xffff;
	_ =	sdelay $0x1  }
0x80f: {  	v38 =	vld.idx.msk [tilespmem:v39+s9+$0x0], $0xffff  }
0x810: {  	v35 =	vmul.f32 v35, v19  }
0x811: {  	v37 =	vld.idx.msk [tilespmem:v50+s9+$0x0], $0xffff  }
0x812: {  	v36 =	vmul.f32 v36, v18;
	v35 =	vadd.f32 v35, v22;
	_ =	sdelay $0x1  }
0x813: {  	s18 =	sadd.s32 $0xFFFFFFF2, s15;
	v35 =	vadd.f32 v36, v35;
	v51 =	vmul.f32 v38, v20  }
0x814: {  	s17 =	sadd.s32 $0xFFFFFFF5, s15;
	v52 =	vadd.s32 s18, v17  }
0x815: {  	v54 =	vadd.s32 s17, v17;
	v53 =	vmul.f32 v37, v21;
	v35 =	vadd.f32 v51, v35  }
0x816: {  	s18 =	sadd.s32 $0xFFFFFFF7, s15  }
0x817: {  	v55 =	vadd.s32 s18, v17;
	v35 =	vadd.f32 v53, v35  }
0x818: {  	s17 =	sadd.s32 $0xFFFFFFF8, s15  }
0x819: {  	v56 =	vadd.s32 s17, v17;
	[tilespmem:v52+s9+$0x0] =	vst.idx.msk $0xffff, v35  }
0x81a: {  	v37 =	vld.idx.msk [tilespmem:v54+s9+$0x0], $0xffff;
	_ =	sdelay $0x1  }
0x81b: {  	v36 =	vld.idx.msk [tilespmem:v55+s9+$0x0], $0xffff;
	_ =	sdelay $0x1  }
0x81c: {  	v35 =	vld.idx.msk [tilespmem:v56+s9+$0x0], $0xffff  }
0x81d: {  	v37 =	vmul.f32 v37, v23;
	_ =	sdelay $0x1  }
0x81e: {  	s18 =	sadd.s32 $0xFFFFFFF6, s15;
	v36 =	vmul.f32 v36, v24;
	v37 =	vadd.f32 v37, v26  }
0x81f: {  	s17 =	sadd.s32 $0xFFFFFFF9, s15;
	v57 =	vadd.s32 s18, v17  }
0x820: {  	v58 =	vadd.s32 s17, v17;
	v35 =	vmul.f32 v35, v25;
	v36 =	vadd.f32 v36, v37  }
0x821: {  	s18 =	sadd.s32 $0xFFFFFFFB, s15  }
0x822: {  	v59 =	vadd.s32 s18, v17;
	v35 =	vadd.f32 v35, v36  }
0x823: {  	s17 =	sadd.s32 $0xFFFFFFFC, s15  }
0x824: {  	v60 =	vadd.s32 s17, v17;
	[tilespmem:v57+s9+$0x0] =	vst.idx.msk $0xffff, v35  }
0x825: {  	v37 =	vld.idx.msk [tilespmem:v58+s9+$0x0], $0xffff;
	_ =	sdelay $0x1  }
0x826: {  	v36 =	vld.idx.msk [tilespmem:v59+s9+$0x0], $0xffff;
	_ =	sdelay $0x1  }
0x827: {  	v35 =	vld.idx.msk [tilespmem:v60+s9+$0x0], $0xffff  }
0x828: {  	v37 =	vmul.f32 v37, v27;
	_ =	sdelay $0x1  }
0x829: {  	s18 =	sadd.s32 $0xFFFFFFFA, s15;
	v36 =	vmul.f32 v36, v28;
	v37 =	vadd.f32 v37, v30  }
0x82a: {  	s17 =	sadd.s32 $0xFFFFFFFD, s15;
	v61 =	vadd.s32 s18, v17  }
0x82b: {  	v62 =	vadd.s32 s17, v17;
	v35 =	vmul.f32 v35, v29;
	v36 =	vadd.f32 v36, v37  }
0x82c: {  	s18 =	sadd.s32 $0xFFFFFFFF, s15  }
0x82d: {  	v63 =	vadd.s32 s18, v17;
	v35 =	vadd.f32 v35, v36;
	_ =	sdelay $0x1  }
0x82e: {  	v40 =	vadd.s32 s15, v17;
	[tilespmem:v61+s9+$0x0] =	vst.idx.msk $0xffff, v35  }
0x82f: {  	v35 =	vld.idx.msk [tilespmem:v62+s9+$0x0], $0xffff;
	_ =	sdelay $0x1  }
0x830: {  	v41 =	vld.idx.msk [tilespmem:v63+s9+$0x0], $0xffff;
	_ =	sdelay $0x1  }
0x831: {  	v36 =	vld.idx.msk [tilespmem:v40+s9+$0x0], $0xffff  }
0x832: {  	v35 =	vmul.f32 v35, v31;
	_ =	sdelay $0x1  }
0x833: {  	s16 =	sadd.s32 $0xFFFFFFFE, s15;
	v37 =	vmul.f32 v41, v32;
	v35 =	vadd.f32 v35, v34  }
0x834: {  	v42 =	vadd.s32 s16, v17  }
0x835: {  	v36 =	vmul.f32 v36, v33;
	v35 =	vadd.f32 v37, v35;
	_ =	sdelay $0x1  }
0x836: {  	v35 =	vadd.f32 v36, v35;
	_ =	sdelay $0x1  }
0x837: {  	[tilespmem:v42+s9+$0x0] =	vst.idx.msk $0xffff, v35  }
0x838: {  	[hbm4b:s28+s1] =	stream.linear.scatter [tilespmem:s9], [sflag:$0x4], $0x8800, $0x38;
	[tilespmem:$0x11180] =	vst v63  }
0x839: {  	_ =	swait.ge [sflag:s13], $0x8800  }
0x83a: {  	s17 =	simm.s32 $0x0;
	[sflag:s13] =	ssyncset.done $0x0  }
0x83b: {  	v43 =	vadd.s32 s17, v17;
	s18 =	simm.s32 $0x1;
	[sflag:s13] =	ssyncadd.s32 $0xFFFF7800  }
0x83c: {  	[tilespmem:s9], [sflag:$0x2] =	stream.linear.gather [hbm4b:s0+s1], $0x8800, $0x38;
	[tilespmem:$0x11180] =	vst v63  }
0x83d: {  	v44 =	vadd.s32 s18, v17;
	_ =	swait.ge [sflag:s10], $0x8800  }
0x83e: {  	s16 =	simm.s32 $0x3;
	[sflag:s10] =	ssyncset.done $0x0  }
0x83f: {  	v45 =	vadd.s32 s16, v17;
	[sflag:s10] =	ssyncadd.s32 $0xFFFF7800  }
0x840: {  	s17 =	simm.s32 $0x4;
	v35 =	vld.idx.msk [tilespmem:v43+s8+$0x0], $0xffff  }
0x841: {  	v46 =	vadd.s32 s17, v17  }
0x842: {  	v36 =	vld.idx.msk [tilespmem:v44+s8+$0x0], $0xffff;
	_ =	sdelay $0x1  }
0x843: {  	v37 =	vld.idx.msk [tilespmem:v45+s8+$0x0], $0xffff  }
0x844: {  	v35 =	vmul.f32 v35, v19  }
0x845: {  	v38 =	vld.idx.msk [tilespmem:v46+s8+$0x0], $0xffff  }
0x846: {  	v36 =	vmul.f32 v36, v18;
	v35 =	vadd.f32 v35, v22;
	_ =	sdelay $0x1  }
0x847: {  	s18 =	simm.s32 $0x2;
	v47 =	vmul.f32 v37, v20;
	v35 =	vadd.f32 v36, v35  }
0x848: {  	s16 =	simm.s32 $0x5;
	v48 =	vadd.s32 s18, v17  }
0x849: {  	v50 =	vadd.s32 s16, v17;
	v49 =	vmul.f32 v38, v21;
	v35 =	vadd.f32 v47, v35  }
0x84a: {  	s17 =	simm.s32 $0x7  }
0x84b: {  	v51 =	vadd.s32 s17, v17;
	v35 =	vadd.f32 v49, v35  }
0x84c: {  	s18 =	simm.s32 $0x8  }
0x84d: {  	v52 =	vadd.s32 s18, v17;
	[tilespmem:v48+s8+$0x0] =	vst.idx.msk $0xffff, v35  }
0x84e: {  	v37 =	vld.idx.msk [tilespmem:v50+s8+$0x0], $0xffff;
	_ =	sdelay $0x1  }
0x84f: {  	v36 =	vld.idx.msk [tilespmem:v51+s8+$0x0], $0xffff;
	_ =	sdelay $0x1  }
0x850: {  	v35 =	vld.idx.msk [tilespmem:v52+s8+$0x0], $0xffff  }
0x851: {  	v37 =	vmul.f32 v37, v23;
	_ =	sdelay $0x1  }
0x852: {  	s16 =	simm.s32 $0x6;
	v36 =	vmul.f32 v36, v24;
	v37 =	vadd.f32 v37, v26  }
0x853: {  	s17 =	simm.s32 $0x9;
	v53 =	vadd.s32 s16, v17  }
0x854: {  	v54 =	vadd.s32 s17, v17;
	v35 =	vmul.f32 v35, v25;
	v36 =	vadd.f32 v36, v37  }
0x855: {  	s18 =	simm.s32 $0xB  }
0x856: {  	v55 =	vadd.s32 s18, v17;
	v35 =	vadd.f32 v35, v36  }
0x857: {  	s16 =	simm.s32 $0xC  }
0x858: {  	v56 =	vadd.s32 s16, v17;
	[tilespmem:v53+s8+$0x0] =	vst.idx.msk $0xffff, v35  }
0x859: {  	v37 =	vld.idx.msk [tilespmem:v54+s8+$0x0], $0xffff;
	_ =	sdelay $0x1  }
0x85a: {  	v36 =	vld.idx.msk [tilespmem:v55+s8+$0x0], $0xffff;
	_ =	sdelay $0x1  }
0x85b: {  	v35 =	vld.idx.msk [tilespmem:v56+s8+$0x0], $0xffff  }
0x85c: {  	v37 =	vmul.f32 v37, v27;
	_ =	sdelay $0x1  }
0x85d: {  	s17 =	simm.s32 $0xA;
	v36 =	vmul.f32 v36, v28;
	v37 =	vadd.f32 v37, v30  }
0x85e: {  	s18 =	simm.s32 $0xD;
	v57 =	vadd.s32 s17, v17  }
0x85f: {  	v58 =	vadd.s32 s18, v17;
	v35 =	vmul.f32 v35, v29;
	v36 =	vadd.f32 v36, v37  }
0x860: {  	s16 =	simm.s32 $0xF  }
0x861: {  	v59 =	vadd.s32 s16, v17;
	v35 =	vadd.f32 v35, v36;
	_ =	sdelay $0x1  }
0x862: {  	s17 =	simm.s32 $0x10;
	[tilespmem:v57+s8+$0x0] =	vst.idx.msk $0xffff, v35  }
0x863: {  	v60 =	vadd.s32 s17, v17;
	v35 =	vld.idx.msk [tilespmem:v58+s8+$0x0], $0xffff;
	_ =	sdelay $0x1  }
0x864: {  	v61 =	vld.idx.msk [tilespmem:v59+s8+$0x0], $0xffff;
	_ =	sdelay $0x2  }
0x865: {  	v36 =	vld.idx.msk [tilespmem:v60+s8+$0x0], $0xffff;
	v35 =	vmul.f32 v35, v31;
	_ =	sdelay $0x1  }
0x866: {  	v37 =	vmul.f32 v61, v32;
	v35 =	vadd.f32 v35, v34  }
0x867: {  	s18 =	simm.s32 $0xE  }
0x868: {  	s17 =	simm.s32 $0x110;
	v62 =	vadd.f32 v37, v35;
	v35 =	vadd.s32 s18, v17  }
0x869: {  	v63 =	vmul.f32 v36, v33;
	v37 =	vadd.s32 s17, v17  }
0x86a: {  	s18 =	simm.s32 $0x111  }
0x86b: {  	v36 =	vadd.s32 s18, v17;
	v38 =	vadd.f32 v63, v62  }
0x86c: {  	s15 =	simm.s32 $0x120;
	s16 =	simm.s32 $0x230;
	s17 =	simm.s32 $0x113  }
.LBB2_30:
0x86d: {  	p0 =	sne.s32 s16, $0x8700;
	v39 =	vadd.s32 s17, v17;
	[tilespmem:v35+s8+$0x0] =	vst.idx.msk $0xffff, v38;
	s17 =	smov.u32 s16;
	s16 =	sadd.s32 $0x110, s16  }
0x86e: {  	s18 =	sadd.s32 $0xFFFFFFF4, s15;
	v35 =	vld.idx.msk [tilespmem:v37+s8+$0x0], $0xffff  }
0x86f: {  	v37 =	vadd.s32 s18, v17  }
0x870: {  	v36 =	vld.idx.msk [tilespmem:v36+s8+$0x0], $0xffff;
	_ =	sdelay $0x1  }
0x871: {  	v38 =	vld.idx.msk [tilespmem:v39+s8+$0x0], $0xffff;
	_ =	sdelay $0x1  }
0x872: {  	v35 =	vmul.f32 v35, v19;
	v37 =	vld.idx.msk [tilespmem:v37+s8+$0x0], $0xffff;
	_ =	sdelay $0x1  }
0x873: {  	v35 =	vadd.f32 v35, v22;
	v36 =	vmul.f32 v36, v18;
	_ =	sdelay $0x1  }
0x874: {  	s18 =	sadd.s32 $0xFFFFFFF2, s15;
	v35 =	vadd.f32 v36, v35;
	v36 =	vmul.f32 v38, v20  }
0x875: {  	v38 =	vadd.s32 s18, v17;
	s18 =	sadd.s32 $0xFFFFFFF5, s15  }
0x876: {  	v35 =	vadd.f32 v36, v35;
	v36 =	vmul.f32 v37, v21;
	v37 =	vadd.s32 s18, v17  }
0x877: {  	s18 =	sadd.s32 $0xFFFFFFF7, s15  }
0x878: {  	v35 =	vadd.f32 v36, v35;
	v36 =	vadd.s32 s18, v17  }
0x879: {  	s18 =	sadd.s32 $0xFFFFFFF8, s15  }
0x87a: {  	[tilespmem:v38+s8+$0x0] =	vst.idx.msk $0xffff, v35;
	v35 =	vadd.s32 s18, v17  }
0x87b: {  	v37 =	vld.idx.msk [tilespmem:v37+s8+$0x0], $0xffff;
	_ =	sdelay $0x1  }
0x87c: {  	v36 =	vld.idx.msk [tilespmem:v36+s8+$0x0], $0xffff;
	_ =	sdelay $0x1  }
0x87d: {  	v35 =	vld.idx.msk [tilespmem:v35+s8+$0x0], $0xffff;
	_ =	sdelay $0x1  }
0x87e: {  	v37 =	vmul.f32 v37, v23;
	_ =	sdelay $0x1  }
0x87f: {  	s18 =	sadd.s32 $0xFFFFFFF6, s15;
	v37 =	vadd.f32 v37, v26;
	v36 =	vmul.f32 v36, v24  }
0x880: {  	v38 =	vadd.s32 s18, v17;
	s18 =	sadd.s32 $0xFFFFFFF9, s15  }
0x881: {  	v36 =	vadd.f32 v36, v37;
	v35 =	vmul.f32 v35, v25;
	v37 =	vadd.s32 s18, v17  }
0x882: {  	s18 =	sadd.s32 $0xFFFFFFFB, s15  }
0x883: {  	v35 =	vadd.f32 v35, v36;
	v36 =	vadd.s32 s18, v17  }
0x884: {  	s18 =	sadd.s32 $0xFFFFFFFC, s15  }
0x885: {  	[tilespmem:v38+s8+$0x0] =	vst.idx.msk $0xffff, v35;
	v35 =	vadd.s32 s18, v17  }
0x886: {  	v37 =	vld.idx.msk [tilespmem:v37+s8+$0x0], $0xffff;
	_ =	sdelay $0x1  }
0x887: {  	v36 =	vld.idx.msk [tilespmem:v36+s8+$0x0], $0xffff;
	_ =	sdelay $0x1  }
0x888: {  	v35 =	vld.idx.msk [tilespmem:v35+s8+$0x0], $0xffff;
	_ =	sdelay $0x1  }
0x889: {  	v37 =	vmul.f32 v37, v27;
	_ =	sdelay $0x1  }
0x88a: {  	s18 =	sadd.s32 $0xFFFFFFFA, s15;
	v37 =	vadd.f32 v37, v30;
	v36 =	vmul.f32 v36, v28  }
0x88b: {  	v38 =	vadd.s32 s18, v17;
	s18 =	sadd.s32 $0xFFFFFFFD, s15  }
0x88c: {  	v36 =	vadd.f32 v36, v37;
	v35 =	vmul.f32 v35, v29;
	v37 =	vadd.s32 s18, v17;
	s18 =	sadd.s32 $0xFFFFFFFF, s15  }
0x88d: {  	v39 =	vadd.s32 s18, v17  }
0x88e: {  	v35 =	vadd.f32 v35, v36;
	v36 =	vadd.s32 s15, v17;
	_ =	sdelay $0x1  }
0x88f: {  	[tilespmem:v38+s8+$0x0] =	vst.idx.msk $0xffff, v35  }
0x890: {  	v35 =	vld.idx.msk [tilespmem:v37+s8+$0x0], $0xffff  }
0x891: {  	v37 =	vld.idx.msk [tilespmem:v39+s8+$0x0], $0xffff  }
0x892: {  	v36 =	vld.idx.msk [tilespmem:v36+s8+$0x0], $0xffff;
	_ =	sdelay $0x3  }
0x893: {  	v35 =	vmul.f32 v35, v31;
	_ =	sdelay $0x1  }
0x894: {  	s18 =	sadd.s32 $0xFFFFFFFE, s15;
	s15 =	smov.u32 s17;
	v39 =	vmul.f32 v37, v32;
	v38 =	vadd.f32 v35, v34  }
.Ltmp14:
0x895: {  	s17 =	sadd.s32 $0xFFFFFFF0, s15;
	v35 =	vadd.s32 s18, v17;
	(pc) =	sbr.rel @p0 .LBB2_30-.Ltmp14, $4  }
0x896: {  	v37 =	vadd.s32 s17, v17;
	v38 =	vadd.f32 v39, v38;
	v39 =	vmul.f32 v36, v33  }
0x897: {  	s17 =	sadd.s32 $0xFFFFFFF1, s15  }
0x898: {  	v36 =	vadd.s32 s17, v17;
	v38 =	vadd.f32 v39, v38  }
0x899: {  	s17 =	sadd.s32 $0xFFFFFFF3, s15  }
0x89a: {  	_ =	sdelay $0x3  }
0x89b: {  	v39 =	vadd.s32 s17, v17;
	[tilespmem:v35+s8+$0x0] =	vst.idx.msk $0xffff, v38  }
0x89c: {  	s16 =	sadd.s32 $0xFFFFFFF4, s15;
	v35 =	vld.idx.msk [tilespmem:v37+s8+$0x0], $0xffff  }
0x89d: {  	v50 =	vadd.s32 s16, v17  }
0x89e: {  	v36 =	vld.idx.msk [tilespmem:v36+s8+$0x0], $0xffff;
	_ =	sdelay $0x1  }
0x89f: {  	v38 =	vld.idx.msk [tilespmem:v39+s8+$0x0], $0xffff  }
0x8a0: {  	v35 =	vmul.f32 v35, v19  }
0x8a1: {  	v37 =	vld.idx.msk [tilespmem:v50+s8+$0x0], $0xffff  }
0x8a2: {  	v36 =	vmul.f32 v36, v18;
	v35 =	vadd.f32 v35, v22;
	_ =	sdelay $0x1  }
0x8a3: {  	s18 =	sadd.s32 $0xFFFFFFF2, s15;
	v35 =	vadd.f32 v36, v35;
	v51 =	vmul.f32 v38, v20  }
0x8a4: {  	s17 =	sadd.s32 $0xFFFFFFF5, s15;
	v52 =	vadd.s32 s18, v17  }
0x8a5: {  	v54 =	vadd.s32 s17, v17;
	v53 =	vmul.f32 v37, v21;
	v35 =	vadd.f32 v51, v35  }
0x8a6: {  	s18 =	sadd.s32 $0xFFFFFFF7, s15  }
0x8a7: {  	v55 =	vadd.s32 s18, v17;
	v35 =	vadd.f32 v53, v35  }
0x8a8: {  	s17 =	sadd.s32 $0xFFFFFFF8, s15  }
0x8a9: {  	v56 =	vadd.s32 s17, v17;
	[tilespmem:v52+s8+$0x0] =	vst.idx.msk $0xffff, v35  }
0x8aa: {  	v37 =	vld.idx.msk [tilespmem:v54+s8+$0x0], $0xffff;
	_ =	sdelay $0x1  }
0x8ab: {  	v36 =	vld.idx.msk [tilespmem:v55+s8+$0x0], $0xffff;
	_ =	sdelay $0x1  }
0x8ac: {  	v35 =	vld.idx.msk [tilespmem:v56+s8+$0x0], $0xffff  }
0x8ad: {  	v37 =	vmul.f32 v37, v23;
	_ =	sdelay $0x1  }
0x8ae: {  	s18 =	sadd.s32 $0xFFFFFFF6, s15;
	v36 =	vmul.f32 v36, v24;
	v37 =	vadd.f32 v37, v26  }
0x8af: {  	s17 =	sadd.s32 $0xFFFFFFF9, s15;
	v57 =	vadd.s32 s18, v17  }
0x8b0: {  	v58 =	vadd.s32 s17, v17;
	v35 =	vmul.f32 v35, v25;
	v36 =	vadd.f32 v36, v37  }
0x8b1: {  	s18 =	sadd.s32 $0xFFFFFFFB, s15  }
0x8b2: {  	v59 =	vadd.s32 s18, v17;
	v35 =	vadd.f32 v35, v36  }
0x8b3: {  	s17 =	sadd.s32 $0xFFFFFFFC, s15  }
0x8b4: {  	v60 =	vadd.s32 s17, v17;
	[tilespmem:v57+s8+$0x0] =	vst.idx.msk $0xffff, v35  }
0x8b5: {  	v37 =	vld.idx.msk [tilespmem:v58+s8+$0x0], $0xffff;
	_ =	sdelay $0x1  }
0x8b6: {  	v36 =	vld.idx.msk [tilespmem:v59+s8+$0x0], $0xffff;
	_ =	sdelay $0x1  }
0x8b7: {  	v35 =	vld.idx.msk [tilespmem:v60+s8+$0x0], $0xffff  }
0x8b8: {  	v37 =	vmul.f32 v37, v27;
	_ =	sdelay $0x1  }
0x8b9: {  	s18 =	sadd.s32 $0xFFFFFFFA, s15;
	v36 =	vmul.f32 v36, v28;
	v37 =	vadd.f32 v37, v30  }
0x8ba: {  	s17 =	sadd.s32 $0xFFFFFFFD, s15;
	v61 =	vadd.s32 s18, v17  }
0x8bb: {  	v62 =	vadd.s32 s17, v17;
	v35 =	vmul.f32 v35, v29;
	v36 =	vadd.f32 v36, v37  }
0x8bc: {  	s18 =	sadd.s32 $0xFFFFFFFF, s15  }
0x8bd: {  	v63 =	vadd.s32 s18, v17;
	v35 =	vadd.f32 v35, v36;
	_ =	sdelay $0x1  }
0x8be: {  	v40 =	vadd.s32 s15, v17;
	[tilespmem:v61+s8+$0x0] =	vst.idx.msk $0xffff, v35  }
0x8bf: {  	v35 =	vld.idx.msk [tilespmem:v62+s8+$0x0], $0xffff;
	_ =	sdelay $0x1  }
0x8c0: {  	v41 =	vld.idx.msk [tilespmem:v63+s8+$0x0], $0xffff;
	_ =	sdelay $0x1  }
0x8c1: {  	v36 =	vld.idx.msk [tilespmem:v40+s8+$0x0], $0xffff  }
0x8c2: {  	v35 =	vmul.f32 v35, v31;
	_ =	sdelay $0x1  }
0x8c3: {  	s16 =	sadd.s32 $0xFFFFFFFE, s15;
	v37 =	vmul.f32 v41, v32;
	v35 =	vadd.f32 v35, v34  }
0x8c4: {  	v42 =	vadd.s32 s16, v17  }
0x8c5: {  	v36 =	vmul.f32 v36, v33;
	v35 =	vadd.f32 v37, v35;
	_ =	sdelay $0x1  }
0x8c6: {  	v35 =	vadd.f32 v36, v35  }
0x8c7: {  	s17 =	simm.s32 $0x0  }
0x8c8: {  	v43 =	vadd.s32 s17, v17;
	s18 =	simm.s32 $0x1;
	[tilespmem:v42+s8+$0x0] =	vst.idx.msk $0xffff, v35  }
0x8c9: {  	[hbm4b:s2+s1] =	stream.linear.scatter [tilespmem:s8], [sflag:$0x3], $0x8800, $0x38;
	[tilespmem:$0x11180] =	vst v63  }
0x8ca: {  	v44 =	vadd.s32 s18, v17;
	_ =	swait.ge [sflag:s12], $0x8800  }
0x8cb: {  	s16 =	simm.s32 $0x3;
	[sflag:s12] =	ssyncset.done $0x0  }
0x8cc: {  	v45 =	vadd.s32 s16, v17;
	[sflag:s12] =	ssyncadd.s32 $0xFFFF7800  }
0x8cd: {  	s17 =	simm.s32 $0x4;
	v35 =	vld.idx.msk [tilespmem:v43+s9+$0x0], $0xffff  }
0x8ce: {  	v46 =	vadd.s32 s17, v17  }
0x8cf: {  	v36 =	vld.idx.msk [tilespmem:v44+s9+$0x0], $0xffff;
	_ =	sdelay $0x1  }
0x8d0: {  	v37 =	vld.idx.msk [tilespmem:v45+s9+$0x0], $0xffff  }
0x8d1: {  	v35 =	vmul.f32 v35, v19  }
0x8d2: {  	v38 =	vld.idx.msk [tilespmem:v46+s9+$0x0], $0xffff  }
0x8d3: {  	v36 =	vmul.f32 v36, v18;
	v35 =	vadd.f32 v35, v22;
	_ =	sdelay $0x1  }
0x8d4: {  	s18 =	simm.s32 $0x2;
	v47 =	vmul.f32 v37, v20;
	v35 =	vadd.f32 v36, v35  }
0x8d5: {  	s16 =	simm.s32 $0x5;
	v48 =	vadd.s32 s18, v17  }
0x8d6: {  	v50 =	vadd.s32 s16, v17;
	v49 =	vmul.f32 v38, v21;
	v35 =	vadd.f32 v47, v35  }
0x8d7: {  	s17 =	simm.s32 $0x7  }
0x8d8: {  	v51 =	vadd.s32 s17, v17;
	v35 =	vadd.f32 v49, v35  }
0x8d9: {  	s18 =	simm.s32 $0x8  }
0x8da: {  	v52 =	vadd.s32 s18, v17;
	[tilespmem:v48+s9+$0x0] =	vst.idx.msk $0xffff, v35  }
0x8db: {  	v37 =	vld.idx.msk [tilespmem:v50+s9+$0x0], $0xffff;
	_ =	sdelay $0x1  }
0x8dc: {  	v36 =	vld.idx.msk [tilespmem:v51+s9+$0x0], $0xffff;
	_ =	sdelay $0x1  }
0x8dd: {  	v35 =	vld.idx.msk [tilespmem:v52+s9+$0x0], $0xffff  }
0x8de: {  	v37 =	vmul.f32 v37, v23;
	_ =	sdelay $0x1  }
0x8df: {  	s16 =	simm.s32 $0x6;
	v36 =	vmul.f32 v36, v24;
	v37 =	vadd.f32 v37, v26  }
0x8e0: {  	s17 =	simm.s32 $0x9;
	v53 =	vadd.s32 s16, v17  }
0x8e1: {  	v54 =	vadd.s32 s17, v17;
	v35 =	vmul.f32 v35, v25;
	v36 =	vadd.f32 v36, v37  }
0x8e2: {  	s18 =	simm.s32 $0xB  }
0x8e3: {  	v55 =	vadd.s32 s18, v17;
	v35 =	vadd.f32 v35, v36  }
0x8e4: {  	s16 =	simm.s32 $0xC  }
0x8e5: {  	v56 =	vadd.s32 s16, v17;
	[tilespmem:v53+s9+$0x0] =	vst.idx.msk $0xffff, v35  }
0x8e6: {  	v37 =	vld.idx.msk [tilespmem:v54+s9+$0x0], $0xffff;
	_ =	sdelay $0x1  }
0x8e7: {  	v36 =	vld.idx.msk [tilespmem:v55+s9+$0x0], $0xffff;
	_ =	sdelay $0x1  }
0x8e8: {  	v35 =	vld.idx.msk [tilespmem:v56+s9+$0x0], $0xffff  }
0x8e9: {  	v37 =	vmul.f32 v37, v27;
	_ =	sdelay $0x1  }
0x8ea: {  	s17 =	simm.s32 $0xA;
	v36 =	vmul.f32 v36, v28;
	v37 =	vadd.f32 v37, v30  }
0x8eb: {  	s18 =	simm.s32 $0xD;
	v57 =	vadd.s32 s17, v17  }
0x8ec: {  	v58 =	vadd.s32 s18, v17;
	v35 =	vmul.f32 v35, v29;
	v36 =	vadd.f32 v36, v37  }
0x8ed: {  	s16 =	simm.s32 $0xF  }
0x8ee: {  	v59 =	vadd.s32 s16, v17;
	v35 =	vadd.f32 v35, v36;
	_ =	sdelay $0x1  }
0x8ef: {  	s17 =	simm.s32 $0x10;
	[tilespmem:v57+s9+$0x0] =	vst.idx.msk $0xffff, v35  }
0x8f0: {  	v60 =	vadd.s32 s17, v17;
	v35 =	vld.idx.msk [tilespmem:v58+s9+$0x0], $0xffff;
	_ =	sdelay $0x1  }
0x8f1: {  	v61 =	vld.idx.msk [tilespmem:v59+s9+$0x0], $0xffff;
	_ =	sdelay $0x2  }
0x8f2: {  	v36 =	vld.idx.msk [tilespmem:v60+s9+$0x0], $0xffff;
	v35 =	vmul.f32 v35, v31;
	_ =	sdelay $0x1  }
0x8f3: {  	v37 =	vmul.f32 v61, v32;
	v35 =	vadd.f32 v35, v34  }
0x8f4: {  	s18 =	simm.s32 $0xE  }
0x8f5: {  	s17 =	simm.s32 $0x110;
	v62 =	vadd.f32 v37, v35;
	v35 =	vadd.s32 s18, v17  }
0x8f6: {  	v63 =	vmul.f32 v36, v33;
	v37 =	vadd.s32 s17, v17  }
0x8f7: {  	s18 =	simm.s32 $0x111  }
0x8f8: {  	v36 =	vadd.s32 s18, v17;
	v38 =	vadd.f32 v63, v62  }
0x8f9: {  	s15 =	simm.s32 $0x120;
	s16 =	simm.s32 $0x230;
	s17 =	simm.s32 $0x113  }
.LBB2_32:
0x8fa: {  	p0 =	sne.s32 s16, $0x8700;
	v39 =	vadd.s32 s17, v17;
	[tilespmem:v35+s9+$0x0] =	vst.idx.msk $0xffff, v38;
	s17 =	smov.u32 s16;
	s16 =	sadd.s32 $0x110, s16  }
0x8fb: {  	s18 =	sadd.s32 $0xFFFFFFF4, s15;
	v35 =	vld.idx.msk [tilespmem:v37+s9+$0x0], $0xffff  }
0x8fc: {  	v37 =	vadd.s32 s18, v17  }
0x8fd: {  	v36 =	vld.idx.msk [tilespmem:v36+s9+$0x0], $0xffff;
	_ =	sdelay $0x1  }
0x8fe: {  	v38 =	vld.idx.msk [tilespmem:v39+s9+$0x0], $0xffff;
	_ =	sdelay $0x1  }
0x8ff: {  	v35 =	vmul.f32 v35, v19;
	v37 =	vld.idx.msk [tilespmem:v37+s9+$0x0], $0xffff;
	_ =	sdelay $0x1  }
0x900: {  	v35 =	vadd.f32 v35, v22;
	v36 =	vmul.f32 v36, v18;
	_ =	sdelay $0x1  }
0x901: {  	s18 =	sadd.s32 $0xFFFFFFF2, s15;
	v35 =	vadd.f32 v36, v35;
	v36 =	vmul.f32 v38, v20  }
0x902: {  	v38 =	vadd.s32 s18, v17;
	s18 =	sadd.s32 $0xFFFFFFF5, s15  }
0x903: {  	v35 =	vadd.f32 v36, v35;
	v36 =	vmul.f32 v37, v21;
	v37 =	vadd.s32 s18, v17  }
0x904: {  	s18 =	sadd.s32 $0xFFFFFFF7, s15  }
0x905: {  	v35 =	vadd.f32 v36, v35;
	v36 =	vadd.s32 s18, v17  }
0x906: {  	s18 =	sadd.s32 $0xFFFFFFF8, s15  }
0x907: {  	[tilespmem:v38+s9+$0x0] =	vst.idx.msk $0xffff, v35;
	v35 =	vadd.s32 s18, v17  }
0x908: {  	v37 =	vld.idx.msk [tilespmem:v37+s9+$0x0], $0xffff;
	_ =	sdelay $0x1  }
0x909: {  	v36 =	vld.idx.msk [tilespmem:v36+s9+$0x0], $0xffff;
	_ =	sdelay $0x1  }
0x90a: {  	v35 =	vld.idx.msk [tilespmem:v35+s9+$0x0], $0xffff;
	_ =	sdelay $0x1  }
0x90b: {  	v37 =	vmul.f32 v37, v23;
	_ =	sdelay $0x1  }
0x90c: {  	s18 =	sadd.s32 $0xFFFFFFF6, s15;
	v37 =	vadd.f32 v37, v26;
	v36 =	vmul.f32 v36, v24  }
0x90d: {  	v38 =	vadd.s32 s18, v17;
	s18 =	sadd.s32 $0xFFFFFFF9, s15  }
0x90e: {  	v36 =	vadd.f32 v36, v37;
	v35 =	vmul.f32 v35, v25;
	v37 =	vadd.s32 s18, v17  }
0x90f: {  	s18 =	sadd.s32 $0xFFFFFFFB, s15  }
0x910: {  	v35 =	vadd.f32 v35, v36;
	v36 =	vadd.s32 s18, v17  }
0x911: {  	s18 =	sadd.s32 $0xFFFFFFFC, s15  }
0x912: {  	[tilespmem:v38+s9+$0x0] =	vst.idx.msk $0xffff, v35;
	v35 =	vadd.s32 s18, v17  }
0x913: {  	v37 =	vld.idx.msk [tilespmem:v37+s9+$0x0], $0xffff;
	_ =	sdelay $0x1  }
0x914: {  	v36 =	vld.idx.msk [tilespmem:v36+s9+$0x0], $0xffff;
	_ =	sdelay $0x1  }
0x915: {  	v35 =	vld.idx.msk [tilespmem:v35+s9+$0x0], $0xffff;
	_ =	sdelay $0x1  }
0x916: {  	v37 =	vmul.f32 v37, v27;
	_ =	sdelay $0x1  }
0x917: {  	s18 =	sadd.s32 $0xFFFFFFFA, s15;
	v37 =	vadd.f32 v37, v30;
	v36 =	vmul.f32 v36, v28  }
0x918: {  	v38 =	vadd.s32 s18, v17;
	s18 =	sadd.s32 $0xFFFFFFFD, s15  }
0x919: {  	v36 =	vadd.f32 v36, v37;
	v35 =	vmul.f32 v35, v29;
	v37 =	vadd.s32 s18, v17;
	s18 =	sadd.s32 $0xFFFFFFFF, s15  }
0x91a: {  	v39 =	vadd.s32 s18, v17  }
0x91b: {  	v35 =	vadd.f32 v35, v36;
	v36 =	vadd.s32 s15, v17;
	_ =	sdelay $0x1  }
0x91c: {  	[tilespmem:v38+s9+$0x0] =	vst.idx.msk $0xffff, v35  }
0x91d: {  	v35 =	vld.idx.msk [tilespmem:v37+s9+$0x0], $0xffff  }
0x91e: {  	v37 =	vld.idx.msk [tilespmem:v39+s9+$0x0], $0xffff  }
0x91f: {  	v36 =	vld.idx.msk [tilespmem:v36+s9+$0x0], $0xffff;
	_ =	sdelay $0x3  }
0x920: {  	v35 =	vmul.f32 v35, v31;
	_ =	sdelay $0x1  }
0x921: {  	s18 =	sadd.s32 $0xFFFFFFFE, s15;
	s15 =	smov.u32 s17;
	v39 =	vmul.f32 v37, v32;
	v38 =	vadd.f32 v35, v34  }
.Ltmp15:
0x922: {  	s17 =	sadd.s32 $0xFFFFFFF0, s15;
	v35 =	vadd.s32 s18, v17;
	(pc) =	sbr.rel @p0 .LBB2_32-.Ltmp15, $4  }
0x923: {  	v37 =	vadd.s32 s17, v17;
	v38 =	vadd.f32 v39, v38;
	v39 =	vmul.f32 v36, v33  }
0x924: {  	s17 =	sadd.s32 $0xFFFFFFF1, s15  }
0x925: {  	v36 =	vadd.s32 s17, v17;
	v38 =	vadd.f32 v39, v38  }
0x926: {  	s17 =	sadd.s32 $0xFFFFFFF3, s15  }
0x927: {  	_ =	sdelay $0x3  }
0x928: {  	v39 =	vadd.s32 s17, v17;
	[tilespmem:v35+s9+$0x0] =	vst.idx.msk $0xffff, v38  }
0x929: {  	s16 =	sadd.s32 $0xFFFFFFF4, s15;
	v35 =	vld.idx.msk [tilespmem:v37+s9+$0x0], $0xffff  }
0x92a: {  	v53 =	vadd.s32 s16, v17  }
0x92b: {  	v36 =	vld.idx.msk [tilespmem:v36+s9+$0x0], $0xffff;
	_ =	sdelay $0x1  }
0x92c: {  	v38 =	vld.idx.msk [tilespmem:v39+s9+$0x0], $0xffff  }
0x92d: {  	v19 =	vmul.f32 v35, v19  }
0x92e: {  	v54 =	vld.idx.msk [tilespmem:v53+s9+$0x0], $0xffff  }
0x92f: {  	v18 =	vmul.f32 v36, v18;
	v19 =	vadd.f32 v19, v22;
	_ =	sdelay $0x1  }
0x930: {  	s17 =	sadd.s32 $0xFFFFFFF2, s15;
	v18 =	vadd.f32 v18, v19;
	v19 =	vmul.f32 v38, v20  }
0x931: {  	s18 =	sadd.s32 $0xFFFFFFF5, s15;
	v55 =	vadd.s32 s17, v17  }
0x932: {  	v56 =	vadd.s32 s18, v17;
	v18 =	vadd.f32 v19, v18;
	v19 =	vmul.f32 v54, v21  }
0x933: {  	s17 =	sadd.s32 $0xFFFFFFF7, s15  }
0x934: {  	v18 =	vadd.f32 v19, v18;
	v19 =	vadd.s32 s17, v17  }
0x935: {  	s18 =	sadd.s32 $0xFFFFFFF8, s15  }
0x936: {  	[tilespmem:v55+s9+$0x0] =	vst.idx.msk $0xffff, v18;
	v18 =	vadd.s32 s18, v17  }
0x937: {  	v20 =	vld.idx.msk [tilespmem:v56+s9+$0x0], $0xffff;
	_ =	sdelay $0x1  }
0x938: {  	v19 =	vld.idx.msk [tilespmem:v19+s9+$0x0], $0xffff;
	_ =	sdelay $0x1  }
0x939: {  	v18 =	vld.idx.msk [tilespmem:v18+s9+$0x0], $0xffff  }
0x93a: {  	v20 =	vmul.f32 v20, v23;
	_ =	sdelay $0x1  }
0x93b: {  	s17 =	sadd.s32 $0xFFFFFFF6, s15;
	v20 =	vadd.f32 v20, v26;
	v19 =	vmul.f32 v19, v24  }
0x93c: {  	v57 =	vadd.s32 s17, v17;
	s18 =	sadd.s32 $0xFFFFFFF9, s15  }
0x93d: {  	v58 =	vadd.s32 s18, v17;
	v19 =	vadd.f32 v19, v20;
	v18 =	vmul.f32 v18, v25  }
0x93e: {  	s17 =	sadd.s32 $0xFFFFFFFB, s15  }
0x93f: {  	v18 =	vadd.f32 v18, v19;
	v19 =	vadd.s32 s17, v17  }
0x940: {  	s18 =	sadd.s32 $0xFFFFFFFC, s15  }
0x941: {  	[tilespmem:v57+s9+$0x0] =	vst.idx.msk $0xffff, v18;
	v18 =	vadd.s32 s18, v17  }
0x942: {  	v20 =	vld.idx.msk [tilespmem:v58+s9+$0x0], $0xffff;
	_ =	sdelay $0x1  }
0x943: {  	v19 =	vld.idx.msk [tilespmem:v19+s9+$0x0], $0xffff;
	_ =	sdelay $0x1  }
0x944: {  	v18 =	vld.idx.msk [tilespmem:v18+s9+$0x0], $0xffff  }
0x945: {  	v20 =	vmul.f32 v20, v27;
	_ =	sdelay $0x1  }
0x946: {  	s17 =	sadd.s32 $0xFFFFFFFA, s15;
	v20 =	vadd.f32 v20, v30;
	v19 =	vmul.f32 v19, v28  }
0x947: {  	v59 =	vadd.s32 s17, v17;
	s18 =	sadd.s32 $0xFFFFFFFD, s15  }
0x948: {  	v60 =	vadd.s32 s18, v17;
	v19 =	vadd.f32 v19, v20;
	v18 =	vmul.f32 v18, v29  }
0x949: {  	s17 =	sadd.s32 $0xFFFFFFFF, s15  }
0x94a: {  	v61 =	vadd.s32 s17, v17;
	v18 =	vadd.f32 v18, v19;
	_ =	sdelay $0x1  }
0x94b: {  	v19 =	vadd.s32 s15, v17;
	[tilespmem:v59+s9+$0x0] =	vst.idx.msk $0xffff, v18  }
0x94c: {  	v18 =	vld.idx.msk [tilespmem:v60+s9+$0x0], $0xffff;
	_ =	sdelay $0x1  }
0x94d: {  	v62 =	vld.idx.msk [tilespmem:v61+s9+$0x0], $0xffff;
	_ =	sdelay $0x1  }
0x94e: {  	v19 =	vld.idx.msk [tilespmem:v19+s9+$0x0], $0xffff  }
0x94f: {  	v18 =	vmul.f32 v18, v31;
	_ =	sdelay $0x1  }
0x950: {  	s18 =	sadd.s32 $0xFFFFFFFE, s15;
	v20 =	vmul.f32 v62, v32;
	v18 =	vadd.f32 v18, v34  }
0x951: {  	v63 =	vadd.s32 s18, v17  }
0x952: {  	v19 =	vmul.f32 v19, v33;
	v18 =	vadd.f32 v20, v18;
	_ =	sdelay $0x1  }
0x953: {  	v18 =	vadd.f32 v19, v18;
	_ =	sdelay $0x1  }
0x954: {  	s14 =	sadd.s32 $0x1, s14;
	[tilespmem:v63+s9+$0x0] =	vst.idx.msk $0xffff, v18  }
0x955: {  	[hbm4b:s3+s1] =	stream.linear.scatter [tilespmem:s9], [sflag:$0x4], $0x8800, $0x38;
	[tilespmem:$0x11180] =	vst v63  }
0x956: {  	p0 =	sne.s32 s14, s4;
	_ =	swait.ge [sflag:s11], $0x8800  }
.Ltmp16:
0x957: {  	[sflag:s11] =	ssyncset.done $0x0;
	(pc) =	sbr.rel @p0 .LBB2_1-.Ltmp16, $4  }
0x958: {  	[sflag:s11] =	ssyncadd.s32 $0xFFFF7800  }
0x959: {  	_ =	swait.ge [sflag:s13], $0x8800  }
0x95a: {  	[sflag:s13] =	ssyncset.done $0x0  }
0x95b: {  	[sflag:s13] =	ssyncadd.s32 $0xFFFF7800  }
0x95c: {  	_ =	sfence.sel $0x180000  }
0x95d: {  	[bflag:$0x0] =	sbarrier.arrive $0xFFFF  }
0x95e: {  	_ =	strace $0x90000047  }
0x95f: {  	s0 =	stileid.u32;
	[bflag:$0x2] =	sbarrier.arrive $0xFFFF  }
0x960: {  	p0 =	sne.s32 s0, $0x0;
	s0 =	rddreg [dreg:$0x5]  }
0x961: {  	s0 =	sadd.s32 @!p0 $0x100000, s0  }
0x962: {  	[sflag:s0] =	ssyncadd.tile.s32 @!p0 $0x1;
	_ =	shalt  }
.Lfunc_end2:
_tile_overlayer_lowered:
.L_overlay_start_2:
0x963: {  	(tag) =	ssettag $0x2  }
0x964: {  	s0 =	rddreg [dreg:$0x0];
	s2 =	stileid.u32  }
0x965: {  	s1 =	rddreg [dreg:$0x1];
	p0 =	sne.s32 s2, $0x0  }
0x966: {  	s3 =	rddreg [dreg:$0x2];
	[bflag:$0x3] =	sbarrier.arrive $0xFFFF;
	s2 =	simm.s32 @!p0 $0x1C05  }
0x967: {  	[timem:s3], [sflag:s2] =	dma.local @!p0 [hbm:s0], s1  }
0x968: {  	s0 =	simm.s32 @!p0 $0x5  }
0x969: {  	_ =	swait.ge @!p0 [sflag:s0], s1  }
0x96a: {  	s1 =	ssub.s32 @!p0 $0x0, s1;
	[sflag:s0] =	ssyncset.done @!p0 $0x0  }
0x96b: {  	[sflag:s0] =	ssyncadd.s32 @!p0 s1  }
0x96c: {  	[bflag:$0x3] =	sbarrier.arrive $0xFFFF  }
0x96d: {  	_ =	shalt  }

</sc_bundles>
